<compile_context>
chip_gen: v7x
topology: tpu7x:2x2x1
jax: 0.10.2.dev20260603
libtpu: 0.0.44.dev20260713+nightly
codegen_flags: <defaults>
</compile_context>

<pallas_src>
import functools

import jax
import jax.numpy as jnp
from jax import lax
from jax.experimental import pallas as pl
from jax.experimental.pallas import tpu as pltpu
from jax.experimental.pallas import tpu_sc as plsc

_NUM_FIELDS = 26
_PER_FIELD_VOCAB = 100000
_EMBED_DIM = 32
_BATCH = 16384

_NC = 2
_NS = 16
_L = 16
_NW = _NC * _NS
_BW = _BATCH // _NW
_NGRP = 325000
_CH = 64

_mesh = plsc.VectorSubcoreMesh(core_axis_name="c", subcore_axis_name="s")


@functools.partial(
    pl.kernel,
    out_type=jax.ShapeDtypeStruct((_NUM_FIELDS, _EMBED_DIM, _BATCH), jnp.float32),
    mesh=_mesh,
    compiler_params=pltpu.CompilerParams(needs_layout_passes=False),
    scratch_types=[
        pltpu.VMEM((_BW,), jnp.int32),
        pltpu.VMEM((_CH,), jnp.int32),
        pltpu.VMEM((_CH, 8, _EMBED_DIM), jnp.float32),
        pltpu.VMEM((_EMBED_DIM, _BW), jnp.float32),
        pltpu.SemaphoreType.DMA,
    ],
)
def _emb_lookup(xT_hbm, tg_hbm, out_hbm, xb_v, s_v, rows_v, out_v, sem):
    wid = lax.axis_index("s") * _NC + lax.axis_index("c")
    b0 = pl.multiple_of(wid * _BW, 128)

    def field_body(f, carry):
        off = f * _PER_FIELD_VOCAB
        pltpu.sync_copy(xT_hbm.at[f, pl.ds(b0, _BW)], xb_v)

        def chunk_body(q, c):
            copies = []
            for g in range(_CH // _L):
                vv = xb_v[pl.ds(q * _CH + g * _L, _L)] + off
                s_v[pl.ds(g * _L, _L)] = jnp.bitwise_and(vv, 7)
                for j in range(_L):
                    grp = lax.shift_right_logical(vv[j], 3)
                    copies.append(
                        pltpu.async_copy(
                            tg_hbm.at[pl.ds(grp, 1)],
                            rows_v.at[pl.ds(g * _L + j, 1)],
                            sem,
                        )
                    )
            for cp in copies:
                cp.wait()

            def ext_grp(g, c2):
                jvec = g * _L + lax.iota(jnp.int32, _L)
                svec = s_v[pl.ds(g * _L, _L)]
                for e in range(_EMBED_DIM):
                    evec = jnp.full((_L,), e, jnp.int32)
                    out_v[e, pl.ds(q * _CH + g * _L, _L)] = plsc.load_gather(
                        rows_v, [jvec, svec, evec]
                    )
                return c2

            lax.fori_loop(0, _CH // _L, ext_grp, 0)
            return c

        lax.fori_loop(0, _BW // _CH, chunk_body, 0)
        pltpu.sync_copy(out_v, out_hbm.at[f, :, pl.ds(b0, _BW)])
        return carry

    lax.fori_loop(0, _NUM_FIELDS, field_body, 0)


@jax.jit
def kernel(x, embedding_table):
    out = _emb_lookup(x.T, embedding_table.reshape(_NGRP, 8, _EMBED_DIM))
    return jnp.transpose(out, (2, 0, 1))

# --- scband reference (transcript-rebuilt; emitter-appended) ---
"""Pipeline reference for scband-embedding-layer-65944927863122 (READ-ONLY COPY).

The authoritative reference and input builder live on the scoring server;
editing this copy changes nothing except your own understanding.
"""

import jax, jax.numpy as jnp
import numpy as np

NUM_FIELDS = 26
PER_FIELD_VOCAB = 100000
TOTAL_VOCAB = NUM_FIELDS * PER_FIELD_VOCAB
EMBED_DIM = 32
BATCH = 16384


def setup_inputs(seed: int = 0) -> dict:
    key = jax.random.key(seed)
    k1, k2 = jax.random.split(key)
    x = jax.random.randint(k1, (BATCH, NUM_FIELDS), 0, PER_FIELD_VOCAB, dtype=jnp.int32)
    # truncated normal init with stddev = 1/sqrt(total_vocab), matching nn.initializers.truncated_normal
    table = jax.random.truncated_normal(k2, -2.0, 2.0, (TOTAL_VOCAB, EMBED_DIM), dtype=jnp.float32) * (1.0 / jnp.sqrt(TOTAL_VOCAB))
    return {"x": x, "embedding_table": table}


def reference(x, embedding_table):
    offsets = (jnp.arange(NUM_FIELDS, dtype=x.dtype) * PER_FIELD_VOCAB)
    indices = x + offsets[None, :]
    return jnp.take(embedding_table, indices, axis=0)

if __name__ == "__main__":
    import jax
    _d = setup_inputs()
    print(jax.jit(kernel)(*tuple(_d.values())))

</pallas_src>

<mosaic_0001>
#map = affine_map<(d0, d1) -> (0, 0)>
#map1 = affine_map<(d0, d1) -> (0, 0, 0)>
module attributes {stable_mosaic.version = 14 : i64} {
  func.func @_emb_lookup(%arg0: i32, %arg1: i32, %arg2: memref<26x16384xi32, #tpu.memory_space<hbm>>, %arg3: memref<325000x8x32xf32, #tpu.memory_space<hbm>>, %arg4: memref<26x32x16384xf32, #tpu.memory_space<hbm>>, %arg5: memref<512xi32, #tpu.memory_space<vmem>>, %arg6: memref<64xi32, #tpu.memory_space<vmem>>, %arg7: memref<64x8x32xf32, #tpu.memory_space<vmem>>, %arg8: memref<32x512xf32, #tpu.memory_space<vmem>>, %arg9: memref<!tpu.dma_semaphore, #tpu.memory_space<semaphore_mem>>) attributes {dimension_semantics = [#tpu.dimension_semantics<core_parallel>, #tpu.dimension_semantics<subcore_parallel>], iteration_bounds = array<i64: 2, 16>, scalar_prefetch = 0 : i64, scratch_operands = 5 : i64, tpu.core_type = #tpu.core_type<sc_vector_subcore>, window_params = [{transform_indices = #map}, {transform_indices = #map1}, {transform_indices = #map1}]} {
    %mul3A = arith.constant 2 : i32
    %mul3A_0 = arith.muli %arg1, %mul3A : i32
    %add3A = arith.addi %mul3A_0, %arg0 : i32
    %mul3A_1 = arith.constant 512 : i32
    %mul3A_2 = arith.muli %add3A, %mul3A_1 : i32
    %multiple_of3A = tpu.assume_multiple %mul3A_2, 128 : i32
    %scan3A = arith.constant 0 : i32
    %scan3A_3 = arith.constant 0 : i32
    %scan3A_4 = arith.constant 26 : i32
    %scan3A_5 = arith.addi %scan3A_3, %scan3A_4 : i32
    %scan3A_6 = arith.constant 1 : i32
    scf.for %scan3A_8 = %scan3A_3 to %scan3A_5 step %scan3A_6  : i32 {
      %mul3A_9 = arith.constant 100000 : i32
      %mul3A_10 = arith.muli %scan3A_8, %mul3A_9 : i32
      "tpu.region"() ({
        %run_scoped3A = tpu.sem_alloc : memref<!tpu.dma_semaphore, #tpu.memory_space<semaphore_mem>>
        %dma_start3A = tpu.memref_slice %arg2[%scan3A_8, %multiple_of3A] : memref<26x16384xi32, #tpu.memory_space<hbm>> -> memref<1x512xi32, #tpu.memory_space<hbm>>
        %dma_start3A_17 = tpu.memref_squeeze %dma_start3A : memref<1x512xi32, #tpu.memory_space<hbm>> -> memref<512xi32, #tpu.memory_space<hbm>>
        %dma_start3A_18 = tpu.memref_slice %arg2[%scan3A_8, %multiple_of3A] : memref<26x16384xi32, #tpu.memory_space<hbm>> -> memref<1x512xi32, #tpu.memory_space<hbm>>
        %dma_start3A_19 = tpu.memref_squeeze %dma_start3A_18 : memref<1x512xi32, #tpu.memory_space<hbm>> -> memref<512xi32, #tpu.memory_space<hbm>>
        tpu.enqueue_dma source(%dma_start3A_19 : memref<512xi32, #tpu.memory_space<hbm>>) target(%arg5 : memref<512xi32, #tpu.memory_space<vmem>>) target_semaphore(%run_scoped3A : memref<!tpu.dma_semaphore, #tpu.memory_space<semaphore_mem>>)
        %dma_wait3A = tpu.memref_slice %arg2[%scan3A_8, %multiple_of3A] : memref<26x16384xi32, #tpu.memory_space<hbm>> -> memref<1x512xi32, #tpu.memory_space<hbm>>
        %dma_wait3A_20 = tpu.memref_squeeze %dma_wait3A : memref<1x512xi32, #tpu.memory_space<hbm>> -> memref<512xi32, #tpu.memory_space<hbm>>
        %dma_wait3A_21 = tpu.memref_slice %arg2[%scan3A_8, %multiple_of3A] : memref<26x16384xi32, #tpu.memory_space<hbm>> -> memref<1x512xi32, #tpu.memory_space<hbm>>
        %dma_wait3A_22 = tpu.memref_squeeze %dma_wait3A_21 : memref<1x512xi32, #tpu.memory_space<hbm>> -> memref<512xi32, #tpu.memory_space<hbm>>
        tpu.wait_dma2 semaphore(%run_scoped3A : memref<!tpu.dma_semaphore, #tpu.memory_space<semaphore_mem>>) src(%dma_wait3A_22 : memref<512xi32, #tpu.memory_space<hbm>>) dst(%arg5 : memref<512xi32, #tpu.memory_space<vmem>>)
        tpu.yield
      }) : () -> ()
      %scan3A_11 = arith.constant 0 : i32
      %scan3A_12 = arith.constant 0 : i32
      %scan3A_13 = arith.constant 8 : i32
      %scan3A_14 = arith.addi %scan3A_12, %scan3A_13 : i32
      %scan3A_15 = arith.constant 1 : i32
      scf.for %scan3A_17 = %scan3A_12 to %scan3A_14 step %scan3A_15  : i32 {
        %mul3A_18 = arith.constant 64 : i32
        %mul3A_19 = arith.muli %scan3A_17, %mul3A_18 : i32
        %add3A_20 = arith.constant 0 : i32
        %add3A_21 = arith.addi %mul3A_19, %add3A_20 : i32
        %get3A = arith.index_cast %add3A_21 : i32 to index
        %get3A_22 = tpu.vector_load %arg5[%get3A] {strides = array<i32>} : memref<512xi32, #tpu.memory_space<vmem>>, vector<16xi32>,
        %add3A_23 = vector.broadcast %mul3A_10 : i32 to vector<16xi32>
        %add3A_24 = arith.addi %get3A_22, %add3A_23 : vector<16xi32>
        %and3A = arith.constant 7 : i32
        %and3A_25 = vector.broadcast %and3A : i32 to vector<16xi32>
        %and3A_26 = arith.andi %add3A_24, %and3A_25 : vector<16xi32>
        %swap3A = arith.constant 0 : index
        %swap3A_27 = tpu.vector_load %arg6[%swap3A] {strides = array<i32>} : memref<64xi32, #tpu.memory_space<vmem>>, vector<16xi32>,
        tpu.vector_store %arg6[%swap3A], %and3A_26 {strides = array<i32>} : memref<64xi32, #tpu.memory_space<vmem>>, vector<16xi32>,
        %slice3A = vector.extract_strided_slice %add3A_24 {offsets = [0], sizes = [1], strides = [1]} : vector<16xi32> to vector<1xi32>
        %squeeze3A = vector.extract %slice3A[0] : i32 from vector<1xi32>
        %shift_right_logical3A = arith.constant 3 : i32
        %shift_right_logical3A_28 = arith.shrui %squeeze3A, %shift_right_logical3A : i32
        %dma_start3A = arith.constant 0 : i32
        %dma_start3A_29 = arith.constant 0 : i32
        %dma_start3A_30 = arith.constant 0 : i32
        %dma_start3A_31 = tpu.memref_slice %arg7[%dma_start3A, %dma_start3A_29, %dma_start3A_30] : memref<64x8x32xf32, #tpu.memory_space<vmem>> -> memref<1x8x32xf32, #tpu.memory_space<vmem>>
        %dma_start3A_32 = arith.constant 0 : i32
        %dma_start3A_33 = arith.constant 0 : i32
        %dma_start3A_34 = tpu.memref_slice %arg3[%shift_right_logical3A_28, %dma_start3A_32, %dma_start3A_33] : memref<325000x8x32xf32, #tpu.memory_space<hbm>> -> memref<1x8x32xf32, #tpu.memory_space<hbm>>
        %dma_start3A_35 = arith.constant 0 : i32
        %dma_start3A_36 = arith.constant 0 : i32
        %dma_start3A_37 = arith.constant 0 : i32
        %dma_start3A_38 = tpu.memref_slice %arg7[%dma_start3A_35, %dma_start3A_36, %dma_start3A_37] : memref<64x8x32xf32, #tpu.memory_space<vmem>> -> memref<1x8x32xf32, #tpu.memory_space<vmem>>
        %dma_start3A_39 = arith.constant 0 : i32
        %dma_start3A_40 = arith.constant 0 : i32
        %dma_start3A_41 = tpu.memref_slice %arg3[%shift_right_logical3A_28, %dma_start3A_39, %dma_start3A_40] : memref<325000x8x32xf32, #tpu.memory_space<hbm>> -> memref<1x8x32xf32, #tpu.memory_space<hbm>>
        tpu.enqueue_dma source(%dma_start3A_41 : memref<1x8x32xf32, #tpu.memory_space<hbm>>) target(%dma_start3A_38 : memref<1x8x32xf32, #tpu.memory_space<vmem>>) target_semaphore(%arg9 : memref<!tpu.dma_semaphore, #tpu.memory_space<semaphore_mem>>)
        %slice3A_42 = vector.extract_strided_slice %add3A_24 {offsets = [1], sizes = [1], strides = [1]} : vector<16xi32> to vector<1xi32>
        %squeeze3A_43 = vector.extract %slice3A_42[0] : i32 from vector<1xi32>
        %shift_right_logical3A_44 = arith.constant 3 : i32
        %shift_right_logical3A_45 = arith.shrui %squeeze3A_43, %shift_right_logical3A_44 : i32
        %dma_start3A_46 = arith.constant 1 : i32
        %dma_start3A_47 = arith.constant 0 : i32
        %dma_start3A_48 = arith.constant 0 : i32
        %dma_start3A_49 = tpu.memref_slice %arg7[%dma_start3A_46, %dma_start3A_47, %dma_start3A_48] : memref<64x8x32xf32, #tpu.memory_space<vmem>> -> memref<1x8x32xf32, #tpu.memory_space<vmem>>
        %dma_start3A_50 = arith.constant 0 : i32
        %dma_start3A_51 = arith.constant 0 : i32
        %dma_start3A_52 = tpu.memref_slice %arg3[%shift_right_logical3A_45, %dma_start3A_50, %dma_start3A_51] : memref<325000x8x32xf32, #tpu.memory_space<hbm>> -> memref<1x8x32xf32, #tpu.memory_space<hbm>>
        %dma_start3A_53 = arith.constant 1 : i32
        %dma_start3A_54 = arith.constant 0 : i32
        %dma_start3A_55 = arith.constant 0 : i32
        %dma_start3A_56 = tpu.memref_slice %arg7[%dma_start3A_53, %dma_start3A_54, %dma_start3A_55] : memref<64x8x32xf32, #tpu.memory_space<vmem>> -> memref<1x8x32xf32, #tpu.memory_space<vmem>>
        %dma_start3A_57 = arith.constant 0 : i32
        %dma_start3A_58 = arith.constant 0 : i32
        %dma_start3A_59 = tpu.memref_slice %arg3[%shift_right_logical3A_45, %dma_start3A_57, %dma_start3A_58] : memref<325000x8x32xf32, #tpu.memory_space<hbm>> -> memref<1x8x32xf32, #tpu.memory_space<hbm>>
        tpu.enqueue_dma source(%dma_start3A_59 : memref<1x8x32xf32, #tpu.memory_space<hbm>>) target(%dma_start3A_56 : memref<1x8x32xf32, #tpu.memory_space<vmem>>) target_semaphore(%arg9 : memref<!tpu.dma_semaphore, #tpu.memory_space<semaphore_mem>>)
        %slice3A_60 = vector.extract_strided_slice %add3A_24 {offsets = [2], sizes = [1], strides = [1]} : vector<16xi32> to vector<1xi32>
        %squeeze3A_61 = vector.extract %slice3A_60[0] : i32 from vector<1xi32>
        %shift_right_logical3A_62 = arith.constant 3 : i32
        %shift_right_logical3A_63 = arith.shrui %squeeze3A_61, %shift_right_logical3A_62 : i32
        %dma_start3A_64 = arith.constant 2 : i32
        %dma_start3A_65 = arith.constant 0 : i32
        %dma_start3A_66 = arith.constant 0 : i32
        %dma_start3A_67 = tpu.memref_slice %arg7[%dma_start3A_64, %dma_start3A_65, %dma_start3A_66] : memref<64x8x32xf32, #tpu.memory_space<vmem>> -> memref<1x8x32xf32, #tpu.memory_space<vmem>>
        %dma_start3A_68 = arith.constant 0 : i32
        %dma_start3A_69 = arith.constant 0 : i32
        %dma_start3A_70 = tpu.memref_slice %arg3[%shift_right_logical3A_63, %dma_start3A_68, %dma_start3A_69] : memref<325000x8x32xf32, #tpu.memory_space<hbm>> -> memref<1x8x32xf32, #tpu.memory_space<hbm>>
        %dma_start3A_71 = arith.constant 2 : i32
        %dma_start3A_72 = arith.constant 0 : i32
        %dma_start3A_73 = arith.constant 0 : i32
        %dma_start3A_74 = tpu.memref_slice %arg7[%dma_start3A_71, %dma_start3A_72, %dma_start3A_73] : memref<64x8x32xf32, #tpu.memory_space<vmem>> -> memref<1x8x32xf32, #tpu.memory_space<vmem>>
        %dma_start3A_75 = arith.constant 0 : i32
        %dma_start3A_76 = arith.constant 0 : i32
        %dma_start3A_77 = tpu.memref_slice %arg3[%shift_right_logical3A_63, %dma_start3A_75, %dma_start3A_76] : memref<325000x8x32xf32, #tpu.memory_space<hbm>> -> memref<1x8x32xf32, #tpu.memory_space<hbm>>
        tpu.enqueue_dma source(%dma_start3A_77 : memref<1x8x32xf32, #tpu.memory_space<hbm>>) target(%dma_start3A_74 : memref<1x8x32xf32, #tpu.memory_space<vmem>>) target_semaphore(%arg9 : memref<!tpu.dma_semaphore, #tpu.memory_space<semaphore_mem>>)
        %slice3A_78 = vector.extract_strided_slice %add3A_24 {offsets = [3], sizes = [1], strides = [1]} : vector<16xi32> to vector<1xi32>
        %squeeze3A_79 = vector.extract %slice3A_78[0] : i32 from vector<1xi32>
        %shift_right_logical3A_80 = arith.constant 3 : i32
        %shift_right_logical3A_81 = arith.shrui %squeeze3A_79, %shift_right_logical3A_80 : i32
        %dma_start3A_82 = arith.constant 3 : i32
        %dma_start3A_83 = arith.constant 0 : i32
        %dma_start3A_84 = arith.constant 0 : i32
        %dma_start3A_85 = tpu.memref_slice %arg7[%dma_start3A_82, %dma_start3A_83, %dma_start3A_84] : memref<64x8x32xf32, #tpu.memory_space<vmem>> -> memref<1x8x32xf32, #tpu.memory_space<vmem>>
        %dma_start3A_86 = arith.constant 0 : i32
        %dma_start3A_87 = arith.constant 0 : i32
        %dma_start3A_88 = tpu.memref_slice %arg3[%shift_right_logical3A_81, %dma_start3A_86, %dma_start3A_87] : memref<325000x8x32xf32, #tpu.memory_space<hbm>> -> memref<1x8x32xf32, #tpu.memory_space<hbm>>
        %dma_start3A_89 = arith.constant 3 : i32
        %dma_start3A_90 = arith.constant 0 : i32
        %dma_start3A_91 = arith.constant 0 : i32
        %dma_start3A_92 = tpu.memref_slice %arg7[%dma_start3A_89, %dma_start3A_90, %dma_start3A_91] : memref<64x8x32xf32, #tpu.memory_space<vmem>> -> memref<1x8x32xf32, #tpu.memory_space<vmem>>
        %dma_start3A_93 = arith.constant 0 : i32
        %dma_start3A_94 = arith.constant 0 : i32
        %dma_start3A_95 = tpu.memref_slice %arg3[%shift_right_logical3A_81, %dma_start3A_93, %dma_start3A_94] : memref<325000x8x32xf32, #tpu.memory_space<hbm>> -> memref<1x8x32xf32, #tpu.memory_space<hbm>>
        tpu.enqueue_dma source(%dma_start3A_95 : memref<1x8x32xf32, #tpu.memory_space<hbm>>) target(%dma_start3A_92 : memref<1x8x32xf32, #tpu.memory_space<vmem>>) target_semaphore(%arg9 : memref<!tpu.dma_semaphore, #tpu.memory_space<semaphore_mem>>)
        %slice3A_96 = vector.extract_strided_slice %add3A_24 {offsets = [4], sizes = [1], strides = [1]} : vector<16xi32> to vector<1xi32>
        %squeeze3A_97 = vector.extract %slice3A_96[0] : i32 from vector<1xi32>
        %shift_right_logical3A_98 = arith.constant 3 : i32
        %shift_right_logical3A_99 = arith.shrui %squeeze3A_97, %shift_right_logical3A_98 : i32
        %dma_start3A_100 = arith.constant 4 : i32
        %dma_start3A_101 = arith.constant 0 : i32
        %dma_start3A_102 = arith.constant 0 : i32
        %dma_start3A_103 = tpu.memref_slice %arg7[%dma_start3A_100, %dma_start3A_101, %dma_start3A_102] : memref<64x8x32xf32, #tpu.memory_space<vmem>> -> memref<1x8x32xf32, #tpu.memory_space<vmem>>
        %dma_start3A_104 = arith.constant 0 : i32
        %dma_start3A_105 = arith.constant 0 : i32
        %dma_start3A_106 = tpu.memref_slice %arg3[%shift_right_logical3A_99, %dma_start3A_104, %dma_start3A_105] : memref<325000x8x32xf32, #tpu.memory_space<hbm>> -> memref<1x8x32xf32, #tpu.memory_space<hbm>>
        %dma_start3A_107 = arith.constant 4 : i32
        %dma_start3A_108 = arith.constant 0 : i32
        %dma_start3A_109 = arith.constant 0 : i32
        %dma_start3A_110 = tpu.memref_slice %arg7[%dma_start3A_107, %dma_start3A_108, %dma_start3A_109] : memref<64x8x32xf32, #tpu.memory_space<vmem>> -> memref<1x8x32xf32, #tpu.memory_space<vmem>>
        %dma_start3A_111 = arith.constant 0 : i32
        %dma_start3A_112 = arith.constant 0 : i32
        %dma_start3A_113 = tpu.memref_slice %arg3[%shift_right_logical3A_99, %dma_start3A_111, %dma_start3A_112] : memref<325000x8x32xf32, #tpu.memory_space<hbm>> -> memref<1x8x32xf32, #tpu.memory_space<hbm>>
        tpu.enqueue_dma source(%dma_start3A_113 : memref<1x8x32xf32, #tpu.memory_space<hbm>>) target(%dma_start3A_110 : memref<1x8x32xf32, #tpu.memory_space<vmem>>) target_semaphore(%arg9 : memref<!tpu.dma_semaphore, #tpu.memory_space<semaphore_mem>>)
        %slice3A_114 = vector.extract_strided_slice %add3A_24 {offsets = [5], sizes = [1], strides = [1]} : vector<16xi32> to vector<1xi32>
        %squeeze3A_115 = vector.extract %slice3A_114[0] : i32 from vector<1xi32>
        %shift_right_logical3A_116 = arith.constant 3 : i32
        %shift_right_logical3A_117 = arith.shrui %squeeze3A_115, %shift_right_logical3A_116 : i32
        %dma_start3A_118 = arith.constant 5 : i32
        %dma_start3A_119 = arith.constant 0 : i32
        %dma_start3A_120 = arith.constant 0 : i32
        %dma_start3A_121 = tpu.memref_slice %arg7[%dma_start3A_118, %dma_start3A_119, %dma_start3A_120] : memref<64x8x32xf32, #tpu.memory_space<vmem>> -> memref<1x8x32xf32, #tpu.memory_space<vmem>>
        %dma_start3A_122 = arith.constant 0 : i32
        %dma_start3A_123 = arith.constant 0 : i32
        %dma_start3A_124 = tpu.memref_slice %arg3[%shift_right_logical3A_117, %dma_start3A_122, %dma_start3A_123] : memref<325000x8x32xf32, #tpu.memory_space<hbm>> -> memref<1x8x32xf32, #tpu.memory_space<hbm>>
        %dma_start3A_125 = arith.constant 5 : i32
        %dma_start3A_126 = arith.constant 0 : i32
        %dma_start3A_127 = arith.constant 0 : i32
        %dma_start3A_128 = tpu.memref_slice %arg7[%dma_start3A_125, %dma_start3A_126, %dma_start3A_127] : memref<64x8x32xf32, #tpu.memory_space<vmem>> -> memref<1x8x32xf32, #tpu.memory_space<vmem>>
        %dma_start3A_129 = arith.constant 0 : i32
        %dma_start3A_130 = arith.constant 0 : i32
        %dma_start3A_131 = tpu.memref_slice %arg3[%shift_right_logical3A_117, %dma_start3A_129, %dma_start3A_130] : memref<325000x8x32xf32, #tpu.memory_space<hbm>> -> memref<1x8x32xf32, #tpu.memory_space<hbm>>
        tpu.enqueue_dma source(%dma_start3A_131 : memref<1x8x32xf32, #tpu.memory_space<hbm>>) target(%dma_start3A_128 : memref<1x8x32xf32, #tpu.memory_space<vmem>>) target_semaphore(%arg9 : memref<!tpu.dma_semaphore, #tpu.memory_space<semaphore_mem>>)
        %slice3A_132 = vector.extract_strided_slice %add3A_24 {offsets = [6], sizes = [1], strides = [1]} : vector<16xi32> to vector<1xi32>
        %squeeze3A_133 = vector.extract %slice3A_132[0] : i32 from vector<1xi32>
        %shift_right_logical3A_134 = arith.constant 3 : i32
        %shift_right_logical3A_135 = arith.shrui %squeeze3A_133, %shift_right_logical3A_134 : i32
        %dma_start3A_136 = arith.constant 6 : i32
        %dma_start3A_137 = arith.constant 0 : i32
        %dma_start3A_138 = arith.constant 0 : i32
        %dma_start3A_139 = tpu.memref_slice %arg7[%dma_start3A_136, %dma_start3A_137, %dma_start3A_138] : memref<64x8x32xf32, #tpu.memory_space<vmem>> -> memref<1x8x32xf32, #tpu.memory_space<vmem>>
        %dma_start3A_140 = arith.constant 0 : i32
        %dma_start3A_141 = arith.constant 0 : i32
        %dma_start3A_142 = tpu.memref_slice %arg3[%shift_right_logical3A_135, %dma_start3A_140, %dma_start3A_141] : memref<325000x8x32xf32, #tpu.memory_space<hbm>> -> memref<1x8x32xf32, #tpu.memory_space<hbm>>
        %dma_start3A_143 = arith.constant 6 : i32
        %dma_start3A_144 = arith.constant 0 : i32
        %dma_start3A_145 = arith.constant 0 : i32
        %dma_start3A_146 = tpu.memref_slice %arg7[%dma_start3A_143, %dma_start3A_144, %dma_start3A_145] : memref<64x8x32xf32, #tpu.memory_space<vmem>> -> memref<1x8x32xf32, #tpu.memory_space<vmem>>
        %dma_start3A_147 = arith.constant 0 : i32
        %dma_start3A_148 = arith.constant 0 : i32
        %dma_start3A_149 = tpu.memref_slice %arg3[%shift_right_logical3A_135, %dma_start3A_147, %dma_start3A_148] : memref<325000x8x32xf32, #tpu.memory_space<hbm>> -> memref<1x8x32xf32, #tpu.memory_space<hbm>>
        tpu.enqueue_dma source(%dma_start3A_149 : memref<1x8x32xf32, #tpu.memory_space<hbm>>) target(%dma_start3A_146 : memref<1x8x32xf32, #tpu.memory_space<vmem>>) target_semaphore(%arg9 : memref<!tpu.dma_semaphore, #tpu.memory_space<semaphore_mem>>)
        %slice3A_150 = vector.extract_strided_slice %add3A_24 {offsets = [7], sizes = [1], strides = [1]} : vector<16xi32> to vector<1xi32>
        %squeeze3A_151 = vector.extract %slice3A_150[0] : i32 from vector<1xi32>
        %shift_right_logical3A_152 = arith.constant 3 : i32
        %shift_right_logical3A_153 = arith.shrui %squeeze3A_151, %shift_right_logical3A_152 : i32
        %dma_start3A_154 = arith.constant 7 : i32
        %dma_start3A_155 = arith.constant 0 : i32
        %dma_start3A_156 = arith.constant 0 : i32
        %dma_start3A_157 = tpu.memref_slice %arg7[%dma_start3A_154, %dma_start3A_155, %dma_start3A_156] : memref<64x8x32xf32, #tpu.memory_space<vmem>> -> memref<1x8x32xf32, #tpu.memory_space<vmem>>
        %dma_start3A_158 = arith.constant 0 : i32
        %dma_start3A_159 = arith.constant 0 : i32
        %dma_start3A_160 = tpu.memref_slice %arg3[%shift_right_logical3A_153, %dma_start3A_158, %dma_start3A_159] : memref<325000x8x32xf32, #tpu.memory_space<hbm>> -> memref<1x8x32xf32, #tpu.memory_space<hbm>>
        %dma_start3A_161 = arith.constant 7 : i32
        %dma_start3A_162 = arith.constant 0 : i32
        %dma_start3A_163 = arith.constant 0 : i32
        %dma_start3A_164 = tpu.memref_slice %arg7[%dma_start3A_161, %dma_start3A_162, %dma_start3A_163] : memref<64x8x32xf32, #tpu.memory_space<vmem>> -> memref<1x8x32xf32, #tpu.memory_space<vmem>>
        %dma_start3A_165 = arith.constant 0 : i32
        %dma_start3A_166 = arith.constant 0 : i32
        %dma_start3A_167 = tpu.memref_slice %arg3[%shift_right_logical3A_153, %dma_start3A_165, %dma_start3A_166] : memref<325000x8x32xf32, #tpu.memory_space<hbm>> -> memref<1x8x32xf32, #tpu.memory_space<hbm>>
        tpu.enqueue_dma source(%dma_start3A_167 : memref<1x8x32xf32, #tpu.memory_space<hbm>>) target(%dma_start3A_164 : memref<1x8x32xf32, #tpu.memory_space<vmem>>) target_semaphore(%arg9 : memref<!tpu.dma_semaphore, #tpu.memory_space<semaphore_mem>>)
        %slice3A_168 = vector.extract_strided_slice %add3A_24 {offsets = [8], sizes = [1], strides = [1]} : vector<16xi32> to vector<1xi32>
        %squeeze3A_169 = vector.extract %slice3A_168[0] : i32 from vector<1xi32>
        %shift_right_logical3A_170 = arith.constant 3 : i32
        %shift_right_logical3A_171 = arith.shrui %squeeze3A_169, %shift_right_logical3A_170 : i32
        %dma_start3A_172 = arith.constant 8 : i32
        %dma_start3A_173 = arith.constant 0 : i32
        %dma_start3A_174 = arith.constant 0 : i32
        %dma_start3A_175 = tpu.memref_slice %arg7[%dma_start3A_172, %dma_start3A_173, %dma_start3A_174] : memref<64x8x32xf32, #tpu.memory_space<vmem>> -> memref<1x8x32xf32, #tpu.memory_space<vmem>>
        %dma_start3A_176 = arith.constant 0 : i32
        %dma_start3A_177 = arith.constant 0 : i32
        %dma_start3A_178 = tpu.memref_slice %arg3[%shift_right_logical3A_171, %dma_start3A_176, %dma_start3A_177] : memref<325000x8x32xf32, #tpu.memory_space<hbm>> -> memref<1x8x32xf32, #tpu.memory_space<hbm>>
        %dma_start3A_179 = arith.constant 8 : i32
        %dma_start3A_180 = arith.constant 0 : i32
        %dma_start3A_181 = arith.constant 0 : i32
        %dma_start3A_182 = tpu.memref_slice %arg7[%dma_start3A_179, %dma_start3A_180, %dma_start3A_181] : memref<64x8x32xf32, #tpu.memory_space<vmem>> -> memref<1x8x32xf32, #tpu.memory_space<vmem>>
        %dma_start3A_183 = arith.constant 0 : i32
        %dma_start3A_184 = arith.constant 0 : i32
        %dma_start3A_185 = tpu.memref_slice %arg3[%shift_right_logical3A_171, %dma_start3A_183, %dma_start3A_184] : memref<325000x8x32xf32, #tpu.memory_space<hbm>> -> memref<1x8x32xf32, #tpu.memory_space<hbm>>
        tpu.enqueue_dma source(%dma_start3A_185 : memref<1x8x32xf32, #tpu.memory_space<hbm>>) target(%dma_start3A_182 : memref<1x8x32xf32, #tpu.memory_space<vmem>>) target_semaphore(%arg9 : memref<!tpu.dma_semaphore, #tpu.memory_space<semaphore_mem>>)
        %slice3A_186 = vector.extract_strided_slice %add3A_24 {offsets = [9], sizes = [1], strides = [1]} : vector<16xi32> to vector<1xi32>
        %squeeze3A_187 = vector.extract %slice3A_186[0] : i32 from vector<1xi32>
        %shift_right_logical3A_188 = arith.constant 3 : i32
        %shift_right_logical3A_189 = arith.shrui %squeeze3A_187, %shift_right_logical3A_188 : i32
        %dma_start3A_190 = arith.constant 9 : i32
        %dma_start3A_191 = arith.constant 0 : i32
        %dma_start3A_192 = arith.constant 0 : i32
        %dma_start3A_193 = tpu.memref_slice %arg7[%dma_start3A_190, %dma_start3A_191, %dma_start3A_192] : memref<64x8x32xf32, #tpu.memory_space<vmem>> -> memref<1x8x32xf32, #tpu.memory_space<vmem>>
        %dma_start3A_194 = arith.constant 0 : i32
        %dma_start3A_195 = arith.constant 0 : i32
        %dma_start3A_196 = tpu.memref_slice %arg3[%shift_right_logical3A_189, %dma_start3A_194, %dma_start3A_195] : memref<325000x8x32xf32, #tpu.memory_space<hbm>> -> memref<1x8x32xf32, #tpu.memory_space<hbm>>
        %dma_start3A_197 = arith.constant 9 : i32
        %dma_start3A_198 = arith.constant 0 : i32
        %dma_start3A_199 = arith.constant 0 : i32
        %dma_start3A_200 = tpu.memref_slice %arg7[%dma_start3A_197, %dma_start3A_198, %dma_start3A_199] : memref<64x8x32xf32, #tpu.memory_space<vmem>> -> memref<1x8x32xf32, #tpu.memory_space<vmem>>
        %dma_start3A_201 = arith.constant 0 : i32
        %dma_start3A_202 = arith.constant 0 : i32
        %dma_start3A_203 = tpu.memref_slice %arg3[%shift_right_logical3A_189, %dma_start3A_201, %dma_start3A_202] : memref<325000x8x32xf32, #tpu.memory_space<hbm>> -> memref<1x8x32xf32, #tpu.memory_space<hbm>>
        tpu.enqueue_dma source(%dma_start3A_203 : memref<1x8x32xf32, #tpu.memory_space<hbm>>) target(%dma_start3A_200 : memref<1x8x32xf32, #tpu.memory_space<vmem>>) target_semaphore(%arg9 : memref<!tpu.dma_semaphore, #tpu.memory_space<semaphore_mem>>)
        %slice3A_204 = vector.extract_strided_slice %add3A_24 {offsets = [10], sizes = [1], strides = [1]} : vector<16xi32> to vector<1xi32>
        %squeeze3A_205 = vector.extract %slice3A_204[0] : i32 from vector<1xi32>
        %shift_right_logical3A_206 = arith.constant 3 : i32
        %shift_right_logical3A_207 = arith.shrui %squeeze3A_205, %shift_right_logical3A_206 : i32
        %dma_start3A_208 = arith.constant 10 : i32
        %dma_start3A_209 = arith.constant 0 : i32
        %dma_start3A_210 = arith.constant 0 : i32
        %dma_start3A_211 = tpu.memref_slice %arg7[%dma_start3A_208, %dma_start3A_209, %dma_start3A_210] : memref<64x8x32xf32, #tpu.memory_space<vmem>> -> memref<1x8x32xf32, #tpu.memory_space<vmem>>
        %dma_start3A_212 = arith.constant 0 : i32
        %dma_start3A_213 = arith.constant 0 : i32
        %dma_start3A_214 = tpu.memref_slice %arg3[%shift_right_logical3A_207, %dma_start3A_212, %dma_start3A_213] : memref<325000x8x32xf32, #tpu.memory_space<hbm>> -> memref<1x8x32xf32, #tpu.memory_space<hbm>>
        %dma_start3A_215 = arith.constant 10 : i32
        %dma_start3A_216 = arith.constant 0 : i32
        %dma_start3A_217 = arith.constant 0 : i32
        %dma_start3A_218 = tpu.memref_slice %arg7[%dma_start3A_215, %dma_start3A_216, %dma_start3A_217] : memref<64x8x32xf32, #tpu.memory_space<vmem>> -> memref<1x8x32xf32, #tpu.memory_space<vmem>>
        %dma_start3A_219 = arith.constant 0 : i32
        %dma_start3A_220 = arith.constant 0 : i32
        %dma_start3A_221 = tpu.memref_slice %arg3[%shift_right_logical3A_207, %dma_start3A_219, %dma_start3A_220] : memref<325000x8x32xf32, #tpu.memory_space<hbm>> -> memref<1x8x32xf32, #tpu.memory_space<hbm>>
        tpu.enqueue_dma source(%dma_start3A_221 : memref<1x8x32xf32, #tpu.memory_space<hbm>>) target(%dma_start3A_218 : memref<1x8x32xf32, #tpu.memory_space<vmem>>) target_semaphore(%arg9 : memref<!tpu.dma_semaphore, #tpu.memory_space<semaphore_mem>>)
        %slice3A_222 = vector.extract_strided_slice %add3A_24 {offsets = [11], sizes = [1], strides = [1]} : vector<16xi32> to vector<1xi32>
        %squeeze3A_223 = vector.extract %slice3A_222[0] : i32 from vector<1xi32>
        %shift_right_logical3A_224 = arith.constant 3 : i32
        %shift_right_logical3A_225 = arith.shrui %squeeze3A_223, %shift_right_logical3A_224 : i32
        %dma_start3A_226 = arith.constant 11 : i32
        %dma_start3A_227 = arith.constant 0 : i32
        %dma_start3A_228 = arith.constant 0 : i32
        %dma_start3A_229 = tpu.memref_slice %arg7[%dma_start3A_226, %dma_start3A_227, %dma_start3A_228] : memref<64x8x32xf32, #tpu.memory_space<vmem>> -> memref<1x8x32xf32, #tpu.memory_space<vmem>>
        %dma_start3A_230 = arith.constant 0 : i32
        %dma_start3A_231 = arith.constant 0 : i32
        %dma_start3A_232 = tpu.memref_slice %arg3[%shift_right_logical3A_225, %dma_start3A_230, %dma_start3A_231] : memref<325000x8x32xf32, #tpu.memory_space<hbm>> -> memref<1x8x32xf32, #tpu.memory_space<hbm>>
        %dma_start3A_233 = arith.constant 11 : i32
        %dma_start3A_234 = arith.constant 0 : i32
        %dma_start3A_235 = arith.constant 0 : i32
        %dma_start3A_236 = tpu.memref_slice %arg7[%dma_start3A_233, %dma_start3A_234, %dma_start3A_235] : memref<64x8x32xf32, #tpu.memory_space<vmem>> -> memref<1x8x32xf32, #tpu.memory_space<vmem>>
        %dma_start3A_237 = arith.constant 0 : i32
        %dma_start3A_238 = arith.constant 0 : i32
        %dma_start3A_239 = tpu.memref_slice %arg3[%shift_right_logical3A_225, %dma_start3A_237, %dma_start3A_238] : memref<325000x8x32xf32, #tpu.memory_space<hbm>> -> memref<1x8x32xf32, #tpu.memory_space<hbm>>
        tpu.enqueue_dma source(%dma_start3A_239 : memref<1x8x32xf32, #tpu.memory_space<hbm>>) target(%dma_start3A_236 : memref<1x8x32xf32, #tpu.memory_space<vmem>>) target_semaphore(%arg9 : memref<!tpu.dma_semaphore, #tpu.memory_space<semaphore_mem>>)
        %slice3A_240 = vector.extract_strided_slice %add3A_24 {offsets = [12], sizes = [1], strides = [1]} : vector<16xi32> to vector<1xi32>
        %squeeze3A_241 = vector.extract %slice3A_240[0] : i32 from vector<1xi32>
        %shift_right_logical3A_242 = arith.constant 3 : i32
        %shift_right_logical3A_243 = arith.shrui %squeeze3A_241, %shift_right_logical3A_242 : i32
        %dma_start3A_244 = arith.constant 12 : i32
        %dma_start3A_245 = arith.constant 0 : i32
        %dma_start3A_246 = arith.constant 0 : i32
        %dma_start3A_247 = tpu.memref_slice %arg7[%dma_start3A_244, %dma_start3A_245, %dma_start3A_246] : memref<64x8x32xf32, #tpu.memory_space<vmem>> -> memref<1x8x32xf32, #tpu.memory_space<vmem>>
        %dma_start3A_248 = arith.constant 0 : i32
        %dma_start3A_249 = arith.constant 0 : i32
        %dma_start3A_250 = tpu.memref_slice %arg3[%shift_right_logical3A_243, %dma_start3A_248, %dma_start3A_249] : memref<325000x8x32xf32, #tpu.memory_space<hbm>> -> memref<1x8x32xf32, #tpu.memory_space<hbm>>
        %dma_start3A_251 = arith.constant 12 : i32
        %dma_start3A_252 = arith.constant 0 : i32
        %dma_start3A_253 = arith.constant 0 : i32
        %dma_start3A_254 = tpu.memref_slice %arg7[%dma_start3A_251, %dma_start3A_252, %dma_start3A_253] : memref<64x8x32xf32, #tpu.memory_space<vmem>> -> memref<1x8x32xf32, #tpu.memory_space<vmem>>
        %dma_start3A_255 = arith.constant 0 : i32
        %dma_start3A_256 = arith.constant 0 : i32
        %dma_start3A_257 = tpu.memref_slice %arg3[%shift_right_logical3A_243, %dma_start3A_255, %dma_start3A_256] : memref<325000x8x32xf32, #tpu.memory_space<hbm>> -> memref<1x8x32xf32, #tpu.memory_space<hbm>>
        tpu.enqueue_dma source(%dma_start3A_257 : memref<1x8x32xf32, #tpu.memory_space<hbm>>) target(%dma_start3A_254 : memref<1x8x32xf32, #tpu.memory_space<vmem>>) target_semaphore(%arg9 : memref<!tpu.dma_semaphore, #tpu.memory_space<semaphore_mem>>)
        %slice3A_258 = vector.extract_strided_slice %add3A_24 {offsets = [13], sizes = [1], strides = [1]} : vector<16xi32> to vector<1xi32>
        %squeeze3A_259 = vector.extract %slice3A_258[0] : i32 from vector<1xi32>
        %shift_right_logical3A_260 = arith.constant 3 : i32
        %shift_right_logical3A_261 = arith.shrui %squeeze3A_259, %shift_right_logical3A_260 : i32
        %dma_start3A_262 = arith.constant 13 : i32
        %dma_start3A_263 = arith.constant 0 : i32
        %dma_start3A_264 = arith.constant 0 : i32
        %dma_start3A_265 = tpu.memref_slice %arg7[%dma_start3A_262, %dma_start3A_263, %dma_start3A_264] : memref<64x8x32xf32, #tpu.memory_space<vmem>> -> memref<1x8x32xf32, #tpu.memory_space<vmem>>
        %dma_start3A_266 = arith.constant 0 : i32
        %dma_start3A_267 = arith.constant 0 : i32
        %dma_start3A_268 = tpu.memref_slice %arg3[%shift_right_logical3A_261, %dma_start3A_266, %dma_start3A_267] : memref<325000x8x32xf32, #tpu.memory_space<hbm>> -> memref<1x8x32xf32, #tpu.memory_space<hbm>>
        %dma_start3A_269 = arith.constant 13 : i32
        %dma_start3A_270 = arith.constant 0 : i32
        %dma_start3A_271 = arith.constant 0 : i32
        %dma_start3A_272 = tpu.memref_slice %arg7[%dma_start3A_269, %dma_start3A_270, %dma_start3A_271] : memref<64x8x32xf32, #tpu.memory_space<vmem>> -> memref<1x8x32xf32, #tpu.memory_space<vmem>>
        %dma_start3A_273 = arith.constant 0 : i32
        %dma_start3A_274 = arith.constant 0 : i32
        %dma_start3A_275 = tpu.memref_slice %arg3[%shift_right_logical3A_261, %dma_start3A_273, %dma_start3A_274] : memref<325000x8x32xf32, #tpu.memory_space<hbm>> -> memref<1x8x32xf32, #tpu.memory_space<hbm>>
        tpu.enqueue_dma source(%dma_start3A_275 : memref<1x8x32xf32, #tpu.memory_space<hbm>>) target(%dma_start3A_272 : memref<1x8x32xf32, #tpu.memory_space<vmem>>) target_semaphore(%arg9 : memref<!tpu.dma_semaphore, #tpu.memory_space<semaphore_mem>>)
        %slice3A_276 = vector.extract_strided_slice %add3A_24 {offsets = [14], sizes = [1], strides = [1]} : vector<16xi32> to vector<1xi32>
        %squeeze3A_277 = vector.extract %slice3A_276[0] : i32 from vector<1xi32>
        %shift_right_logical3A_278 = arith.constant 3 : i32
        %shift_right_logical3A_279 = arith.shrui %squeeze3A_277, %shift_right_logical3A_278 : i32
        %dma_start3A_280 = arith.constant 14 : i32
        %dma_start3A_281 = arith.constant 0 : i32
        %dma_start3A_282 = arith.constant 0 : i32
        %dma_start3A_283 = tpu.memref_slice %arg7[%dma_start3A_280, %dma_start3A_281, %dma_start3A_282] : memref<64x8x32xf32, #tpu.memory_space<vmem>> -> memref<1x8x32xf32, #tpu.memory_space<vmem>>
        %dma_start3A_284 = arith.constant 0 : i32
        %dma_start3A_285 = arith.constant 0 : i32
        %dma_start3A_286 = tpu.memref_slice %arg3[%shift_right_logical3A_279, %dma_start3A_284, %dma_start3A_285] : memref<325000x8x32xf32, #tpu.memory_space<hbm>> -> memref<1x8x32xf32, #tpu.memory_space<hbm>>
        %dma_start3A_287 = arith.constant 14 : i32
        %dma_start3A_288 = arith.constant 0 : i32
        %dma_start3A_289 = arith.constant 0 : i32
        %dma_start3A_290 = tpu.memref_slice %arg7[%dma_start3A_287, %dma_start3A_288, %dma_start3A_289] : memref<64x8x32xf32, #tpu.memory_space<vmem>> -> memref<1x8x32xf32, #tpu.memory_space<vmem>>
        %dma_start3A_291 = arith.constant 0 : i32
        %dma_start3A_292 = arith.constant 0 : i32
        %dma_start3A_293 = tpu.memref_slice %arg3[%shift_right_logical3A_279, %dma_start3A_291, %dma_start3A_292] : memref<325000x8x32xf32, #tpu.memory_space<hbm>> -> memref<1x8x32xf32, #tpu.memory_space<hbm>>
        tpu.enqueue_dma source(%dma_start3A_293 : memref<1x8x32xf32, #tpu.memory_space<hbm>>) target(%dma_start3A_290 : memref<1x8x32xf32, #tpu.memory_space<vmem>>) target_semaphore(%arg9 : memref<!tpu.dma_semaphore, #tpu.memory_space<semaphore_mem>>)
        %slice3A_294 = vector.extract_strided_slice %add3A_24 {offsets = [15], sizes = [1], strides = [1]} : vector<16xi32> to vector<1xi32>
        %squeeze3A_295 = vector.extract %slice3A_294[0] : i32 from vector<1xi32>
        %shift_right_logical3A_296 = arith.constant 3 : i32
        %shift_right_logical3A_297 = arith.shrui %squeeze3A_295, %shift_right_logical3A_296 : i32
        %dma_start3A_298 = arith.constant 15 : i32
        %dma_start3A_299 = arith.constant 0 : i32
        %dma_start3A_300 = arith.constant 0 : i32
        %dma_start3A_301 = tpu.memref_slice %arg7[%dma_start3A_298, %dma_start3A_299, %dma_start3A_300] : memref<64x8x32xf32, #tpu.memory_space<vmem>> -> memref<1x8x32xf32, #tpu.memory_space<vmem>>
        %dma_start3A_302 = arith.constant 0 : i32
        %dma_start3A_303 = arith.constant 0 : i32
        %dma_start3A_304 = tpu.memref_slice %arg3[%shift_right_logical3A_297, %dma_start3A_302, %dma_start3A_303] : memref<325000x8x32xf32, #tpu.memory_space<hbm>> -> memref<1x8x32xf32, #tpu.memory_space<hbm>>
        %dma_start3A_305 = arith.constant 15 : i32
        %dma_start3A_306 = arith.constant 0 : i32
        %dma_start3A_307 = arith.constant 0 : i32
        %dma_start3A_308 = tpu.memref_slice %arg7[%dma_start3A_305, %dma_start3A_306, %dma_start3A_307] : memref<64x8x32xf32, #tpu.memory_space<vmem>> -> memref<1x8x32xf32, #tpu.memory_space<vmem>>
        %dma_start3A_309 = arith.constant 0 : i32
        %dma_start3A_310 = arith.constant 0 : i32
        %dma_start3A_311 = tpu.memref_slice %arg3[%shift_right_logical3A_297, %dma_start3A_309, %dma_start3A_310] : memref<325000x8x32xf32, #tpu.memory_space<hbm>> -> memref<1x8x32xf32, #tpu.memory_space<hbm>>
        tpu.enqueue_dma source(%dma_start3A_311 : memref<1x8x32xf32, #tpu.memory_space<hbm>>) target(%dma_start3A_308 : memref<1x8x32xf32, #tpu.memory_space<vmem>>) target_semaphore(%arg9 : memref<!tpu.dma_semaphore, #tpu.memory_space<semaphore_mem>>)
        %mul3A_312 = arith.constant 64 : i32
        %mul3A_313 = arith.muli %scan3A_17, %mul3A_312 : i32
        %add3A_314 = arith.constant 16 : i32
        %add3A_315 = arith.addi %mul3A_313, %add3A_314 : i32
        %get3A_316 = arith.index_cast %add3A_315 : i32 to index
        %get3A_317 = tpu.vector_load %arg5[%get3A_316] {strides = array<i32>} : memref<512xi32, #tpu.memory_space<vmem>>, vector<16xi32>,
        %add3A_318 = vector.broadcast %mul3A_10 : i32 to vector<16xi32>
        %add3A_319 = arith.addi %get3A_317, %add3A_318 : vector<16xi32>
        %and3A_320 = arith.constant 7 : i32
        %and3A_321 = vector.broadcast %and3A_320 : i32 to vector<16xi32>
        %and3A_322 = arith.andi %add3A_319, %and3A_321 : vector<16xi32>
        %swap3A_323 = arith.constant 16 : index
        %swap3A_324 = tpu.vector_load %arg6[%swap3A_323] {strides = array<i32>} : memref<64xi32, #tpu.memory_space<vmem>>, vector<16xi32>,
        tpu.vector_store %arg6[%swap3A_323], %and3A_322 {strides = array<i32>} : memref<64xi32, #tpu.memory_space<vmem>>, vector<16xi32>,
        %slice3A_325 = vector.extract_strided_slice %add3A_319 {offsets = [0], sizes = [1], strides = [1]} : vector<16xi32> to vector<1xi32>
        %squeeze3A_326 = vector.extract %slice3A_325[0] : i32 from vector<1xi32>
        %shift_right_logical3A_327 = arith.constant 3 : i32
        %shift_right_logical3A_328 = arith.shrui %squeeze3A_326, %shift_right_logical3A_327 : i32
        %dma_start3A_329 = arith.constant 16 : i32
        %dma_start3A_330 = arith.constant 0 : i32
        %dma_start3A_331 = arith.constant 0 : i32
        %dma_start3A_332 = tpu.memref_slice %arg7[%dma_start3A_329, %dma_start3A_330, %dma_start3A_331] : memref<64x8x32xf32, #tpu.memory_space<vmem>> -> memref<1x8x32xf32, #tpu.memory_space<vmem>>
        %dma_start3A_333 = arith.constant 0 : i32
        %dma_start3A_334 = arith.constant 0 : i32
        %dma_start3A_335 = tpu.memref_slice %arg3[%shift_right_logical3A_328, %dma_start3A_333, %dma_start3A_334] : memref<325000x8x32xf32, #tpu.memory_space<hbm>> -> memref<1x8x32xf32, #tpu.memory_space<hbm>>
        %dma_start3A_336 = arith.constant 16 : i32
        %dma_start3A_337 = arith.constant 0 : i32
        %dma_start3A_338 = arith.constant 0 : i32
        %dma_start3A_339 = tpu.memref_slice %arg7[%dma_start3A_336, %dma_start3A_337, %dma_start3A_338] : memref<64x8x32xf32, #tpu.memory_space<vmem>> -> memref<1x8x32xf32, #tpu.memory_space<vmem>>
        %dma_start3A_340 = arith.constant 0 : i32
        %dma_start3A_341 = arith.constant 0 : i32
        %dma_start3A_342 = tpu.memref_slice %arg3[%shift_right_logical3A_328, %dma_start3A_340, %dma_start3A_341] : memref<325000x8x32xf32, #tpu.memory_space<hbm>> -> memref<1x8x32xf32, #tpu.memory_space<hbm>>
        tpu.enqueue_dma source(%dma_start3A_342 : memref<1x8x32xf32, #tpu.memory_space<hbm>>) target(%dma_start3A_339 : memref<1x8x32xf32, #tpu.memory_space<vmem>>) target_semaphore(%arg9 : memref<!tpu.dma_semaphore, #tpu.memory_space<semaphore_mem>>)
        %slice3A_343 = vector.extract_strided_slice %add3A_319 {offsets = [1], sizes = [1], strides = [1]} : vector<16xi32> to vector<1xi32>
        %squeeze3A_344 = vector.extract %slice3A_343[0] : i32 from vector<1xi32>
        %shift_right_logical3A_345 = arith.constant 3 : i32
        %shift_right_logical3A_346 = arith.shrui %squeeze3A_344, %shift_right_logical3A_345 : i32
        %dma_start3A_347 = arith.constant 17 : i32
        %dma_start3A_348 = arith.constant 0 : i32
        %dma_start3A_349 = arith.constant 0 : i32
        %dma_start3A_350 = tpu.memref_slice %arg7[%dma_start3A_347, %dma_start3A_348, %dma_start3A_349] : memref<64x8x32xf32, #tpu.memory_space<vmem>> -> memref<1x8x32xf32, #tpu.memory_space<vmem>>
        %dma_start3A_351 = arith.constant 0 : i32
        %dma_start3A_352 = arith.constant 0 : i32
        %dma_start3A_353 = tpu.memref_slice %arg3[%shift_right_logical3A_346, %dma_start3A_351, %dma_start3A_352] : memref<325000x8x32xf32, #tpu.memory_space<hbm>> -> memref<1x8x32xf32, #tpu.memory_space<hbm>>
        %dma_start3A_354 = arith.constant 17 : i32
        %dma_start3A_355 = arith.constant 0 : i32
        %dma_start3A_356 = arith.constant 0 : i32
        %dma_start3A_357 = tpu.memref_slice %arg7[%dma_start3A_354, %dma_start3A_355, %dma_start3A_356] : memref<64x8x32xf32, #tpu.memory_space<vmem>> -> memref<1x8x32xf32, #tpu.memory_space<vmem>>
        %dma_start3A_358 = arith.constant 0 : i32
        %dma_start3A_359 = arith.constant 0 : i32
        %dma_start3A_360 = tpu.memref_slice %arg3[%shift_right_logical3A_346, %dma_start3A_358, %dma_start3A_359] : memref<325000x8x32xf32, #tpu.memory_space<hbm>> -> memref<1x8x32xf32, #tpu.memory_space<hbm>>
        tpu.enqueue_dma source(%dma_start3A_360 : memref<1x8x32xf32, #tpu.memory_space<hbm>>) target(%dma_start3A_357 : memref<1x8x32xf32, #tpu.memory_space<vmem>>) target_semaphore(%arg9 : memref<!tpu.dma_semaphore, #tpu.memory_space<semaphore_mem>>)
        %slice3A_361 = vector.extract_strided_slice %add3A_319 {offsets = [2], sizes = [1], strides = [1]} : vector<16xi32> to vector<1xi32>
        %squeeze3A_362 = vector.extract %slice3A_361[0] : i32 from vector<1xi32>
        %shift_right_logical3A_363 = arith.constant 3 : i32
        %shift_right_logical3A_364 = arith.shrui %squeeze3A_362, %shift_right_logical3A_363 : i32
        %dma_start3A_365 = arith.constant 18 : i32
        %dma_start3A_366 = arith.constant 0 : i32
        %dma_start3A_367 = arith.constant 0 : i32
        %dma_start3A_368 = tpu.memref_slice %arg7[%dma_start3A_365, %dma_start3A_366, %dma_start3A_367] : memref<64x8x32xf32, #tpu.memory_space<vmem>> -> memref<1x8x32xf32, #tpu.memory_space<vmem>>
        %dma_start3A_369 = arith.constant 0 : i32
        %dma_start3A_370 = arith.constant 0 : i32
        %dma_start3A_371 = tpu.memref_slice %arg3[%shift_right_logical3A_364, %dma_start3A_369, %dma_start3A_370] : memref<325000x8x32xf32, #tpu.memory_space<hbm>> -> memref<1x8x32xf32, #tpu.memory_space<hbm>>
        %dma_start3A_372 = arith.constant 18 : i32
        %dma_start3A_373 = arith.constant 0 : i32
        %dma_start3A_374 = arith.constant 0 : i32
        %dma_start3A_375 = tpu.memref_slice %arg7[%dma_start3A_372, %dma_start3A_373, %dma_start3A_374] : memref<64x8x32xf32, #tpu.memory_space<vmem>> -> memref<1x8x32xf32, #tpu.memory_space<vmem>>
        %dma_start3A_376 = arith.constant 0 : i32
        %dma_start3A_377 = arith.constant 0 : i32
        %dma_start3A_378 = tpu.memref_slice %arg3[%shift_right_logical3A_364, %dma_start3A_376, %dma_start3A_377] : memref<325000x8x32xf32, #tpu.memory_space<hbm>> -> memref<1x8x32xf32, #tpu.memory_space<hbm>>
        tpu.enqueue_dma source(%dma_start3A_378 : memref<1x8x32xf32, #tpu.memory_space<hbm>>) target(%dma_start3A_375 : memref<1x8x32xf32, #tpu.memory_space<vmem>>) target_semaphore(%arg9 : memref<!tpu.dma_semaphore, #tpu.memory_space<semaphore_mem>>)
        %slice3A_379 = vector.extract_strided_slice %add3A_319 {offsets = [3], sizes = [1], strides = [1]} : vector<16xi32> to vector<1xi32>
        %squeeze3A_380 = vector.extract %slice3A_379[0] : i32 from vector<1xi32>
        %shift_right_logical3A_381 = arith.constant 3 : i32
        %shift_right_logical3A_382 = arith.shrui %squeeze3A_380, %shift_right_logical3A_381 : i32
        %dma_start3A_383 = arith.constant 19 : i32
        %dma_start3A_384 = arith.constant 0 : i32
        %dma_start3A_385 = arith.constant 0 : i32
        %dma_start3A_386 = tpu.memref_slice %arg7[%dma_start3A_383, %dma_start3A_384, %dma_start3A_385] : memref<64x8x32xf32, #tpu.memory_space<vmem>> -> memref<1x8x32xf32, #tpu.memory_space<vmem>>
        %dma_start3A_387 = arith.constant 0 : i32
        %dma_start3A_388 = arith.constant 0 : i32
        %dma_start3A_389 = tpu.memref_slice %arg3[%shift_right_logical3A_382, %dma_start3A_387, %dma_start3A_388] : memref<325000x8x32xf32, #tpu.memory_space<hbm>> -> memref<1x8x32xf32, #tpu.memory_space<hbm>>
        %dma_start3A_390 = arith.constant 19 : i32
        %dma_start3A_391 = arith.constant 0 : i32
        %dma_start3A_392 = arith.constant 0 : i32
        %dma_start3A_393 = tpu.memref_slice %arg7[%dma_start3A_390, %dma_start3A_391, %dma_start3A_392] : memref<64x8x32xf32, #tpu.memory_space<vmem>> -> memref<1x8x32xf32, #tpu.memory_space<vmem>>
        %dma_start3A_394 = arith.constant 0 : i32
        %dma_start3A_395 = arith.constant 0 : i32
        %dma_start3A_396 = tpu.memref_slice %arg3[%shift_right_logical3A_382, %dma_start3A_394, %dma_start3A_395] : memref<325000x8x32xf32, #tpu.memory_space<hbm>> -> memref<1x8x32xf32, #tpu.memory_space<hbm>>
        tpu.enqueue_dma source(%dma_start3A_396 : memref<1x8x32xf32, #tpu.memory_space<hbm>>) target(%dma_start3A_393 : memref<1x8x32xf32, #tpu.memory_space<vmem>>) target_semaphore(%arg9 : memref<!tpu.dma_semaphore, #tpu.memory_space<semaphore_mem>>)
        %slice3A_397 = vector.extract_strided_slice %add3A_319 {offsets = [4], sizes = [1], strides = [1]} : vector<16xi32> to vector<1xi32>
        %squeeze3A_398 = vector.extract %slice3A_397[0] : i32 from vector<1xi32>
        %shift_right_logical3A_399 = arith.constant 3 : i32
        %shift_right_logical3A_400 = arith.shrui %squeeze3A_398, %shift_right_logical3A_399 : i32
        %dma_start3A_401 = arith.constant 20 : i32
        %dma_start3A_402 = arith.constant 0 : i32
        %dma_start3A_403 = arith.constant 0 : i32
        %dma_start3A_404 = tpu.memref_slice %arg7[%dma_start3A_401, %dma_start3A_402, %dma_start3A_403] : memref<64x8x32xf32, #tpu.memory_space<vmem>> -> memref<1x8x32xf32, #tpu.memory_space<vmem>>
        %dma_start3A_405 = arith.constant 0 : i32
        %dma_start3A_406 = arith.constant 0 : i32
        %dma_start3A_407 = tpu.memref_slice %arg3[%shift_right_logical3A_400, %dma_start3A_405, %dma_start3A_406] : memref<325000x8x32xf32, #tpu.memory_space<hbm>> -> memref<1x8x32xf32, #tpu.memory_space<hbm>>
        %dma_start3A_408 = arith.constant 20 : i32
        %dma_start3A_409 = arith.constant 0 : i32
        %dma_start3A_410 = arith.constant 0 : i32
        %dma_start3A_411 = tpu.memref_slice %arg7[%dma_start3A_408, %dma_start3A_409, %dma_start3A_410] : memref<64x8x32xf32, #tpu.memory_space<vmem>> -> memref<1x8x32xf32, #tpu.memory_space<vmem>>
        %dma_start3A_412 = arith.constant 0 : i32
        %dma_start3A_413 = arith.constant 0 : i32
        %dma_start3A_414 = tpu.memref_slice %arg3[%shift_right_logical3A_400, %dma_start3A_412, %dma_start3A_413] : memref<325000x8x32xf32, #tpu.memory_space<hbm>> -> memref<1x8x32xf32, #tpu.memory_space<hbm>>
        tpu.enqueue_dma source(%dma_start3A_414 : memref<1x8x32xf32, #tpu.memory_space<hbm>>) target(%dma_start3A_411 : memref<1x8x32xf32, #tpu.memory_space<vmem>>) target_semaphore(%arg9 : memref<!tpu.dma_semaphore, #tpu.memory_space<semaphore_mem>>)
        %slice3A_415 = vector.extract_strided_slice %add3A_319 {offsets = [5], sizes = [1], strides = [1]} : vector<16xi32> to vector<1xi32>
        %squeeze3A_416 = vector.extract %slice3A_415[0] : i32 from vector<1xi32>
        %shift_right_logical3A_417 = arith.constant 3 : i32
        %shift_right_logical3A_418 = arith.shrui %squeeze3A_416, %shift_right_logical3A_417 : i32
        %dma_start3A_419 = arith.constant 21 : i32
        %dma_start3A_420 = arith.constant 0 : i32
        %dma_start3A_421 = arith.constant 0 : i32
        %dma_start3A_422 = tpu.memref_slice %arg7[%dma_start3A_419, %dma_start3A_420, %dma_start3A_421] : memref<64x8x32xf32, #tpu.memory_space<vmem>> -> memref<1x8x32xf32, #tpu.memory_space<vmem>>
        %dma_start3A_423 = arith.constant 0 : i32
        %dma_start3A_424 = arith.constant 0 : i32
        %dma_start3A_425 = tpu.memref_slice %arg3[%shift_right_logical3A_418, %dma_start3A_423, %dma_start3A_424] : memref<325000x8x32xf32, #tpu.memory_space<hbm>> -> memref<1x8x32xf32, #tpu.memory_space<hbm>>
        %dma_start3A_426 = arith.constant 21 : i32
        %dma_start3A_427 = arith.constant 0 : i32
        %dma_start3A_428 = arith.constant 0 : i32
        %dma_start3A_429 = tpu.memref_slice %arg7[%dma_start3A_426, %dma_start3A_427, %dma_start3A_428] : memref<64x8x32xf32, #tpu.memory_space<vmem>> -> memref<1x8x32xf32, #tpu.memory_space<vmem>>
        %dma_start3A_430 = arith.constant 0 : i32
        %dma_start3A_431 = arith.constant 0 : i32
        %dma_start3A_432 = tpu.memref_slice %arg3[%shift_right_logical3A_418, %dma_start3A_430, %dma_start3A_431] : memref<325000x8x32xf32, #tpu.memory_space<hbm>> -> memref<1x8x32xf32, #tpu.memory_space<hbm>>
        tpu.enqueue_dma source(%dma_start3A_432 : memref<1x8x32xf32, #tpu.memory_space<hbm>>) target(%dma_start3A_429 : memref<1x8x32xf32, #tpu.memory_space<vmem>>) target_semaphore(%arg9 : memref<!tpu.dma_semaphore, #tpu.memory_space<semaphore_mem>>)
        %slice3A_433 = vector.extract_strided_slice %add3A_319 {offsets = [6], sizes = [1], strides = [1]} : vector<16xi32> to vector<1xi32>
        %squeeze3A_434 = vector.extract %slice3A_433[0] : i32 from vector<1xi32>
        %shift_right_logical3A_435 = arith.constant 3 : i32
        %shift_right_logical3A_436 = arith.shrui %squeeze3A_434, %shift_right_logical3A_435 : i32
        %dma_start3A_437 = arith.constant 22 : i32
        %dma_start3A_438 = arith.constant 0 : i32
        %dma_start3A_439 = arith.constant 0 : i32
        %dma_start3A_440 = tpu.memref_slice %arg7[%dma_start3A_437, %dma_start3A_438, %dma_start3A_439] : memref<64x8x32xf32, #tpu.memory_space<vmem>> -> memref<1x8x32xf32, #tpu.memory_space<vmem>>
        %dma_start3A_441 = arith.constant 0 : i32
        %dma_start3A_442 = arith.constant 0 : i32
        %dma_start3A_443 = tpu.memref_slice %arg3[%shift_right_logical3A_436, %dma_start3A_441, %dma_start3A_442] : memref<325000x8x32xf32, #tpu.memory_space<hbm>> -> memref<1x8x32xf32, #tpu.memory_space<hbm>>
        %dma_start3A_444 = arith.constant 22 : i32
        %dma_start3A_445 = arith.constant 0 : i32
        %dma_start3A_446 = arith.constant 0 : i32
        %dma_start3A_447 = tpu.memref_slice %arg7[%dma_start3A_444, %dma_start3A_445, %dma_start3A_446] : memref<64x8x32xf32, #tpu.memory_space<vmem>> -> memref<1x8x32xf32, #tpu.memory_space<vmem>>
        %dma_start3A_448 = arith.constant 0 : i32
        %dma_start3A_449 = arith.constant 0 : i32
        %dma_start3A_450 = tpu.memref_slice %arg3[%shift_right_logical3A_436, %dma_start3A_448, %dma_start3A_449] : memref<325000x8x32xf32, #tpu.memory_space<hbm>> -> memref<1x8x32xf32, #tpu.memory_space<hbm>>
        tpu.enqueue_dma source(%dma_start3A_450 : memref<1x8x32xf32, #tpu.memory_space<hbm>>) target(%dma_start3A_447 : memref<1x8x32xf32, #tpu.memory_space<vmem>>) target_semaphore(%arg9 : memref<!tpu.dma_semaphore, #tpu.memory_space<semaphore_mem>>)
        %slice3A_451 = vector.extract_strided_slice %add3A_319 {offsets = [7], sizes = [1], strides = [1]} : vector<16xi32> to vector<1xi32>
        %squeeze3A_452 = vector.extract %slice3A_451[0] : i32 from vector<1xi32>
        %shift_right_logical3A_453 = arith.constant 3 : i32
        %shift_right_logical3A_454 = arith.shrui %squeeze3A_452, %shift_right_logical3A_453 : i32
        %dma_start3A_455 = arith.constant 23 : i32
        %dma_start3A_456 = arith.constant 0 : i32
        %dma_start3A_457 = arith.constant 0 : i32
        %dma_start3A_458 = tpu.memref_slice %arg7[%dma_start3A_455, %dma_start3A_456, %dma_start3A_457] : memref<64x8x32xf32, #tpu.memory_space<vmem>> -> memref<1x8x32xf32, #tpu.memory_space<vmem>>
        %dma_start3A_459 = arith.constant 0 : i32
        %dma_start3A_460 = arith.constant 0 : i32
        %dma_start3A_461 = tpu.memref_slice %arg3[%shift_right_logical3A_454, %dma_start3A_459, %dma_start3A_460] : memref<325000x8x32xf32, #tpu.memory_space<hbm>> -> memref<1x8x32xf32, #tpu.memory_space<hbm>>
        %dma_start3A_462 = arith.constant 23 : i32
        %dma_start3A_463 = arith.constant 0 : i32
        %dma_start3A_464 = arith.constant 0 : i32
        %dma_start3A_465 = tpu.memref_slice %arg7[%dma_start3A_462, %dma_start3A_463, %dma_start3A_464] : memref<64x8x32xf32, #tpu.memory_space<vmem>> -> memref<1x8x32xf32, #tpu.memory_space<vmem>>
        %dma_start3A_466 = arith.constant 0 : i32
        %dma_start3A_467 = arith.constant 0 : i32
        %dma_start3A_468 = tpu.memref_slice %arg3[%shift_right_logical3A_454, %dma_start3A_466, %dma_start3A_467] : memref<325000x8x32xf32, #tpu.memory_space<hbm>> -> memref<1x8x32xf32, #tpu.memory_space<hbm>>
        tpu.enqueue_dma source(%dma_start3A_468 : memref<1x8x32xf32, #tpu.memory_space<hbm>>) target(%dma_start3A_465 : memref<1x8x32xf32, #tpu.memory_space<vmem>>) target_semaphore(%arg9 : memref<!tpu.dma_semaphore, #tpu.memory_space<semaphore_mem>>)
        %slice3A_469 = vector.extract_strided_slice %add3A_319 {offsets = [8], sizes = [1], strides = [1]} : vector<16xi32> to vector<1xi32>
        %squeeze3A_470 = vector.extract %slice3A_469[0] : i32 from vector<1xi32>
        %shift_right_logical3A_471 = arith.constant 3 : i32
        %shift_right_logical3A_472 = arith.shrui %squeeze3A_470, %shift_right_logical3A_471 : i32
        %dma_start3A_473 = arith.constant 24 : i32
        %dma_start3A_474 = arith.constant 0 : i32
        %dma_start3A_475 = arith.constant 0 : i32
        %dma_start3A_476 = tpu.memref_slice %arg7[%dma_start3A_473, %dma_start3A_474, %dma_start3A_475] : memref<64x8x32xf32, #tpu.memory_space<vmem>> -> memref<1x8x32xf32, #tpu.memory_space<vmem>>
        %dma_start3A_477 = arith.constant 0 : i32
        %dma_start3A_478 = arith.constant 0 : i32
        %dma_start3A_479 = tpu.memref_slice %arg3[%shift_right_logical3A_472, %dma_start3A_477, %dma_start3A_478] : memref<325000x8x32xf32, #tpu.memory_space<hbm>> -> memref<1x8x32xf32, #tpu.memory_space<hbm>>
        %dma_start3A_480 = arith.constant 24 : i32
        %dma_start3A_481 = arith.constant 0 : i32
        %dma_start3A_482 = arith.constant 0 : i32
        %dma_start3A_483 = tpu.memref_slice %arg7[%dma_start3A_480, %dma_start3A_481, %dma_start3A_482] : memref<64x8x32xf32, #tpu.memory_space<vmem>> -> memref<1x8x32xf32, #tpu.memory_space<vmem>>
        %dma_start3A_484 = arith.constant 0 : i32
        %dma_start3A_485 = arith.constant 0 : i32
        %dma_start3A_486 = tpu.memref_slice %arg3[%shift_right_logical3A_472, %dma_start3A_484, %dma_start3A_485] : memref<325000x8x32xf32, #tpu.memory_space<hbm>> -> memref<1x8x32xf32, #tpu.memory_space<hbm>>
        tpu.enqueue_dma source(%dma_start3A_486 : memref<1x8x32xf32, #tpu.memory_space<hbm>>) target(%dma_start3A_483 : memref<1x8x32xf32, #tpu.memory_space<vmem>>) target_semaphore(%arg9 : memref<!tpu.dma_semaphore, #tpu.memory_space<semaphore_mem>>)
        %slice3A_487 = vector.extract_strided_slice %add3A_319 {offsets = [9], sizes = [1], strides = [1]} : vector<16xi32> to vector<1xi32>
        %squeeze3A_488 = vector.extract %slice3A_487[0] : i32 from vector<1xi32>
        %shift_right_logical3A_489 = arith.constant 3 : i32
        %shift_right_logical3A_490 = arith.shrui %squeeze3A_488, %shift_right_logical3A_489 : i32
        %dma_start3A_491 = arith.constant 25 : i32
        %dma_start3A_492 = arith.constant 0 : i32
        %dma_start3A_493 = arith.constant 0 : i32
        %dma_start3A_494 = tpu.memref_slice %arg7[%dma_start3A_491, %dma_start3A_492, %dma_start3A_493] : memref<64x8x32xf32, #tpu.memory_space<vmem>> -> memref<1x8x32xf32, #tpu.memory_space<vmem>>
        %dma_start3A_495 = arith.constant 0 : i32
        %dma_start3A_496 = arith.constant 0 : i32
        %dma_start3A_497 = tpu.memref_slice %arg3[%shift_right_logical3A_490, %dma_start3A_495, %dma_start3A_496] : memref<325000x8x32xf32, #tpu.memory_space<hbm>> -> memref<1x8x32xf32, #tpu.memory_space<hbm>>
        %dma_start3A_498 = arith.constant 25 : i32
        %dma_start3A_499 = arith.constant 0 : i32
        %dma_start3A_500 = arith.constant 0 : i32
        %dma_start3A_501 = tpu.memref_slice %arg7[%dma_start3A_498, %dma_start3A_499, %dma_start3A_500] : memref<64x8x32xf32, #tpu.memory_space<vmem>> -> memref<1x8x32xf32, #tpu.memory_space<vmem>>
        %dma_start3A_502 = arith.constant 0 : i32
        %dma_start3A_503 = arith.constant 0 : i32
        %dma_start3A_504 = tpu.memref_slice %arg3[%shift_right_logical3A_490, %dma_start3A_502, %dma_start3A_503] : memref<325000x8x32xf32, #tpu.memory_space<hbm>> -> memref<1x8x32xf32, #tpu.memory_space<hbm>>
        tpu.enqueue_dma source(%dma_start3A_504 : memref<1x8x32xf32, #tpu.memory_space<hbm>>) target(%dma_start3A_501 : memref<1x8x32xf32, #tpu.memory_space<vmem>>) target_semaphore(%arg9 : memref<!tpu.dma_semaphore, #tpu.memory_space<semaphore_mem>>)
        %slice3A_505 = vector.extract_strided_slice %add3A_319 {offsets = [10], sizes = [1], strides = [1]} : vector<16xi32> to vector<1xi32>
        %squeeze3A_506 = vector.extract %slice3A_505[0] : i32 from vector<1xi32>
        %shift_right_logical3A_507 = arith.constant 3 : i32
        %shift_right_logical3A_508 = arith.shrui %squeeze3A_506, %shift_right_logical3A_507 : i32
        %dma_start3A_509 = arith.constant 26 : i32
        %dma_start3A_510 = arith.constant 0 : i32
        %dma_start3A_511 = arith.constant 0 : i32
        %dma_start3A_512 = tpu.memref_slice %arg7[%dma_start3A_509, %dma_start3A_510, %dma_start3A_511] : memref<64x8x32xf32, #tpu.memory_space<vmem>> -> memref<1x8x32xf32, #tpu.memory_space<vmem>>
        %dma_start3A_513 = arith.constant 0 : i32
        %dma_start3A_514 = arith.constant 0 : i32
        %dma_start3A_515 = tpu.memref_slice %arg3[%shift_right_logical3A_508, %dma_start3A_513, %dma_start3A_514] : memref<325000x8x32xf32, #tpu.memory_space<hbm>> -> memref<1x8x32xf32, #tpu.memory_space<hbm>>
        %dma_start3A_516 = arith.constant 26 : i32
        %dma_start3A_517 = arith.constant 0 : i32
        %dma_start3A_518 = arith.constant 0 : i32
        %dma_start3A_519 = tpu.memref_slice %arg7[%dma_start3A_516, %dma_start3A_517, %dma_start3A_518] : memref<64x8x32xf32, #tpu.memory_space<vmem>> -> memref<1x8x32xf32, #tpu.memory_space<vmem>>
        %dma_start3A_520 = arith.constant 0 : i32
        %dma_start3A_521 = arith.constant 0 : i32
        %dma_start3A_522 = tpu.memref_slice %arg3[%shift_right_logical3A_508, %dma_start3A_520, %dma_start3A_521] : memref<325000x8x32xf32, #tpu.memory_space<hbm>> -> memref<1x8x32xf32, #tpu.memory_space<hbm>>
        tpu.enqueue_dma source(%dma_start3A_522 : memref<1x8x32xf32, #tpu.memory_space<hbm>>) target(%dma_start3A_519 : memref<1x8x32xf32, #tpu.memory_space<vmem>>) target_semaphore(%arg9 : memref<!tpu.dma_semaphore, #tpu.memory_space<semaphore_mem>>)
        %slice3A_523 = vector.extract_strided_slice %add3A_319 {offsets = [11], sizes = [1], strides = [1]} : vector<16xi32> to vector<1xi32>
        %squeeze3A_524 = vector.extract %slice3A_523[0] : i32 from vector<1xi32>
        %shift_right_logical3A_525 = arith.constant 3 : i32
        %shift_right_logical3A_526 = arith.shrui %squeeze3A_524, %shift_right_logical3A_525 : i32
        %dma_start3A_527 = arith.constant 27 : i32
        %dma_start3A_528 = arith.constant 0 : i32
        %dma_start3A_529 = arith.constant 0 : i32
        %dma_start3A_530 = tpu.memref_slice %arg7[%dma_start3A_527, %dma_start3A_528, %dma_start3A_529] : memref<64x8x32xf32, #tpu.memory_space<vmem>> -> memref<1x8x32xf32, #tpu.memory_space<vmem>>
        %dma_start3A_531 = arith.constant 0 : i32
        %dma_start3A_532 = arith.constant 0 : i32
        %dma_start3A_533 = tpu.memref_slice %arg3[%shift_right_logical3A_526, %dma_start3A_531, %dma_start3A_532] : memref<325000x8x32xf32, #tpu.memory_space<hbm>> -> memref<1x8x32xf32, #tpu.memory_space<hbm>>
        %dma_start3A_534 = arith.constant 27 : i32
        %dma_start3A_535 = arith.constant 0 : i32
        %dma_start3A_536 = arith.constant 0 : i32
        %dma_start3A_537 = tpu.memref_slice %arg7[%dma_start3A_534, %dma_start3A_535, %dma_start3A_536] : memref<64x8x32xf32, #tpu.memory_space<vmem>> -> memref<1x8x32xf32, #tpu.memory_space<vmem>>
        %dma_start3A_538 = arith.constant 0 : i32
        %dma_start3A_539 = arith.constant 0 : i32
        %dma_start3A_540 = tpu.memref_slice %arg3[%shift_right_logical3A_526, %dma_start3A_538, %dma_start3A_539] : memref<325000x8x32xf32, #tpu.memory_space<hbm>> -> memref<1x8x32xf32, #tpu.memory_space<hbm>>
        tpu.enqueue_dma source(%dma_start3A_540 : memref<1x8x32xf32, #tpu.memory_space<hbm>>) target(%dma_start3A_537 : memref<1x8x32xf32, #tpu.memory_space<vmem>>) target_semaphore(%arg9 : memref<!tpu.dma_semaphore, #tpu.memory_space<semaphore_mem>>)
        %slice3A_541 = vector.extract_strided_slice %add3A_319 {offsets = [12], sizes = [1], strides = [1]} : vector<16xi32> to vector<1xi32>
        %squeeze3A_542 = vector.extract %slice3A_541[0] : i32 from vector<1xi32>
        %shift_right_logical3A_543 = arith.constant 3 : i32
        %shift_right_logical3A_544 = arith.shrui %squeeze3A_542, %shift_right_logical3A_543 : i32
        %dma_start3A_545 = arith.constant 28 : i32
        %dma_start3A_546 = arith.constant 0 : i32
        %dma_start3A_547 = arith.constant 0 : i32
        %dma_start3A_548 = tpu.memref_slice %arg7[%dma_start3A_545, %dma_start3A_546, %dma_start3A_547] : memref<64x8x32xf32, #tpu.memory_space<vmem>> -> memref<1x8x32xf32, #tpu.memory_space<vmem>>
        %dma_start3A_549 = arith.constant 0 : i32
        %dma_start3A_550 = arith.constant 0 : i32
        %dma_start3A_551 = tpu.memref_slice %arg3[%shift_right_logical3A_544, %dma_start3A_549, %dma_start3A_550] : memref<325000x8x32xf32, #tpu.memory_space<hbm>> -> memref<1x8x32xf32, #tpu.memory_space<hbm>>
        %dma_start3A_552 = arith.constant 28 : i32
        %dma_start3A_553 = arith.constant 0 : i32
        %dma_start3A_554 = arith.constant 0 : i32
        %dma_start3A_555 = tpu.memref_slice %arg7[%dma_start3A_552, %dma_start3A_553, %dma_start3A_554] : memref<64x8x32xf32, #tpu.memory_space<vmem>> -> memref<1x8x32xf32, #tpu.memory_space<vmem>>
        %dma_start3A_556 = arith.constant 0 : i32
        %dma_start3A_557 = arith.constant 0 : i32
        %dma_start3A_558 = tpu.memref_slice %arg3[%shift_right_logical3A_544, %dma_start3A_556, %dma_start3A_557] : memref<325000x8x32xf32, #tpu.memory_space<hbm>> -> memref<1x8x32xf32, #tpu.memory_space<hbm>>
        tpu.enqueue_dma source(%dma_start3A_558 : memref<1x8x32xf32, #tpu.memory_space<hbm>>) target(%dma_start3A_555 : memref<1x8x32xf32, #tpu.memory_space<vmem>>) target_semaphore(%arg9 : memref<!tpu.dma_semaphore, #tpu.memory_space<semaphore_mem>>)
        %slice3A_559 = vector.extract_strided_slice %add3A_319 {offsets = [13], sizes = [1], strides = [1]} : vector<16xi32> to vector<1xi32>
        %squeeze3A_560 = vector.extract %slice3A_559[0] : i32 from vector<1xi32>
        %shift_right_logical3A_561 = arith.constant 3 : i32
        %shift_right_logical3A_562 = arith.shrui %squeeze3A_560, %shift_right_logical3A_561 : i32
        %dma_start3A_563 = arith.constant 29 : i32
        %dma_start3A_564 = arith.constant 0 : i32
        %dma_start3A_565 = arith.constant 0 : i32
        %dma_start3A_566 = tpu.memref_slice %arg7[%dma_start3A_563, %dma_start3A_564, %dma_start3A_565] : memref<64x8x32xf32, #tpu.memory_space<vmem>> -> memref<1x8x32xf32, #tpu.memory_space<vmem>>
        %dma_start3A_567 = arith.constant 0 : i32
        %dma_start3A_568 = arith.constant 0 : i32
        %dma_start3A_569 = tpu.memref_slice %arg3[%shift_right_logical3A_562, %dma_start3A_567, %dma_start3A_568] : memref<325000x8x32xf32, #tpu.memory_space<hbm>> -> memref<1x8x32xf32, #tpu.memory_space<hbm>>
        %dma_start3A_570 = arith.constant 29 : i32
        %dma_start3A_571 = arith.constant 0 : i32
        %dma_start3A_572 = arith.constant 0 : i32
        %dma_start3A_573 = tpu.memref_slice %arg7[%dma_start3A_570, %dma_start3A_571, %dma_start3A_572] : memref<64x8x32xf32, #tpu.memory_space<vmem>> -> memref<1x8x32xf32, #tpu.memory_space<vmem>>
        %dma_start3A_574 = arith.constant 0 : i32
        %dma_start3A_575 = arith.constant 0 : i32
        %dma_start3A_576 = tpu.memref_slice %arg3[%shift_right_logical3A_562, %dma_start3A_574, %dma_start3A_575] : memref<325000x8x32xf32, #tpu.memory_space<hbm>> -> memref<1x8x32xf32, #tpu.memory_space<hbm>>
        tpu.enqueue_dma source(%dma_start3A_576 : memref<1x8x32xf32, #tpu.memory_space<hbm>>) target(%dma_start3A_573 : memref<1x8x32xf32, #tpu.memory_space<vmem>>) target_semaphore(%arg9 : memref<!tpu.dma_semaphore, #tpu.memory_space<semaphore_mem>>)
        %slice3A_577 = vector.extract_strided_slice %add3A_319 {offsets = [14], sizes = [1], strides = [1]} : vector<16xi32> to vector<1xi32>
        %squeeze3A_578 = vector.extract %slice3A_577[0] : i32 from vector<1xi32>
        %shift_right_logical3A_579 = arith.constant 3 : i32
        %shift_right_logical3A_580 = arith.shrui %squeeze3A_578, %shift_right_logical3A_579 : i32
        %dma_start3A_581 = arith.constant 30 : i32
        %dma_start3A_582 = arith.constant 0 : i32
        %dma_start3A_583 = arith.constant 0 : i32
        %dma_start3A_584 = tpu.memref_slice %arg7[%dma_start3A_581, %dma_start3A_582, %dma_start3A_583] : memref<64x8x32xf32, #tpu.memory_space<vmem>> -> memref<1x8x32xf32, #tpu.memory_space<vmem>>
        %dma_start3A_585 = arith.constant 0 : i32
        %dma_start3A_586 = arith.constant 0 : i32
        %dma_start3A_587 = tpu.memref_slice %arg3[%shift_right_logical3A_580, %dma_start3A_585, %dma_start3A_586] : memref<325000x8x32xf32, #tpu.memory_space<hbm>> -> memref<1x8x32xf32, #tpu.memory_space<hbm>>
        %dma_start3A_588 = arith.constant 30 : i32
        %dma_start3A_589 = arith.constant 0 : i32
        %dma_start3A_590 = arith.constant 0 : i32
        %dma_start3A_591 = tpu.memref_slice %arg7[%dma_start3A_588, %dma_start3A_589, %dma_start3A_590] : memref<64x8x32xf32, #tpu.memory_space<vmem>> -> memref<1x8x32xf32, #tpu.memory_space<vmem>>
        %dma_start3A_592 = arith.constant 0 : i32
        %dma_start3A_593 = arith.constant 0 : i32
        %dma_start3A_594 = tpu.memref_slice %arg3[%shift_right_logical3A_580, %dma_start3A_592, %dma_start3A_593] : memref<325000x8x32xf32, #tpu.memory_space<hbm>> -> memref<1x8x32xf32, #tpu.memory_space<hbm>>
        tpu.enqueue_dma source(%dma_start3A_594 : memref<1x8x32xf32, #tpu.memory_space<hbm>>) target(%dma_start3A_591 : memref<1x8x32xf32, #tpu.memory_space<vmem>>) target_semaphore(%arg9 : memref<!tpu.dma_semaphore, #tpu.memory_space<semaphore_mem>>)
        %slice3A_595 = vector.extract_strided_slice %add3A_319 {offsets = [15], sizes = [1], strides = [1]} : vector<16xi32> to vector<1xi32>
        %squeeze3A_596 = vector.extract %slice3A_595[0] : i32 from vector<1xi32>
        %shift_right_logical3A_597 = arith.constant 3 : i32
        %shift_right_logical3A_598 = arith.shrui %squeeze3A_596, %shift_right_logical3A_597 : i32
        %dma_start3A_599 = arith.constant 31 : i32
        %dma_start3A_600 = arith.constant 0 : i32
        %dma_start3A_601 = arith.constant 0 : i32
        %dma_start3A_602 = tpu.memref_slice %arg7[%dma_start3A_599, %dma_start3A_600, %dma_start3A_601] : memref<64x8x32xf32, #tpu.memory_space<vmem>> -> memref<1x8x32xf32, #tpu.memory_space<vmem>>
        %dma_start3A_603 = arith.constant 0 : i32
        %dma_start3A_604 = arith.constant 0 : i32
        %dma_start3A_605 = tpu.memref_slice %arg3[%shift_right_logical3A_598, %dma_start3A_603, %dma_start3A_604] : memref<325000x8x32xf32, #tpu.memory_space<hbm>> -> memref<1x8x32xf32, #tpu.memory_space<hbm>>
        %dma_start3A_606 = arith.constant 31 : i32
        %dma_start3A_607 = arith.constant 0 : i32
        %dma_start3A_608 = arith.constant 0 : i32
        %dma_start3A_609 = tpu.memref_slice %arg7[%dma_start3A_606, %dma_start3A_607, %dma_start3A_608] : memref<64x8x32xf32, #tpu.memory_space<vmem>> -> memref<1x8x32xf32, #tpu.memory_space<vmem>>
        %dma_start3A_610 = arith.constant 0 : i32
        %dma_start3A_611 = arith.constant 0 : i32
        %dma_start3A_612 = tpu.memref_slice %arg3[%shift_right_logical3A_598, %dma_start3A_610, %dma_start3A_611] : memref<325000x8x32xf32, #tpu.memory_space<hbm>> -> memref<1x8x32xf32, #tpu.memory_space<hbm>>
        tpu.enqueue_dma source(%dma_start3A_612 : memref<1x8x32xf32, #tpu.memory_space<hbm>>) target(%dma_start3A_609 : memref<1x8x32xf32, #tpu.memory_space<vmem>>) target_semaphore(%arg9 : memref<!tpu.dma_semaphore, #tpu.memory_space<semaphore_mem>>)
        %mul3A_613 = arith.constant 64 : i32
        %mul3A_614 = arith.muli %scan3A_17, %mul3A_613 : i32
        %add3A_615 = arith.constant 32 : i32
        %add3A_616 = arith.addi %mul3A_614, %add3A_615 : i32
        %get3A_617 = arith.index_cast %add3A_616 : i32 to index
        %get3A_618 = tpu.vector_load %arg5[%get3A_617] {strides = array<i32>} : memref<512xi32, #tpu.memory_space<vmem>>, vector<16xi32>,
        %add3A_619 = vector.broadcast %mul3A_10 : i32 to vector<16xi32>
        %add3A_620 = arith.addi %get3A_618, %add3A_619 : vector<16xi32>
        %and3A_621 = arith.constant 7 : i32
        %and3A_622 = vector.broadcast %and3A_621 : i32 to vector<16xi32>
        %and3A_623 = arith.andi %add3A_620, %and3A_622 : vector<16xi32>
        %swap3A_624 = arith.constant 32 : index
        %swap3A_625 = tpu.vector_load %arg6[%swap3A_624] {strides = array<i32>} : memref<64xi32, #tpu.memory_space<vmem>>, vector<16xi32>,
        tpu.vector_store %arg6[%swap3A_624], %and3A_623 {strides = array<i32>} : memref<64xi32, #tpu.memory_space<vmem>>, vector<16xi32>,
        %slice3A_626 = vector.extract_strided_slice %add3A_620 {offsets = [0], sizes = [1], strides = [1]} : vector<16xi32> to vector<1xi32>
        %squeeze3A_627 = vector.extract %slice3A_626[0] : i32 from vector<1xi32>
        %shift_right_logical3A_628 = arith.constant 3 : i32
        %shift_right_logical3A_629 = arith.shrui %squeeze3A_627, %shift_right_logical3A_628 : i32
        %dma_start3A_630 = arith.constant 32 : i32
        %dma_start3A_631 = arith.constant 0 : i32
        %dma_start3A_632 = arith.constant 0 : i32
        %dma_start3A_633 = tpu.memref_slice %arg7[%dma_start3A_630, %dma_start3A_631, %dma_start3A_632] : memref<64x8x32xf32, #tpu.memory_space<vmem>> -> memref<1x8x32xf32, #tpu.memory_space<vmem>>
        %dma_start3A_634 = arith.constant 0 : i32
        %dma_start3A_635 = arith.constant 0 : i32
        %dma_start3A_636 = tpu.memref_slice %arg3[%shift_right_logical3A_629, %dma_start3A_634, %dma_start3A_635] : memref<325000x8x32xf32, #tpu.memory_space<hbm>> -> memref<1x8x32xf32, #tpu.memory_space<hbm>>
        %dma_start3A_637 = arith.constant 32 : i32
        %dma_start3A_638 = arith.constant 0 : i32
        %dma_start3A_639 = arith.constant 0 : i32
        %dma_start3A_640 = tpu.memref_slice %arg7[%dma_start3A_637, %dma_start3A_638, %dma_start3A_639] : memref<64x8x32xf32, #tpu.memory_space<vmem>> -> memref<1x8x32xf32, #tpu.memory_space<vmem>>
        %dma_start3A_641 = arith.constant 0 : i32
        %dma_start3A_642 = arith.constant 0 : i32
        %dma_start3A_643 = tpu.memref_slice %arg3[%shift_right_logical3A_629, %dma_start3A_641, %dma_start3A_642] : memref<325000x8x32xf32, #tpu.memory_space<hbm>> -> memref<1x8x32xf32, #tpu.memory_space<hbm>>
        tpu.enqueue_dma source(%dma_start3A_643 : memref<1x8x32xf32, #tpu.memory_space<hbm>>) target(%dma_start3A_640 : memref<1x8x32xf32, #tpu.memory_space<vmem>>) target_semaphore(%arg9 : memref<!tpu.dma_semaphore, #tpu.memory_space<semaphore_mem>>)
        %slice3A_644 = vector.extract_strided_slice %add3A_620 {offsets = [1], sizes = [1], strides = [1]} : vector<16xi32> to vector<1xi32>
        %squeeze3A_645 = vector.extract %slice3A_644[0] : i32 from vector<1xi32>
        %shift_right_logical3A_646 = arith.constant 3 : i32
        %shift_right_logical3A_647 = arith.shrui %squeeze3A_645, %shift_right_logical3A_646 : i32
        %dma_start3A_648 = arith.constant 33 : i32
        %dma_start3A_649 = arith.constant 0 : i32
        %dma_start3A_650 = arith.constant 0 : i32
        %dma_start3A_651 = tpu.memref_slice %arg7[%dma_start3A_648, %dma_start3A_649, %dma_start3A_650] : memref<64x8x32xf32, #tpu.memory_space<vmem>> -> memref<1x8x32xf32, #tpu.memory_space<vmem>>
        %dma_start3A_652 = arith.constant 0 : i32
        %dma_start3A_653 = arith.constant 0 : i32
        %dma_start3A_654 = tpu.memref_slice %arg3[%shift_right_logical3A_647, %dma_start3A_652, %dma_start3A_653] : memref<325000x8x32xf32, #tpu.memory_space<hbm>> -> memref<1x8x32xf32, #tpu.memory_space<hbm>>
        %dma_start3A_655 = arith.constant 33 : i32
        %dma_start3A_656 = arith.constant 0 : i32
        %dma_start3A_657 = arith.constant 0 : i32
        %dma_start3A_658 = tpu.memref_slice %arg7[%dma_start3A_655, %dma_start3A_656, %dma_start3A_657] : memref<64x8x32xf32, #tpu.memory_space<vmem>> -> memref<1x8x32xf32, #tpu.memory_space<vmem>>
        %dma_start3A_659 = arith.constant 0 : i32
        %dma_start3A_660 = arith.constant 0 : i32
        %dma_start3A_661 = tpu.memref_slice %arg3[%shift_right_logical3A_647, %dma_start3A_659, %dma_start3A_660] : memref<325000x8x32xf32, #tpu.memory_space<hbm>> -> memref<1x8x32xf32, #tpu.memory_space<hbm>>
        tpu.enqueue_dma source(%dma_start3A_661 : memref<1x8x32xf32, #tpu.memory_space<hbm>>) target(%dma_start3A_658 : memref<1x8x32xf32, #tpu.memory_space<vmem>>) target_semaphore(%arg9 : memref<!tpu.dma_semaphore, #tpu.memory_space<semaphore_mem>>)
        %slice3A_662 = vector.extract_strided_slice %add3A_620 {offsets = [2], sizes = [1], strides = [1]} : vector<16xi32> to vector<1xi32>
        %squeeze3A_663 = vector.extract %slice3A_662[0] : i32 from vector<1xi32>
        %shift_right_logical3A_664 = arith.constant 3 : i32
        %shift_right_logical3A_665 = arith.shrui %squeeze3A_663, %shift_right_logical3A_664 : i32
        %dma_start3A_666 = arith.constant 34 : i32
        %dma_start3A_667 = arith.constant 0 : i32
        %dma_start3A_668 = arith.constant 0 : i32
        %dma_start3A_669 = tpu.memref_slice %arg7[%dma_start3A_666, %dma_start3A_667, %dma_start3A_668] : memref<64x8x32xf32, #tpu.memory_space<vmem>> -> memref<1x8x32xf32, #tpu.memory_space<vmem>>
        %dma_start3A_670 = arith.constant 0 : i32
        %dma_start3A_671 = arith.constant 0 : i32
        %dma_start3A_672 = tpu.memref_slice %arg3[%shift_right_logical3A_665, %dma_start3A_670, %dma_start3A_671] : memref<325000x8x32xf32, #tpu.memory_space<hbm>> -> memref<1x8x32xf32, #tpu.memory_space<hbm>>
        %dma_start3A_673 = arith.constant 34 : i32
        %dma_start3A_674 = arith.constant 0 : i32
        %dma_start3A_675 = arith.constant 0 : i32
        %dma_start3A_676 = tpu.memref_slice %arg7[%dma_start3A_673, %dma_start3A_674, %dma_start3A_675] : memref<64x8x32xf32, #tpu.memory_space<vmem>> -> memref<1x8x32xf32, #tpu.memory_space<vmem>>
        %dma_start3A_677 = arith.constant 0 : i32
        %dma_start3A_678 = arith.constant 0 : i32
        %dma_start3A_679 = tpu.memref_slice %arg3[%shift_right_logical3A_665, %dma_start3A_677, %dma_start3A_678] : memref<325000x8x32xf32, #tpu.memory_space<hbm>> -> memref<1x8x32xf32, #tpu.memory_space<hbm>>
        tpu.enqueue_dma source(%dma_start3A_679 : memref<1x8x32xf32, #tpu.memory_space<hbm>>) target(%dma_start3A_676 : memref<1x8x32xf32, #tpu.memory_space<vmem>>) target_semaphore(%arg9 : memref<!tpu.dma_semaphore, #tpu.memory_space<semaphore_mem>>)
        %slice3A_680 = vector.extract_strided_slice %add3A_620 {offsets = [3], sizes = [1], strides = [1]} : vector<16xi32> to vector<1xi32>
        %squeeze3A_681 = vector.extract %slice3A_680[0] : i32 from vector<1xi32>
        %shift_right_logical3A_682 = arith.constant 3 : i32
        %shift_right_logical3A_683 = arith.shrui %squeeze3A_681, %shift_right_logical3A_682 : i32
        %dma_start3A_684 = arith.constant 35 : i32
        %dma_start3A_685 = arith.constant 0 : i32
        %dma_start3A_686 = arith.constant 0 : i32
        %dma_start3A_687 = tpu.memref_slice %arg7[%dma_start3A_684, %dma_start3A_685, %dma_start3A_686] : memref<64x8x32xf32, #tpu.memory_space<vmem>> -> memref<1x8x32xf32, #tpu.memory_space<vmem>>
        %dma_start3A_688 = arith.constant 0 : i32
        %dma_start3A_689 = arith.constant 0 : i32
        %dma_start3A_690 = tpu.memref_slice %arg3[%shift_right_logical3A_683, %dma_start3A_688, %dma_start3A_689] : memref<325000x8x32xf32, #tpu.memory_space<hbm>> -> memref<1x8x32xf32, #tpu.memory_space<hbm>>
        %dma_start3A_691 = arith.constant 35 : i32
        %dma_start3A_692 = arith.constant 0 : i32
        %dma_start3A_693 = arith.constant 0 : i32
        %dma_start3A_694 = tpu.memref_slice %arg7[%dma_start3A_691, %dma_start3A_692, %dma_start3A_693] : memref<64x8x32xf32, #tpu.memory_space<vmem>> -> memref<1x8x32xf32, #tpu.memory_space<vmem>>
        %dma_start3A_695 = arith.constant 0 : i32
        %dma_start3A_696 = arith.constant 0 : i32
        %dma_start3A_697 = tpu.memref_slice %arg3[%shift_right_logical3A_683, %dma_start3A_695, %dma_start3A_696] : memref<325000x8x32xf32, #tpu.memory_space<hbm>> -> memref<1x8x32xf32, #tpu.memory_space<hbm>>
        tpu.enqueue_dma source(%dma_start3A_697 : memref<1x8x32xf32, #tpu.memory_space<hbm>>) target(%dma_start3A_694 : memref<1x8x32xf32, #tpu.memory_space<vmem>>) target_semaphore(%arg9 : memref<!tpu.dma_semaphore, #tpu.memory_space<semaphore_mem>>)
        %slice3A_698 = vector.extract_strided_slice %add3A_620 {offsets = [4], sizes = [1], strides = [1]} : vector<16xi32> to vector<1xi32>
        %squeeze3A_699 = vector.extract %slice3A_698[0] : i32 from vector<1xi32>
        %shift_right_logical3A_700 = arith.constant 3 : i32
        %shift_right_logical3A_701 = arith.shrui %squeeze3A_699, %shift_right_logical3A_700 : i32
        %dma_start3A_702 = arith.constant 36 : i32
        %dma_start3A_703 = arith.constant 0 : i32
        %dma_start3A_704 = arith.constant 0 : i32
        %dma_start3A_705 = tpu.memref_slice %arg7[%dma_start3A_702, %dma_start3A_703, %dma_start3A_704] : memref<64x8x32xf32, #tpu.memory_space<vmem>> -> memref<1x8x32xf32, #tpu.memory_space<vmem>>
        %dma_start3A_706 = arith.constant 0 : i32
        %dma_start3A_707 = arith.constant 0 : i32
        %dma_start3A_708 = tpu.memref_slice %arg3[%shift_right_logical3A_701, %dma_start3A_706, %dma_start3A_707] : memref<325000x8x32xf32, #tpu.memory_space<hbm>> -> memref<1x8x32xf32, #tpu.memory_space<hbm>>
        %dma_start3A_709 = arith.constant 36 : i32
        %dma_start3A_710 = arith.constant 0 : i32
        %dma_start3A_711 = arith.constant 0 : i32
        %dma_start3A_712 = tpu.memref_slice %arg7[%dma_start3A_709, %dma_start3A_710, %dma_start3A_711] : memref<64x8x32xf32, #tpu.memory_space<vmem>> -> memref<1x8x32xf32, #tpu.memory_space<vmem>>
        %dma_start3A_713 = arith.constant 0 : i32
        %dma_start3A_714 = arith.constant 0 : i32
        %dma_start3A_715 = tpu.memref_slice %arg3[%shift_right_logical3A_701, %dma_start3A_713, %dma_start3A_714] : memref<325000x8x32xf32, #tpu.memory_space<hbm>> -> memref<1x8x32xf32, #tpu.memory_space<hbm>>
        tpu.enqueue_dma source(%dma_start3A_715 : memref<1x8x32xf32, #tpu.memory_space<hbm>>) target(%dma_start3A_712 : memref<1x8x32xf32, #tpu.memory_space<vmem>>) target_semaphore(%arg9 : memref<!tpu.dma_semaphore, #tpu.memory_space<semaphore_mem>>)
        %slice3A_716 = vector.extract_strided_slice %add3A_620 {offsets = [5], sizes = [1], strides = [1]} : vector<16xi32> to vector<1xi32>
        %squeeze3A_717 = vector.extract %slice3A_716[0] : i32 from vector<1xi32>
        %shift_right_logical3A_718 = arith.constant 3 : i32
        %shift_right_logical3A_719 = arith.shrui %squeeze3A_717, %shift_right_logical3A_718 : i32
        %dma_start3A_720 = arith.constant 37 : i32
        %dma_start3A_721 = arith.constant 0 : i32
        %dma_start3A_722 = arith.constant 0 : i32
        %dma_start3A_723 = tpu.memref_slice %arg7[%dma_start3A_720, %dma_start3A_721, %dma_start3A_722] : memref<64x8x32xf32, #tpu.memory_space<vmem>> -> memref<1x8x32xf32, #tpu.memory_space<vmem>>
        %dma_start3A_724 = arith.constant 0 : i32
        %dma_start3A_725 = arith.constant 0 : i32
        %dma_start3A_726 = tpu.memref_slice %arg3[%shift_right_logical3A_719, %dma_start3A_724, %dma_start3A_725] : memref<325000x8x32xf32, #tpu.memory_space<hbm>> -> memref<1x8x32xf32, #tpu.memory_space<hbm>>
        %dma_start3A_727 = arith.constant 37 : i32
        %dma_start3A_728 = arith.constant 0 : i32
        %dma_start3A_729 = arith.constant 0 : i32
        %dma_start3A_730 = tpu.memref_slice %arg7[%dma_start3A_727, %dma_start3A_728, %dma_start3A_729] : memref<64x8x32xf32, #tpu.memory_space<vmem>> -> memref<1x8x32xf32, #tpu.memory_space<vmem>>
        %dma_start3A_731 = arith.constant 0 : i32
        %dma_start3A_732 = arith.constant 0 : i32
        %dma_start3A_733 = tpu.memref_slice %arg3[%shift_right_logical3A_719, %dma_start3A_731, %dma_start3A_732] : memref<325000x8x32xf32, #tpu.memory_space<hbm>> -> memref<1x8x32xf32, #tpu.memory_space<hbm>>
        tpu.enqueue_dma source(%dma_start3A_733 : memref<1x8x32xf32, #tpu.memory_space<hbm>>) target(%dma_start3A_730 : memref<1x8x32xf32, #tpu.memory_space<vmem>>) target_semaphore(%arg9 : memref<!tpu.dma_semaphore, #tpu.memory_space<semaphore_mem>>)
        %slice3A_734 = vector.extract_strided_slice %add3A_620 {offsets = [6], sizes = [1], strides = [1]} : vector<16xi32> to vector<1xi32>
        %squeeze3A_735 = vector.extract %slice3A_734[0] : i32 from vector<1xi32>
        %shift_right_logical3A_736 = arith.constant 3 : i32
        %shift_right_logical3A_737 = arith.shrui %squeeze3A_735, %shift_right_logical3A_736 : i32
        %dma_start3A_738 = arith.constant 38 : i32
        %dma_start3A_739 = arith.constant 0 : i32
        %dma_start3A_740 = arith.constant 0 : i32
        %dma_start3A_741 = tpu.memref_slice %arg7[%dma_start3A_738, %dma_start3A_739, %dma_start3A_740] : memref<64x8x32xf32, #tpu.memory_space<vmem>> -> memref<1x8x32xf32, #tpu.memory_space<vmem>>
        %dma_start3A_742 = arith.constant 0 : i32
        %dma_start3A_743 = arith.constant 0 : i32
        %dma_start3A_744 = tpu.memref_slice %arg3[%shift_right_logical3A_737, %dma_start3A_742, %dma_start3A_743] : memref<325000x8x32xf32, #tpu.memory_space<hbm>> -> memref<1x8x32xf32, #tpu.memory_space<hbm>>
        %dma_start3A_745 = arith.constant 38 : i32
        %dma_start3A_746 = arith.constant 0 : i32
        %dma_start3A_747 = arith.constant 0 : i32
        %dma_start3A_748 = tpu.memref_slice %arg7[%dma_start3A_745, %dma_start3A_746, %dma_start3A_747] : memref<64x8x32xf32, #tpu.memory_space<vmem>> -> memref<1x8x32xf32, #tpu.memory_space<vmem>>
        %dma_start3A_749 = arith.constant 0 : i32
        %dma_start3A_750 = arith.constant 0 : i32
        %dma_start3A_751 = tpu.memref_slice %arg3[%shift_right_logical3A_737, %dma_start3A_749, %dma_start3A_750] : memref<325000x8x32xf32, #tpu.memory_space<hbm>> -> memref<1x8x32xf32, #tpu.memory_space<hbm>>
        tpu.enqueue_dma source(%dma_start3A_751 : memref<1x8x32xf32, #tpu.memory_space<hbm>>) target(%dma_start3A_748 : memref<1x8x32xf32, #tpu.memory_space<vmem>>) target_semaphore(%arg9 : memref<!tpu.dma_semaphore, #tpu.memory_space<semaphore_mem>>)
        %slice3A_752 = vector.extract_strided_slice %add3A_620 {offsets = [7], sizes = [1], strides = [1]} : vector<16xi32> to vector<1xi32>
        %squeeze3A_753 = vector.extract %slice3A_752[0] : i32 from vector<1xi32>
        %shift_right_logical3A_754 = arith.constant 3 : i32
        %shift_right_logical3A_755 = arith.shrui %squeeze3A_753, %shift_right_logical3A_754 : i32
        %dma_start3A_756 = arith.constant 39 : i32
        %dma_start3A_757 = arith.constant 0 : i32
        %dma_start3A_758 = arith.constant 0 : i32
        %dma_start3A_759 = tpu.memref_slice %arg7[%dma_start3A_756, %dma_start3A_757, %dma_start3A_758] : memref<64x8x32xf32, #tpu.memory_space<vmem>> -> memref<1x8x32xf32, #tpu.memory_space<vmem>>
        %dma_start3A_760 = arith.constant 0 : i32
        %dma_start3A_761 = arith.constant 0 : i32
        %dma_start3A_762 = tpu.memref_slice %arg3[%shift_right_logical3A_755, %dma_start3A_760, %dma_start3A_761] : memref<325000x8x32xf32, #tpu.memory_space<hbm>> -> memref<1x8x32xf32, #tpu.memory_space<hbm>>
        %dma_start3A_763 = arith.constant 39 : i32
        %dma_start3A_764 = arith.constant 0 : i32
        %dma_start3A_765 = arith.constant 0 : i32
        %dma_start3A_766 = tpu.memref_slice %arg7[%dma_start3A_763, %dma_start3A_764, %dma_start3A_765] : memref<64x8x32xf32, #tpu.memory_space<vmem>> -> memref<1x8x32xf32, #tpu.memory_space<vmem>>
        %dma_start3A_767 = arith.constant 0 : i32
        %dma_start3A_768 = arith.constant 0 : i32
        %dma_start3A_769 = tpu.memref_slice %arg3[%shift_right_logical3A_755, %dma_start3A_767, %dma_start3A_768] : memref<325000x8x32xf32, #tpu.memory_space<hbm>> -> memref<1x8x32xf32, #tpu.memory_space<hbm>>
        tpu.enqueue_dma source(%dma_start3A_769 : memref<1x8x32xf32, #tpu.memory_space<hbm>>) target(%dma_start3A_766 : memref<1x8x32xf32, #tpu.memory_space<vmem>>) target_semaphore(%arg9 : memref<!tpu.dma_semaphore, #tpu.memory_space<semaphore_mem>>)
        %slice3A_770 = vector.extract_strided_slice %add3A_620 {offsets = [8], sizes = [1], strides = [1]} : vector<16xi32> to vector<1xi32>
        %squeeze3A_771 = vector.extract %slice3A_770[0] : i32 from vector<1xi32>
        %shift_right_logical3A_772 = arith.constant 3 : i32
        %shift_right_logical3A_773 = arith.shrui %squeeze3A_771, %shift_right_logical3A_772 : i32
        %dma_start3A_774 = arith.constant 40 : i32
        %dma_start3A_775 = arith.constant 0 : i32
        %dma_start3A_776 = arith.constant 0 : i32
        %dma_start3A_777 = tpu.memref_slice %arg7[%dma_start3A_774, %dma_start3A_775, %dma_start3A_776] : memref<64x8x32xf32, #tpu.memory_space<vmem>> -> memref<1x8x32xf32, #tpu.memory_space<vmem>>
        %dma_start3A_778 = arith.constant 0 : i32
        %dma_start3A_779 = arith.constant 0 : i32
        %dma_start3A_780 = tpu.memref_slice %arg3[%shift_right_logical3A_773, %dma_start3A_778, %dma_start3A_779] : memref<325000x8x32xf32, #tpu.memory_space<hbm>> -> memref<1x8x32xf32, #tpu.memory_space<hbm>>
        %dma_start3A_781 = arith.constant 40 : i32
        %dma_start3A_782 = arith.constant 0 : i32
        %dma_start3A_783 = arith.constant 0 : i32
        %dma_start3A_784 = tpu.memref_slice %arg7[%dma_start3A_781, %dma_start3A_782, %dma_start3A_783] : memref<64x8x32xf32, #tpu.memory_space<vmem>> -> memref<1x8x32xf32, #tpu.memory_space<vmem>>
        %dma_start3A_785 = arith.constant 0 : i32
        %dma_start3A_786 = arith.constant 0 : i32
        %dma_start3A_787 = tpu.memref_slice %arg3[%shift_right_logical3A_773, %dma_start3A_785, %dma_start3A_786] : memref<325000x8x32xf32, #tpu.memory_space<hbm>> -> memref<1x8x32xf32, #tpu.memory_space<hbm>>
        tpu.enqueue_dma source(%dma_start3A_787 : memref<1x8x32xf32, #tpu.memory_space<hbm>>) target(%dma_start3A_784 : memref<1x8x32xf32, #tpu.memory_space<vmem>>) target_semaphore(%arg9 : memref<!tpu.dma_semaphore, #tpu.memory_space<semaphore_mem>>)
        %slice3A_788 = vector.extract_strided_slice %add3A_620 {offsets = [9], sizes = [1], strides = [1]} : vector<16xi32> to vector<1xi32>
        %squeeze3A_789 = vector.extract %slice3A_788[0] : i32 from vector<1xi32>
        %shift_right_logical3A_790 = arith.constant 3 : i32
        %shift_right_logical3A_791 = arith.shrui %squeeze3A_789, %shift_right_logical3A_790 : i32
        %dma_start3A_792 = arith.constant 41 : i32
        %dma_start3A_793 = arith.constant 0 : i32
        %dma_start3A_794 = arith.constant 0 : i32
        %dma_start3A_795 = tpu.memref_slice %arg7[%dma_start3A_792, %dma_start3A_793, %dma_start3A_794] : memref<64x8x32xf32, #tpu.memory_space<vmem>> -> memref<1x8x32xf32, #tpu.memory_space<vmem>>
        %dma_start3A_796 = arith.constant 0 : i32
        %dma_start3A_797 = arith.constant 0 : i32
        %dma_start3A_798 = tpu.memref_slice %arg3[%shift_right_logical3A_791, %dma_start3A_796, %dma_start3A_797] : memref<325000x8x32xf32, #tpu.memory_space<hbm>> -> memref<1x8x32xf32, #tpu.memory_space<hbm>>
        %dma_start3A_799 = arith.constant 41 : i32
        %dma_start3A_800 = arith.constant 0 : i32
        %dma_start3A_801 = arith.constant 0 : i32
        %dma_start3A_802 = tpu.memref_slice %arg7[%dma_start3A_799, %dma_start3A_800, %dma_start3A_801] : memref<64x8x32xf32, #tpu.memory_space<vmem>> -> memref<1x8x32xf32, #tpu.memory_space<vmem>>
        %dma_start3A_803 = arith.constant 0 : i32
        %dma_start3A_804 = arith.constant 0 : i32
        %dma_start3A_805 = tpu.memref_slice %arg3[%shift_right_logical3A_791, %dma_start3A_803, %dma_start3A_804] : memref<325000x8x32xf32, #tpu.memory_space<hbm>> -> memref<1x8x32xf32, #tpu.memory_space<hbm>>
        tpu.enqueue_dma source(%dma_start3A_805 : memref<1x8x32xf32, #tpu.memory_space<hbm>>) target(%dma_start3A_802 : memref<1x8x32xf32, #tpu.memory_space<vmem>>) target_semaphore(%arg9 : memref<!tpu.dma_semaphore, #tpu.memory_space<semaphore_mem>>)
        %slice3A_806 = vector.extract_strided_slice %add3A_620 {offsets = [10], sizes = [1], strides = [1]} : vector<16xi32> to vector<1xi32>
        %squeeze3A_807 = vector.extract %slice3A_806[0] : i32 from vector<1xi32>
        %shift_right_logical3A_808 = arith.constant 3 : i32
        %shift_right_logical3A_809 = arith.shrui %squeeze3A_807, %shift_right_logical3A_808 : i32
        %dma_start3A_810 = arith.constant 42 : i32
        %dma_start3A_811 = arith.constant 0 : i32
        %dma_start3A_812 = arith.constant 0 : i32
        %dma_start3A_813 = tpu.memref_slice %arg7[%dma_start3A_810, %dma_start3A_811, %dma_start3A_812] : memref<64x8x32xf32, #tpu.memory_space<vmem>> -> memref<1x8x32xf32, #tpu.memory_space<vmem>>
        %dma_start3A_814 = arith.constant 0 : i32
        %dma_start3A_815 = arith.constant 0 : i32
        %dma_start3A_816 = tpu.memref_slice %arg3[%shift_right_logical3A_809, %dma_start3A_814, %dma_start3A_815] : memref<325000x8x32xf32, #tpu.memory_space<hbm>> -> memref<1x8x32xf32, #tpu.memory_space<hbm>>
        %dma_start3A_817 = arith.constant 42 : i32
        %dma_start3A_818 = arith.constant 0 : i32
        %dma_start3A_819 = arith.constant 0 : i32
        %dma_start3A_820 = tpu.memref_slice %arg7[%dma_start3A_817, %dma_start3A_818, %dma_start3A_819] : memref<64x8x32xf32, #tpu.memory_space<vmem>> -> memref<1x8x32xf32, #tpu.memory_space<vmem>>
        %dma_start3A_821 = arith.constant 0 : i32
        %dma_start3A_822 = arith.constant 0 : i32
        %dma_start3A_823 = tpu.memref_slice %arg3[%shift_right_logical3A_809, %dma_start3A_821, %dma_start3A_822] : memref<325000x8x32xf32, #tpu.memory_space<hbm>> -> memref<1x8x32xf32, #tpu.memory_space<hbm>>
        tpu.enqueue_dma source(%dma_start3A_823 : memref<1x8x32xf32, #tpu.memory_space<hbm>>) target(%dma_start3A_820 : memref<1x8x32xf32, #tpu.memory_space<vmem>>) target_semaphore(%arg9 : memref<!tpu.dma_semaphore, #tpu.memory_space<semaphore_mem>>)
        %slice3A_824 = vector.extract_strided_slice %add3A_620 {offsets = [11], sizes = [1], strides = [1]} : vector<16xi32> to vector<1xi32>
        %squeeze3A_825 = vector.extract %slice3A_824[0] : i32 from vector<1xi32>
        %shift_right_logical3A_826 = arith.constant 3 : i32
        %shift_right_logical3A_827 = arith.shrui %squeeze3A_825, %shift_right_logical3A_826 : i32
        %dma_start3A_828 = arith.constant 43 : i32
        %dma_start3A_829 = arith.constant 0 : i32
        %dma_start3A_830 = arith.constant 0 : i32
        %dma_start3A_831 = tpu.memref_slice %arg7[%dma_start3A_828, %dma_start3A_829, %dma_start3A_830] : memref<64x8x32xf32, #tpu.memory_space<vmem>> -> memref<1x8x32xf32, #tpu.memory_space<vmem>>
        %dma_start3A_832 = arith.constant 0 : i32
        %dma_start3A_833 = arith.constant 0 : i32
        %dma_start3A_834 = tpu.memref_slice %arg3[%shift_right_logical3A_827, %dma_start3A_832, %dma_start3A_833] : memref<325000x8x32xf32, #tpu.memory_space<hbm>> -> memref<1x8x32xf32, #tpu.memory_space<hbm>>
        %dma_start3A_835 = arith.constant 43 : i32
        %dma_start3A_836 = arith.constant 0 : i32
        %dma_start3A_837 = arith.constant 0 : i32
        %dma_start3A_838 = tpu.memref_slice %arg7[%dma_start3A_835, %dma_start3A_836, %dma_start3A_837] : memref<64x8x32xf32, #tpu.memory_space<vmem>> -> memref<1x8x32xf32, #tpu.memory_space<vmem>>
        %dma_start3A_839 = arith.constant 0 : i32
        %dma_start3A_840 = arith.constant 0 : i32
        %dma_start3A_841 = tpu.memref_slice %arg3[%shift_right_logical3A_827, %dma_start3A_839, %dma_start3A_840] : memref<325000x8x32xf32, #tpu.memory_space<hbm>> -> memref<1x8x32xf32, #tpu.memory_space<hbm>>
        tpu.enqueue_dma source(%dma_start3A_841 : memref<1x8x32xf32, #tpu.memory_space<hbm>>) target(%dma_start3A_838 : memref<1x8x32xf32, #tpu.memory_space<vmem>>) target_semaphore(%arg9 : memref<!tpu.dma_semaphore, #tpu.memory_space<semaphore_mem>>)
        %slice3A_842 = vector.extract_strided_slice %add3A_620 {offsets = [12], sizes = [1], strides = [1]} : vector<16xi32> to vector<1xi32>
        %squeeze3A_843 = vector.extract %slice3A_842[0] : i32 from vector<1xi32>
        %shift_right_logical3A_844 = arith.constant 3 : i32
        %shift_right_logical3A_845 = arith.shrui %squeeze3A_843, %shift_right_logical3A_844 : i32
        %dma_start3A_846 = arith.constant 44 : i32
        %dma_start3A_847 = arith.constant 0 : i32
        %dma_start3A_848 = arith.constant 0 : i32
        %dma_start3A_849 = tpu.memref_slice %arg7[%dma_start3A_846, %dma_start3A_847, %dma_start3A_848] : memref<64x8x32xf32, #tpu.memory_space<vmem>> -> memref<1x8x32xf32, #tpu.memory_space<vmem>>
        %dma_start3A_850 = arith.constant 0 : i32
        %dma_start3A_851 = arith.constant 0 : i32
        %dma_start3A_852 = tpu.memref_slice %arg3[%shift_right_logical3A_845, %dma_start3A_850, %dma_start3A_851] : memref<325000x8x32xf32, #tpu.memory_space<hbm>> -> memref<1x8x32xf32, #tpu.memory_space<hbm>>
        %dma_start3A_853 = arith.constant 44 : i32
        %dma_start3A_854 = arith.constant 0 : i32
        %dma_start3A_855 = arith.constant 0 : i32
        %dma_start3A_856 = tpu.memref_slice %arg7[%dma_start3A_853, %dma_start3A_854, %dma_start3A_855] : memref<64x8x32xf32, #tpu.memory_space<vmem>> -> memref<1x8x32xf32, #tpu.memory_space<vmem>>
        %dma_start3A_857 = arith.constant 0 : i32
        %dma_start3A_858 = arith.constant 0 : i32
        %dma_start3A_859 = tpu.memref_slice %arg3[%shift_right_logical3A_845, %dma_start3A_857, %dma_start3A_858] : memref<325000x8x32xf32, #tpu.memory_space<hbm>> -> memref<1x8x32xf32, #tpu.memory_space<hbm>>
        tpu.enqueue_dma source(%dma_start3A_859 : memref<1x8x32xf32, #tpu.memory_space<hbm>>) target(%dma_start3A_856 : memref<1x8x32xf32, #tpu.memory_space<vmem>>) target_semaphore(%arg9 : memref<!tpu.dma_semaphore, #tpu.memory_space<semaphore_mem>>)
        %slice3A_860 = vector.extract_strided_slice %add3A_620 {offsets = [13], sizes = [1], strides = [1]} : vector<16xi32> to vector<1xi32>
        %squeeze3A_861 = vector.extract %slice3A_860[0] : i32 from vector<1xi32>
        %shift_right_logical3A_862 = arith.constant 3 : i32
        %shift_right_logical3A_863 = arith.shrui %squeeze3A_861, %shift_right_logical3A_862 : i32
        %dma_start3A_864 = arith.constant 45 : i32
        %dma_start3A_865 = arith.constant 0 : i32
        %dma_start3A_866 = arith.constant 0 : i32
        %dma_start3A_867 = tpu.memref_slice %arg7[%dma_start3A_864, %dma_start3A_865, %dma_start3A_866] : memref<64x8x32xf32, #tpu.memory_space<vmem>> -> memref<1x8x32xf32, #tpu.memory_space<vmem>>
        %dma_start3A_868 = arith.constant 0 : i32
        %dma_start3A_869 = arith.constant 0 : i32
        %dma_start3A_870 = tpu.memref_slice %arg3[%shift_right_logical3A_863, %dma_start3A_868, %dma_start3A_869] : memref<325000x8x32xf32, #tpu.memory_space<hbm>> -> memref<1x8x32xf32, #tpu.memory_space<hbm>>
        %dma_start3A_871 = arith.constant 45 : i32
        %dma_start3A_872 = arith.constant 0 : i32
        %dma_start3A_873 = arith.constant 0 : i32
        %dma_start3A_874 = tpu.memref_slice %arg7[%dma_start3A_871, %dma_start3A_872, %dma_start3A_873] : memref<64x8x32xf32, #tpu.memory_space<vmem>> -> memref<1x8x32xf32, #tpu.memory_space<vmem>>
        %dma_start3A_875 = arith.constant 0 : i32
        %dma_start3A_876 = arith.constant 0 : i32
        %dma_start3A_877 = tpu.memref_slice %arg3[%shift_right_logical3A_863, %dma_start3A_875, %dma_start3A_876] : memref<325000x8x32xf32, #tpu.memory_space<hbm>> -> memref<1x8x32xf32, #tpu.memory_space<hbm>>
        tpu.enqueue_dma source(%dma_start3A_877 : memref<1x8x32xf32, #tpu.memory_space<hbm>>) target(%dma_start3A_874 : memref<1x8x32xf32, #tpu.memory_space<vmem>>) target_semaphore(%arg9 : memref<!tpu.dma_semaphore, #tpu.memory_space<semaphore_mem>>)
        %slice3A_878 = vector.extract_strided_slice %add3A_620 {offsets = [14], sizes = [1], strides = [1]} : vector<16xi32> to vector<1xi32>
        %squeeze3A_879 = vector.extract %slice3A_878[0] : i32 from vector<1xi32>
        %shift_right_logical3A_880 = arith.constant 3 : i32
        %shift_right_logical3A_881 = arith.shrui %squeeze3A_879, %shift_right_logical3A_880 : i32
        %dma_start3A_882 = arith.constant 46 : i32
        %dma_start3A_883 = arith.constant 0 : i32
        %dma_start3A_884 = arith.constant 0 : i32
        %dma_start3A_885 = tpu.memref_slice %arg7[%dma_start3A_882, %dma_start3A_883, %dma_start3A_884] : memref<64x8x32xf32, #tpu.memory_space<vmem>> -> memref<1x8x32xf32, #tpu.memory_space<vmem>>
        %dma_start3A_886 = arith.constant 0 : i32
        %dma_start3A_887 = arith.constant 0 : i32
        %dma_start3A_888 = tpu.memref_slice %arg3[%shift_right_logical3A_881, %dma_start3A_886, %dma_start3A_887] : memref<325000x8x32xf32, #tpu.memory_space<hbm>> -> memref<1x8x32xf32, #tpu.memory_space<hbm>>
        %dma_start3A_889 = arith.constant 46 : i32
        %dma_start3A_890 = arith.constant 0 : i32
        %dma_start3A_891 = arith.constant 0 : i32
        %dma_start3A_892 = tpu.memref_slice %arg7[%dma_start3A_889, %dma_start3A_890, %dma_start3A_891] : memref<64x8x32xf32, #tpu.memory_space<vmem>> -> memref<1x8x32xf32, #tpu.memory_space<vmem>>
        %dma_start3A_893 = arith.constant 0 : i32
        %dma_start3A_894 = arith.constant 0 : i32
        %dma_start3A_895 = tpu.memref_slice %arg3[%shift_right_logical3A_881, %dma_start3A_893, %dma_start3A_894] : memref<325000x8x32xf32, #tpu.memory_space<hbm>> -> memref<1x8x32xf32, #tpu.memory_space<hbm>>
        tpu.enqueue_dma source(%dma_start3A_895 : memref<1x8x32xf32, #tpu.memory_space<hbm>>) target(%dma_start3A_892 : memref<1x8x32xf32, #tpu.memory_space<vmem>>) target_semaphore(%arg9 : memref<!tpu.dma_semaphore, #tpu.memory_space<semaphore_mem>>)
        %slice3A_896 = vector.extract_strided_slice %add3A_620 {offsets = [15], sizes = [1], strides = [1]} : vector<16xi32> to vector<1xi32>
        %squeeze3A_897 = vector.extract %slice3A_896[0] : i32 from vector<1xi32>
        %shift_right_logical3A_898 = arith.constant 3 : i32
        %shift_right_logical3A_899 = arith.shrui %squeeze3A_897, %shift_right_logical3A_898 : i32
        %dma_start3A_900 = arith.constant 47 : i32
        %dma_start3A_901 = arith.constant 0 : i32
        %dma_start3A_902 = arith.constant 0 : i32
        %dma_start3A_903 = tpu.memref_slice %arg7[%dma_start3A_900, %dma_start3A_901, %dma_start3A_902] : memref<64x8x32xf32, #tpu.memory_space<vmem>> -> memref<1x8x32xf32, #tpu.memory_space<vmem>>
        %dma_start3A_904 = arith.constant 0 : i32
        %dma_start3A_905 = arith.constant 0 : i32
        %dma_start3A_906 = tpu.memref_slice %arg3[%shift_right_logical3A_899, %dma_start3A_904, %dma_start3A_905] : memref<325000x8x32xf32, #tpu.memory_space<hbm>> -> memref<1x8x32xf32, #tpu.memory_space<hbm>>
        %dma_start3A_907 = arith.constant 47 : i32
        %dma_start3A_908 = arith.constant 0 : i32
        %dma_start3A_909 = arith.constant 0 : i32
        %dma_start3A_910 = tpu.memref_slice %arg7[%dma_start3A_907, %dma_start3A_908, %dma_start3A_909] : memref<64x8x32xf32, #tpu.memory_space<vmem>> -> memref<1x8x32xf32, #tpu.memory_space<vmem>>
        %dma_start3A_911 = arith.constant 0 : i32
        %dma_start3A_912 = arith.constant 0 : i32
        %dma_start3A_913 = tpu.memref_slice %arg3[%shift_right_logical3A_899, %dma_start3A_911, %dma_start3A_912] : memref<325000x8x32xf32, #tpu.memory_space<hbm>> -> memref<1x8x32xf32, #tpu.memory_space<hbm>>
        tpu.enqueue_dma source(%dma_start3A_913 : memref<1x8x32xf32, #tpu.memory_space<hbm>>) target(%dma_start3A_910 : memref<1x8x32xf32, #tpu.memory_space<vmem>>) target_semaphore(%arg9 : memref<!tpu.dma_semaphore, #tpu.memory_space<semaphore_mem>>)
        %mul3A_914 = arith.constant 64 : i32
        %mul3A_915 = arith.muli %scan3A_17, %mul3A_914 : i32
        %add3A_916 = arith.constant 48 : i32
        %add3A_917 = arith.addi %mul3A_915, %add3A_916 : i32
        %get3A_918 = arith.index_cast %add3A_917 : i32 to index
        %get3A_919 = tpu.vector_load %arg5[%get3A_918] {strides = array<i32>} : memref<512xi32, #tpu.memory_space<vmem>>, vector<16xi32>,
        %add3A_920 = vector.broadcast %mul3A_10 : i32 to vector<16xi32>
        %add3A_921 = arith.addi %get3A_919, %add3A_920 : vector<16xi32>
        %and3A_922 = arith.constant 7 : i32
        %and3A_923 = vector.broadcast %and3A_922 : i32 to vector<16xi32>
        %and3A_924 = arith.andi %add3A_921, %and3A_923 : vector<16xi32>
        %swap3A_925 = arith.constant 48 : index
        %swap3A_926 = tpu.vector_load %arg6[%swap3A_925] {strides = array<i32>} : memref<64xi32, #tpu.memory_space<vmem>>, vector<16xi32>,
        tpu.vector_store %arg6[%swap3A_925], %and3A_924 {strides = array<i32>} : memref<64xi32, #tpu.memory_space<vmem>>, vector<16xi32>,
        %slice3A_927 = vector.extract_strided_slice %add3A_921 {offsets = [0], sizes = [1], strides = [1]} : vector<16xi32> to vector<1xi32>
        %squeeze3A_928 = vector.extract %slice3A_927[0] : i32 from vector<1xi32>
        %shift_right_logical3A_929 = arith.constant 3 : i32
        %shift_right_logical3A_930 = arith.shrui %squeeze3A_928, %shift_right_logical3A_929 : i32
        %dma_start3A_931 = arith.constant 48 : i32
        %dma_start3A_932 = arith.constant 0 : i32
        %dma_start3A_933 = arith.constant 0 : i32
        %dma_start3A_934 = tpu.memref_slice %arg7[%dma_start3A_931, %dma_start3A_932, %dma_start3A_933] : memref<64x8x32xf32, #tpu.memory_space<vmem>> -> memref<1x8x32xf32, #tpu.memory_space<vmem>>
        %dma_start3A_935 = arith.constant 0 : i32
        %dma_start3A_936 = arith.constant 0 : i32
        %dma_start3A_937 = tpu.memref_slice %arg3[%shift_right_logical3A_930, %dma_start3A_935, %dma_start3A_936] : memref<325000x8x32xf32, #tpu.memory_space<hbm>> -> memref<1x8x32xf32, #tpu.memory_space<hbm>>
        %dma_start3A_938 = arith.constant 48 : i32
        %dma_start3A_939 = arith.constant 0 : i32
        %dma_start3A_940 = arith.constant 0 : i32
        %dma_start3A_941 = tpu.memref_slice %arg7[%dma_start3A_938, %dma_start3A_939, %dma_start3A_940] : memref<64x8x32xf32, #tpu.memory_space<vmem>> -> memref<1x8x32xf32, #tpu.memory_space<vmem>>
        %dma_start3A_942 = arith.constant 0 : i32
        %dma_start3A_943 = arith.constant 0 : i32
        %dma_start3A_944 = tpu.memref_slice %arg3[%shift_right_logical3A_930, %dma_start3A_942, %dma_start3A_943] : memref<325000x8x32xf32, #tpu.memory_space<hbm>> -> memref<1x8x32xf32, #tpu.memory_space<hbm>>
        tpu.enqueue_dma source(%dma_start3A_944 : memref<1x8x32xf32, #tpu.memory_space<hbm>>) target(%dma_start3A_941 : memref<1x8x32xf32, #tpu.memory_space<vmem>>) target_semaphore(%arg9 : memref<!tpu.dma_semaphore, #tpu.memory_space<semaphore_mem>>)
        %slice3A_945 = vector.extract_strided_slice %add3A_921 {offsets = [1], sizes = [1], strides = [1]} : vector<16xi32> to vector<1xi32>
        %squeeze3A_946 = vector.extract %slice3A_945[0] : i32 from vector<1xi32>
        %shift_right_logical3A_947 = arith.constant 3 : i32
        %shift_right_logical3A_948 = arith.shrui %squeeze3A_946, %shift_right_logical3A_947 : i32
        %dma_start3A_949 = arith.constant 49 : i32
        %dma_start3A_950 = arith.constant 0 : i32
        %dma_start3A_951 = arith.constant 0 : i32
        %dma_start3A_952 = tpu.memref_slice %arg7[%dma_start3A_949, %dma_start3A_950, %dma_start3A_951] : memref<64x8x32xf32, #tpu.memory_space<vmem>> -> memref<1x8x32xf32, #tpu.memory_space<vmem>>
        %dma_start3A_953 = arith.constant 0 : i32
        %dma_start3A_954 = arith.constant 0 : i32
        %dma_start3A_955 = tpu.memref_slice %arg3[%shift_right_logical3A_948, %dma_start3A_953, %dma_start3A_954] : memref<325000x8x32xf32, #tpu.memory_space<hbm>> -> memref<1x8x32xf32, #tpu.memory_space<hbm>>
        %dma_start3A_956 = arith.constant 49 : i32
        %dma_start3A_957 = arith.constant 0 : i32
        %dma_start3A_958 = arith.constant 0 : i32
        %dma_start3A_959 = tpu.memref_slice %arg7[%dma_start3A_956, %dma_start3A_957, %dma_start3A_958] : memref<64x8x32xf32, #tpu.memory_space<vmem>> -> memref<1x8x32xf32, #tpu.memory_space<vmem>>
        %dma_start3A_960 = arith.constant 0 : i32
        %dma_start3A_961 = arith.constant 0 : i32
        %dma_start3A_962 = tpu.memref_slice %arg3[%shift_right_logical3A_948, %dma_start3A_960, %dma_start3A_961] : memref<325000x8x32xf32, #tpu.memory_space<hbm>> -> memref<1x8x32xf32, #tpu.memory_space<hbm>>
        tpu.enqueue_dma source(%dma_start3A_962 : memref<1x8x32xf32, #tpu.memory_space<hbm>>) target(%dma_start3A_959 : memref<1x8x32xf32, #tpu.memory_space<vmem>>) target_semaphore(%arg9 : memref<!tpu.dma_semaphore, #tpu.memory_space<semaphore_mem>>)
        %slice3A_963 = vector.extract_strided_slice %add3A_921 {offsets = [2], sizes = [1], strides = [1]} : vector<16xi32> to vector<1xi32>
        %squeeze3A_964 = vector.extract %slice3A_963[0] : i32 from vector<1xi32>
        %shift_right_logical3A_965 = arith.constant 3 : i32
        %shift_right_logical3A_966 = arith.shrui %squeeze3A_964, %shift_right_logical3A_965 : i32
        %dma_start3A_967 = arith.constant 50 : i32
        %dma_start3A_968 = arith.constant 0 : i32
        %dma_start3A_969 = arith.constant 0 : i32
        %dma_start3A_970 = tpu.memref_slice %arg7[%dma_start3A_967, %dma_start3A_968, %dma_start3A_969] : memref<64x8x32xf32, #tpu.memory_space<vmem>> -> memref<1x8x32xf32, #tpu.memory_space<vmem>>
        %dma_start3A_971 = arith.constant 0 : i32
        %dma_start3A_972 = arith.constant 0 : i32
        %dma_start3A_973 = tpu.memref_slice %arg3[%shift_right_logical3A_966, %dma_start3A_971, %dma_start3A_972] : memref<325000x8x32xf32, #tpu.memory_space<hbm>> -> memref<1x8x32xf32, #tpu.memory_space<hbm>>
        %dma_start3A_974 = arith.constant 50 : i32
        %dma_start3A_975 = arith.constant 0 : i32
        %dma_start3A_976 = arith.constant 0 : i32
        %dma_start3A_977 = tpu.memref_slice %arg7[%dma_start3A_974, %dma_start3A_975, %dma_start3A_976] : memref<64x8x32xf32, #tpu.memory_space<vmem>> -> memref<1x8x32xf32, #tpu.memory_space<vmem>>
        %dma_start3A_978 = arith.constant 0 : i32
        %dma_start3A_979 = arith.constant 0 : i32
        %dma_start3A_980 = tpu.memref_slice %arg3[%shift_right_logical3A_966, %dma_start3A_978, %dma_start3A_979] : memref<325000x8x32xf32, #tpu.memory_space<hbm>> -> memref<1x8x32xf32, #tpu.memory_space<hbm>>
        tpu.enqueue_dma source(%dma_start3A_980 : memref<1x8x32xf32, #tpu.memory_space<hbm>>) target(%dma_start3A_977 : memref<1x8x32xf32, #tpu.memory_space<vmem>>) target_semaphore(%arg9 : memref<!tpu.dma_semaphore, #tpu.memory_space<semaphore_mem>>)
        %slice3A_981 = vector.extract_strided_slice %add3A_921 {offsets = [3], sizes = [1], strides = [1]} : vector<16xi32> to vector<1xi32>
        %squeeze3A_982 = vector.extract %slice3A_981[0] : i32 from vector<1xi32>
        %shift_right_logical3A_983 = arith.constant 3 : i32
        %shift_right_logical3A_984 = arith.shrui %squeeze3A_982, %shift_right_logical3A_983 : i32
        %dma_start3A_985 = arith.constant 51 : i32
        %dma_start3A_986 = arith.constant 0 : i32
        %dma_start3A_987 = arith.constant 0 : i32
        %dma_start3A_988 = tpu.memref_slice %arg7[%dma_start3A_985, %dma_start3A_986, %dma_start3A_987] : memref<64x8x32xf32, #tpu.memory_space<vmem>> -> memref<1x8x32xf32, #tpu.memory_space<vmem>>
        %dma_start3A_989 = arith.constant 0 : i32
        %dma_start3A_990 = arith.constant 0 : i32
        %dma_start3A_991 = tpu.memref_slice %arg3[%shift_right_logical3A_984, %dma_start3A_989, %dma_start3A_990] : memref<325000x8x32xf32, #tpu.memory_space<hbm>> -> memref<1x8x32xf32, #tpu.memory_space<hbm>>
        %dma_start3A_992 = arith.constant 51 : i32
        %dma_start3A_993 = arith.constant 0 : i32
        %dma_start3A_994 = arith.constant 0 : i32
        %dma_start3A_995 = tpu.memref_slice %arg7[%dma_start3A_992, %dma_start3A_993, %dma_start3A_994] : memref<64x8x32xf32, #tpu.memory_space<vmem>> -> memref<1x8x32xf32, #tpu.memory_space<vmem>>
        %dma_start3A_996 = arith.constant 0 : i32
        %dma_start3A_997 = arith.constant 0 : i32
        %dma_start3A_998 = tpu.memref_slice %arg3[%shift_right_logical3A_984, %dma_start3A_996, %dma_start3A_997] : memref<325000x8x32xf32, #tpu.memory_space<hbm>> -> memref<1x8x32xf32, #tpu.memory_space<hbm>>
        tpu.enqueue_dma source(%dma_start3A_998 : memref<1x8x32xf32, #tpu.memory_space<hbm>>) target(%dma_start3A_995 : memref<1x8x32xf32, #tpu.memory_space<vmem>>) target_semaphore(%arg9 : memref<!tpu.dma_semaphore, #tpu.memory_space<semaphore_mem>>)
        %slice3A_999 = vector.extract_strided_slice %add3A_921 {offsets = [4], sizes = [1], strides = [1]} : vector<16xi32> to vector<1xi32>
        %squeeze3A_1000 = vector.extract %slice3A_999[0] : i32 from vector<1xi32>
        %shift_right_logical3A_1001 = arith.constant 3 : i32
        %shift_right_logical3A_1002 = arith.shrui %squeeze3A_1000, %shift_right_logical3A_1001 : i32
        %dma_start3A_1003 = arith.constant 52 : i32
        %dma_start3A_1004 = arith.constant 0 : i32
        %dma_start3A_1005 = arith.constant 0 : i32
        %dma_start3A_1006 = tpu.memref_slice %arg7[%dma_start3A_1003, %dma_start3A_1004, %dma_start3A_1005] : memref<64x8x32xf32, #tpu.memory_space<vmem>> -> memref<1x8x32xf32, #tpu.memory_space<vmem>>
        %dma_start3A_1007 = arith.constant 0 : i32
        %dma_start3A_1008 = arith.constant 0 : i32
        %dma_start3A_1009 = tpu.memref_slice %arg3[%shift_right_logical3A_1002, %dma_start3A_1007, %dma_start3A_1008] : memref<325000x8x32xf32, #tpu.memory_space<hbm>> -> memref<1x8x32xf32, #tpu.memory_space<hbm>>
        %dma_start3A_1010 = arith.constant 52 : i32
        %dma_start3A_1011 = arith.constant 0 : i32
        %dma_start3A_1012 = arith.constant 0 : i32
        %dma_start3A_1013 = tpu.memref_slice %arg7[%dma_start3A_1010, %dma_start3A_1011, %dma_start3A_1012] : memref<64x8x32xf32, #tpu.memory_space<vmem>> -> memref<1x8x32xf32, #tpu.memory_space<vmem>>
        %dma_start3A_1014 = arith.constant 0 : i32
        %dma_start3A_1015 = arith.constant 0 : i32
        %dma_start3A_1016 = tpu.memref_slice %arg3[%shift_right_logical3A_1002, %dma_start3A_1014, %dma_start3A_1015] : memref<325000x8x32xf32, #tpu.memory_space<hbm>> -> memref<1x8x32xf32, #tpu.memory_space<hbm>>
        tpu.enqueue_dma source(%dma_start3A_1016 : memref<1x8x32xf32, #tpu.memory_space<hbm>>) target(%dma_start3A_1013 : memref<1x8x32xf32, #tpu.memory_space<vmem>>) target_semaphore(%arg9 : memref<!tpu.dma_semaphore, #tpu.memory_space<semaphore_mem>>)
        %slice3A_1017 = vector.extract_strided_slice %add3A_921 {offsets = [5], sizes = [1], strides = [1]} : vector<16xi32> to vector<1xi32>
        %squeeze3A_1018 = vector.extract %slice3A_1017[0] : i32 from vector<1xi32>
        %shift_right_logical3A_1019 = arith.constant 3 : i32
        %shift_right_logical3A_1020 = arith.shrui %squeeze3A_1018, %shift_right_logical3A_1019 : i32
        %dma_start3A_1021 = arith.constant 53 : i32
        %dma_start3A_1022 = arith.constant 0 : i32
        %dma_start3A_1023 = arith.constant 0 : i32
        %dma_start3A_1024 = tpu.memref_slice %arg7[%dma_start3A_1021, %dma_start3A_1022, %dma_start3A_1023] : memref<64x8x32xf32, #tpu.memory_space<vmem>> -> memref<1x8x32xf32, #tpu.memory_space<vmem>>
        %dma_start3A_1025 = arith.constant 0 : i32
        %dma_start3A_1026 = arith.constant 0 : i32
        %dma_start3A_1027 = tpu.memref_slice %arg3[%shift_right_logical3A_1020, %dma_start3A_1025, %dma_start3A_1026] : memref<325000x8x32xf32, #tpu.memory_space<hbm>> -> memref<1x8x32xf32, #tpu.memory_space<hbm>>
        %dma_start3A_1028 = arith.constant 53 : i32
        %dma_start3A_1029 = arith.constant 0 : i32
        %dma_start3A_1030 = arith.constant 0 : i32
        %dma_start3A_1031 = tpu.memref_slice %arg7[%dma_start3A_1028, %dma_start3A_1029, %dma_start3A_1030] : memref<64x8x32xf32, #tpu.memory_space<vmem>> -> memref<1x8x32xf32, #tpu.memory_space<vmem>>
        %dma_start3A_1032 = arith.constant 0 : i32
        %dma_start3A_1033 = arith.constant 0 : i32
        %dma_start3A_1034 = tpu.memref_slice %arg3[%shift_right_logical3A_1020, %dma_start3A_1032, %dma_start3A_1033] : memref<325000x8x32xf32, #tpu.memory_space<hbm>> -> memref<1x8x32xf32, #tpu.memory_space<hbm>>
        tpu.enqueue_dma source(%dma_start3A_1034 : memref<1x8x32xf32, #tpu.memory_space<hbm>>) target(%dma_start3A_1031 : memref<1x8x32xf32, #tpu.memory_space<vmem>>) target_semaphore(%arg9 : memref<!tpu.dma_semaphore, #tpu.memory_space<semaphore_mem>>)
        %slice3A_1035 = vector.extract_strided_slice %add3A_921 {offsets = [6], sizes = [1], strides = [1]} : vector<16xi32> to vector<1xi32>
        %squeeze3A_1036 = vector.extract %slice3A_1035[0] : i32 from vector<1xi32>
        %shift_right_logical3A_1037 = arith.constant 3 : i32
        %shift_right_logical3A_1038 = arith.shrui %squeeze3A_1036, %shift_right_logical3A_1037 : i32
        %dma_start3A_1039 = arith.constant 54 : i32
        %dma_start3A_1040 = arith.constant 0 : i32
        %dma_start3A_1041 = arith.constant 0 : i32
        %dma_start3A_1042 = tpu.memref_slice %arg7[%dma_start3A_1039, %dma_start3A_1040, %dma_start3A_1041] : memref<64x8x32xf32, #tpu.memory_space<vmem>> -> memref<1x8x32xf32, #tpu.memory_space<vmem>>
        %dma_start3A_1043 = arith.constant 0 : i32
        %dma_start3A_1044 = arith.constant 0 : i32
        %dma_start3A_1045 = tpu.memref_slice %arg3[%shift_right_logical3A_1038, %dma_start3A_1043, %dma_start3A_1044] : memref<325000x8x32xf32, #tpu.memory_space<hbm>> -> memref<1x8x32xf32, #tpu.memory_space<hbm>>
        %dma_start3A_1046 = arith.constant 54 : i32
        %dma_start3A_1047 = arith.constant 0 : i32
        %dma_start3A_1048 = arith.constant 0 : i32
        %dma_start3A_1049 = tpu.memref_slice %arg7[%dma_start3A_1046, %dma_start3A_1047, %dma_start3A_1048] : memref<64x8x32xf32, #tpu.memory_space<vmem>> -> memref<1x8x32xf32, #tpu.memory_space<vmem>>
        %dma_start3A_1050 = arith.constant 0 : i32
        %dma_start3A_1051 = arith.constant 0 : i32
        %dma_start3A_1052 = tpu.memref_slice %arg3[%shift_right_logical3A_1038, %dma_start3A_1050, %dma_start3A_1051] : memref<325000x8x32xf32, #tpu.memory_space<hbm>> -> memref<1x8x32xf32, #tpu.memory_space<hbm>>
        tpu.enqueue_dma source(%dma_start3A_1052 : memref<1x8x32xf32, #tpu.memory_space<hbm>>) target(%dma_start3A_1049 : memref<1x8x32xf32, #tpu.memory_space<vmem>>) target_semaphore(%arg9 : memref<!tpu.dma_semaphore, #tpu.memory_space<semaphore_mem>>)
        %slice3A_1053 = vector.extract_strided_slice %add3A_921 {offsets = [7], sizes = [1], strides = [1]} : vector<16xi32> to vector<1xi32>
        %squeeze3A_1054 = vector.extract %slice3A_1053[0] : i32 from vector<1xi32>
        %shift_right_logical3A_1055 = arith.constant 3 : i32
        %shift_right_logical3A_1056 = arith.shrui %squeeze3A_1054, %shift_right_logical3A_1055 : i32
        %dma_start3A_1057 = arith.constant 55 : i32
        %dma_start3A_1058 = arith.constant 0 : i32
        %dma_start3A_1059 = arith.constant 0 : i32
        %dma_start3A_1060 = tpu.memref_slice %arg7[%dma_start3A_1057, %dma_start3A_1058, %dma_start3A_1059] : memref<64x8x32xf32, #tpu.memory_space<vmem>> -> memref<1x8x32xf32, #tpu.memory_space<vmem>>
        %dma_start3A_1061 = arith.constant 0 : i32
        %dma_start3A_1062 = arith.constant 0 : i32
        %dma_start3A_1063 = tpu.memref_slice %arg3[%shift_right_logical3A_1056, %dma_start3A_1061, %dma_start3A_1062] : memref<325000x8x32xf32, #tpu.memory_space<hbm>> -> memref<1x8x32xf32, #tpu.memory_space<hbm>>
        %dma_start3A_1064 = arith.constant 55 : i32
        %dma_start3A_1065 = arith.constant 0 : i32
        %dma_start3A_1066 = arith.constant 0 : i32
        %dma_start3A_1067 = tpu.memref_slice %arg7[%dma_start3A_1064, %dma_start3A_1065, %dma_start3A_1066] : memref<64x8x32xf32, #tpu.memory_space<vmem>> -> memref<1x8x32xf32, #tpu.memory_space<vmem>>
        %dma_start3A_1068 = arith.constant 0 : i32
        %dma_start3A_1069 = arith.constant 0 : i32
        %dma_start3A_1070 = tpu.memref_slice %arg3[%shift_right_logical3A_1056, %dma_start3A_1068, %dma_start3A_1069] : memref<325000x8x32xf32, #tpu.memory_space<hbm>> -> memref<1x8x32xf32, #tpu.memory_space<hbm>>
        tpu.enqueue_dma source(%dma_start3A_1070 : memref<1x8x32xf32, #tpu.memory_space<hbm>>) target(%dma_start3A_1067 : memref<1x8x32xf32, #tpu.memory_space<vmem>>) target_semaphore(%arg9 : memref<!tpu.dma_semaphore, #tpu.memory_space<semaphore_mem>>)
        %slice3A_1071 = vector.extract_strided_slice %add3A_921 {offsets = [8], sizes = [1], strides = [1]} : vector<16xi32> to vector<1xi32>
        %squeeze3A_1072 = vector.extract %slice3A_1071[0] : i32 from vector<1xi32>
        %shift_right_logical3A_1073 = arith.constant 3 : i32
        %shift_right_logical3A_1074 = arith.shrui %squeeze3A_1072, %shift_right_logical3A_1073 : i32
        %dma_start3A_1075 = arith.constant 56 : i32
        %dma_start3A_1076 = arith.constant 0 : i32
        %dma_start3A_1077 = arith.constant 0 : i32
        %dma_start3A_1078 = tpu.memref_slice %arg7[%dma_start3A_1075, %dma_start3A_1076, %dma_start3A_1077] : memref<64x8x32xf32, #tpu.memory_space<vmem>> -> memref<1x8x32xf32, #tpu.memory_space<vmem>>
        %dma_start3A_1079 = arith.constant 0 : i32
        %dma_start3A_1080 = arith.constant 0 : i32
        %dma_start3A_1081 = tpu.memref_slice %arg3[%shift_right_logical3A_1074, %dma_start3A_1079, %dma_start3A_1080] : memref<325000x8x32xf32, #tpu.memory_space<hbm>> -> memref<1x8x32xf32, #tpu.memory_space<hbm>>
        %dma_start3A_1082 = arith.constant 56 : i32
        %dma_start3A_1083 = arith.constant 0 : i32
        %dma_start3A_1084 = arith.constant 0 : i32
        %dma_start3A_1085 = tpu.memref_slice %arg7[%dma_start3A_1082, %dma_start3A_1083, %dma_start3A_1084] : memref<64x8x32xf32, #tpu.memory_space<vmem>> -> memref<1x8x32xf32, #tpu.memory_space<vmem>>
        %dma_start3A_1086 = arith.constant 0 : i32
        %dma_start3A_1087 = arith.constant 0 : i32
        %dma_start3A_1088 = tpu.memref_slice %arg3[%shift_right_logical3A_1074, %dma_start3A_1086, %dma_start3A_1087] : memref<325000x8x32xf32, #tpu.memory_space<hbm>> -> memref<1x8x32xf32, #tpu.memory_space<hbm>>
        tpu.enqueue_dma source(%dma_start3A_1088 : memref<1x8x32xf32, #tpu.memory_space<hbm>>) target(%dma_start3A_1085 : memref<1x8x32xf32, #tpu.memory_space<vmem>>) target_semaphore(%arg9 : memref<!tpu.dma_semaphore, #tpu.memory_space<semaphore_mem>>)
        %slice3A_1089 = vector.extract_strided_slice %add3A_921 {offsets = [9], sizes = [1], strides = [1]} : vector<16xi32> to vector<1xi32>
        %squeeze3A_1090 = vector.extract %slice3A_1089[0] : i32 from vector<1xi32>
        %shift_right_logical3A_1091 = arith.constant 3 : i32
        %shift_right_logical3A_1092 = arith.shrui %squeeze3A_1090, %shift_right_logical3A_1091 : i32
        %dma_start3A_1093 = arith.constant 57 : i32
        %dma_start3A_1094 = arith.constant 0 : i32
        %dma_start3A_1095 = arith.constant 0 : i32
        %dma_start3A_1096 = tpu.memref_slice %arg7[%dma_start3A_1093, %dma_start3A_1094, %dma_start3A_1095] : memref<64x8x32xf32, #tpu.memory_space<vmem>> -> memref<1x8x32xf32, #tpu.memory_space<vmem>>
        %dma_start3A_1097 = arith.constant 0 : i32
        %dma_start3A_1098 = arith.constant 0 : i32
        %dma_start3A_1099 = tpu.memref_slice %arg3[%shift_right_logical3A_1092, %dma_start3A_1097, %dma_start3A_1098] : memref<325000x8x32xf32, #tpu.memory_space<hbm>> -> memref<1x8x32xf32, #tpu.memory_space<hbm>>
        %dma_start3A_1100 = arith.constant 57 : i32
        %dma_start3A_1101 = arith.constant 0 : i32
        %dma_start3A_1102 = arith.constant 0 : i32
        %dma_start3A_1103 = tpu.memref_slice %arg7[%dma_start3A_1100, %dma_start3A_1101, %dma_start3A_1102] : memref<64x8x32xf32, #tpu.memory_space<vmem>> -> memref<1x8x32xf32, #tpu.memory_space<vmem>>
        %dma_start3A_1104 = arith.constant 0 : i32
        %dma_start3A_1105 = arith.constant 0 : i32
        %dma_start3A_1106 = tpu.memref_slice %arg3[%shift_right_logical3A_1092, %dma_start3A_1104, %dma_start3A_1105] : memref<325000x8x32xf32, #tpu.memory_space<hbm>> -> memref<1x8x32xf32, #tpu.memory_space<hbm>>
        tpu.enqueue_dma source(%dma_start3A_1106 : memref<1x8x32xf32, #tpu.memory_space<hbm>>) target(%dma_start3A_1103 : memref<1x8x32xf32, #tpu.memory_space<vmem>>) target_semaphore(%arg9 : memref<!tpu.dma_semaphore, #tpu.memory_space<semaphore_mem>>)
        %slice3A_1107 = vector.extract_strided_slice %add3A_921 {offsets = [10], sizes = [1], strides = [1]} : vector<16xi32> to vector<1xi32>
        %squeeze3A_1108 = vector.extract %slice3A_1107[0] : i32 from vector<1xi32>
        %shift_right_logical3A_1109 = arith.constant 3 : i32
        %shift_right_logical3A_1110 = arith.shrui %squeeze3A_1108, %shift_right_logical3A_1109 : i32
        %dma_start3A_1111 = arith.constant 58 : i32
        %dma_start3A_1112 = arith.constant 0 : i32
        %dma_start3A_1113 = arith.constant 0 : i32
        %dma_start3A_1114 = tpu.memref_slice %arg7[%dma_start3A_1111, %dma_start3A_1112, %dma_start3A_1113] : memref<64x8x32xf32, #tpu.memory_space<vmem>> -> memref<1x8x32xf32, #tpu.memory_space<vmem>>
        %dma_start3A_1115 = arith.constant 0 : i32
        %dma_start3A_1116 = arith.constant 0 : i32
        %dma_start3A_1117 = tpu.memref_slice %arg3[%shift_right_logical3A_1110, %dma_start3A_1115, %dma_start3A_1116] : memref<325000x8x32xf32, #tpu.memory_space<hbm>> -> memref<1x8x32xf32, #tpu.memory_space<hbm>>
        %dma_start3A_1118 = arith.constant 58 : i32
        %dma_start3A_1119 = arith.constant 0 : i32
        %dma_start3A_1120 = arith.constant 0 : i32
        %dma_start3A_1121 = tpu.memref_slice %arg7[%dma_start3A_1118, %dma_start3A_1119, %dma_start3A_1120] : memref<64x8x32xf32, #tpu.memory_space<vmem>> -> memref<1x8x32xf32, #tpu.memory_space<vmem>>
        %dma_start3A_1122 = arith.constant 0 : i32
        %dma_start3A_1123 = arith.constant 0 : i32
        %dma_start3A_1124 = tpu.memref_slice %arg3[%shift_right_logical3A_1110, %dma_start3A_1122, %dma_start3A_1123] : memref<325000x8x32xf32, #tpu.memory_space<hbm>> -> memref<1x8x32xf32, #tpu.memory_space<hbm>>
        tpu.enqueue_dma source(%dma_start3A_1124 : memref<1x8x32xf32, #tpu.memory_space<hbm>>) target(%dma_start3A_1121 : memref<1x8x32xf32, #tpu.memory_space<vmem>>) target_semaphore(%arg9 : memref<!tpu.dma_semaphore, #tpu.memory_space<semaphore_mem>>)
        %slice3A_1125 = vector.extract_strided_slice %add3A_921 {offsets = [11], sizes = [1], strides = [1]} : vector<16xi32> to vector<1xi32>
        %squeeze3A_1126 = vector.extract %slice3A_1125[0] : i32 from vector<1xi32>
        %shift_right_logical3A_1127 = arith.constant 3 : i32
        %shift_right_logical3A_1128 = arith.shrui %squeeze3A_1126, %shift_right_logical3A_1127 : i32
        %dma_start3A_1129 = arith.constant 59 : i32
        %dma_start3A_1130 = arith.constant 0 : i32
        %dma_start3A_1131 = arith.constant 0 : i32
        %dma_start3A_1132 = tpu.memref_slice %arg7[%dma_start3A_1129, %dma_start3A_1130, %dma_start3A_1131] : memref<64x8x32xf32, #tpu.memory_space<vmem>> -> memref<1x8x32xf32, #tpu.memory_space<vmem>>
        %dma_start3A_1133 = arith.constant 0 : i32
        %dma_start3A_1134 = arith.constant 0 : i32
        %dma_start3A_1135 = tpu.memref_slice %arg3[%shift_right_logical3A_1128, %dma_start3A_1133, %dma_start3A_1134] : memref<325000x8x32xf32, #tpu.memory_space<hbm>> -> memref<1x8x32xf32, #tpu.memory_space<hbm>>
        %dma_start3A_1136 = arith.constant 59 : i32
        %dma_start3A_1137 = arith.constant 0 : i32
        %dma_start3A_1138 = arith.constant 0 : i32
        %dma_start3A_1139 = tpu.memref_slice %arg7[%dma_start3A_1136, %dma_start3A_1137, %dma_start3A_1138] : memref<64x8x32xf32, #tpu.memory_space<vmem>> -> memref<1x8x32xf32, #tpu.memory_space<vmem>>
        %dma_start3A_1140 = arith.constant 0 : i32
        %dma_start3A_1141 = arith.constant 0 : i32
        %dma_start3A_1142 = tpu.memref_slice %arg3[%shift_right_logical3A_1128, %dma_start3A_1140, %dma_start3A_1141] : memref<325000x8x32xf32, #tpu.memory_space<hbm>> -> memref<1x8x32xf32, #tpu.memory_space<hbm>>
        tpu.enqueue_dma source(%dma_start3A_1142 : memref<1x8x32xf32, #tpu.memory_space<hbm>>) target(%dma_start3A_1139 : memref<1x8x32xf32, #tpu.memory_space<vmem>>) target_semaphore(%arg9 : memref<!tpu.dma_semaphore, #tpu.memory_space<semaphore_mem>>)
        %slice3A_1143 = vector.extract_strided_slice %add3A_921 {offsets = [12], sizes = [1], strides = [1]} : vector<16xi32> to vector<1xi32>
        %squeeze3A_1144 = vector.extract %slice3A_1143[0] : i32 from vector<1xi32>
        %shift_right_logical3A_1145 = arith.constant 3 : i32
        %shift_right_logical3A_1146 = arith.shrui %squeeze3A_1144, %shift_right_logical3A_1145 : i32
        %dma_start3A_1147 = arith.constant 60 : i32
        %dma_start3A_1148 = arith.constant 0 : i32
        %dma_start3A_1149 = arith.constant 0 : i32
        %dma_start3A_1150 = tpu.memref_slice %arg7[%dma_start3A_1147, %dma_start3A_1148, %dma_start3A_1149] : memref<64x8x32xf32, #tpu.memory_space<vmem>> -> memref<1x8x32xf32, #tpu.memory_space<vmem>>
        %dma_start3A_1151 = arith.constant 0 : i32
        %dma_start3A_1152 = arith.constant 0 : i32
        %dma_start3A_1153 = tpu.memref_slice %arg3[%shift_right_logical3A_1146, %dma_start3A_1151, %dma_start3A_1152] : memref<325000x8x32xf32, #tpu.memory_space<hbm>> -> memref<1x8x32xf32, #tpu.memory_space<hbm>>
        %dma_start3A_1154 = arith.constant 60 : i32
        %dma_start3A_1155 = arith.constant 0 : i32
        %dma_start3A_1156 = arith.constant 0 : i32
        %dma_start3A_1157 = tpu.memref_slice %arg7[%dma_start3A_1154, %dma_start3A_1155, %dma_start3A_1156] : memref<64x8x32xf32, #tpu.memory_space<vmem>> -> memref<1x8x32xf32, #tpu.memory_space<vmem>>
        %dma_start3A_1158 = arith.constant 0 : i32
        %dma_start3A_1159 = arith.constant 0 : i32
        %dma_start3A_1160 = tpu.memref_slice %arg3[%shift_right_logical3A_1146, %dma_start3A_1158, %dma_start3A_1159] : memref<325000x8x32xf32, #tpu.memory_space<hbm>> -> memref<1x8x32xf32, #tpu.memory_space<hbm>>
        tpu.enqueue_dma source(%dma_start3A_1160 : memref<1x8x32xf32, #tpu.memory_space<hbm>>) target(%dma_start3A_1157 : memref<1x8x32xf32, #tpu.memory_space<vmem>>) target_semaphore(%arg9 : memref<!tpu.dma_semaphore, #tpu.memory_space<semaphore_mem>>)
        %slice3A_1161 = vector.extract_strided_slice %add3A_921 {offsets = [13], sizes = [1], strides = [1]} : vector<16xi32> to vector<1xi32>
        %squeeze3A_1162 = vector.extract %slice3A_1161[0] : i32 from vector<1xi32>
        %shift_right_logical3A_1163 = arith.constant 3 : i32
        %shift_right_logical3A_1164 = arith.shrui %squeeze3A_1162, %shift_right_logical3A_1163 : i32
        %dma_start3A_1165 = arith.constant 61 : i32
        %dma_start3A_1166 = arith.constant 0 : i32
        %dma_start3A_1167 = arith.constant 0 : i32
        %dma_start3A_1168 = tpu.memref_slice %arg7[%dma_start3A_1165, %dma_start3A_1166, %dma_start3A_1167] : memref<64x8x32xf32, #tpu.memory_space<vmem>> -> memref<1x8x32xf32, #tpu.memory_space<vmem>>
        %dma_start3A_1169 = arith.constant 0 : i32
        %dma_start3A_1170 = arith.constant 0 : i32
        %dma_start3A_1171 = tpu.memref_slice %arg3[%shift_right_logical3A_1164, %dma_start3A_1169, %dma_start3A_1170] : memref<325000x8x32xf32, #tpu.memory_space<hbm>> -> memref<1x8x32xf32, #tpu.memory_space<hbm>>
        %dma_start3A_1172 = arith.constant 61 : i32
        %dma_start3A_1173 = arith.constant 0 : i32
        %dma_start3A_1174 = arith.constant 0 : i32
        %dma_start3A_1175 = tpu.memref_slice %arg7[%dma_start3A_1172, %dma_start3A_1173, %dma_start3A_1174] : memref<64x8x32xf32, #tpu.memory_space<vmem>> -> memref<1x8x32xf32, #tpu.memory_space<vmem>>
        %dma_start3A_1176 = arith.constant 0 : i32
        %dma_start3A_1177 = arith.constant 0 : i32
        %dma_start3A_1178 = tpu.memref_slice %arg3[%shift_right_logical3A_1164, %dma_start3A_1176, %dma_start3A_1177] : memref<325000x8x32xf32, #tpu.memory_space<hbm>> -> memref<1x8x32xf32, #tpu.memory_space<hbm>>
        tpu.enqueue_dma source(%dma_start3A_1178 : memref<1x8x32xf32, #tpu.memory_space<hbm>>) target(%dma_start3A_1175 : memref<1x8x32xf32, #tpu.memory_space<vmem>>) target_semaphore(%arg9 : memref<!tpu.dma_semaphore, #tpu.memory_space<semaphore_mem>>)
        %slice3A_1179 = vector.extract_strided_slice %add3A_921 {offsets = [14], sizes = [1], strides = [1]} : vector<16xi32> to vector<1xi32>
        %squeeze3A_1180 = vector.extract %slice3A_1179[0] : i32 from vector<1xi32>
        %shift_right_logical3A_1181 = arith.constant 3 : i32
        %shift_right_logical3A_1182 = arith.shrui %squeeze3A_1180, %shift_right_logical3A_1181 : i32
        %dma_start3A_1183 = arith.constant 62 : i32
        %dma_start3A_1184 = arith.constant 0 : i32
        %dma_start3A_1185 = arith.constant 0 : i32
        %dma_start3A_1186 = tpu.memref_slice %arg7[%dma_start3A_1183, %dma_start3A_1184, %dma_start3A_1185] : memref<64x8x32xf32, #tpu.memory_space<vmem>> -> memref<1x8x32xf32, #tpu.memory_space<vmem>>
        %dma_start3A_1187 = arith.constant 0 : i32
        %dma_start3A_1188 = arith.constant 0 : i32
        %dma_start3A_1189 = tpu.memref_slice %arg3[%shift_right_logical3A_1182, %dma_start3A_1187, %dma_start3A_1188] : memref<325000x8x32xf32, #tpu.memory_space<hbm>> -> memref<1x8x32xf32, #tpu.memory_space<hbm>>
        %dma_start3A_1190 = arith.constant 62 : i32
        %dma_start3A_1191 = arith.constant 0 : i32
        %dma_start3A_1192 = arith.constant 0 : i32
        %dma_start3A_1193 = tpu.memref_slice %arg7[%dma_start3A_1190, %dma_start3A_1191, %dma_start3A_1192] : memref<64x8x32xf32, #tpu.memory_space<vmem>> -> memref<1x8x32xf32, #tpu.memory_space<vmem>>
        %dma_start3A_1194 = arith.constant 0 : i32
        %dma_start3A_1195 = arith.constant 0 : i32
        %dma_start3A_1196 = tpu.memref_slice %arg3[%shift_right_logical3A_1182, %dma_start3A_1194, %dma_start3A_1195] : memref<325000x8x32xf32, #tpu.memory_space<hbm>> -> memref<1x8x32xf32, #tpu.memory_space<hbm>>
        tpu.enqueue_dma source(%dma_start3A_1196 : memref<1x8x32xf32, #tpu.memory_space<hbm>>) target(%dma_start3A_1193 : memref<1x8x32xf32, #tpu.memory_space<vmem>>) target_semaphore(%arg9 : memref<!tpu.dma_semaphore, #tpu.memory_space<semaphore_mem>>)
        %slice3A_1197 = vector.extract_strided_slice %add3A_921 {offsets = [15], sizes = [1], strides = [1]} : vector<16xi32> to vector<1xi32>
        %squeeze3A_1198 = vector.extract %slice3A_1197[0] : i32 from vector<1xi32>
        %shift_right_logical3A_1199 = arith.constant 3 : i32
        %shift_right_logical3A_1200 = arith.shrui %squeeze3A_1198, %shift_right_logical3A_1199 : i32
        %dma_start3A_1201 = arith.constant 63 : i32
        %dma_start3A_1202 = arith.constant 0 : i32
        %dma_start3A_1203 = arith.constant 0 : i32
        %dma_start3A_1204 = tpu.memref_slice %arg7[%dma_start3A_1201, %dma_start3A_1202, %dma_start3A_1203] : memref<64x8x32xf32, #tpu.memory_space<vmem>> -> memref<1x8x32xf32, #tpu.memory_space<vmem>>
        %dma_start3A_1205 = arith.constant 0 : i32
        %dma_start3A_1206 = arith.constant 0 : i32
        %dma_start3A_1207 = tpu.memref_slice %arg3[%shift_right_logical3A_1200, %dma_start3A_1205, %dma_start3A_1206] : memref<325000x8x32xf32, #tpu.memory_space<hbm>> -> memref<1x8x32xf32, #tpu.memory_space<hbm>>
        %dma_start3A_1208 = arith.constant 63 : i32
        %dma_start3A_1209 = arith.constant 0 : i32
        %dma_start3A_1210 = arith.constant 0 : i32
        %dma_start3A_1211 = tpu.memref_slice %arg7[%dma_start3A_1208, %dma_start3A_1209, %dma_start3A_1210] : memref<64x8x32xf32, #tpu.memory_space<vmem>> -> memref<1x8x32xf32, #tpu.memory_space<vmem>>
        %dma_start3A_1212 = arith.constant 0 : i32
        %dma_start3A_1213 = arith.constant 0 : i32
        %dma_start3A_1214 = tpu.memref_slice %arg3[%shift_right_logical3A_1200, %dma_start3A_1212, %dma_start3A_1213] : memref<325000x8x32xf32, #tpu.memory_space<hbm>> -> memref<1x8x32xf32, #tpu.memory_space<hbm>>
        tpu.enqueue_dma source(%dma_start3A_1214 : memref<1x8x32xf32, #tpu.memory_space<hbm>>) target(%dma_start3A_1211 : memref<1x8x32xf32, #tpu.memory_space<vmem>>) target_semaphore(%arg9 : memref<!tpu.dma_semaphore, #tpu.memory_space<semaphore_mem>>)
        %dma_wait3A = arith.constant 0 : i32
        %dma_wait3A_1215 = arith.constant 0 : i32
        %dma_wait3A_1216 = arith.constant 0 : i32
        %dma_wait3A_1217 = tpu.memref_slice %arg7[%dma_wait3A, %dma_wait3A_1215, %dma_wait3A_1216] : memref<64x8x32xf32, #tpu.memory_space<vmem>> -> memref<1x8x32xf32, #tpu.memory_space<vmem>>
        %dma_wait3A_1218 = arith.constant 0 : i32
        %dma_wait3A_1219 = arith.constant 0 : i32
        %dma_wait3A_1220 = tpu.memref_slice %arg3[%shift_right_logical3A_28, %dma_wait3A_1218, %dma_wait3A_1219] : memref<325000x8x32xf32, #tpu.memory_space<hbm>> -> memref<1x8x32xf32, #tpu.memory_space<hbm>>
        %dma_wait3A_1221 = arith.constant 0 : i32
        %dma_wait3A_1222 = arith.constant 0 : i32
        %dma_wait3A_1223 = arith.constant 0 : i32
        %dma_wait3A_1224 = tpu.memref_slice %arg7[%dma_wait3A_1221, %dma_wait3A_1222, %dma_wait3A_1223] : memref<64x8x32xf32, #tpu.memory_space<vmem>> -> memref<1x8x32xf32, #tpu.memory_space<vmem>>
        %dma_wait3A_1225 = arith.constant 0 : i32
        %dma_wait3A_1226 = arith.constant 0 : i32
        %dma_wait3A_1227 = tpu.memref_slice %arg3[%shift_right_logical3A_28, %dma_wait3A_1225, %dma_wait3A_1226] : memref<325000x8x32xf32, #tpu.memory_space<hbm>> -> memref<1x8x32xf32, #tpu.memory_space<hbm>>
        tpu.wait_dma2 semaphore(%arg9 : memref<!tpu.dma_semaphore, #tpu.memory_space<semaphore_mem>>) src(%dma_wait3A_1227 : memref<1x8x32xf32, #tpu.memory_space<hbm>>) dst(%dma_wait3A_1224 : memref<1x8x32xf32, #tpu.memory_space<vmem>>)
        %dma_wait3A_1228 = arith.constant 1 : i32
        %dma_wait3A_1229 = arith.constant 0 : i32
        %dma_wait3A_1230 = arith.constant 0 : i32
        %dma_wait3A_1231 = tpu.memref_slice %arg7[%dma_wait3A_1228, %dma_wait3A_1229, %dma_wait3A_1230] : memref<64x8x32xf32, #tpu.memory_space<vmem>> -> memref<1x8x32xf32, #tpu.memory_space<vmem>>
        %dma_wait3A_1232 = arith.constant 0 : i32
        %dma_wait3A_1233 = arith.constant 0 : i32
        %dma_wait3A_1234 = tpu.memref_slice %arg3[%shift_right_logical3A_45, %dma_wait3A_1232, %dma_wait3A_1233] : memref<325000x8x32xf32, #tpu.memory_space<hbm>> -> memref<1x8x32xf32, #tpu.memory_space<hbm>>
        %dma_wait3A_1235 = arith.constant 1 : i32
        %dma_wait3A_1236 = arith.constant 0 : i32
        %dma_wait3A_1237 = arith.constant 0 : i32
        %dma_wait3A_1238 = tpu.memref_slice %arg7[%dma_wait3A_1235, %dma_wait3A_1236, %dma_wait3A_1237] : memref<64x8x32xf32, #tpu.memory_space<vmem>> -> memref<1x8x32xf32, #tpu.memory_space<vmem>>
        %dma_wait3A_1239 = arith.constant 0 : i32
        %dma_wait3A_1240 = arith.constant 0 : i32
        %dma_wait3A_1241 = tpu.memref_slice %arg3[%shift_right_logical3A_45, %dma_wait3A_1239, %dma_wait3A_1240] : memref<325000x8x32xf32, #tpu.memory_space<hbm>> -> memref<1x8x32xf32, #tpu.memory_space<hbm>>
        tpu.wait_dma2 semaphore(%arg9 : memref<!tpu.dma_semaphore, #tpu.memory_space<semaphore_mem>>) src(%dma_wait3A_1241 : memref<1x8x32xf32, #tpu.memory_space<hbm>>) dst(%dma_wait3A_1238 : memref<1x8x32xf32, #tpu.memory_space<vmem>>)
        %dma_wait3A_1242 = arith.constant 2 : i32
        %dma_wait3A_1243 = arith.constant 0 : i32
        %dma_wait3A_1244 = arith.constant 0 : i32
        %dma_wait3A_1245 = tpu.memref_slice %arg7[%dma_wait3A_1242, %dma_wait3A_1243, %dma_wait3A_1244] : memref<64x8x32xf32, #tpu.memory_space<vmem>> -> memref<1x8x32xf32, #tpu.memory_space<vmem>>
        %dma_wait3A_1246 = arith.constant 0 : i32
        %dma_wait3A_1247 = arith.constant 0 : i32
        %dma_wait3A_1248 = tpu.memref_slice %arg3[%shift_right_logical3A_63, %dma_wait3A_1246, %dma_wait3A_1247] : memref<325000x8x32xf32, #tpu.memory_space<hbm>> -> memref<1x8x32xf32, #tpu.memory_space<hbm>>
        %dma_wait3A_1249 = arith.constant 2 : i32
        %dma_wait3A_1250 = arith.constant 0 : i32
        %dma_wait3A_1251 = arith.constant 0 : i32
        %dma_wait3A_1252 = tpu.memref_slice %arg7[%dma_wait3A_1249, %dma_wait3A_1250, %dma_wait3A_1251] : memref<64x8x32xf32, #tpu.memory_space<vmem>> -> memref<1x8x32xf32, #tpu.memory_space<vmem>>
        %dma_wait3A_1253 = arith.constant 0 : i32
        %dma_wait3A_1254 = arith.constant 0 : i32
        %dma_wait3A_1255 = tpu.memref_slice %arg3[%shift_right_logical3A_63, %dma_wait3A_1253, %dma_wait3A_1254] : memref<325000x8x32xf32, #tpu.memory_space<hbm>> -> memref<1x8x32xf32, #tpu.memory_space<hbm>>
        tpu.wait_dma2 semaphore(%arg9 : memref<!tpu.dma_semaphore, #tpu.memory_space<semaphore_mem>>) src(%dma_wait3A_1255 : memref<1x8x32xf32, #tpu.memory_space<hbm>>) dst(%dma_wait3A_1252 : memref<1x8x32xf32, #tpu.memory_space<vmem>>)
        %dma_wait3A_1256 = arith.constant 3 : i32
        %dma_wait3A_1257 = arith.constant 0 : i32
        %dma_wait3A_1258 = arith.constant 0 : i32
        %dma_wait3A_1259 = tpu.memref_slice %arg7[%dma_wait3A_1256, %dma_wait3A_1257, %dma_wait3A_1258] : memref<64x8x32xf32, #tpu.memory_space<vmem>> -> memref<1x8x32xf32, #tpu.memory_space<vmem>>
        %dma_wait3A_1260 = arith.constant 0 : i32
        %dma_wait3A_1261 = arith.constant 0 : i32
        %dma_wait3A_1262 = tpu.memref_slice %arg3[%shift_right_logical3A_81, %dma_wait3A_1260, %dma_wait3A_1261] : memref<325000x8x32xf32, #tpu.memory_space<hbm>> -> memref<1x8x32xf32, #tpu.memory_space<hbm>>
        %dma_wait3A_1263 = arith.constant 3 : i32
        %dma_wait3A_1264 = arith.constant 0 : i32
        %dma_wait3A_1265 = arith.constant 0 : i32
        %dma_wait3A_1266 = tpu.memref_slice %arg7[%dma_wait3A_1263, %dma_wait3A_1264, %dma_wait3A_1265] : memref<64x8x32xf32, #tpu.memory_space<vmem>> -> memref<1x8x32xf32, #tpu.memory_space<vmem>>
        %dma_wait3A_1267 = arith.constant 0 : i32
        %dma_wait3A_1268 = arith.constant 0 : i32
        %dma_wait3A_1269 = tpu.memref_slice %arg3[%shift_right_logical3A_81, %dma_wait3A_1267, %dma_wait3A_1268] : memref<325000x8x32xf32, #tpu.memory_space<hbm>> -> memref<1x8x32xf32, #tpu.memory_space<hbm>>
        tpu.wait_dma2 semaphore(%arg9 : memref<!tpu.dma_semaphore, #tpu.memory_space<semaphore_mem>>) src(%dma_wait3A_1269 : memref<1x8x32xf32, #tpu.memory_space<hbm>>) dst(%dma_wait3A_1266 : memref<1x8x32xf32, #tpu.memory_space<vmem>>)
        %dma_wait3A_1270 = arith.constant 4 : i32
        %dma_wait3A_1271 = arith.constant 0 : i32
        %dma_wait3A_1272 = arith.constant 0 : i32
        %dma_wait3A_1273 = tpu.memref_slice %arg7[%dma_wait3A_1270, %dma_wait3A_1271, %dma_wait3A_1272] : memref<64x8x32xf32, #tpu.memory_space<vmem>> -> memref<1x8x32xf32, #tpu.memory_space<vmem>>
        %dma_wait3A_1274 = arith.constant 0 : i32
        %dma_wait3A_1275 = arith.constant 0 : i32
        %dma_wait3A_1276 = tpu.memref_slice %arg3[%shift_right_logical3A_99, %dma_wait3A_1274, %dma_wait3A_1275] : memref<325000x8x32xf32, #tpu.memory_space<hbm>> -> memref<1x8x32xf32, #tpu.memory_space<hbm>>
        %dma_wait3A_1277 = arith.constant 4 : i32
        %dma_wait3A_1278 = arith.constant 0 : i32
        %dma_wait3A_1279 = arith.constant 0 : i32
        %dma_wait3A_1280 = tpu.memref_slice %arg7[%dma_wait3A_1277, %dma_wait3A_1278, %dma_wait3A_1279] : memref<64x8x32xf32, #tpu.memory_space<vmem>> -> memref<1x8x32xf32, #tpu.memory_space<vmem>>
        %dma_wait3A_1281 = arith.constant 0 : i32
        %dma_wait3A_1282 = arith.constant 0 : i32
        %dma_wait3A_1283 = tpu.memref_slice %arg3[%shift_right_logical3A_99, %dma_wait3A_1281, %dma_wait3A_1282] : memref<325000x8x32xf32, #tpu.memory_space<hbm>> -> memref<1x8x32xf32, #tpu.memory_space<hbm>>
        tpu.wait_dma2 semaphore(%arg9 : memref<!tpu.dma_semaphore, #tpu.memory_space<semaphore_mem>>) src(%dma_wait3A_1283 : memref<1x8x32xf32, #tpu.memory_space<hbm>>) dst(%dma_wait3A_1280 : memref<1x8x32xf32, #tpu.memory_space<vmem>>)
        %dma_wait3A_1284 = arith.constant 5 : i32
        %dma_wait3A_1285 = arith.constant 0 : i32
        %dma_wait3A_1286 = arith.constant 0 : i32
        %dma_wait3A_1287 = tpu.memref_slice %arg7[%dma_wait3A_1284, %dma_wait3A_1285, %dma_wait3A_1286] : memref<64x8x32xf32, #tpu.memory_space<vmem>> -> memref<1x8x32xf32, #tpu.memory_space<vmem>>
        %dma_wait3A_1288 = arith.constant 0 : i32
        %dma_wait3A_1289 = arith.constant 0 : i32
        %dma_wait3A_1290 = tpu.memref_slice %arg3[%shift_right_logical3A_117, %dma_wait3A_1288, %dma_wait3A_1289] : memref<325000x8x32xf32, #tpu.memory_space<hbm>> -> memref<1x8x32xf32, #tpu.memory_space<hbm>>
        %dma_wait3A_1291 = arith.constant 5 : i32
        %dma_wait3A_1292 = arith.constant 0 : i32
        %dma_wait3A_1293 = arith.constant 0 : i32
        %dma_wait3A_1294 = tpu.memref_slice %arg7[%dma_wait3A_1291, %dma_wait3A_1292, %dma_wait3A_1293] : memref<64x8x32xf32, #tpu.memory_space<vmem>> -> memref<1x8x32xf32, #tpu.memory_space<vmem>>
        %dma_wait3A_1295 = arith.constant 0 : i32
        %dma_wait3A_1296 = arith.constant 0 : i32
        %dma_wait3A_1297 = tpu.memref_slice %arg3[%shift_right_logical3A_117, %dma_wait3A_1295, %dma_wait3A_1296] : memref<325000x8x32xf32, #tpu.memory_space<hbm>> -> memref<1x8x32xf32, #tpu.memory_space<hbm>>
        tpu.wait_dma2 semaphore(%arg9 : memref<!tpu.dma_semaphore, #tpu.memory_space<semaphore_mem>>) src(%dma_wait3A_1297 : memref<1x8x32xf32, #tpu.memory_space<hbm>>) dst(%dma_wait3A_1294 : memref<1x8x32xf32, #tpu.memory_space<vmem>>)
        %dma_wait3A_1298 = arith.constant 6 : i32
        %dma_wait3A_1299 = arith.constant 0 : i32
        %dma_wait3A_1300 = arith.constant 0 : i32
        %dma_wait3A_1301 = tpu.memref_slice %arg7[%dma_wait3A_1298, %dma_wait3A_1299, %dma_wait3A_1300] : memref<64x8x32xf32, #tpu.memory_space<vmem>> -> memref<1x8x32xf32, #tpu.memory_space<vmem>>
        %dma_wait3A_1302 = arith.constant 0 : i32
        %dma_wait3A_1303 = arith.constant 0 : i32
        %dma_wait3A_1304 = tpu.memref_slice %arg3[%shift_right_logical3A_135, %dma_wait3A_1302, %dma_wait3A_1303] : memref<325000x8x32xf32, #tpu.memory_space<hbm>> -> memref<1x8x32xf32, #tpu.memory_space<hbm>>
        %dma_wait3A_1305 = arith.constant 6 : i32
        %dma_wait3A_1306 = arith.constant 0 : i32
        %dma_wait3A_1307 = arith.constant 0 : i32
        %dma_wait3A_1308 = tpu.memref_slice %arg7[%dma_wait3A_1305, %dma_wait3A_1306, %dma_wait3A_1307] : memref<64x8x32xf32, #tpu.memory_space<vmem>> -> memref<1x8x32xf32, #tpu.memory_space<vmem>>
        %dma_wait3A_1309 = arith.constant 0 : i32
        %dma_wait3A_1310 = arith.constant 0 : i32
        %dma_wait3A_1311 = tpu.memref_slice %arg3[%shift_right_logical3A_135, %dma_wait3A_1309, %dma_wait3A_1310] : memref<325000x8x32xf32, #tpu.memory_space<hbm>> -> memref<1x8x32xf32, #tpu.memory_space<hbm>>
        tpu.wait_dma2 semaphore(%arg9 : memref<!tpu.dma_semaphore, #tpu.memory_space<semaphore_mem>>) src(%dma_wait3A_1311 : memref<1x8x32xf32, #tpu.memory_space<hbm>>) dst(%dma_wait3A_1308 : memref<1x8x32xf32, #tpu.memory_space<vmem>>)
        %dma_wait3A_1312 = arith.constant 7 : i32
        %dma_wait3A_1313 = arith.constant 0 : i32
        %dma_wait3A_1314 = arith.constant 0 : i32
        %dma_wait3A_1315 = tpu.memref_slice %arg7[%dma_wait3A_1312, %dma_wait3A_1313, %dma_wait3A_1314] : memref<64x8x32xf32, #tpu.memory_space<vmem>> -> memref<1x8x32xf32, #tpu.memory_space<vmem>>
        %dma_wait3A_1316 = arith.constant 0 : i32
        %dma_wait3A_1317 = arith.constant 0 : i32
        %dma_wait3A_1318 = tpu.memref_slice %arg3[%shift_right_logical3A_153, %dma_wait3A_1316, %dma_wait3A_1317] : memref<325000x8x32xf32, #tpu.memory_space<hbm>> -> memref<1x8x32xf32, #tpu.memory_space<hbm>>
        %dma_wait3A_1319 = arith.constant 7 : i32
        %dma_wait3A_1320 = arith.constant 0 : i32
        %dma_wait3A_1321 = arith.constant 0 : i32
        %dma_wait3A_1322 = tpu.memref_slice %arg7[%dma_wait3A_1319, %dma_wait3A_1320, %dma_wait3A_1321] : memref<64x8x32xf32, #tpu.memory_space<vmem>> -> memref<1x8x32xf32, #tpu.memory_space<vmem>>
        %dma_wait3A_1323 = arith.constant 0 : i32
        %dma_wait3A_1324 = arith.constant 0 : i32
        %dma_wait3A_1325 = tpu.memref_slice %arg3[%shift_right_logical3A_153, %dma_wait3A_1323, %dma_wait3A_1324] : memref<325000x8x32xf32, #tpu.memory_space<hbm>> -> memref<1x8x32xf32, #tpu.memory_space<hbm>>
        tpu.wait_dma2 semaphore(%arg9 : memref<!tpu.dma_semaphore, #tpu.memory_space<semaphore_mem>>) src(%dma_wait3A_1325 : memref<1x8x32xf32, #tpu.memory_space<hbm>>) dst(%dma_wait3A_1322 : memref<1x8x32xf32, #tpu.memory_space<vmem>>)
        %dma_wait3A_1326 = arith.constant 8 : i32
        %dma_wait3A_1327 = arith.constant 0 : i32
        %dma_wait3A_1328 = arith.constant 0 : i32
        %dma_wait3A_1329 = tpu.memref_slice %arg7[%dma_wait3A_1326, %dma_wait3A_1327, %dma_wait3A_1328] : memref<64x8x32xf32, #tpu.memory_space<vmem>> -> memref<1x8x32xf32, #tpu.memory_space<vmem>>
        %dma_wait3A_1330 = arith.constant 0 : i32
        %dma_wait3A_1331 = arith.constant 0 : i32
        %dma_wait3A_1332 = tpu.memref_slice %arg3[%shift_right_logical3A_171, %dma_wait3A_1330, %dma_wait3A_1331] : memref<325000x8x32xf32, #tpu.memory_space<hbm>> -> memref<1x8x32xf32, #tpu.memory_space<hbm>>
        %dma_wait3A_1333 = arith.constant 8 : i32
        %dma_wait3A_1334 = arith.constant 0 : i32
        %dma_wait3A_1335 = arith.constant 0 : i32
        %dma_wait3A_1336 = tpu.memref_slice %arg7[%dma_wait3A_1333, %dma_wait3A_1334, %dma_wait3A_1335] : memref<64x8x32xf32, #tpu.memory_space<vmem>> -> memref<1x8x32xf32, #tpu.memory_space<vmem>>
        %dma_wait3A_1337 = arith.constant 0 : i32
        %dma_wait3A_1338 = arith.constant 0 : i32
        %dma_wait3A_1339 = tpu.memref_slice %arg3[%shift_right_logical3A_171, %dma_wait3A_1337, %dma_wait3A_1338] : memref<325000x8x32xf32, #tpu.memory_space<hbm>> -> memref<1x8x32xf32, #tpu.memory_space<hbm>>
        tpu.wait_dma2 semaphore(%arg9 : memref<!tpu.dma_semaphore, #tpu.memory_space<semaphore_mem>>) src(%dma_wait3A_1339 : memref<1x8x32xf32, #tpu.memory_space<hbm>>) dst(%dma_wait3A_1336 : memref<1x8x32xf32, #tpu.memory_space<vmem>>)
        %dma_wait3A_1340 = arith.constant 9 : i32
        %dma_wait3A_1341 = arith.constant 0 : i32
        %dma_wait3A_1342 = arith.constant 0 : i32
        %dma_wait3A_1343 = tpu.memref_slice %arg7[%dma_wait3A_1340, %dma_wait3A_1341, %dma_wait3A_1342] : memref<64x8x32xf32, #tpu.memory_space<vmem>> -> memref<1x8x32xf32, #tpu.memory_space<vmem>>
        %dma_wait3A_1344 = arith.constant 0 : i32
        %dma_wait3A_1345 = arith.constant 0 : i32
        %dma_wait3A_1346 = tpu.memref_slice %arg3[%shift_right_logical3A_189, %dma_wait3A_1344, %dma_wait3A_1345] : memref<325000x8x32xf32, #tpu.memory_space<hbm>> -> memref<1x8x32xf32, #tpu.memory_space<hbm>>
        %dma_wait3A_1347 = arith.constant 9 : i32
        %dma_wait3A_1348 = arith.constant 0 : i32
        %dma_wait3A_1349 = arith.constant 0 : i32
        %dma_wait3A_1350 = tpu.memref_slice %arg7[%dma_wait3A_1347, %dma_wait3A_1348, %dma_wait3A_1349] : memref<64x8x32xf32, #tpu.memory_space<vmem>> -> memref<1x8x32xf32, #tpu.memory_space<vmem>>
        %dma_wait3A_1351 = arith.constant 0 : i32
        %dma_wait3A_1352 = arith.constant 0 : i32
        %dma_wait3A_1353 = tpu.memref_slice %arg3[%shift_right_logical3A_189, %dma_wait3A_1351, %dma_wait3A_1352] : memref<325000x8x32xf32, #tpu.memory_space<hbm>> -> memref<1x8x32xf32, #tpu.memory_space<hbm>>
        tpu.wait_dma2 semaphore(%arg9 : memref<!tpu.dma_semaphore, #tpu.memory_space<semaphore_mem>>) src(%dma_wait3A_1353 : memref<1x8x32xf32, #tpu.memory_space<hbm>>) dst(%dma_wait3A_1350 : memref<1x8x32xf32, #tpu.memory_space<vmem>>)
        %dma_wait3A_1354 = arith.constant 10 : i32
        %dma_wait3A_1355 = arith.constant 0 : i32
        %dma_wait3A_1356 = arith.constant 0 : i32
        %dma_wait3A_1357 = tpu.memref_slice %arg7[%dma_wait3A_1354, %dma_wait3A_1355, %dma_wait3A_1356] : memref<64x8x32xf32, #tpu.memory_space<vmem>> -> memref<1x8x32xf32, #tpu.memory_space<vmem>>
        %dma_wait3A_1358 = arith.constant 0 : i32
        %dma_wait3A_1359 = arith.constant 0 : i32
        %dma_wait3A_1360 = tpu.memref_slice %arg3[%shift_right_logical3A_207, %dma_wait3A_1358, %dma_wait3A_1359] : memref<325000x8x32xf32, #tpu.memory_space<hbm>> -> memref<1x8x32xf32, #tpu.memory_space<hbm>>
        %dma_wait3A_1361 = arith.constant 10 : i32
        %dma_wait3A_1362 = arith.constant 0 : i32
        %dma_wait3A_1363 = arith.constant 0 : i32
        %dma_wait3A_1364 = tpu.memref_slice %arg7[%dma_wait3A_1361, %dma_wait3A_1362, %dma_wait3A_1363] : memref<64x8x32xf32, #tpu.memory_space<vmem>> -> memref<1x8x32xf32, #tpu.memory_space<vmem>>
        %dma_wait3A_1365 = arith.constant 0 : i32
        %dma_wait3A_1366 = arith.constant 0 : i32
        %dma_wait3A_1367 = tpu.memref_slice %arg3[%shift_right_logical3A_207, %dma_wait3A_1365, %dma_wait3A_1366] : memref<325000x8x32xf32, #tpu.memory_space<hbm>> -> memref<1x8x32xf32, #tpu.memory_space<hbm>>
        tpu.wait_dma2 semaphore(%arg9 : memref<!tpu.dma_semaphore, #tpu.memory_space<semaphore_mem>>) src(%dma_wait3A_1367 : memref<1x8x32xf32, #tpu.memory_space<hbm>>) dst(%dma_wait3A_1364 : memref<1x8x32xf32, #tpu.memory_space<vmem>>)
        %dma_wait3A_1368 = arith.constant 11 : i32
        %dma_wait3A_1369 = arith.constant 0 : i32
        %dma_wait3A_1370 = arith.constant 0 : i32
        %dma_wait3A_1371 = tpu.memref_slice %arg7[%dma_wait3A_1368, %dma_wait3A_1369, %dma_wait3A_1370] : memref<64x8x32xf32, #tpu.memory_space<vmem>> -> memref<1x8x32xf32, #tpu.memory_space<vmem>>
        %dma_wait3A_1372 = arith.constant 0 : i32
        %dma_wait3A_1373 = arith.constant 0 : i32
        %dma_wait3A_1374 = tpu.memref_slice %arg3[%shift_right_logical3A_225, %dma_wait3A_1372, %dma_wait3A_1373] : memref<325000x8x32xf32, #tpu.memory_space<hbm>> -> memref<1x8x32xf32, #tpu.memory_space<hbm>>
        %dma_wait3A_1375 = arith.constant 11 : i32
        %dma_wait3A_1376 = arith.constant 0 : i32
        %dma_wait3A_1377 = arith.constant 0 : i32
        %dma_wait3A_1378 = tpu.memref_slice %arg7[%dma_wait3A_1375, %dma_wait3A_1376, %dma_wait3A_1377] : memref<64x8x32xf32, #tpu.memory_space<vmem>> -> memref<1x8x32xf32, #tpu.memory_space<vmem>>
        %dma_wait3A_1379 = arith.constant 0 : i32
        %dma_wait3A_1380 = arith.constant 0 : i32
        %dma_wait3A_1381 = tpu.memref_slice %arg3[%shift_right_logical3A_225, %dma_wait3A_1379, %dma_wait3A_1380] : memref<325000x8x32xf32, #tpu.memory_space<hbm>> -> memref<1x8x32xf32, #tpu.memory_space<hbm>>
        tpu.wait_dma2 semaphore(%arg9 : memref<!tpu.dma_semaphore, #tpu.memory_space<semaphore_mem>>) src(%dma_wait3A_1381 : memref<1x8x32xf32, #tpu.memory_space<hbm>>) dst(%dma_wait3A_1378 : memref<1x8x32xf32, #tpu.memory_space<vmem>>)
        %dma_wait3A_1382 = arith.constant 12 : i32
        %dma_wait3A_1383 = arith.constant 0 : i32
        %dma_wait3A_1384 = arith.constant 0 : i32
        %dma_wait3A_1385 = tpu.memref_slice %arg7[%dma_wait3A_1382, %dma_wait3A_1383, %dma_wait3A_1384] : memref<64x8x32xf32, #tpu.memory_space<vmem>> -> memref<1x8x32xf32, #tpu.memory_space<vmem>>
        %dma_wait3A_1386 = arith.constant 0 : i32
        %dma_wait3A_1387 = arith.constant 0 : i32
        %dma_wait3A_1388 = tpu.memref_slice %arg3[%shift_right_logical3A_243, %dma_wait3A_1386, %dma_wait3A_1387] : memref<325000x8x32xf32, #tpu.memory_space<hbm>> -> memref<1x8x32xf32, #tpu.memory_space<hbm>>
        %dma_wait3A_1389 = arith.constant 12 : i32
        %dma_wait3A_1390 = arith.constant 0 : i32
        %dma_wait3A_1391 = arith.constant 0 : i32
        %dma_wait3A_1392 = tpu.memref_slice %arg7[%dma_wait3A_1389, %dma_wait3A_1390, %dma_wait3A_1391] : memref<64x8x32xf32, #tpu.memory_space<vmem>> -> memref<1x8x32xf32, #tpu.memory_space<vmem>>
        %dma_wait3A_1393 = arith.constant 0 : i32
        %dma_wait3A_1394 = arith.constant 0 : i32
        %dma_wait3A_1395 = tpu.memref_slice %arg3[%shift_right_logical3A_243, %dma_wait3A_1393, %dma_wait3A_1394] : memref<325000x8x32xf32, #tpu.memory_space<hbm>> -> memref<1x8x32xf32, #tpu.memory_space<hbm>>
        tpu.wait_dma2 semaphore(%arg9 : memref<!tpu.dma_semaphore, #tpu.memory_space<semaphore_mem>>) src(%dma_wait3A_1395 : memref<1x8x32xf32, #tpu.memory_space<hbm>>) dst(%dma_wait3A_1392 : memref<1x8x32xf32, #tpu.memory_space<vmem>>)
        %dma_wait3A_1396 = arith.constant 13 : i32
        %dma_wait3A_1397 = arith.constant 0 : i32
        %dma_wait3A_1398 = arith.constant 0 : i32
        %dma_wait3A_1399 = tpu.memref_slice %arg7[%dma_wait3A_1396, %dma_wait3A_1397, %dma_wait3A_1398] : memref<64x8x32xf32, #tpu.memory_space<vmem>> -> memref<1x8x32xf32, #tpu.memory_space<vmem>>
        %dma_wait3A_1400 = arith.constant 0 : i32
        %dma_wait3A_1401 = arith.constant 0 : i32
        %dma_wait3A_1402 = tpu.memref_slice %arg3[%shift_right_logical3A_261, %dma_wait3A_1400, %dma_wait3A_1401] : memref<325000x8x32xf32, #tpu.memory_space<hbm>> -> memref<1x8x32xf32, #tpu.memory_space<hbm>>
        %dma_wait3A_1403 = arith.constant 13 : i32
        %dma_wait3A_1404 = arith.constant 0 : i32
        %dma_wait3A_1405 = arith.constant 0 : i32
        %dma_wait3A_1406 = tpu.memref_slice %arg7[%dma_wait3A_1403, %dma_wait3A_1404, %dma_wait3A_1405] : memref<64x8x32xf32, #tpu.memory_space<vmem>> -> memref<1x8x32xf32, #tpu.memory_space<vmem>>
        %dma_wait3A_1407 = arith.constant 0 : i32
        %dma_wait3A_1408 = arith.constant 0 : i32
        %dma_wait3A_1409 = tpu.memref_slice %arg3[%shift_right_logical3A_261, %dma_wait3A_1407, %dma_wait3A_1408] : memref<325000x8x32xf32, #tpu.memory_space<hbm>> -> memref<1x8x32xf32, #tpu.memory_space<hbm>>
        tpu.wait_dma2 semaphore(%arg9 : memref<!tpu.dma_semaphore, #tpu.memory_space<semaphore_mem>>) src(%dma_wait3A_1409 : memref<1x8x32xf32, #tpu.memory_space<hbm>>) dst(%dma_wait3A_1406 : memref<1x8x32xf32, #tpu.memory_space<vmem>>)
        %dma_wait3A_1410 = arith.constant 14 : i32
        %dma_wait3A_1411 = arith.constant 0 : i32
        %dma_wait3A_1412 = arith.constant 0 : i32
        %dma_wait3A_1413 = tpu.memref_slice %arg7[%dma_wait3A_1410, %dma_wait3A_1411, %dma_wait3A_1412] : memref<64x8x32xf32, #tpu.memory_space<vmem>> -> memref<1x8x32xf32, #tpu.memory_space<vmem>>
        %dma_wait3A_1414 = arith.constant 0 : i32
        %dma_wait3A_1415 = arith.constant 0 : i32
        %dma_wait3A_1416 = tpu.memref_slice %arg3[%shift_right_logical3A_279, %dma_wait3A_1414, %dma_wait3A_1415] : memref<325000x8x32xf32, #tpu.memory_space<hbm>> -> memref<1x8x32xf32, #tpu.memory_space<hbm>>
        %dma_wait3A_1417 = arith.constant 14 : i32
        %dma_wait3A_1418 = arith.constant 0 : i32
        %dma_wait3A_1419 = arith.constant 0 : i32
        %dma_wait3A_1420 = tpu.memref_slice %arg7[%dma_wait3A_1417, %dma_wait3A_1418, %dma_wait3A_1419] : memref<64x8x32xf32, #tpu.memory_space<vmem>> -> memref<1x8x32xf32, #tpu.memory_space<vmem>>
        %dma_wait3A_1421 = arith.constant 0 : i32
        %dma_wait3A_1422 = arith.constant 0 : i32
        %dma_wait3A_1423 = tpu.memref_slice %arg3[%shift_right_logical3A_279, %dma_wait3A_1421, %dma_wait3A_1422] : memref<325000x8x32xf32, #tpu.memory_space<hbm>> -> memref<1x8x32xf32, #tpu.memory_space<hbm>>
        tpu.wait_dma2 semaphore(%arg9 : memref<!tpu.dma_semaphore, #tpu.memory_space<semaphore_mem>>) src(%dma_wait3A_1423 : memref<1x8x32xf32, #tpu.memory_space<hbm>>) dst(%dma_wait3A_1420 : memref<1x8x32xf32, #tpu.memory_space<vmem>>)
        %dma_wait3A_1424 = arith.constant 15 : i32
        %dma_wait3A_1425 = arith.constant 0 : i32
        %dma_wait3A_1426 = arith.constant 0 : i32
        %dma_wait3A_1427 = tpu.memref_slice %arg7[%dma_wait3A_1424, %dma_wait3A_1425, %dma_wait3A_1426] : memref<64x8x32xf32, #tpu.memory_space<vmem>> -> memref<1x8x32xf32, #tpu.memory_space<vmem>>
        %dma_wait3A_1428 = arith.constant 0 : i32
        %dma_wait3A_1429 = arith.constant 0 : i32
        %dma_wait3A_1430 = tpu.memref_slice %arg3[%shift_right_logical3A_297, %dma_wait3A_1428, %dma_wait3A_1429] : memref<325000x8x32xf32, #tpu.memory_space<hbm>> -> memref<1x8x32xf32, #tpu.memory_space<hbm>>
        %dma_wait3A_1431 = arith.constant 15 : i32
        %dma_wait3A_1432 = arith.constant 0 : i32
        %dma_wait3A_1433 = arith.constant 0 : i32
        %dma_wait3A_1434 = tpu.memref_slice %arg7[%dma_wait3A_1431, %dma_wait3A_1432, %dma_wait3A_1433] : memref<64x8x32xf32, #tpu.memory_space<vmem>> -> memref<1x8x32xf32, #tpu.memory_space<vmem>>
        %dma_wait3A_1435 = arith.constant 0 : i32
        %dma_wait3A_1436 = arith.constant 0 : i32
        %dma_wait3A_1437 = tpu.memref_slice %arg3[%shift_right_logical3A_297, %dma_wait3A_1435, %dma_wait3A_1436] : memref<325000x8x32xf32, #tpu.memory_space<hbm>> -> memref<1x8x32xf32, #tpu.memory_space<hbm>>
        tpu.wait_dma2 semaphore(%arg9 : memref<!tpu.dma_semaphore, #tpu.memory_space<semaphore_mem>>) src(%dma_wait3A_1437 : memref<1x8x32xf32, #tpu.memory_space<hbm>>) dst(%dma_wait3A_1434 : memref<1x8x32xf32, #tpu.memory_space<vmem>>)
        %dma_wait3A_1438 = arith.constant 16 : i32
        %dma_wait3A_1439 = arith.constant 0 : i32
        %dma_wait3A_1440 = arith.constant 0 : i32
        %dma_wait3A_1441 = tpu.memref_slice %arg7[%dma_wait3A_1438, %dma_wait3A_1439, %dma_wait3A_1440] : memref<64x8x32xf32, #tpu.memory_space<vmem>> -> memref<1x8x32xf32, #tpu.memory_space<vmem>>
        %dma_wait3A_1442 = arith.constant 0 : i32
        %dma_wait3A_1443 = arith.constant 0 : i32
        %dma_wait3A_1444 = tpu.memref_slice %arg3[%shift_right_logical3A_328, %dma_wait3A_1442, %dma_wait3A_1443] : memref<325000x8x32xf32, #tpu.memory_space<hbm>> -> memref<1x8x32xf32, #tpu.memory_space<hbm>>
        %dma_wait3A_1445 = arith.constant 16 : i32
        %dma_wait3A_1446 = arith.constant 0 : i32
        %dma_wait3A_1447 = arith.constant 0 : i32
        %dma_wait3A_1448 = tpu.memref_slice %arg7[%dma_wait3A_1445, %dma_wait3A_1446, %dma_wait3A_1447] : memref<64x8x32xf32, #tpu.memory_space<vmem>> -> memref<1x8x32xf32, #tpu.memory_space<vmem>>
        %dma_wait3A_1449 = arith.constant 0 : i32
        %dma_wait3A_1450 = arith.constant 0 : i32
        %dma_wait3A_1451 = tpu.memref_slice %arg3[%shift_right_logical3A_328, %dma_wait3A_1449, %dma_wait3A_1450] : memref<325000x8x32xf32, #tpu.memory_space<hbm>> -> memref<1x8x32xf32, #tpu.memory_space<hbm>>
        tpu.wait_dma2 semaphore(%arg9 : memref<!tpu.dma_semaphore, #tpu.memory_space<semaphore_mem>>) src(%dma_wait3A_1451 : memref<1x8x32xf32, #tpu.memory_space<hbm>>) dst(%dma_wait3A_1448 : memref<1x8x32xf32, #tpu.memory_space<vmem>>)
        %dma_wait3A_1452 = arith.constant 17 : i32
        %dma_wait3A_1453 = arith.constant 0 : i32
        %dma_wait3A_1454 = arith.constant 0 : i32
        %dma_wait3A_1455 = tpu.memref_slice %arg7[%dma_wait3A_1452, %dma_wait3A_1453, %dma_wait3A_1454] : memref<64x8x32xf32, #tpu.memory_space<vmem>> -> memref<1x8x32xf32, #tpu.memory_space<vmem>>
        %dma_wait3A_1456 = arith.constant 0 : i32
        %dma_wait3A_1457 = arith.constant 0 : i32
        %dma_wait3A_1458 = tpu.memref_slice %arg3[%shift_right_logical3A_346, %dma_wait3A_1456, %dma_wait3A_1457] : memref<325000x8x32xf32, #tpu.memory_space<hbm>> -> memref<1x8x32xf32, #tpu.memory_space<hbm>>
        %dma_wait3A_1459 = arith.constant 17 : i32
        %dma_wait3A_1460 = arith.constant 0 : i32
        %dma_wait3A_1461 = arith.constant 0 : i32
        %dma_wait3A_1462 = tpu.memref_slice %arg7[%dma_wait3A_1459, %dma_wait3A_1460, %dma_wait3A_1461] : memref<64x8x32xf32, #tpu.memory_space<vmem>> -> memref<1x8x32xf32, #tpu.memory_space<vmem>>
        %dma_wait3A_1463 = arith.constant 0 : i32
        %dma_wait3A_1464 = arith.constant 0 : i32
        %dma_wait3A_1465 = tpu.memref_slice %arg3[%shift_right_logical3A_346, %dma_wait3A_1463, %dma_wait3A_1464] : memref<325000x8x32xf32, #tpu.memory_space<hbm>> -> memref<1x8x32xf32, #tpu.memory_space<hbm>>
        tpu.wait_dma2 semaphore(%arg9 : memref<!tpu.dma_semaphore, #tpu.memory_space<semaphore_mem>>) src(%dma_wait3A_1465 : memref<1x8x32xf32, #tpu.memory_space<hbm>>) dst(%dma_wait3A_1462 : memref<1x8x32xf32, #tpu.memory_space<vmem>>)
        %dma_wait3A_1466 = arith.constant 18 : i32
        %dma_wait3A_1467 = arith.constant 0 : i32
        %dma_wait3A_1468 = arith.constant 0 : i32
        %dma_wait3A_1469 = tpu.memref_slice %arg7[%dma_wait3A_1466, %dma_wait3A_1467, %dma_wait3A_1468] : memref<64x8x32xf32, #tpu.memory_space<vmem>> -> memref<1x8x32xf32, #tpu.memory_space<vmem>>
        %dma_wait3A_1470 = arith.constant 0 : i32
        %dma_wait3A_1471 = arith.constant 0 : i32
        %dma_wait3A_1472 = tpu.memref_slice %arg3[%shift_right_logical3A_364, %dma_wait3A_1470, %dma_wait3A_1471] : memref<325000x8x32xf32, #tpu.memory_space<hbm>> -> memref<1x8x32xf32, #tpu.memory_space<hbm>>
        %dma_wait3A_1473 = arith.constant 18 : i32
        %dma_wait3A_1474 = arith.constant 0 : i32
        %dma_wait3A_1475 = arith.constant 0 : i32
        %dma_wait3A_1476 = tpu.memref_slice %arg7[%dma_wait3A_1473, %dma_wait3A_1474, %dma_wait3A_1475] : memref<64x8x32xf32, #tpu.memory_space<vmem>> -> memref<1x8x32xf32, #tpu.memory_space<vmem>>
        %dma_wait3A_1477 = arith.constant 0 : i32
        %dma_wait3A_1478 = arith.constant 0 : i32
        %dma_wait3A_1479 = tpu.memref_slice %arg3[%shift_right_logical3A_364, %dma_wait3A_1477, %dma_wait3A_1478] : memref<325000x8x32xf32, #tpu.memory_space<hbm>> -> memref<1x8x32xf32, #tpu.memory_space<hbm>>
        tpu.wait_dma2 semaphore(%arg9 : memref<!tpu.dma_semaphore, #tpu.memory_space<semaphore_mem>>) src(%dma_wait3A_1479 : memref<1x8x32xf32, #tpu.memory_space<hbm>>) dst(%dma_wait3A_1476 : memref<1x8x32xf32, #tpu.memory_space<vmem>>)
        %dma_wait3A_1480 = arith.constant 19 : i32
        %dma_wait3A_1481 = arith.constant 0 : i32
        %dma_wait3A_1482 = arith.constant 0 : i32
        %dma_wait3A_1483 = tpu.memref_slice %arg7[%dma_wait3A_1480, %dma_wait3A_1481, %dma_wait3A_1482] : memref<64x8x32xf32, #tpu.memory_space<vmem>> -> memref<1x8x32xf32, #tpu.memory_space<vmem>>
        %dma_wait3A_1484 = arith.constant 0 : i32
        %dma_wait3A_1485 = arith.constant 0 : i32
        %dma_wait3A_1486 = tpu.memref_slice %arg3[%shift_right_logical3A_382, %dma_wait3A_1484, %dma_wait3A_1485] : memref<325000x8x32xf32, #tpu.memory_space<hbm>> -> memref<1x8x32xf32, #tpu.memory_space<hbm>>
        %dma_wait3A_1487 = arith.constant 19 : i32
        %dma_wait3A_1488 = arith.constant 0 : i32
        %dma_wait3A_1489 = arith.constant 0 : i32
        %dma_wait3A_1490 = tpu.memref_slice %arg7[%dma_wait3A_1487, %dma_wait3A_1488, %dma_wait3A_1489] : memref<64x8x32xf32, #tpu.memory_space<vmem>> -> memref<1x8x32xf32, #tpu.memory_space<vmem>>
        %dma_wait3A_1491 = arith.constant 0 : i32
        %dma_wait3A_1492 = arith.constant 0 : i32
        %dma_wait3A_1493 = tpu.memref_slice %arg3[%shift_right_logical3A_382, %dma_wait3A_1491, %dma_wait3A_1492] : memref<325000x8x32xf32, #tpu.memory_space<hbm>> -> memref<1x8x32xf32, #tpu.memory_space<hbm>>
        tpu.wait_dma2 semaphore(%arg9 : memref<!tpu.dma_semaphore, #tpu.memory_space<semaphore_mem>>) src(%dma_wait3A_1493 : memref<1x8x32xf32, #tpu.memory_space<hbm>>) dst(%dma_wait3A_1490 : memref<1x8x32xf32, #tpu.memory_space<vmem>>)
        %dma_wait3A_1494 = arith.constant 20 : i32
        %dma_wait3A_1495 = arith.constant 0 : i32
        %dma_wait3A_1496 = arith.constant 0 : i32
        %dma_wait3A_1497 = tpu.memref_slice %arg7[%dma_wait3A_1494, %dma_wait3A_1495, %dma_wait3A_1496] : memref<64x8x32xf32, #tpu.memory_space<vmem>> -> memref<1x8x32xf32, #tpu.memory_space<vmem>>
        %dma_wait3A_1498 = arith.constant 0 : i32
        %dma_wait3A_1499 = arith.constant 0 : i32
        %dma_wait3A_1500 = tpu.memref_slice %arg3[%shift_right_logical3A_400, %dma_wait3A_1498, %dma_wait3A_1499] : memref<325000x8x32xf32, #tpu.memory_space<hbm>> -> memref<1x8x32xf32, #tpu.memory_space<hbm>>
        %dma_wait3A_1501 = arith.constant 20 : i32
        %dma_wait3A_1502 = arith.constant 0 : i32
        %dma_wait3A_1503 = arith.constant 0 : i32
        %dma_wait3A_1504 = tpu.memref_slice %arg7[%dma_wait3A_1501, %dma_wait3A_1502, %dma_wait3A_1503] : memref<64x8x32xf32, #tpu.memory_space<vmem>> -> memref<1x8x32xf32, #tpu.memory_space<vmem>>
        %dma_wait3A_1505 = arith.constant 0 : i32
        %dma_wait3A_1506 = arith.constant 0 : i32
        %dma_wait3A_1507 = tpu.memref_slice %arg3[%shift_right_logical3A_400, %dma_wait3A_1505, %dma_wait3A_1506] : memref<325000x8x32xf32, #tpu.memory_space<hbm>> -> memref<1x8x32xf32, #tpu.memory_space<hbm>>
        tpu.wait_dma2 semaphore(%arg9 : memref<!tpu.dma_semaphore, #tpu.memory_space<semaphore_mem>>) src(%dma_wait3A_1507 : memref<1x8x32xf32, #tpu.memory_space<hbm>>) dst(%dma_wait3A_1504 : memref<1x8x32xf32, #tpu.memory_space<vmem>>)
        %dma_wait3A_1508 = arith.constant 21 : i32
        %dma_wait3A_1509 = arith.constant 0 : i32
        %dma_wait3A_1510 = arith.constant 0 : i32
        %dma_wait3A_1511 = tpu.memref_slice %arg7[%dma_wait3A_1508, %dma_wait3A_1509, %dma_wait3A_1510] : memref<64x8x32xf32, #tpu.memory_space<vmem>> -> memref<1x8x32xf32, #tpu.memory_space<vmem>>
        %dma_wait3A_1512 = arith.constant 0 : i32
        %dma_wait3A_1513 = arith.constant 0 : i32
        %dma_wait3A_1514 = tpu.memref_slice %arg3[%shift_right_logical3A_418, %dma_wait3A_1512, %dma_wait3A_1513] : memref<325000x8x32xf32, #tpu.memory_space<hbm>> -> memref<1x8x32xf32, #tpu.memory_space<hbm>>
        %dma_wait3A_1515 = arith.constant 21 : i32
        %dma_wait3A_1516 = arith.constant 0 : i32
        %dma_wait3A_1517 = arith.constant 0 : i32
        %dma_wait3A_1518 = tpu.memref_slice %arg7[%dma_wait3A_1515, %dma_wait3A_1516, %dma_wait3A_1517] : memref<64x8x32xf32, #tpu.memory_space<vmem>> -> memref<1x8x32xf32, #tpu.memory_space<vmem>>
        %dma_wait3A_1519 = arith.constant 0 : i32
        %dma_wait3A_1520 = arith.constant 0 : i32
        %dma_wait3A_1521 = tpu.memref_slice %arg3[%shift_right_logical3A_418, %dma_wait3A_1519, %dma_wait3A_1520] : memref<325000x8x32xf32, #tpu.memory_space<hbm>> -> memref<1x8x32xf32, #tpu.memory_space<hbm>>
        tpu.wait_dma2 semaphore(%arg9 : memref<!tpu.dma_semaphore, #tpu.memory_space<semaphore_mem>>) src(%dma_wait3A_1521 : memref<1x8x32xf32, #tpu.memory_space<hbm>>) dst(%dma_wait3A_1518 : memref<1x8x32xf32, #tpu.memory_space<vmem>>)
        %dma_wait3A_1522 = arith.constant 22 : i32
        %dma_wait3A_1523 = arith.constant 0 : i32
        %dma_wait3A_1524 = arith.constant 0 : i32
        %dma_wait3A_1525 = tpu.memref_slice %arg7[%dma_wait3A_1522, %dma_wait3A_1523, %dma_wait3A_1524] : memref<64x8x32xf32, #tpu.memory_space<vmem>> -> memref<1x8x32xf32, #tpu.memory_space<vmem>>
        %dma_wait3A_1526 = arith.constant 0 : i32
        %dma_wait3A_1527 = arith.constant 0 : i32
        %dma_wait3A_1528 = tpu.memref_slice %arg3[%shift_right_logical3A_436, %dma_wait3A_1526, %dma_wait3A_1527] : memref<325000x8x32xf32, #tpu.memory_space<hbm>> -> memref<1x8x32xf32, #tpu.memory_space<hbm>>
        %dma_wait3A_1529 = arith.constant 22 : i32
        %dma_wait3A_1530 = arith.constant 0 : i32
        %dma_wait3A_1531 = arith.constant 0 : i32
        %dma_wait3A_1532 = tpu.memref_slice %arg7[%dma_wait3A_1529, %dma_wait3A_1530, %dma_wait3A_1531] : memref<64x8x32xf32, #tpu.memory_space<vmem>> -> memref<1x8x32xf32, #tpu.memory_space<vmem>>
        %dma_wait3A_1533 = arith.constant 0 : i32
        %dma_wait3A_1534 = arith.constant 0 : i32
        %dma_wait3A_1535 = tpu.memref_slice %arg3[%shift_right_logical3A_436, %dma_wait3A_1533, %dma_wait3A_1534] : memref<325000x8x32xf32, #tpu.memory_space<hbm>> -> memref<1x8x32xf32, #tpu.memory_space<hbm>>
        tpu.wait_dma2 semaphore(%arg9 : memref<!tpu.dma_semaphore, #tpu.memory_space<semaphore_mem>>) src(%dma_wait3A_1535 : memref<1x8x32xf32, #tpu.memory_space<hbm>>) dst(%dma_wait3A_1532 : memref<1x8x32xf32, #tpu.memory_space<vmem>>)
        %dma_wait3A_1536 = arith.constant 23 : i32
        %dma_wait3A_1537 = arith.constant 0 : i32
        %dma_wait3A_1538 = arith.constant 0 : i32
        %dma_wait3A_1539 = tpu.memref_slice %arg7[%dma_wait3A_1536, %dma_wait3A_1537, %dma_wait3A_1538] : memref<64x8x32xf32, #tpu.memory_space<vmem>> -> memref<1x8x32xf32, #tpu.memory_space<vmem>>
        %dma_wait3A_1540 = arith.constant 0 : i32
        %dma_wait3A_1541 = arith.constant 0 : i32
        %dma_wait3A_1542 = tpu.memref_slice %arg3[%shift_right_logical3A_454, %dma_wait3A_1540, %dma_wait3A_1541] : memref<325000x8x32xf32, #tpu.memory_space<hbm>> -> memref<1x8x32xf32, #tpu.memory_space<hbm>>
        %dma_wait3A_1543 = arith.constant 23 : i32
        %dma_wait3A_1544 = arith.constant 0 : i32
        %dma_wait3A_1545 = arith.constant 0 : i32
        %dma_wait3A_1546 = tpu.memref_slice %arg7[%dma_wait3A_1543, %dma_wait3A_1544, %dma_wait3A_1545] : memref<64x8x32xf32, #tpu.memory_space<vmem>> -> memref<1x8x32xf32, #tpu.memory_space<vmem>>
        %dma_wait3A_1547 = arith.constant 0 : i32
        %dma_wait3A_1548 = arith.constant 0 : i32
        %dma_wait3A_1549 = tpu.memref_slice %arg3[%shift_right_logical3A_454, %dma_wait3A_1547, %dma_wait3A_1548] : memref<325000x8x32xf32, #tpu.memory_space<hbm>> -> memref<1x8x32xf32, #tpu.memory_space<hbm>>
        tpu.wait_dma2 semaphore(%arg9 : memref<!tpu.dma_semaphore, #tpu.memory_space<semaphore_mem>>) src(%dma_wait3A_1549 : memref<1x8x32xf32, #tpu.memory_space<hbm>>) dst(%dma_wait3A_1546 : memref<1x8x32xf32, #tpu.memory_space<vmem>>)
        %dma_wait3A_1550 = arith.constant 24 : i32
        %dma_wait3A_1551 = arith.constant 0 : i32
        %dma_wait3A_1552 = arith.constant 0 : i32
        %dma_wait3A_1553 = tpu.memref_slice %arg7[%dma_wait3A_1550, %dma_wait3A_1551, %dma_wait3A_1552] : memref<64x8x32xf32, #tpu.memory_space<vmem>> -> memref<1x8x32xf32, #tpu.memory_space<vmem>>
        %dma_wait3A_1554 = arith.constant 0 : i32
        %dma_wait3A_1555 = arith.constant 0 : i32
        %dma_wait3A_1556 = tpu.memref_slice %arg3[%shift_right_logical3A_472, %dma_wait3A_1554, %dma_wait3A_1555] : memref<325000x8x32xf32, #tpu.memory_space<hbm>> -> memref<1x8x32xf32, #tpu.memory_space<hbm>>
        %dma_wait3A_1557 = arith.constant 24 : i32
        %dma_wait3A_1558 = arith.constant 0 : i32
        %dma_wait3A_1559 = arith.constant 0 : i32
        %dma_wait3A_1560 = tpu.memref_slice %arg7[%dma_wait3A_1557, %dma_wait3A_1558, %dma_wait3A_1559] : memref<64x8x32xf32, #tpu.memory_space<vmem>> -> memref<1x8x32xf32, #tpu.memory_space<vmem>>
        %dma_wait3A_1561 = arith.constant 0 : i32
        %dma_wait3A_1562 = arith.constant 0 : i32
        %dma_wait3A_1563 = tpu.memref_slice %arg3[%shift_right_logical3A_472, %dma_wait3A_1561, %dma_wait3A_1562] : memref<325000x8x32xf32, #tpu.memory_space<hbm>> -> memref<1x8x32xf32, #tpu.memory_space<hbm>>
        tpu.wait_dma2 semaphore(%arg9 : memref<!tpu.dma_semaphore, #tpu.memory_space<semaphore_mem>>) src(%dma_wait3A_1563 : memref<1x8x32xf32, #tpu.memory_space<hbm>>) dst(%dma_wait3A_1560 : memref<1x8x32xf32, #tpu.memory_space<vmem>>)
        %dma_wait3A_1564 = arith.constant 25 : i32
        %dma_wait3A_1565 = arith.constant 0 : i32
        %dma_wait3A_1566 = arith.constant 0 : i32
        %dma_wait3A_1567 = tpu.memref_slice %arg7[%dma_wait3A_1564, %dma_wait3A_1565, %dma_wait3A_1566] : memref<64x8x32xf32, #tpu.memory_space<vmem>> -> memref<1x8x32xf32, #tpu.memory_space<vmem>>
        %dma_wait3A_1568 = arith.constant 0 : i32
        %dma_wait3A_1569 = arith.constant 0 : i32
        %dma_wait3A_1570 = tpu.memref_slice %arg3[%shift_right_logical3A_490, %dma_wait3A_1568, %dma_wait3A_1569] : memref<325000x8x32xf32, #tpu.memory_space<hbm>> -> memref<1x8x32xf32, #tpu.memory_space<hbm>>
        %dma_wait3A_1571 = arith.constant 25 : i32
        %dma_wait3A_1572 = arith.constant 0 : i32
        %dma_wait3A_1573 = arith.constant 0 : i32
        %dma_wait3A_1574 = tpu.memref_slice %arg7[%dma_wait3A_1571, %dma_wait3A_1572, %dma_wait3A_1573] : memref<64x8x32xf32, #tpu.memory_space<vmem>> -> memref<1x8x32xf32, #tpu.memory_space<vmem>>
        %dma_wait3A_1575 = arith.constant 0 : i32
        %dma_wait3A_1576 = arith.constant 0 : i32
        %dma_wait3A_1577 = tpu.memref_slice %arg3[%shift_right_logical3A_490, %dma_wait3A_1575, %dma_wait3A_1576] : memref<325000x8x32xf32, #tpu.memory_space<hbm>> -> memref<1x8x32xf32, #tpu.memory_space<hbm>>
        tpu.wait_dma2 semaphore(%arg9 : memref<!tpu.dma_semaphore, #tpu.memory_space<semaphore_mem>>) src(%dma_wait3A_1577 : memref<1x8x32xf32, #tpu.memory_space<hbm>>) dst(%dma_wait3A_1574 : memref<1x8x32xf32, #tpu.memory_space<vmem>>)
        %dma_wait3A_1578 = arith.constant 26 : i32
        %dma_wait3A_1579 = arith.constant 0 : i32
        %dma_wait3A_1580 = arith.constant 0 : i32
        %dma_wait3A_1581 = tpu.memref_slice %arg7[%dma_wait3A_1578, %dma_wait3A_1579, %dma_wait3A_1580] : memref<64x8x32xf32, #tpu.memory_space<vmem>> -> memref<1x8x32xf32, #tpu.memory_space<vmem>>
        %dma_wait3A_1582 = arith.constant 0 : i32
        %dma_wait3A_1583 = arith.constant 0 : i32
        %dma_wait3A_1584 = tpu.memref_slice %arg3[%shift_right_logical3A_508, %dma_wait3A_1582, %dma_wait3A_1583] : memref<325000x8x32xf32, #tpu.memory_space<hbm>> -> memref<1x8x32xf32, #tpu.memory_space<hbm>>
        %dma_wait3A_1585 = arith.constant 26 : i32
        %dma_wait3A_1586 = arith.constant 0 : i32
        %dma_wait3A_1587 = arith.constant 0 : i32
        %dma_wait3A_1588 = tpu.memref_slice %arg7[%dma_wait3A_1585, %dma_wait3A_1586, %dma_wait3A_1587] : memref<64x8x32xf32, #tpu.memory_space<vmem>> -> memref<1x8x32xf32, #tpu.memory_space<vmem>>
        %dma_wait3A_1589 = arith.constant 0 : i32
        %dma_wait3A_1590 = arith.constant 0 : i32
        %dma_wait3A_1591 = tpu.memref_slice %arg3[%shift_right_logical3A_508, %dma_wait3A_1589, %dma_wait3A_1590] : memref<325000x8x32xf32, #tpu.memory_space<hbm>> -> memref<1x8x32xf32, #tpu.memory_space<hbm>>
        tpu.wait_dma2 semaphore(%arg9 : memref<!tpu.dma_semaphore, #tpu.memory_space<semaphore_mem>>) src(%dma_wait3A_1591 : memref<1x8x32xf32, #tpu.memory_space<hbm>>) dst(%dma_wait3A_1588 : memref<1x8x32xf32, #tpu.memory_space<vmem>>)
        %dma_wait3A_1592 = arith.constant 27 : i32
        %dma_wait3A_1593 = arith.constant 0 : i32
        %dma_wait3A_1594 = arith.constant 0 : i32
        %dma_wait3A_1595 = tpu.memref_slice %arg7[%dma_wait3A_1592, %dma_wait3A_1593, %dma_wait3A_1594] : memref<64x8x32xf32, #tpu.memory_space<vmem>> -> memref<1x8x32xf32, #tpu.memory_space<vmem>>
        %dma_wait3A_1596 = arith.constant 0 : i32
        %dma_wait3A_1597 = arith.constant 0 : i32
        %dma_wait3A_1598 = tpu.memref_slice %arg3[%shift_right_logical3A_526, %dma_wait3A_1596, %dma_wait3A_1597] : memref<325000x8x32xf32, #tpu.memory_space<hbm>> -> memref<1x8x32xf32, #tpu.memory_space<hbm>>
        %dma_wait3A_1599 = arith.constant 27 : i32
        %dma_wait3A_1600 = arith.constant 0 : i32
        %dma_wait3A_1601 = arith.constant 0 : i32
        %dma_wait3A_1602 = tpu.memref_slice %arg7[%dma_wait3A_1599, %dma_wait3A_1600, %dma_wait3A_1601] : memref<64x8x32xf32, #tpu.memory_space<vmem>> -> memref<1x8x32xf32, #tpu.memory_space<vmem>>
        %dma_wait3A_1603 = arith.constant 0 : i32
        %dma_wait3A_1604 = arith.constant 0 : i32
        %dma_wait3A_1605 = tpu.memref_slice %arg3[%shift_right_logical3A_526, %dma_wait3A_1603, %dma_wait3A_1604] : memref<325000x8x32xf32, #tpu.memory_space<hbm>> -> memref<1x8x32xf32, #tpu.memory_space<hbm>>
        tpu.wait_dma2 semaphore(%arg9 : memref<!tpu.dma_semaphore, #tpu.memory_space<semaphore_mem>>) src(%dma_wait3A_1605 : memref<1x8x32xf32, #tpu.memory_space<hbm>>) dst(%dma_wait3A_1602 : memref<1x8x32xf32, #tpu.memory_space<vmem>>)
        %dma_wait3A_1606 = arith.constant 28 : i32
        %dma_wait3A_1607 = arith.constant 0 : i32
        %dma_wait3A_1608 = arith.constant 0 : i32
        %dma_wait3A_1609 = tpu.memref_slice %arg7[%dma_wait3A_1606, %dma_wait3A_1607, %dma_wait3A_1608] : memref<64x8x32xf32, #tpu.memory_space<vmem>> -> memref<1x8x32xf32, #tpu.memory_space<vmem>>
        %dma_wait3A_1610 = arith.constant 0 : i32
        %dma_wait3A_1611 = arith.constant 0 : i32
        %dma_wait3A_1612 = tpu.memref_slice %arg3[%shift_right_logical3A_544, %dma_wait3A_1610, %dma_wait3A_1611] : memref<325000x8x32xf32, #tpu.memory_space<hbm>> -> memref<1x8x32xf32, #tpu.memory_space<hbm>>
        %dma_wait3A_1613 = arith.constant 28 : i32
        %dma_wait3A_1614 = arith.constant 0 : i32
        %dma_wait3A_1615 = arith.constant 0 : i32
        %dma_wait3A_1616 = tpu.memref_slice %arg7[%dma_wait3A_1613, %dma_wait3A_1614, %dma_wait3A_1615] : memref<64x8x32xf32, #tpu.memory_space<vmem>> -> memref<1x8x32xf32, #tpu.memory_space<vmem>>
        %dma_wait3A_1617 = arith.constant 0 : i32
        %dma_wait3A_1618 = arith.constant 0 : i32
        %dma_wait3A_1619 = tpu.memref_slice %arg3[%shift_right_logical3A_544, %dma_wait3A_1617, %dma_wait3A_1618] : memref<325000x8x32xf32, #tpu.memory_space<hbm>> -> memref<1x8x32xf32, #tpu.memory_space<hbm>>
        tpu.wait_dma2 semaphore(%arg9 : memref<!tpu.dma_semaphore, #tpu.memory_space<semaphore_mem>>) src(%dma_wait3A_1619 : memref<1x8x32xf32, #tpu.memory_space<hbm>>) dst(%dma_wait3A_1616 : memref<1x8x32xf32, #tpu.memory_space<vmem>>)
        %dma_wait3A_1620 = arith.constant 29 : i32
        %dma_wait3A_1621 = arith.constant 0 : i32
        %dma_wait3A_1622 = arith.constant 0 : i32
        %dma_wait3A_1623 = tpu.memref_slice %arg7[%dma_wait3A_1620, %dma_wait3A_1621, %dma_wait3A_1622] : memref<64x8x32xf32, #tpu.memory_space<vmem>> -> memref<1x8x32xf32, #tpu.memory_space<vmem>>
        %dma_wait3A_1624 = arith.constant 0 : i32
        %dma_wait3A_1625 = arith.constant 0 : i32
        %dma_wait3A_1626 = tpu.memref_slice %arg3[%shift_right_logical3A_562, %dma_wait3A_1624, %dma_wait3A_1625] : memref<325000x8x32xf32, #tpu.memory_space<hbm>> -> memref<1x8x32xf32, #tpu.memory_space<hbm>>
        %dma_wait3A_1627 = arith.constant 29 : i32
        %dma_wait3A_1628 = arith.constant 0 : i32
        %dma_wait3A_1629 = arith.constant 0 : i32
        %dma_wait3A_1630 = tpu.memref_slice %arg7[%dma_wait3A_1627, %dma_wait3A_1628, %dma_wait3A_1629] : memref<64x8x32xf32, #tpu.memory_space<vmem>> -> memref<1x8x32xf32, #tpu.memory_space<vmem>>
        %dma_wait3A_1631 = arith.constant 0 : i32
        %dma_wait3A_1632 = arith.constant 0 : i32
        %dma_wait3A_1633 = tpu.memref_slice %arg3[%shift_right_logical3A_562, %dma_wait3A_1631, %dma_wait3A_1632] : memref<325000x8x32xf32, #tpu.memory_space<hbm>> -> memref<1x8x32xf32, #tpu.memory_space<hbm>>
        tpu.wait_dma2 semaphore(%arg9 : memref<!tpu.dma_semaphore, #tpu.memory_space<semaphore_mem>>) src(%dma_wait3A_1633 : memref<1x8x32xf32, #tpu.memory_space<hbm>>) dst(%dma_wait3A_1630 : memref<1x8x32xf32, #tpu.memory_space<vmem>>)
        %dma_wait3A_1634 = arith.constant 30 : i32
        %dma_wait3A_1635 = arith.constant 0 : i32
        %dma_wait3A_1636 = arith.constant 0 : i32
        %dma_wait3A_1637 = tpu.memref_slice %arg7[%dma_wait3A_1634, %dma_wait3A_1635, %dma_wait3A_1636] : memref<64x8x32xf32, #tpu.memory_space<vmem>> -> memref<1x8x32xf32, #tpu.memory_space<vmem>>
        %dma_wait3A_1638 = arith.constant 0 : i32
        %dma_wait3A_1639 = arith.constant 0 : i32
        %dma_wait3A_1640 = tpu.memref_slice %arg3[%shift_right_logical3A_580, %dma_wait3A_1638, %dma_wait3A_1639] : memref<325000x8x32xf32, #tpu.memory_space<hbm>> -> memref<1x8x32xf32, #tpu.memory_space<hbm>>
        %dma_wait3A_1641 = arith.constant 30 : i32
        %dma_wait3A_1642 = arith.constant 0 : i32
        %dma_wait3A_1643 = arith.constant 0 : i32
        %dma_wait3A_1644 = tpu.memref_slice %arg7[%dma_wait3A_1641, %dma_wait3A_1642, %dma_wait3A_1643] : memref<64x8x32xf32, #tpu.memory_space<vmem>> -> memref<1x8x32xf32, #tpu.memory_space<vmem>>
        %dma_wait3A_1645 = arith.constant 0 : i32
        %dma_wait3A_1646 = arith.constant 0 : i32
        %dma_wait3A_1647 = tpu.memref_slice %arg3[%shift_right_logical3A_580, %dma_wait3A_1645, %dma_wait3A_1646] : memref<325000x8x32xf32, #tpu.memory_space<hbm>> -> memref<1x8x32xf32, #tpu.memory_space<hbm>>
        tpu.wait_dma2 semaphore(%arg9 : memref<!tpu.dma_semaphore, #tpu.memory_space<semaphore_mem>>) src(%dma_wait3A_1647 : memref<1x8x32xf32, #tpu.memory_space<hbm>>) dst(%dma_wait3A_1644 : memref<1x8x32xf32, #tpu.memory_space<vmem>>)
        %dma_wait3A_1648 = arith.constant 31 : i32
        %dma_wait3A_1649 = arith.constant 0 : i32
        %dma_wait3A_1650 = arith.constant 0 : i32
        %dma_wait3A_1651 = tpu.memref_slice %arg7[%dma_wait3A_1648, %dma_wait3A_1649, %dma_wait3A_1650] : memref<64x8x32xf32, #tpu.memory_space<vmem>> -> memref<1x8x32xf32, #tpu.memory_space<vmem>>
        %dma_wait3A_1652 = arith.constant 0 : i32
        %dma_wait3A_1653 = arith.constant 0 : i32
        %dma_wait3A_1654 = tpu.memref_slice %arg3[%shift_right_logical3A_598, %dma_wait3A_1652, %dma_wait3A_1653] : memref<325000x8x32xf32, #tpu.memory_space<hbm>> -> memref<1x8x32xf32, #tpu.memory_space<hbm>>
        %dma_wait3A_1655 = arith.constant 31 : i32
        %dma_wait3A_1656 = arith.constant 0 : i32
        %dma_wait3A_1657 = arith.constant 0 : i32
        %dma_wait3A_1658 = tpu.memref_slice %arg7[%dma_wait3A_1655, %dma_wait3A_1656, %dma_wait3A_1657] : memref<64x8x32xf32, #tpu.memory_space<vmem>> -> memref<1x8x32xf32, #tpu.memory_space<vmem>>
        %dma_wait3A_1659 = arith.constant 0 : i32
        %dma_wait3A_1660 = arith.constant 0 : i32
        %dma_wait3A_1661 = tpu.memref_slice %arg3[%shift_right_logical3A_598, %dma_wait3A_1659, %dma_wait3A_1660] : memref<325000x8x32xf32, #tpu.memory_space<hbm>> -> memref<1x8x32xf32, #tpu.memory_space<hbm>>
        tpu.wait_dma2 semaphore(%arg9 : memref<!tpu.dma_semaphore, #tpu.memory_space<semaphore_mem>>) src(%dma_wait3A_1661 : memref<1x8x32xf32, #tpu.memory_space<hbm>>) dst(%dma_wait3A_1658 : memref<1x8x32xf32, #tpu.memory_space<vmem>>)
        %dma_wait3A_1662 = arith.constant 32 : i32
        %dma_wait3A_1663 = arith.constant 0 : i32
        %dma_wait3A_1664 = arith.constant 0 : i32
        %dma_wait3A_1665 = tpu.memref_slice %arg7[%dma_wait3A_1662, %dma_wait3A_1663, %dma_wait3A_1664] : memref<64x8x32xf32, #tpu.memory_space<vmem>> -> memref<1x8x32xf32, #tpu.memory_space<vmem>>
        %dma_wait3A_1666 = arith.constant 0 : i32
        %dma_wait3A_1667 = arith.constant 0 : i32
        %dma_wait3A_1668 = tpu.memref_slice %arg3[%shift_right_logical3A_629, %dma_wait3A_1666, %dma_wait3A_1667] : memref<325000x8x32xf32, #tpu.memory_space<hbm>> -> memref<1x8x32xf32, #tpu.memory_space<hbm>>
        %dma_wait3A_1669 = arith.constant 32 : i32
        %dma_wait3A_1670 = arith.constant 0 : i32
        %dma_wait3A_1671 = arith.constant 0 : i32
        %dma_wait3A_1672 = tpu.memref_slice %arg7[%dma_wait3A_1669, %dma_wait3A_1670, %dma_wait3A_1671] : memref<64x8x32xf32, #tpu.memory_space<vmem>> -> memref<1x8x32xf32, #tpu.memory_space<vmem>>
        %dma_wait3A_1673 = arith.constant 0 : i32
        %dma_wait3A_1674 = arith.constant 0 : i32
        %dma_wait3A_1675 = tpu.memref_slice %arg3[%shift_right_logical3A_629, %dma_wait3A_1673, %dma_wait3A_1674] : memref<325000x8x32xf32, #tpu.memory_space<hbm>> -> memref<1x8x32xf32, #tpu.memory_space<hbm>>
        tpu.wait_dma2 semaphore(%arg9 : memref<!tpu.dma_semaphore, #tpu.memory_space<semaphore_mem>>) src(%dma_wait3A_1675 : memref<1x8x32xf32, #tpu.memory_space<hbm>>) dst(%dma_wait3A_1672 : memref<1x8x32xf32, #tpu.memory_space<vmem>>)
        %dma_wait3A_1676 = arith.constant 33 : i32
        %dma_wait3A_1677 = arith.constant 0 : i32
        %dma_wait3A_1678 = arith.constant 0 : i32
        %dma_wait3A_1679 = tpu.memref_slice %arg7[%dma_wait3A_1676, %dma_wait3A_1677, %dma_wait3A_1678] : memref<64x8x32xf32, #tpu.memory_space<vmem>> -> memref<1x8x32xf32, #tpu.memory_space<vmem>>
        %dma_wait3A_1680 = arith.constant 0 : i32
        %dma_wait3A_1681 = arith.constant 0 : i32
        %dma_wait3A_1682 = tpu.memref_slice %arg3[%shift_right_logical3A_647, %dma_wait3A_1680, %dma_wait3A_1681] : memref<325000x8x32xf32, #tpu.memory_space<hbm>> -> memref<1x8x32xf32, #tpu.memory_space<hbm>>
        %dma_wait3A_1683 = arith.constant 33 : i32
        %dma_wait3A_1684 = arith.constant 0 : i32
        %dma_wait3A_1685 = arith.constant 0 : i32
        %dma_wait3A_1686 = tpu.memref_slice %arg7[%dma_wait3A_1683, %dma_wait3A_1684, %dma_wait3A_1685] : memref<64x8x32xf32, #tpu.memory_space<vmem>> -> memref<1x8x32xf32, #tpu.memory_space<vmem>>
        %dma_wait3A_1687 = arith.constant 0 : i32
        %dma_wait3A_1688 = arith.constant 0 : i32
        %dma_wait3A_1689 = tpu.memref_slice %arg3[%shift_right_logical3A_647, %dma_wait3A_1687, %dma_wait3A_1688] : memref<325000x8x32xf32, #tpu.memory_space<hbm>> -> memref<1x8x32xf32, #tpu.memory_space<hbm>>
        tpu.wait_dma2 semaphore(%arg9 : memref<!tpu.dma_semaphore, #tpu.memory_space<semaphore_mem>>) src(%dma_wait3A_1689 : memref<1x8x32xf32, #tpu.memory_space<hbm>>) dst(%dma_wait3A_1686 : memref<1x8x32xf32, #tpu.memory_space<vmem>>)
        %dma_wait3A_1690 = arith.constant 34 : i32
        %dma_wait3A_1691 = arith.constant 0 : i32
        %dma_wait3A_1692 = arith.constant 0 : i32
        %dma_wait3A_1693 = tpu.memref_slice %arg7[%dma_wait3A_1690, %dma_wait3A_1691, %dma_wait3A_1692] : memref<64x8x32xf32, #tpu.memory_space<vmem>> -> memref<1x8x32xf32, #tpu.memory_space<vmem>>
        %dma_wait3A_1694 = arith.constant 0 : i32
        %dma_wait3A_1695 = arith.constant 0 : i32
        %dma_wait3A_1696 = tpu.memref_slice %arg3[%shift_right_logical3A_665, %dma_wait3A_1694, %dma_wait3A_1695] : memref<325000x8x32xf32, #tpu.memory_space<hbm>> -> memref<1x8x32xf32, #tpu.memory_space<hbm>>
        %dma_wait3A_1697 = arith.constant 34 : i32
        %dma_wait3A_1698 = arith.constant 0 : i32
        %dma_wait3A_1699 = arith.constant 0 : i32
        %dma_wait3A_1700 = tpu.memref_slice %arg7[%dma_wait3A_1697, %dma_wait3A_1698, %dma_wait3A_1699] : memref<64x8x32xf32, #tpu.memory_space<vmem>> -> memref<1x8x32xf32, #tpu.memory_space<vmem>>
        %dma_wait3A_1701 = arith.constant 0 : i32
        %dma_wait3A_1702 = arith.constant 0 : i32
        %dma_wait3A_1703 = tpu.memref_slice %arg3[%shift_right_logical3A_665, %dma_wait3A_1701, %dma_wait3A_1702] : memref<325000x8x32xf32, #tpu.memory_space<hbm>> -> memref<1x8x32xf32, #tpu.memory_space<hbm>>
        tpu.wait_dma2 semaphore(%arg9 : memref<!tpu.dma_semaphore, #tpu.memory_space<semaphore_mem>>) src(%dma_wait3A_1703 : memref<1x8x32xf32, #tpu.memory_space<hbm>>) dst(%dma_wait3A_1700 : memref<1x8x32xf32, #tpu.memory_space<vmem>>)
        %dma_wait3A_1704 = arith.constant 35 : i32
        %dma_wait3A_1705 = arith.constant 0 : i32
        %dma_wait3A_1706 = arith.constant 0 : i32
        %dma_wait3A_1707 = tpu.memref_slice %arg7[%dma_wait3A_1704, %dma_wait3A_1705, %dma_wait3A_1706] : memref<64x8x32xf32, #tpu.memory_space<vmem>> -> memref<1x8x32xf32, #tpu.memory_space<vmem>>
        %dma_wait3A_1708 = arith.constant 0 : i32
        %dma_wait3A_1709 = arith.constant 0 : i32
        %dma_wait3A_1710 = tpu.memref_slice %arg3[%shift_right_logical3A_683, %dma_wait3A_1708, %dma_wait3A_1709] : memref<325000x8x32xf32, #tpu.memory_space<hbm>> -> memref<1x8x32xf32, #tpu.memory_space<hbm>>
        %dma_wait3A_1711 = arith.constant 35 : i32
        %dma_wait3A_1712 = arith.constant 0 : i32
        %dma_wait3A_1713 = arith.constant 0 : i32
        %dma_wait3A_1714 = tpu.memref_slice %arg7[%dma_wait3A_1711, %dma_wait3A_1712, %dma_wait3A_1713] : memref<64x8x32xf32, #tpu.memory_space<vmem>> -> memref<1x8x32xf32, #tpu.memory_space<vmem>>
        %dma_wait3A_1715 = arith.constant 0 : i32
        %dma_wait3A_1716 = arith.constant 0 : i32
        %dma_wait3A_1717 = tpu.memref_slice %arg3[%shift_right_logical3A_683, %dma_wait3A_1715, %dma_wait3A_1716] : memref<325000x8x32xf32, #tpu.memory_space<hbm>> -> memref<1x8x32xf32, #tpu.memory_space<hbm>>
        tpu.wait_dma2 semaphore(%arg9 : memref<!tpu.dma_semaphore, #tpu.memory_space<semaphore_mem>>) src(%dma_wait3A_1717 : memref<1x8x32xf32, #tpu.memory_space<hbm>>) dst(%dma_wait3A_1714 : memref<1x8x32xf32, #tpu.memory_space<vmem>>)
        %dma_wait3A_1718 = arith.constant 36 : i32
        %dma_wait3A_1719 = arith.constant 0 : i32
        %dma_wait3A_1720 = arith.constant 0 : i32
        %dma_wait3A_1721 = tpu.memref_slice %arg7[%dma_wait3A_1718, %dma_wait3A_1719, %dma_wait3A_1720] : memref<64x8x32xf32, #tpu.memory_space<vmem>> -> memref<1x8x32xf32, #tpu.memory_space<vmem>>
        %dma_wait3A_1722 = arith.constant 0 : i32
        %dma_wait3A_1723 = arith.constant 0 : i32
        %dma_wait3A_1724 = tpu.memref_slice %arg3[%shift_right_logical3A_701, %dma_wait3A_1722, %dma_wait3A_1723] : memref<325000x8x32xf32, #tpu.memory_space<hbm>> -> memref<1x8x32xf32, #tpu.memory_space<hbm>>
        %dma_wait3A_1725 = arith.constant 36 : i32
        %dma_wait3A_1726 = arith.constant 0 : i32
        %dma_wait3A_1727 = arith.constant 0 : i32
        %dma_wait3A_1728 = tpu.memref_slice %arg7[%dma_wait3A_1725, %dma_wait3A_1726, %dma_wait3A_1727] : memref<64x8x32xf32, #tpu.memory_space<vmem>> -> memref<1x8x32xf32, #tpu.memory_space<vmem>>
        %dma_wait3A_1729 = arith.constant 0 : i32
        %dma_wait3A_1730 = arith.constant 0 : i32
        %dma_wait3A_1731 = tpu.memref_slice %arg3[%shift_right_logical3A_701, %dma_wait3A_1729, %dma_wait3A_1730] : memref<325000x8x32xf32, #tpu.memory_space<hbm>> -> memref<1x8x32xf32, #tpu.memory_space<hbm>>
        tpu.wait_dma2 semaphore(%arg9 : memref<!tpu.dma_semaphore, #tpu.memory_space<semaphore_mem>>) src(%dma_wait3A_1731 : memref<1x8x32xf32, #tpu.memory_space<hbm>>) dst(%dma_wait3A_1728 : memref<1x8x32xf32, #tpu.memory_space<vmem>>)
        %dma_wait3A_1732 = arith.constant 37 : i32
        %dma_wait3A_1733 = arith.constant 0 : i32
        %dma_wait3A_1734 = arith.constant 0 : i32
        %dma_wait3A_1735 = tpu.memref_slice %arg7[%dma_wait3A_1732, %dma_wait3A_1733, %dma_wait3A_1734] : memref<64x8x32xf32, #tpu.memory_space<vmem>> -> memref<1x8x32xf32, #tpu.memory_space<vmem>>
        %dma_wait3A_1736 = arith.constant 0 : i32
        %dma_wait3A_1737 = arith.constant 0 : i32
        %dma_wait3A_1738 = tpu.memref_slice %arg3[%shift_right_logical3A_719, %dma_wait3A_1736, %dma_wait3A_1737] : memref<325000x8x32xf32, #tpu.memory_space<hbm>> -> memref<1x8x32xf32, #tpu.memory_space<hbm>>
        %dma_wait3A_1739 = arith.constant 37 : i32
        %dma_wait3A_1740 = arith.constant 0 : i32
        %dma_wait3A_1741 = arith.constant 0 : i32
        %dma_wait3A_1742 = tpu.memref_slice %arg7[%dma_wait3A_1739, %dma_wait3A_1740, %dma_wait3A_1741] : memref<64x8x32xf32, #tpu.memory_space<vmem>> -> memref<1x8x32xf32, #tpu.memory_space<vmem>>
        %dma_wait3A_1743 = arith.constant 0 : i32
        %dma_wait3A_1744 = arith.constant 0 : i32
        %dma_wait3A_1745 = tpu.memref_slice %arg3[%shift_right_logical3A_719, %dma_wait3A_1743, %dma_wait3A_1744] : memref<325000x8x32xf32, #tpu.memory_space<hbm>> -> memref<1x8x32xf32, #tpu.memory_space<hbm>>
        tpu.wait_dma2 semaphore(%arg9 : memref<!tpu.dma_semaphore, #tpu.memory_space<semaphore_mem>>) src(%dma_wait3A_1745 : memref<1x8x32xf32, #tpu.memory_space<hbm>>) dst(%dma_wait3A_1742 : memref<1x8x32xf32, #tpu.memory_space<vmem>>)
        %dma_wait3A_1746 = arith.constant 38 : i32
        %dma_wait3A_1747 = arith.constant 0 : i32
        %dma_wait3A_1748 = arith.constant 0 : i32
        %dma_wait3A_1749 = tpu.memref_slice %arg7[%dma_wait3A_1746, %dma_wait3A_1747, %dma_wait3A_1748] : memref<64x8x32xf32, #tpu.memory_space<vmem>> -> memref<1x8x32xf32, #tpu.memory_space<vmem>>
        %dma_wait3A_1750 = arith.constant 0 : i32
        %dma_wait3A_1751 = arith.constant 0 : i32
        %dma_wait3A_1752 = tpu.memref_slice %arg3[%shift_right_logical3A_737, %dma_wait3A_1750, %dma_wait3A_1751] : memref<325000x8x32xf32, #tpu.memory_space<hbm>> -> memref<1x8x32xf32, #tpu.memory_space<hbm>>
        %dma_wait3A_1753 = arith.constant 38 : i32
        %dma_wait3A_1754 = arith.constant 0 : i32
        %dma_wait3A_1755 = arith.constant 0 : i32
        %dma_wait3A_1756 = tpu.memref_slice %arg7[%dma_wait3A_1753, %dma_wait3A_1754, %dma_wait3A_1755] : memref<64x8x32xf32, #tpu.memory_space<vmem>> -> memref<1x8x32xf32, #tpu.memory_space<vmem>>
        %dma_wait3A_1757 = arith.constant 0 : i32
        %dma_wait3A_1758 = arith.constant 0 : i32
        %dma_wait3A_1759 = tpu.memref_slice %arg3[%shift_right_logical3A_737, %dma_wait3A_1757, %dma_wait3A_1758] : memref<325000x8x32xf32, #tpu.memory_space<hbm>> -> memref<1x8x32xf32, #tpu.memory_space<hbm>>
        tpu.wait_dma2 semaphore(%arg9 : memref<!tpu.dma_semaphore, #tpu.memory_space<semaphore_mem>>) src(%dma_wait3A_1759 : memref<1x8x32xf32, #tpu.memory_space<hbm>>) dst(%dma_wait3A_1756 : memref<1x8x32xf32, #tpu.memory_space<vmem>>)
        %dma_wait3A_1760 = arith.constant 39 : i32
        %dma_wait3A_1761 = arith.constant 0 : i32
        %dma_wait3A_1762 = arith.constant 0 : i32
        %dma_wait3A_1763 = tpu.memref_slice %arg7[%dma_wait3A_1760, %dma_wait3A_1761, %dma_wait3A_1762] : memref<64x8x32xf32, #tpu.memory_space<vmem>> -> memref<1x8x32xf32, #tpu.memory_space<vmem>>
        %dma_wait3A_1764 = arith.constant 0 : i32
        %dma_wait3A_1765 = arith.constant 0 : i32
        %dma_wait3A_1766 = tpu.memref_slice %arg3[%shift_right_logical3A_755, %dma_wait3A_1764, %dma_wait3A_1765] : memref<325000x8x32xf32, #tpu.memory_space<hbm>> -> memref<1x8x32xf32, #tpu.memory_space<hbm>>
        %dma_wait3A_1767 = arith.constant 39 : i32
        %dma_wait3A_1768 = arith.constant 0 : i32
        %dma_wait3A_1769 = arith.constant 0 : i32
        %dma_wait3A_1770 = tpu.memref_slice %arg7[%dma_wait3A_1767, %dma_wait3A_1768, %dma_wait3A_1769] : memref<64x8x32xf32, #tpu.memory_space<vmem>> -> memref<1x8x32xf32, #tpu.memory_space<vmem>>
        %dma_wait3A_1771 = arith.constant 0 : i32
        %dma_wait3A_1772 = arith.constant 0 : i32
        %dma_wait3A_1773 = tpu.memref_slice %arg3[%shift_right_logical3A_755, %dma_wait3A_1771, %dma_wait3A_1772] : memref<325000x8x32xf32, #tpu.memory_space<hbm>> -> memref<1x8x32xf32, #tpu.memory_space<hbm>>
        tpu.wait_dma2 semaphore(%arg9 : memref<!tpu.dma_semaphore, #tpu.memory_space<semaphore_mem>>) src(%dma_wait3A_1773 : memref<1x8x32xf32, #tpu.memory_space<hbm>>) dst(%dma_wait3A_1770 : memref<1x8x32xf32, #tpu.memory_space<vmem>>)
        %dma_wait3A_1774 = arith.constant 40 : i32
        %dma_wait3A_1775 = arith.constant 0 : i32
        %dma_wait3A_1776 = arith.constant 0 : i32
        %dma_wait3A_1777 = tpu.memref_slice %arg7[%dma_wait3A_1774, %dma_wait3A_1775, %dma_wait3A_1776] : memref<64x8x32xf32, #tpu.memory_space<vmem>> -> memref<1x8x32xf32, #tpu.memory_space<vmem>>
        %dma_wait3A_1778 = arith.constant 0 : i32
        %dma_wait3A_1779 = arith.constant 0 : i32
        %dma_wait3A_1780 = tpu.memref_slice %arg3[%shift_right_logical3A_773, %dma_wait3A_1778, %dma_wait3A_1779] : memref<325000x8x32xf32, #tpu.memory_space<hbm>> -> memref<1x8x32xf32, #tpu.memory_space<hbm>>
        %dma_wait3A_1781 = arith.constant 40 : i32
        %dma_wait3A_1782 = arith.constant 0 : i32
        %dma_wait3A_1783 = arith.constant 0 : i32
        %dma_wait3A_1784 = tpu.memref_slice %arg7[%dma_wait3A_1781, %dma_wait3A_1782, %dma_wait3A_1783] : memref<64x8x32xf32, #tpu.memory_space<vmem>> -> memref<1x8x32xf32, #tpu.memory_space<vmem>>
        %dma_wait3A_1785 = arith.constant 0 : i32
        %dma_wait3A_1786 = arith.constant 0 : i32
        %dma_wait3A_1787 = tpu.memref_slice %arg3[%shift_right_logical3A_773, %dma_wait3A_1785, %dma_wait3A_1786] : memref<325000x8x32xf32, #tpu.memory_space<hbm>> -> memref<1x8x32xf32, #tpu.memory_space<hbm>>
        tpu.wait_dma2 semaphore(%arg9 : memref<!tpu.dma_semaphore, #tpu.memory_space<semaphore_mem>>) src(%dma_wait3A_1787 : memref<1x8x32xf32, #tpu.memory_space<hbm>>) dst(%dma_wait3A_1784 : memref<1x8x32xf32, #tpu.memory_space<vmem>>)
        %dma_wait3A_1788 = arith.constant 41 : i32
        %dma_wait3A_1789 = arith.constant 0 : i32
        %dma_wait3A_1790 = arith.constant 0 : i32
        %dma_wait3A_1791 = tpu.memref_slice %arg7[%dma_wait3A_1788, %dma_wait3A_1789, %dma_wait3A_1790] : memref<64x8x32xf32, #tpu.memory_space<vmem>> -> memref<1x8x32xf32, #tpu.memory_space<vmem>>
        %dma_wait3A_1792 = arith.constant 0 : i32
        %dma_wait3A_1793 = arith.constant 0 : i32
        %dma_wait3A_1794 = tpu.memref_slice %arg3[%shift_right_logical3A_791, %dma_wait3A_1792, %dma_wait3A_1793] : memref<325000x8x32xf32, #tpu.memory_space<hbm>> -> memref<1x8x32xf32, #tpu.memory_space<hbm>>
        %dma_wait3A_1795 = arith.constant 41 : i32
        %dma_wait3A_1796 = arith.constant 0 : i32
        %dma_wait3A_1797 = arith.constant 0 : i32
        %dma_wait3A_1798 = tpu.memref_slice %arg7[%dma_wait3A_1795, %dma_wait3A_1796, %dma_wait3A_1797] : memref<64x8x32xf32, #tpu.memory_space<vmem>> -> memref<1x8x32xf32, #tpu.memory_space<vmem>>
        %dma_wait3A_1799 = arith.constant 0 : i32
        %dma_wait3A_1800 = arith.constant 0 : i32
        %dma_wait3A_1801 = tpu.memref_slice %arg3[%shift_right_logical3A_791, %dma_wait3A_1799, %dma_wait3A_1800] : memref<325000x8x32xf32, #tpu.memory_space<hbm>> -> memref<1x8x32xf32, #tpu.memory_space<hbm>>
        tpu.wait_dma2 semaphore(%arg9 : memref<!tpu.dma_semaphore, #tpu.memory_space<semaphore_mem>>) src(%dma_wait3A_1801 : memref<1x8x32xf32, #tpu.memory_space<hbm>>) dst(%dma_wait3A_1798 : memref<1x8x32xf32, #tpu.memory_space<vmem>>)
        %dma_wait3A_1802 = arith.constant 42 : i32
        %dma_wait3A_1803 = arith.constant 0 : i32
        %dma_wait3A_1804 = arith.constant 0 : i32
        %dma_wait3A_1805 = tpu.memref_slice %arg7[%dma_wait3A_1802, %dma_wait3A_1803, %dma_wait3A_1804] : memref<64x8x32xf32, #tpu.memory_space<vmem>> -> memref<1x8x32xf32, #tpu.memory_space<vmem>>
        %dma_wait3A_1806 = arith.constant 0 : i32
        %dma_wait3A_1807 = arith.constant 0 : i32
        %dma_wait3A_1808 = tpu.memref_slice %arg3[%shift_right_logical3A_809, %dma_wait3A_1806, %dma_wait3A_1807] : memref<325000x8x32xf32, #tpu.memory_space<hbm>> -> memref<1x8x32xf32, #tpu.memory_space<hbm>>
        %dma_wait3A_1809 = arith.constant 42 : i32
        %dma_wait3A_1810 = arith.constant 0 : i32
        %dma_wait3A_1811 = arith.constant 0 : i32
        %dma_wait3A_1812 = tpu.memref_slice %arg7[%dma_wait3A_1809, %dma_wait3A_1810, %dma_wait3A_1811] : memref<64x8x32xf32, #tpu.memory_space<vmem>> -> memref<1x8x32xf32, #tpu.memory_space<vmem>>
        %dma_wait3A_1813 = arith.constant 0 : i32
        %dma_wait3A_1814 = arith.constant 0 : i32
        %dma_wait3A_1815 = tpu.memref_slice %arg3[%shift_right_logical3A_809, %dma_wait3A_1813, %dma_wait3A_1814] : memref<325000x8x32xf32, #tpu.memory_space<hbm>> -> memref<1x8x32xf32, #tpu.memory_space<hbm>>
        tpu.wait_dma2 semaphore(%arg9 : memref<!tpu.dma_semaphore, #tpu.memory_space<semaphore_mem>>) src(%dma_wait3A_1815 : memref<1x8x32xf32, #tpu.memory_space<hbm>>) dst(%dma_wait3A_1812 : memref<1x8x32xf32, #tpu.memory_space<vmem>>)
        %dma_wait3A_1816 = arith.constant 43 : i32
        %dma_wait3A_1817 = arith.constant 0 : i32
        %dma_wait3A_1818 = arith.constant 0 : i32
        %dma_wait3A_1819 = tpu.memref_slice %arg7[%dma_wait3A_1816, %dma_wait3A_1817, %dma_wait3A_1818] : memref<64x8x32xf32, #tpu.memory_space<vmem>> -> memref<1x8x32xf32, #tpu.memory_space<vmem>>
        %dma_wait3A_1820 = arith.constant 0 : i32
        %dma_wait3A_1821 = arith.constant 0 : i32
        %dma_wait3A_1822 = tpu.memref_slice %arg3[%shift_right_logical3A_827, %dma_wait3A_1820, %dma_wait3A_1821] : memref<325000x8x32xf32, #tpu.memory_space<hbm>> -> memref<1x8x32xf32, #tpu.memory_space<hbm>>
        %dma_wait3A_1823 = arith.constant 43 : i32
        %dma_wait3A_1824 = arith.constant 0 : i32
        %dma_wait3A_1825 = arith.constant 0 : i32
        %dma_wait3A_1826 = tpu.memref_slice %arg7[%dma_wait3A_1823, %dma_wait3A_1824, %dma_wait3A_1825] : memref<64x8x32xf32, #tpu.memory_space<vmem>> -> memref<1x8x32xf32, #tpu.memory_space<vmem>>
        %dma_wait3A_1827 = arith.constant 0 : i32
        %dma_wait3A_1828 = arith.constant 0 : i32
        %dma_wait3A_1829 = tpu.memref_slice %arg3[%shift_right_logical3A_827, %dma_wait3A_1827, %dma_wait3A_1828] : memref<325000x8x32xf32, #tpu.memory_space<hbm>> -> memref<1x8x32xf32, #tpu.memory_space<hbm>>
        tpu.wait_dma2 semaphore(%arg9 : memref<!tpu.dma_semaphore, #tpu.memory_space<semaphore_mem>>) src(%dma_wait3A_1829 : memref<1x8x32xf32, #tpu.memory_space<hbm>>) dst(%dma_wait3A_1826 : memref<1x8x32xf32, #tpu.memory_space<vmem>>)
        %dma_wait3A_1830 = arith.constant 44 : i32
        %dma_wait3A_1831 = arith.constant 0 : i32
        %dma_wait3A_1832 = arith.constant 0 : i32
        %dma_wait3A_1833 = tpu.memref_slice %arg7[%dma_wait3A_1830, %dma_wait3A_1831, %dma_wait3A_1832] : memref<64x8x32xf32, #tpu.memory_space<vmem>> -> memref<1x8x32xf32, #tpu.memory_space<vmem>>
        %dma_wait3A_1834 = arith.constant 0 : i32
        %dma_wait3A_1835 = arith.constant 0 : i32
        %dma_wait3A_1836 = tpu.memref_slice %arg3[%shift_right_logical3A_845, %dma_wait3A_1834, %dma_wait3A_1835] : memref<325000x8x32xf32, #tpu.memory_space<hbm>> -> memref<1x8x32xf32, #tpu.memory_space<hbm>>
        %dma_wait3A_1837 = arith.constant 44 : i32
        %dma_wait3A_1838 = arith.constant 0 : i32
        %dma_wait3A_1839 = arith.constant 0 : i32
        %dma_wait3A_1840 = tpu.memref_slice %arg7[%dma_wait3A_1837, %dma_wait3A_1838, %dma_wait3A_1839] : memref<64x8x32xf32, #tpu.memory_space<vmem>> -> memref<1x8x32xf32, #tpu.memory_space<vmem>>
        %dma_wait3A_1841 = arith.constant 0 : i32
        %dma_wait3A_1842 = arith.constant 0 : i32
        %dma_wait3A_1843 = tpu.memref_slice %arg3[%shift_right_logical3A_845, %dma_wait3A_1841, %dma_wait3A_1842] : memref<325000x8x32xf32, #tpu.memory_space<hbm>> -> memref<1x8x32xf32, #tpu.memory_space<hbm>>
        tpu.wait_dma2 semaphore(%arg9 : memref<!tpu.dma_semaphore, #tpu.memory_space<semaphore_mem>>) src(%dma_wait3A_1843 : memref<1x8x32xf32, #tpu.memory_space<hbm>>) dst(%dma_wait3A_1840 : memref<1x8x32xf32, #tpu.memory_space<vmem>>)
        %dma_wait3A_1844 = arith.constant 45 : i32
        %dma_wait3A_1845 = arith.constant 0 : i32
        %dma_wait3A_1846 = arith.constant 0 : i32
        %dma_wait3A_1847 = tpu.memref_slice %arg7[%dma_wait3A_1844, %dma_wait3A_1845, %dma_wait3A_1846] : memref<64x8x32xf32, #tpu.memory_space<vmem>> -> memref<1x8x32xf32, #tpu.memory_space<vmem>>
        %dma_wait3A_1848 = arith.constant 0 : i32
        %dma_wait3A_1849 = arith.constant 0 : i32
        %dma_wait3A_1850 = tpu.memref_slice %arg3[%shift_right_logical3A_863, %dma_wait3A_1848, %dma_wait3A_1849] : memref<325000x8x32xf32, #tpu.memory_space<hbm>> -> memref<1x8x32xf32, #tpu.memory_space<hbm>>
        %dma_wait3A_1851 = arith.constant 45 : i32
        %dma_wait3A_1852 = arith.constant 0 : i32
        %dma_wait3A_1853 = arith.constant 0 : i32
        %dma_wait3A_1854 = tpu.memref_slice %arg7[%dma_wait3A_1851, %dma_wait3A_1852, %dma_wait3A_1853] : memref<64x8x32xf32, #tpu.memory_space<vmem>> -> memref<1x8x32xf32, #tpu.memory_space<vmem>>
        %dma_wait3A_1855 = arith.constant 0 : i32
        %dma_wait3A_1856 = arith.constant 0 : i32
        %dma_wait3A_1857 = tpu.memref_slice %arg3[%shift_right_logical3A_863, %dma_wait3A_1855, %dma_wait3A_1856] : memref<325000x8x32xf32, #tpu.memory_space<hbm>> -> memref<1x8x32xf32, #tpu.memory_space<hbm>>
        tpu.wait_dma2 semaphore(%arg9 : memref<!tpu.dma_semaphore, #tpu.memory_space<semaphore_mem>>) src(%dma_wait3A_1857 : memref<1x8x32xf32, #tpu.memory_space<hbm>>) dst(%dma_wait3A_1854 : memref<1x8x32xf32, #tpu.memory_space<vmem>>)
        %dma_wait3A_1858 = arith.constant 46 : i32
        %dma_wait3A_1859 = arith.constant 0 : i32
        %dma_wait3A_1860 = arith.constant 0 : i32
        %dma_wait3A_1861 = tpu.memref_slice %arg7[%dma_wait3A_1858, %dma_wait3A_1859, %dma_wait3A_1860] : memref<64x8x32xf32, #tpu.memory_space<vmem>> -> memref<1x8x32xf32, #tpu.memory_space<vmem>>
        %dma_wait3A_1862 = arith.constant 0 : i32
        %dma_wait3A_1863 = arith.constant 0 : i32
        %dma_wait3A_1864 = tpu.memref_slice %arg3[%shift_right_logical3A_881, %dma_wait3A_1862, %dma_wait3A_1863] : memref<325000x8x32xf32, #tpu.memory_space<hbm>> -> memref<1x8x32xf32, #tpu.memory_space<hbm>>
        %dma_wait3A_1865 = arith.constant 46 : i32
        %dma_wait3A_1866 = arith.constant 0 : i32
        %dma_wait3A_1867 = arith.constant 0 : i32
        %dma_wait3A_1868 = tpu.memref_slice %arg7[%dma_wait3A_1865, %dma_wait3A_1866, %dma_wait3A_1867] : memref<64x8x32xf32, #tpu.memory_space<vmem>> -> memref<1x8x32xf32, #tpu.memory_space<vmem>>
        %dma_wait3A_1869 = arith.constant 0 : i32
        %dma_wait3A_1870 = arith.constant 0 : i32
        %dma_wait3A_1871 = tpu.memref_slice %arg3[%shift_right_logical3A_881, %dma_wait3A_1869, %dma_wait3A_1870] : memref<325000x8x32xf32, #tpu.memory_space<hbm>> -> memref<1x8x32xf32, #tpu.memory_space<hbm>>
        tpu.wait_dma2 semaphore(%arg9 : memref<!tpu.dma_semaphore, #tpu.memory_space<semaphore_mem>>) src(%dma_wait3A_1871 : memref<1x8x32xf32, #tpu.memory_space<hbm>>) dst(%dma_wait3A_1868 : memref<1x8x32xf32, #tpu.memory_space<vmem>>)
        %dma_wait3A_1872 = arith.constant 47 : i32
        %dma_wait3A_1873 = arith.constant 0 : i32
        %dma_wait3A_1874 = arith.constant 0 : i32
        %dma_wait3A_1875 = tpu.memref_slice %arg7[%dma_wait3A_1872, %dma_wait3A_1873, %dma_wait3A_1874] : memref<64x8x32xf32, #tpu.memory_space<vmem>> -> memref<1x8x32xf32, #tpu.memory_space<vmem>>
        %dma_wait3A_1876 = arith.constant 0 : i32
        %dma_wait3A_1877 = arith.constant 0 : i32
        %dma_wait3A_1878 = tpu.memref_slice %arg3[%shift_right_logical3A_899, %dma_wait3A_1876, %dma_wait3A_1877] : memref<325000x8x32xf32, #tpu.memory_space<hbm>> -> memref<1x8x32xf32, #tpu.memory_space<hbm>>
        %dma_wait3A_1879 = arith.constant 47 : i32
        %dma_wait3A_1880 = arith.constant 0 : i32
        %dma_wait3A_1881 = arith.constant 0 : i32
        %dma_wait3A_1882 = tpu.memref_slice %arg7[%dma_wait3A_1879, %dma_wait3A_1880, %dma_wait3A_1881] : memref<64x8x32xf32, #tpu.memory_space<vmem>> -> memref<1x8x32xf32, #tpu.memory_space<vmem>>
        %dma_wait3A_1883 = arith.constant 0 : i32
        %dma_wait3A_1884 = arith.constant 0 : i32
        %dma_wait3A_1885 = tpu.memref_slice %arg3[%shift_right_logical3A_899, %dma_wait3A_1883, %dma_wait3A_1884] : memref<325000x8x32xf32, #tpu.memory_space<hbm>> -> memref<1x8x32xf32, #tpu.memory_space<hbm>>
        tpu.wait_dma2 semaphore(%arg9 : memref<!tpu.dma_semaphore, #tpu.memory_space<semaphore_mem>>) src(%dma_wait3A_1885 : memref<1x8x32xf32, #tpu.memory_space<hbm>>) dst(%dma_wait3A_1882 : memref<1x8x32xf32, #tpu.memory_space<vmem>>)
        %dma_wait3A_1886 = arith.constant 48 : i32
        %dma_wait3A_1887 = arith.constant 0 : i32
        %dma_wait3A_1888 = arith.constant 0 : i32
        %dma_wait3A_1889 = tpu.memref_slice %arg7[%dma_wait3A_1886, %dma_wait3A_1887, %dma_wait3A_1888] : memref<64x8x32xf32, #tpu.memory_space<vmem>> -> memref<1x8x32xf32, #tpu.memory_space<vmem>>
        %dma_wait3A_1890 = arith.constant 0 : i32
        %dma_wait3A_1891 = arith.constant 0 : i32
        %dma_wait3A_1892 = tpu.memref_slice %arg3[%shift_right_logical3A_930, %dma_wait3A_1890, %dma_wait3A_1891] : memref<325000x8x32xf32, #tpu.memory_space<hbm>> -> memref<1x8x32xf32, #tpu.memory_space<hbm>>
        %dma_wait3A_1893 = arith.constant 48 : i32
        %dma_wait3A_1894 = arith.constant 0 : i32
        %dma_wait3A_1895 = arith.constant 0 : i32
        %dma_wait3A_1896 = tpu.memref_slice %arg7[%dma_wait3A_1893, %dma_wait3A_1894, %dma_wait3A_1895] : memref<64x8x32xf32, #tpu.memory_space<vmem>> -> memref<1x8x32xf32, #tpu.memory_space<vmem>>
        %dma_wait3A_1897 = arith.constant 0 : i32
        %dma_wait3A_1898 = arith.constant 0 : i32
        %dma_wait3A_1899 = tpu.memref_slice %arg3[%shift_right_logical3A_930, %dma_wait3A_1897, %dma_wait3A_1898] : memref<325000x8x32xf32, #tpu.memory_space<hbm>> -> memref<1x8x32xf32, #tpu.memory_space<hbm>>
        tpu.wait_dma2 semaphore(%arg9 : memref<!tpu.dma_semaphore, #tpu.memory_space<semaphore_mem>>) src(%dma_wait3A_1899 : memref<1x8x32xf32, #tpu.memory_space<hbm>>) dst(%dma_wait3A_1896 : memref<1x8x32xf32, #tpu.memory_space<vmem>>)
        %dma_wait3A_1900 = arith.constant 49 : i32
        %dma_wait3A_1901 = arith.constant 0 : i32
        %dma_wait3A_1902 = arith.constant 0 : i32
        %dma_wait3A_1903 = tpu.memref_slice %arg7[%dma_wait3A_1900, %dma_wait3A_1901, %dma_wait3A_1902] : memref<64x8x32xf32, #tpu.memory_space<vmem>> -> memref<1x8x32xf32, #tpu.memory_space<vmem>>
        %dma_wait3A_1904 = arith.constant 0 : i32
        %dma_wait3A_1905 = arith.constant 0 : i32
        %dma_wait3A_1906 = tpu.memref_slice %arg3[%shift_right_logical3A_948, %dma_wait3A_1904, %dma_wait3A_1905] : memref<325000x8x32xf32, #tpu.memory_space<hbm>> -> memref<1x8x32xf32, #tpu.memory_space<hbm>>
        %dma_wait3A_1907 = arith.constant 49 : i32
        %dma_wait3A_1908 = arith.constant 0 : i32
        %dma_wait3A_1909 = arith.constant 0 : i32
        %dma_wait3A_1910 = tpu.memref_slice %arg7[%dma_wait3A_1907, %dma_wait3A_1908, %dma_wait3A_1909] : memref<64x8x32xf32, #tpu.memory_space<vmem>> -> memref<1x8x32xf32, #tpu.memory_space<vmem>>
        %dma_wait3A_1911 = arith.constant 0 : i32
        %dma_wait3A_1912 = arith.constant 0 : i32
        %dma_wait3A_1913 = tpu.memref_slice %arg3[%shift_right_logical3A_948, %dma_wait3A_1911, %dma_wait3A_1912] : memref<325000x8x32xf32, #tpu.memory_space<hbm>> -> memref<1x8x32xf32, #tpu.memory_space<hbm>>
        tpu.wait_dma2 semaphore(%arg9 : memref<!tpu.dma_semaphore, #tpu.memory_space<semaphore_mem>>) src(%dma_wait3A_1913 : memref<1x8x32xf32, #tpu.memory_space<hbm>>) dst(%dma_wait3A_1910 : memref<1x8x32xf32, #tpu.memory_space<vmem>>)
        %dma_wait3A_1914 = arith.constant 50 : i32
        %dma_wait3A_1915 = arith.constant 0 : i32
        %dma_wait3A_1916 = arith.constant 0 : i32
        %dma_wait3A_1917 = tpu.memref_slice %arg7[%dma_wait3A_1914, %dma_wait3A_1915, %dma_wait3A_1916] : memref<64x8x32xf32, #tpu.memory_space<vmem>> -> memref<1x8x32xf32, #tpu.memory_space<vmem>>
        %dma_wait3A_1918 = arith.constant 0 : i32
        %dma_wait3A_1919 = arith.constant 0 : i32
        %dma_wait3A_1920 = tpu.memref_slice %arg3[%shift_right_logical3A_966, %dma_wait3A_1918, %dma_wait3A_1919] : memref<325000x8x32xf32, #tpu.memory_space<hbm>> -> memref<1x8x32xf32, #tpu.memory_space<hbm>>
        %dma_wait3A_1921 = arith.constant 50 : i32
        %dma_wait3A_1922 = arith.constant 0 : i32
        %dma_wait3A_1923 = arith.constant 0 : i32
        %dma_wait3A_1924 = tpu.memref_slice %arg7[%dma_wait3A_1921, %dma_wait3A_1922, %dma_wait3A_1923] : memref<64x8x32xf32, #tpu.memory_space<vmem>> -> memref<1x8x32xf32, #tpu.memory_space<vmem>>
        %dma_wait3A_1925 = arith.constant 0 : i32
        %dma_wait3A_1926 = arith.constant 0 : i32
        %dma_wait3A_1927 = tpu.memref_slice %arg3[%shift_right_logical3A_966, %dma_wait3A_1925, %dma_wait3A_1926] : memref<325000x8x32xf32, #tpu.memory_space<hbm>> -> memref<1x8x32xf32, #tpu.memory_space<hbm>>
        tpu.wait_dma2 semaphore(%arg9 : memref<!tpu.dma_semaphore, #tpu.memory_space<semaphore_mem>>) src(%dma_wait3A_1927 : memref<1x8x32xf32, #tpu.memory_space<hbm>>) dst(%dma_wait3A_1924 : memref<1x8x32xf32, #tpu.memory_space<vmem>>)
        %dma_wait3A_1928 = arith.constant 51 : i32
        %dma_wait3A_1929 = arith.constant 0 : i32
        %dma_wait3A_1930 = arith.constant 0 : i32
        %dma_wait3A_1931 = tpu.memref_slice %arg7[%dma_wait3A_1928, %dma_wait3A_1929, %dma_wait3A_1930] : memref<64x8x32xf32, #tpu.memory_space<vmem>> -> memref<1x8x32xf32, #tpu.memory_space<vmem>>
        %dma_wait3A_1932 = arith.constant 0 : i32
        %dma_wait3A_1933 = arith.constant 0 : i32
        %dma_wait3A_1934 = tpu.memref_slice %arg3[%shift_right_logical3A_984, %dma_wait3A_1932, %dma_wait3A_1933] : memref<325000x8x32xf32, #tpu.memory_space<hbm>> -> memref<1x8x32xf32, #tpu.memory_space<hbm>>
        %dma_wait3A_1935 = arith.constant 51 : i32
        %dma_wait3A_1936 = arith.constant 0 : i32
        %dma_wait3A_1937 = arith.constant 0 : i32
        %dma_wait3A_1938 = tpu.memref_slice %arg7[%dma_wait3A_1935, %dma_wait3A_1936, %dma_wait3A_1937] : memref<64x8x32xf32, #tpu.memory_space<vmem>> -> memref<1x8x32xf32, #tpu.memory_space<vmem>>
        %dma_wait3A_1939 = arith.constant 0 : i32
        %dma_wait3A_1940 = arith.constant 0 : i32
        %dma_wait3A_1941 = tpu.memref_slice %arg3[%shift_right_logical3A_984, %dma_wait3A_1939, %dma_wait3A_1940] : memref<325000x8x32xf32, #tpu.memory_space<hbm>> -> memref<1x8x32xf32, #tpu.memory_space<hbm>>
        tpu.wait_dma2 semaphore(%arg9 : memref<!tpu.dma_semaphore, #tpu.memory_space<semaphore_mem>>) src(%dma_wait3A_1941 : memref<1x8x32xf32, #tpu.memory_space<hbm>>) dst(%dma_wait3A_1938 : memref<1x8x32xf32, #tpu.memory_space<vmem>>)
        %dma_wait3A_1942 = arith.constant 52 : i32
        %dma_wait3A_1943 = arith.constant 0 : i32
        %dma_wait3A_1944 = arith.constant 0 : i32
        %dma_wait3A_1945 = tpu.memref_slice %arg7[%dma_wait3A_1942, %dma_wait3A_1943, %dma_wait3A_1944] : memref<64x8x32xf32, #tpu.memory_space<vmem>> -> memref<1x8x32xf32, #tpu.memory_space<vmem>>
        %dma_wait3A_1946 = arith.constant 0 : i32
        %dma_wait3A_1947 = arith.constant 0 : i32
        %dma_wait3A_1948 = tpu.memref_slice %arg3[%shift_right_logical3A_1002, %dma_wait3A_1946, %dma_wait3A_1947] : memref<325000x8x32xf32, #tpu.memory_space<hbm>> -> memref<1x8x32xf32, #tpu.memory_space<hbm>>
        %dma_wait3A_1949 = arith.constant 52 : i32
        %dma_wait3A_1950 = arith.constant 0 : i32
        %dma_wait3A_1951 = arith.constant 0 : i32
        %dma_wait3A_1952 = tpu.memref_slice %arg7[%dma_wait3A_1949, %dma_wait3A_1950, %dma_wait3A_1951] : memref<64x8x32xf32, #tpu.memory_space<vmem>> -> memref<1x8x32xf32, #tpu.memory_space<vmem>>
        %dma_wait3A_1953 = arith.constant 0 : i32
        %dma_wait3A_1954 = arith.constant 0 : i32
        %dma_wait3A_1955 = tpu.memref_slice %arg3[%shift_right_logical3A_1002, %dma_wait3A_1953, %dma_wait3A_1954] : memref<325000x8x32xf32, #tpu.memory_space<hbm>> -> memref<1x8x32xf32, #tpu.memory_space<hbm>>
        tpu.wait_dma2 semaphore(%arg9 : memref<!tpu.dma_semaphore, #tpu.memory_space<semaphore_mem>>) src(%dma_wait3A_1955 : memref<1x8x32xf32, #tpu.memory_space<hbm>>) dst(%dma_wait3A_1952 : memref<1x8x32xf32, #tpu.memory_space<vmem>>)
        %dma_wait3A_1956 = arith.constant 53 : i32
        %dma_wait3A_1957 = arith.constant 0 : i32
        %dma_wait3A_1958 = arith.constant 0 : i32
        %dma_wait3A_1959 = tpu.memref_slice %arg7[%dma_wait3A_1956, %dma_wait3A_1957, %dma_wait3A_1958] : memref<64x8x32xf32, #tpu.memory_space<vmem>> -> memref<1x8x32xf32, #tpu.memory_space<vmem>>
        %dma_wait3A_1960 = arith.constant 0 : i32
        %dma_wait3A_1961 = arith.constant 0 : i32
        %dma_wait3A_1962 = tpu.memref_slice %arg3[%shift_right_logical3A_1020, %dma_wait3A_1960, %dma_wait3A_1961] : memref<325000x8x32xf32, #tpu.memory_space<hbm>> -> memref<1x8x32xf32, #tpu.memory_space<hbm>>
        %dma_wait3A_1963 = arith.constant 53 : i32
        %dma_wait3A_1964 = arith.constant 0 : i32
        %dma_wait3A_1965 = arith.constant 0 : i32
        %dma_wait3A_1966 = tpu.memref_slice %arg7[%dma_wait3A_1963, %dma_wait3A_1964, %dma_wait3A_1965] : memref<64x8x32xf32, #tpu.memory_space<vmem>> -> memref<1x8x32xf32, #tpu.memory_space<vmem>>
        %dma_wait3A_1967 = arith.constant 0 : i32
        %dma_wait3A_1968 = arith.constant 0 : i32
        %dma_wait3A_1969 = tpu.memref_slice %arg3[%shift_right_logical3A_1020, %dma_wait3A_1967, %dma_wait3A_1968] : memref<325000x8x32xf32, #tpu.memory_space<hbm>> -> memref<1x8x32xf32, #tpu.memory_space<hbm>>
        tpu.wait_dma2 semaphore(%arg9 : memref<!tpu.dma_semaphore, #tpu.memory_space<semaphore_mem>>) src(%dma_wait3A_1969 : memref<1x8x32xf32, #tpu.memory_space<hbm>>) dst(%dma_wait3A_1966 : memref<1x8x32xf32, #tpu.memory_space<vmem>>)
        %dma_wait3A_1970 = arith.constant 54 : i32
        %dma_wait3A_1971 = arith.constant 0 : i32
        %dma_wait3A_1972 = arith.constant 0 : i32
        %dma_wait3A_1973 = tpu.memref_slice %arg7[%dma_wait3A_1970, %dma_wait3A_1971, %dma_wait3A_1972] : memref<64x8x32xf32, #tpu.memory_space<vmem>> -> memref<1x8x32xf32, #tpu.memory_space<vmem>>
        %dma_wait3A_1974 = arith.constant 0 : i32
        %dma_wait3A_1975 = arith.constant 0 : i32
        %dma_wait3A_1976 = tpu.memref_slice %arg3[%shift_right_logical3A_1038, %dma_wait3A_1974, %dma_wait3A_1975] : memref<325000x8x32xf32, #tpu.memory_space<hbm>> -> memref<1x8x32xf32, #tpu.memory_space<hbm>>
        %dma_wait3A_1977 = arith.constant 54 : i32
        %dma_wait3A_1978 = arith.constant 0 : i32
        %dma_wait3A_1979 = arith.constant 0 : i32
        %dma_wait3A_1980 = tpu.memref_slice %arg7[%dma_wait3A_1977, %dma_wait3A_1978, %dma_wait3A_1979] : memref<64x8x32xf32, #tpu.memory_space<vmem>> -> memref<1x8x32xf32, #tpu.memory_space<vmem>>
        %dma_wait3A_1981 = arith.constant 0 : i32
        %dma_wait3A_1982 = arith.constant 0 : i32
        %dma_wait3A_1983 = tpu.memref_slice %arg3[%shift_right_logical3A_1038, %dma_wait3A_1981, %dma_wait3A_1982] : memref<325000x8x32xf32, #tpu.memory_space<hbm>> -> memref<1x8x32xf32, #tpu.memory_space<hbm>>
        tpu.wait_dma2 semaphore(%arg9 : memref<!tpu.dma_semaphore, #tpu.memory_space<semaphore_mem>>) src(%dma_wait3A_1983 : memref<1x8x32xf32, #tpu.memory_space<hbm>>) dst(%dma_wait3A_1980 : memref<1x8x32xf32, #tpu.memory_space<vmem>>)
        %dma_wait3A_1984 = arith.constant 55 : i32
        %dma_wait3A_1985 = arith.constant 0 : i32
        %dma_wait3A_1986 = arith.constant 0 : i32
        %dma_wait3A_1987 = tpu.memref_slice %arg7[%dma_wait3A_1984, %dma_wait3A_1985, %dma_wait3A_1986] : memref<64x8x32xf32, #tpu.memory_space<vmem>> -> memref<1x8x32xf32, #tpu.memory_space<vmem>>
        %dma_wait3A_1988 = arith.constant 0 : i32
        %dma_wait3A_1989 = arith.constant 0 : i32
        %dma_wait3A_1990 = tpu.memref_slice %arg3[%shift_right_logical3A_1056, %dma_wait3A_1988, %dma_wait3A_1989] : memref<325000x8x32xf32, #tpu.memory_space<hbm>> -> memref<1x8x32xf32, #tpu.memory_space<hbm>>
        %dma_wait3A_1991 = arith.constant 55 : i32
        %dma_wait3A_1992 = arith.constant 0 : i32
        %dma_wait3A_1993 = arith.constant 0 : i32
        %dma_wait3A_1994 = tpu.memref_slice %arg7[%dma_wait3A_1991, %dma_wait3A_1992, %dma_wait3A_1993] : memref<64x8x32xf32, #tpu.memory_space<vmem>> -> memref<1x8x32xf32, #tpu.memory_space<vmem>>
        %dma_wait3A_1995 = arith.constant 0 : i32
        %dma_wait3A_1996 = arith.constant 0 : i32
        %dma_wait3A_1997 = tpu.memref_slice %arg3[%shift_right_logical3A_1056, %dma_wait3A_1995, %dma_wait3A_1996] : memref<325000x8x32xf32, #tpu.memory_space<hbm>> -> memref<1x8x32xf32, #tpu.memory_space<hbm>>
        tpu.wait_dma2 semaphore(%arg9 : memref<!tpu.dma_semaphore, #tpu.memory_space<semaphore_mem>>) src(%dma_wait3A_1997 : memref<1x8x32xf32, #tpu.memory_space<hbm>>) dst(%dma_wait3A_1994 : memref<1x8x32xf32, #tpu.memory_space<vmem>>)
        %dma_wait3A_1998 = arith.constant 56 : i32
        %dma_wait3A_1999 = arith.constant 0 : i32
        %dma_wait3A_2000 = arith.constant 0 : i32
        %dma_wait3A_2001 = tpu.memref_slice %arg7[%dma_wait3A_1998, %dma_wait3A_1999, %dma_wait3A_2000] : memref<64x8x32xf32, #tpu.memory_space<vmem>> -> memref<1x8x32xf32, #tpu.memory_space<vmem>>
        %dma_wait3A_2002 = arith.constant 0 : i32
        %dma_wait3A_2003 = arith.constant 0 : i32
        %dma_wait3A_2004 = tpu.memref_slice %arg3[%shift_right_logical3A_1074, %dma_wait3A_2002, %dma_wait3A_2003] : memref<325000x8x32xf32, #tpu.memory_space<hbm>> -> memref<1x8x32xf32, #tpu.memory_space<hbm>>
        %dma_wait3A_2005 = arith.constant 56 : i32
        %dma_wait3A_2006 = arith.constant 0 : i32
        %dma_wait3A_2007 = arith.constant 0 : i32
        %dma_wait3A_2008 = tpu.memref_slice %arg7[%dma_wait3A_2005, %dma_wait3A_2006, %dma_wait3A_2007] : memref<64x8x32xf32, #tpu.memory_space<vmem>> -> memref<1x8x32xf32, #tpu.memory_space<vmem>>
        %dma_wait3A_2009 = arith.constant 0 : i32
        %dma_wait3A_2010 = arith.constant 0 : i32
        %dma_wait3A_2011 = tpu.memref_slice %arg3[%shift_right_logical3A_1074, %dma_wait3A_2009, %dma_wait3A_2010] : memref<325000x8x32xf32, #tpu.memory_space<hbm>> -> memref<1x8x32xf32, #tpu.memory_space<hbm>>
        tpu.wait_dma2 semaphore(%arg9 : memref<!tpu.dma_semaphore, #tpu.memory_space<semaphore_mem>>) src(%dma_wait3A_2011 : memref<1x8x32xf32, #tpu.memory_space<hbm>>) dst(%dma_wait3A_2008 : memref<1x8x32xf32, #tpu.memory_space<vmem>>)
        %dma_wait3A_2012 = arith.constant 57 : i32
        %dma_wait3A_2013 = arith.constant 0 : i32
        %dma_wait3A_2014 = arith.constant 0 : i32
        %dma_wait3A_2015 = tpu.memref_slice %arg7[%dma_wait3A_2012, %dma_wait3A_2013, %dma_wait3A_2014] : memref<64x8x32xf32, #tpu.memory_space<vmem>> -> memref<1x8x32xf32, #tpu.memory_space<vmem>>
        %dma_wait3A_2016 = arith.constant 0 : i32
        %dma_wait3A_2017 = arith.constant 0 : i32
        %dma_wait3A_2018 = tpu.memref_slice %arg3[%shift_right_logical3A_1092, %dma_wait3A_2016, %dma_wait3A_2017] : memref<325000x8x32xf32, #tpu.memory_space<hbm>> -> memref<1x8x32xf32, #tpu.memory_space<hbm>>
        %dma_wait3A_2019 = arith.constant 57 : i32
        %dma_wait3A_2020 = arith.constant 0 : i32
        %dma_wait3A_2021 = arith.constant 0 : i32
        %dma_wait3A_2022 = tpu.memref_slice %arg7[%dma_wait3A_2019, %dma_wait3A_2020, %dma_wait3A_2021] : memref<64x8x32xf32, #tpu.memory_space<vmem>> -> memref<1x8x32xf32, #tpu.memory_space<vmem>>
        %dma_wait3A_2023 = arith.constant 0 : i32
        %dma_wait3A_2024 = arith.constant 0 : i32
        %dma_wait3A_2025 = tpu.memref_slice %arg3[%shift_right_logical3A_1092, %dma_wait3A_2023, %dma_wait3A_2024] : memref<325000x8x32xf32, #tpu.memory_space<hbm>> -> memref<1x8x32xf32, #tpu.memory_space<hbm>>
        tpu.wait_dma2 semaphore(%arg9 : memref<!tpu.dma_semaphore, #tpu.memory_space<semaphore_mem>>) src(%dma_wait3A_2025 : memref<1x8x32xf32, #tpu.memory_space<hbm>>) dst(%dma_wait3A_2022 : memref<1x8x32xf32, #tpu.memory_space<vmem>>)
        %dma_wait3A_2026 = arith.constant 58 : i32
        %dma_wait3A_2027 = arith.constant 0 : i32
        %dma_wait3A_2028 = arith.constant 0 : i32
        %dma_wait3A_2029 = tpu.memref_slice %arg7[%dma_wait3A_2026, %dma_wait3A_2027, %dma_wait3A_2028] : memref<64x8x32xf32, #tpu.memory_space<vmem>> -> memref<1x8x32xf32, #tpu.memory_space<vmem>>
        %dma_wait3A_2030 = arith.constant 0 : i32
        %dma_wait3A_2031 = arith.constant 0 : i32
        %dma_wait3A_2032 = tpu.memref_slice %arg3[%shift_right_logical3A_1110, %dma_wait3A_2030, %dma_wait3A_2031] : memref<325000x8x32xf32, #tpu.memory_space<hbm>> -> memref<1x8x32xf32, #tpu.memory_space<hbm>>
        %dma_wait3A_2033 = arith.constant 58 : i32
        %dma_wait3A_2034 = arith.constant 0 : i32
        %dma_wait3A_2035 = arith.constant 0 : i32
        %dma_wait3A_2036 = tpu.memref_slice %arg7[%dma_wait3A_2033, %dma_wait3A_2034, %dma_wait3A_2035] : memref<64x8x32xf32, #tpu.memory_space<vmem>> -> memref<1x8x32xf32, #tpu.memory_space<vmem>>
        %dma_wait3A_2037 = arith.constant 0 : i32
        %dma_wait3A_2038 = arith.constant 0 : i32
        %dma_wait3A_2039 = tpu.memref_slice %arg3[%shift_right_logical3A_1110, %dma_wait3A_2037, %dma_wait3A_2038] : memref<325000x8x32xf32, #tpu.memory_space<hbm>> -> memref<1x8x32xf32, #tpu.memory_space<hbm>>
        tpu.wait_dma2 semaphore(%arg9 : memref<!tpu.dma_semaphore, #tpu.memory_space<semaphore_mem>>) src(%dma_wait3A_2039 : memref<1x8x32xf32, #tpu.memory_space<hbm>>) dst(%dma_wait3A_2036 : memref<1x8x32xf32, #tpu.memory_space<vmem>>)
        %dma_wait3A_2040 = arith.constant 59 : i32
        %dma_wait3A_2041 = arith.constant 0 : i32
        %dma_wait3A_2042 = arith.constant 0 : i32
        %dma_wait3A_2043 = tpu.memref_slice %arg7[%dma_wait3A_2040, %dma_wait3A_2041, %dma_wait3A_2042] : memref<64x8x32xf32, #tpu.memory_space<vmem>> -> memref<1x8x32xf32, #tpu.memory_space<vmem>>
        %dma_wait3A_2044 = arith.constant 0 : i32
        %dma_wait3A_2045 = arith.constant 0 : i32
        %dma_wait3A_2046 = tpu.memref_slice %arg3[%shift_right_logical3A_1128, %dma_wait3A_2044, %dma_wait3A_2045] : memref<325000x8x32xf32, #tpu.memory_space<hbm>> -> memref<1x8x32xf32, #tpu.memory_space<hbm>>
        %dma_wait3A_2047 = arith.constant 59 : i32
        %dma_wait3A_2048 = arith.constant 0 : i32
        %dma_wait3A_2049 = arith.constant 0 : i32
        %dma_wait3A_2050 = tpu.memref_slice %arg7[%dma_wait3A_2047, %dma_wait3A_2048, %dma_wait3A_2049] : memref<64x8x32xf32, #tpu.memory_space<vmem>> -> memref<1x8x32xf32, #tpu.memory_space<vmem>>
        %dma_wait3A_2051 = arith.constant 0 : i32
        %dma_wait3A_2052 = arith.constant 0 : i32
        %dma_wait3A_2053 = tpu.memref_slice %arg3[%shift_right_logical3A_1128, %dma_wait3A_2051, %dma_wait3A_2052] : memref<325000x8x32xf32, #tpu.memory_space<hbm>> -> memref<1x8x32xf32, #tpu.memory_space<hbm>>
        tpu.wait_dma2 semaphore(%arg9 : memref<!tpu.dma_semaphore, #tpu.memory_space<semaphore_mem>>) src(%dma_wait3A_2053 : memref<1x8x32xf32, #tpu.memory_space<hbm>>) dst(%dma_wait3A_2050 : memref<1x8x32xf32, #tpu.memory_space<vmem>>)
        %dma_wait3A_2054 = arith.constant 60 : i32
        %dma_wait3A_2055 = arith.constant 0 : i32
        %dma_wait3A_2056 = arith.constant 0 : i32
        %dma_wait3A_2057 = tpu.memref_slice %arg7[%dma_wait3A_2054, %dma_wait3A_2055, %dma_wait3A_2056] : memref<64x8x32xf32, #tpu.memory_space<vmem>> -> memref<1x8x32xf32, #tpu.memory_space<vmem>>
        %dma_wait3A_2058 = arith.constant 0 : i32
        %dma_wait3A_2059 = arith.constant 0 : i32
        %dma_wait3A_2060 = tpu.memref_slice %arg3[%shift_right_logical3A_1146, %dma_wait3A_2058, %dma_wait3A_2059] : memref<325000x8x32xf32, #tpu.memory_space<hbm>> -> memref<1x8x32xf32, #tpu.memory_space<hbm>>
        %dma_wait3A_2061 = arith.constant 60 : i32
        %dma_wait3A_2062 = arith.constant 0 : i32
        %dma_wait3A_2063 = arith.constant 0 : i32
        %dma_wait3A_2064 = tpu.memref_slice %arg7[%dma_wait3A_2061, %dma_wait3A_2062, %dma_wait3A_2063] : memref<64x8x32xf32, #tpu.memory_space<vmem>> -> memref<1x8x32xf32, #tpu.memory_space<vmem>>
        %dma_wait3A_2065 = arith.constant 0 : i32
        %dma_wait3A_2066 = arith.constant 0 : i32
        %dma_wait3A_2067 = tpu.memref_slice %arg3[%shift_right_logical3A_1146, %dma_wait3A_2065, %dma_wait3A_2066] : memref<325000x8x32xf32, #tpu.memory_space<hbm>> -> memref<1x8x32xf32, #tpu.memory_space<hbm>>
        tpu.wait_dma2 semaphore(%arg9 : memref<!tpu.dma_semaphore, #tpu.memory_space<semaphore_mem>>) src(%dma_wait3A_2067 : memref<1x8x32xf32, #tpu.memory_space<hbm>>) dst(%dma_wait3A_2064 : memref<1x8x32xf32, #tpu.memory_space<vmem>>)
        %dma_wait3A_2068 = arith.constant 61 : i32
        %dma_wait3A_2069 = arith.constant 0 : i32
        %dma_wait3A_2070 = arith.constant 0 : i32
        %dma_wait3A_2071 = tpu.memref_slice %arg7[%dma_wait3A_2068, %dma_wait3A_2069, %dma_wait3A_2070] : memref<64x8x32xf32, #tpu.memory_space<vmem>> -> memref<1x8x32xf32, #tpu.memory_space<vmem>>
        %dma_wait3A_2072 = arith.constant 0 : i32
        %dma_wait3A_2073 = arith.constant 0 : i32
        %dma_wait3A_2074 = tpu.memref_slice %arg3[%shift_right_logical3A_1164, %dma_wait3A_2072, %dma_wait3A_2073] : memref<325000x8x32xf32, #tpu.memory_space<hbm>> -> memref<1x8x32xf32, #tpu.memory_space<hbm>>
        %dma_wait3A_2075 = arith.constant 61 : i32
        %dma_wait3A_2076 = arith.constant 0 : i32
        %dma_wait3A_2077 = arith.constant 0 : i32
        %dma_wait3A_2078 = tpu.memref_slice %arg7[%dma_wait3A_2075, %dma_wait3A_2076, %dma_wait3A_2077] : memref<64x8x32xf32, #tpu.memory_space<vmem>> -> memref<1x8x32xf32, #tpu.memory_space<vmem>>
        %dma_wait3A_2079 = arith.constant 0 : i32
        %dma_wait3A_2080 = arith.constant 0 : i32
        %dma_wait3A_2081 = tpu.memref_slice %arg3[%shift_right_logical3A_1164, %dma_wait3A_2079, %dma_wait3A_2080] : memref<325000x8x32xf32, #tpu.memory_space<hbm>> -> memref<1x8x32xf32, #tpu.memory_space<hbm>>
        tpu.wait_dma2 semaphore(%arg9 : memref<!tpu.dma_semaphore, #tpu.memory_space<semaphore_mem>>) src(%dma_wait3A_2081 : memref<1x8x32xf32, #tpu.memory_space<hbm>>) dst(%dma_wait3A_2078 : memref<1x8x32xf32, #tpu.memory_space<vmem>>)
        %dma_wait3A_2082 = arith.constant 62 : i32
        %dma_wait3A_2083 = arith.constant 0 : i32
        %dma_wait3A_2084 = arith.constant 0 : i32
        %dma_wait3A_2085 = tpu.memref_slice %arg7[%dma_wait3A_2082, %dma_wait3A_2083, %dma_wait3A_2084] : memref<64x8x32xf32, #tpu.memory_space<vmem>> -> memref<1x8x32xf32, #tpu.memory_space<vmem>>
        %dma_wait3A_2086 = arith.constant 0 : i32
        %dma_wait3A_2087 = arith.constant 0 : i32
        %dma_wait3A_2088 = tpu.memref_slice %arg3[%shift_right_logical3A_1182, %dma_wait3A_2086, %dma_wait3A_2087] : memref<325000x8x32xf32, #tpu.memory_space<hbm>> -> memref<1x8x32xf32, #tpu.memory_space<hbm>>
        %dma_wait3A_2089 = arith.constant 62 : i32
        %dma_wait3A_2090 = arith.constant 0 : i32
        %dma_wait3A_2091 = arith.constant 0 : i32
        %dma_wait3A_2092 = tpu.memref_slice %arg7[%dma_wait3A_2089, %dma_wait3A_2090, %dma_wait3A_2091] : memref<64x8x32xf32, #tpu.memory_space<vmem>> -> memref<1x8x32xf32, #tpu.memory_space<vmem>>
        %dma_wait3A_2093 = arith.constant 0 : i32
        %dma_wait3A_2094 = arith.constant 0 : i32
        %dma_wait3A_2095 = tpu.memref_slice %arg3[%shift_right_logical3A_1182, %dma_wait3A_2093, %dma_wait3A_2094] : memref<325000x8x32xf32, #tpu.memory_space<hbm>> -> memref<1x8x32xf32, #tpu.memory_space<hbm>>
        tpu.wait_dma2 semaphore(%arg9 : memref<!tpu.dma_semaphore, #tpu.memory_space<semaphore_mem>>) src(%dma_wait3A_2095 : memref<1x8x32xf32, #tpu.memory_space<hbm>>) dst(%dma_wait3A_2092 : memref<1x8x32xf32, #tpu.memory_space<vmem>>)
        %dma_wait3A_2096 = arith.constant 63 : i32
        %dma_wait3A_2097 = arith.constant 0 : i32
        %dma_wait3A_2098 = arith.constant 0 : i32
        %dma_wait3A_2099 = tpu.memref_slice %arg7[%dma_wait3A_2096, %dma_wait3A_2097, %dma_wait3A_2098] : memref<64x8x32xf32, #tpu.memory_space<vmem>> -> memref<1x8x32xf32, #tpu.memory_space<vmem>>
        %dma_wait3A_2100 = arith.constant 0 : i32
        %dma_wait3A_2101 = arith.constant 0 : i32
        %dma_wait3A_2102 = tpu.memref_slice %arg3[%shift_right_logical3A_1200, %dma_wait3A_2100, %dma_wait3A_2101] : memref<325000x8x32xf32, #tpu.memory_space<hbm>> -> memref<1x8x32xf32, #tpu.memory_space<hbm>>
        %dma_wait3A_2103 = arith.constant 63 : i32
        %dma_wait3A_2104 = arith.constant 0 : i32
        %dma_wait3A_2105 = arith.constant 0 : i32
        %dma_wait3A_2106 = tpu.memref_slice %arg7[%dma_wait3A_2103, %dma_wait3A_2104, %dma_wait3A_2105] : memref<64x8x32xf32, #tpu.memory_space<vmem>> -> memref<1x8x32xf32, #tpu.memory_space<vmem>>
        %dma_wait3A_2107 = arith.constant 0 : i32
        %dma_wait3A_2108 = arith.constant 0 : i32
        %dma_wait3A_2109 = tpu.memref_slice %arg3[%shift_right_logical3A_1200, %dma_wait3A_2107, %dma_wait3A_2108] : memref<325000x8x32xf32, #tpu.memory_space<hbm>> -> memref<1x8x32xf32, #tpu.memory_space<hbm>>
        tpu.wait_dma2 semaphore(%arg9 : memref<!tpu.dma_semaphore, #tpu.memory_space<semaphore_mem>>) src(%dma_wait3A_2109 : memref<1x8x32xf32, #tpu.memory_space<hbm>>) dst(%dma_wait3A_2106 : memref<1x8x32xf32, #tpu.memory_space<vmem>>)
        %scan3A_2110 = arith.constant 0 : i32
        %scan3A_2111 = arith.constant 0 : i32
        %scan3A_2112 = arith.constant 4 : i32
        %scan3A_2113 = arith.addi %scan3A_2111, %scan3A_2112 : i32
        %scan3A_2114 = arith.constant 1 : i32
        scf.for %scan3A_2116 = %scan3A_2111 to %scan3A_2113 step %scan3A_2114  : i32 {
          %mul3A_2117 = arith.constant 16 : i32
          %mul3A_2118 = arith.muli %scan3A_2116, %mul3A_2117 : i32
          %iota3A = tpu.iota {dimensions = array<i32: 0>} : vector<16xi32>
          %add3A_2119 = vector.broadcast %mul3A_2118 : i32 to vector<16xi32>
          %add3A_2120 = arith.addi %add3A_2119, %iota3A : vector<16xi32>
          %mul3A_2121 = arith.constant 16 : i32
          %mul3A_2122 = arith.muli %scan3A_2116, %mul3A_2121 : i32
          %get3A_2123 = arith.index_cast %mul3A_2122 : i32 to index
          %get3A_2124 = tpu.vector_load %arg6[%get3A_2123] {strides = array<i32>} : memref<64xi32, #tpu.memory_space<vmem>>, vector<16xi32>,
          %broadcast_in_dim3A = arith.constant 0 : i32
          %broadcast_in_dim3A_2125 = vector.broadcast %broadcast_in_dim3A : i32 to vector<16xi32>
          %gather3A = tpu.vector_load_idx %arg7[%add3A_2120, %get3A_2124, %broadcast_in_dim3A_2125] : memref<64x8x32xf32, #tpu.memory_space<vmem>>[vector<16xi32>, vector<16xi32>, vector<16xi32>], vector<16xf32>,
          %mul3A_2126 = arith.constant 64 : i32
          %mul3A_2127 = arith.muli %scan3A_17, %mul3A_2126 : i32
          %mul3A_2128 = arith.constant 16 : i32
          %mul3A_2129 = arith.muli %scan3A_2116, %mul3A_2128 : i32
          %add3A_2130 = arith.addi %mul3A_2127, %mul3A_2129 : i32
          %swap3A_2131 = arith.constant 0 : i32
          %swap3A_2132 = arith.index_cast %swap3A_2131 : i32 to index
          %swap3A_2133 = arith.index_cast %add3A_2130 : i32 to index
          %swap3A_2134 = tpu.vector_load %arg8[%swap3A_2132, %swap3A_2133] {strides = array<i32>} : memref<32x512xf32, #tpu.memory_space<vmem>>, vector<16xf32>,
          tpu.vector_store %arg8[%swap3A_2132, %swap3A_2133], %gather3A {strides = array<i32>} : memref<32x512xf32, #tpu.memory_space<vmem>>, vector<16xf32>,
          %broadcast_in_dim3A_2135 = arith.constant 1 : i32
          %broadcast_in_dim3A_2136 = vector.broadcast %broadcast_in_dim3A_2135 : i32 to vector<16xi32>
          %gather3A_2137 = tpu.vector_load_idx %arg7[%add3A_2120, %get3A_2124, %broadcast_in_dim3A_2136] : memref<64x8x32xf32, #tpu.memory_space<vmem>>[vector<16xi32>, vector<16xi32>, vector<16xi32>], vector<16xf32>,
          %mul3A_2138 = arith.constant 64 : i32
          %mul3A_2139 = arith.muli %scan3A_17, %mul3A_2138 : i32
          %mul3A_2140 = arith.constant 16 : i32
          %mul3A_2141 = arith.muli %scan3A_2116, %mul3A_2140 : i32
          %add3A_2142 = arith.addi %mul3A_2139, %mul3A_2141 : i32
          %swap3A_2143 = arith.constant 1 : i32
          %swap3A_2144 = arith.index_cast %swap3A_2143 : i32 to index
          %swap3A_2145 = arith.index_cast %add3A_2142 : i32 to index
          %swap3A_2146 = tpu.vector_load %arg8[%swap3A_2144, %swap3A_2145] {strides = array<i32>} : memref<32x512xf32, #tpu.memory_space<vmem>>, vector<16xf32>,
          tpu.vector_store %arg8[%swap3A_2144, %swap3A_2145], %gather3A_2137 {strides = array<i32>} : memref<32x512xf32, #tpu.memory_space<vmem>>, vector<16xf32>,
          %broadcast_in_dim3A_2147 = arith.constant 2 : i32
          %broadcast_in_dim3A_2148 = vector.broadcast %broadcast_in_dim3A_2147 : i32 to vector<16xi32>
          %gather3A_2149 = tpu.vector_load_idx %arg7[%add3A_2120, %get3A_2124, %broadcast_in_dim3A_2148] : memref<64x8x32xf32, #tpu.memory_space<vmem>>[vector<16xi32>, vector<16xi32>, vector<16xi32>], vector<16xf32>,
          %mul3A_2150 = arith.constant 64 : i32
          %mul3A_2151 = arith.muli %scan3A_17, %mul3A_2150 : i32
          %mul3A_2152 = arith.constant 16 : i32
          %mul3A_2153 = arith.muli %scan3A_2116, %mul3A_2152 : i32
          %add3A_2154 = arith.addi %mul3A_2151, %mul3A_2153 : i32
          %swap3A_2155 = arith.constant 2 : i32
          %swap3A_2156 = arith.index_cast %swap3A_2155 : i32 to index
          %swap3A_2157 = arith.index_cast %add3A_2154 : i32 to index
          %swap3A_2158 = tpu.vector_load %arg8[%swap3A_2156, %swap3A_2157] {strides = array<i32>} : memref<32x512xf32, #tpu.memory_space<vmem>>, vector<16xf32>,
          tpu.vector_store %arg8[%swap3A_2156, %swap3A_2157], %gather3A_2149 {strides = array<i32>} : memref<32x512xf32, #tpu.memory_space<vmem>>, vector<16xf32>,
          %broadcast_in_dim3A_2159 = arith.constant 3 : i32
          %broadcast_in_dim3A_2160 = vector.broadcast %broadcast_in_dim3A_2159 : i32 to vector<16xi32>
          %gather3A_2161 = tpu.vector_load_idx %arg7[%add3A_2120, %get3A_2124, %broadcast_in_dim3A_2160] : memref<64x8x32xf32, #tpu.memory_space<vmem>>[vector<16xi32>, vector<16xi32>, vector<16xi32>], vector<16xf32>,
          %mul3A_2162 = arith.constant 64 : i32
          %mul3A_2163 = arith.muli %scan3A_17, %mul3A_2162 : i32
          %mul3A_2164 = arith.constant 16 : i32
          %mul3A_2165 = arith.muli %scan3A_2116, %mul3A_2164 : i32
          %add3A_2166 = arith.addi %mul3A_2163, %mul3A_2165 : i32
          %swap3A_2167 = arith.constant 3 : i32
          %swap3A_2168 = arith.index_cast %swap3A_2167 : i32 to index
          %swap3A_2169 = arith.index_cast %add3A_2166 : i32 to index
          %swap3A_2170 = tpu.vector_load %arg8[%swap3A_2168, %swap3A_2169] {strides = array<i32>} : memref<32x512xf32, #tpu.memory_space<vmem>>, vector<16xf32>,
          tpu.vector_store %arg8[%swap3A_2168, %swap3A_2169], %gather3A_2161 {strides = array<i32>} : memref<32x512xf32, #tpu.memory_space<vmem>>, vector<16xf32>,
          %broadcast_in_dim3A_2171 = arith.constant 4 : i32
          %broadcast_in_dim3A_2172 = vector.broadcast %broadcast_in_dim3A_2171 : i32 to vector<16xi32>
          %gather3A_2173 = tpu.vector_load_idx %arg7[%add3A_2120, %get3A_2124, %broadcast_in_dim3A_2172] : memref<64x8x32xf32, #tpu.memory_space<vmem>>[vector<16xi32>, vector<16xi32>, vector<16xi32>], vector<16xf32>,
          %mul3A_2174 = arith.constant 64 : i32
          %mul3A_2175 = arith.muli %scan3A_17, %mul3A_2174 : i32
          %mul3A_2176 = arith.constant 16 : i32
          %mul3A_2177 = arith.muli %scan3A_2116, %mul3A_2176 : i32
          %add3A_2178 = arith.addi %mul3A_2175, %mul3A_2177 : i32
          %swap3A_2179 = arith.constant 4 : i32
          %swap3A_2180 = arith.index_cast %swap3A_2179 : i32 to index
          %swap3A_2181 = arith.index_cast %add3A_2178 : i32 to index
          %swap3A_2182 = tpu.vector_load %arg8[%swap3A_2180, %swap3A_2181] {strides = array<i32>} : memref<32x512xf32, #tpu.memory_space<vmem>>, vector<16xf32>,
          tpu.vector_store %arg8[%swap3A_2180, %swap3A_2181], %gather3A_2173 {strides = array<i32>} : memref<32x512xf32, #tpu.memory_space<vmem>>, vector<16xf32>,
          %broadcast_in_dim3A_2183 = arith.constant 5 : i32
          %broadcast_in_dim3A_2184 = vector.broadcast %broadcast_in_dim3A_2183 : i32 to vector<16xi32>
          %gather3A_2185 = tpu.vector_load_idx %arg7[%add3A_2120, %get3A_2124, %broadcast_in_dim3A_2184] : memref<64x8x32xf32, #tpu.memory_space<vmem>>[vector<16xi32>, vector<16xi32>, vector<16xi32>], vector<16xf32>,
          %mul3A_2186 = arith.constant 64 : i32
          %mul3A_2187 = arith.muli %scan3A_17, %mul3A_2186 : i32
          %mul3A_2188 = arith.constant 16 : i32
          %mul3A_2189 = arith.muli %scan3A_2116, %mul3A_2188 : i32
          %add3A_2190 = arith.addi %mul3A_2187, %mul3A_2189 : i32
          %swap3A_2191 = arith.constant 5 : i32
          %swap3A_2192 = arith.index_cast %swap3A_2191 : i32 to index
          %swap3A_2193 = arith.index_cast %add3A_2190 : i32 to index
          %swap3A_2194 = tpu.vector_load %arg8[%swap3A_2192, %swap3A_2193] {strides = array<i32>} : memref<32x512xf32, #tpu.memory_space<vmem>>, vector<16xf32>,
          tpu.vector_store %arg8[%swap3A_2192, %swap3A_2193], %gather3A_2185 {strides = array<i32>} : memref<32x512xf32, #tpu.memory_space<vmem>>, vector<16xf32>,
          %broadcast_in_dim3A_2195 = arith.constant 6 : i32
          %broadcast_in_dim3A_2196 = vector.broadcast %broadcast_in_dim3A_2195 : i32 to vector<16xi32>
          %gather3A_2197 = tpu.vector_load_idx %arg7[%add3A_2120, %get3A_2124, %broadcast_in_dim3A_2196] : memref<64x8x32xf32, #tpu.memory_space<vmem>>[vector<16xi32>, vector<16xi32>, vector<16xi32>], vector<16xf32>,
          %mul3A_2198 = arith.constant 64 : i32
          %mul3A_2199 = arith.muli %scan3A_17, %mul3A_2198 : i32
          %mul3A_2200 = arith.constant 16 : i32
          %mul3A_2201 = arith.muli %scan3A_2116, %mul3A_2200 : i32
          %add3A_2202 = arith.addi %mul3A_2199, %mul3A_2201 : i32
          %swap3A_2203 = arith.constant 6 : i32
          %swap3A_2204 = arith.index_cast %swap3A_2203 : i32 to index
          %swap3A_2205 = arith.index_cast %add3A_2202 : i32 to index
          %swap3A_2206 = tpu.vector_load %arg8[%swap3A_2204, %swap3A_2205] {strides = array<i32>} : memref<32x512xf32, #tpu.memory_space<vmem>>, vector<16xf32>,
          tpu.vector_store %arg8[%swap3A_2204, %swap3A_2205], %gather3A_2197 {strides = array<i32>} : memref<32x512xf32, #tpu.memory_space<vmem>>, vector<16xf32>,
          %broadcast_in_dim3A_2207 = arith.constant 7 : i32
          %broadcast_in_dim3A_2208 = vector.broadcast %broadcast_in_dim3A_2207 : i32 to vector<16xi32>
          %gather3A_2209 = tpu.vector_load_idx %arg7[%add3A_2120, %get3A_2124, %broadcast_in_dim3A_2208] : memref<64x8x32xf32, #tpu.memory_space<vmem>>[vector<16xi32>, vector<16xi32>, vector<16xi32>], vector<16xf32>,
          %mul3A_2210 = arith.constant 64 : i32
          %mul3A_2211 = arith.muli %scan3A_17, %mul3A_2210 : i32
          %mul3A_2212 = arith.constant 16 : i32
          %mul3A_2213 = arith.muli %scan3A_2116, %mul3A_2212 : i32
          %add3A_2214 = arith.addi %mul3A_2211, %mul3A_2213 : i32
          %swap3A_2215 = arith.constant 7 : i32
          %swap3A_2216 = arith.index_cast %swap3A_2215 : i32 to index
          %swap3A_2217 = arith.index_cast %add3A_2214 : i32 to index
          %swap3A_2218 = tpu.vector_load %arg8[%swap3A_2216, %swap3A_2217] {strides = array<i32>} : memref<32x512xf32, #tpu.memory_space<vmem>>, vector<16xf32>,
          tpu.vector_store %arg8[%swap3A_2216, %swap3A_2217], %gather3A_2209 {strides = array<i32>} : memref<32x512xf32, #tpu.memory_space<vmem>>, vector<16xf32>,
          %broadcast_in_dim3A_2219 = arith.constant 8 : i32
          %broadcast_in_dim3A_2220 = vector.broadcast %broadcast_in_dim3A_2219 : i32 to vector<16xi32>
          %gather3A_2221 = tpu.vector_load_idx %arg7[%add3A_2120, %get3A_2124, %broadcast_in_dim3A_2220] : memref<64x8x32xf32, #tpu.memory_space<vmem>>[vector<16xi32>, vector<16xi32>, vector<16xi32>], vector<16xf32>,
          %mul3A_2222 = arith.constant 64 : i32
          %mul3A_2223 = arith.muli %scan3A_17, %mul3A_2222 : i32
          %mul3A_2224 = arith.constant 16 : i32
          %mul3A_2225 = arith.muli %scan3A_2116, %mul3A_2224 : i32
          %add3A_2226 = arith.addi %mul3A_2223, %mul3A_2225 : i32
          %swap3A_2227 = arith.constant 8 : i32
          %swap3A_2228 = arith.index_cast %swap3A_2227 : i32 to index
          %swap3A_2229 = arith.index_cast %add3A_2226 : i32 to index
          %swap3A_2230 = tpu.vector_load %arg8[%swap3A_2228, %swap3A_2229] {strides = array<i32>} : memref<32x512xf32, #tpu.memory_space<vmem>>, vector<16xf32>,
          tpu.vector_store %arg8[%swap3A_2228, %swap3A_2229], %gather3A_2221 {strides = array<i32>} : memref<32x512xf32, #tpu.memory_space<vmem>>, vector<16xf32>,
          %broadcast_in_dim3A_2231 = arith.constant 9 : i32
          %broadcast_in_dim3A_2232 = vector.broadcast %broadcast_in_dim3A_2231 : i32 to vector<16xi32>
          %gather3A_2233 = tpu.vector_load_idx %arg7[%add3A_2120, %get3A_2124, %broadcast_in_dim3A_2232] : memref<64x8x32xf32, #tpu.memory_space<vmem>>[vector<16xi32>, vector<16xi32>, vector<16xi32>], vector<16xf32>,
          %mul3A_2234 = arith.constant 64 : i32
          %mul3A_2235 = arith.muli %scan3A_17, %mul3A_2234 : i32
          %mul3A_2236 = arith.constant 16 : i32
          %mul3A_2237 = arith.muli %scan3A_2116, %mul3A_2236 : i32
          %add3A_2238 = arith.addi %mul3A_2235, %mul3A_2237 : i32
          %swap3A_2239 = arith.constant 9 : i32
          %swap3A_2240 = arith.index_cast %swap3A_2239 : i32 to index
          %swap3A_2241 = arith.index_cast %add3A_2238 : i32 to index
          %swap3A_2242 = tpu.vector_load %arg8[%swap3A_2240, %swap3A_2241] {strides = array<i32>} : memref<32x512xf32, #tpu.memory_space<vmem>>, vector<16xf32>,
          tpu.vector_store %arg8[%swap3A_2240, %swap3A_2241], %gather3A_2233 {strides = array<i32>} : memref<32x512xf32, #tpu.memory_space<vmem>>, vector<16xf32>,
          %broadcast_in_dim3A_2243 = arith.constant 10 : i32
          %broadcast_in_dim3A_2244 = vector.broadcast %broadcast_in_dim3A_2243 : i32 to vector<16xi32>
          %gather3A_2245 = tpu.vector_load_idx %arg7[%add3A_2120, %get3A_2124, %broadcast_in_dim3A_2244] : memref<64x8x32xf32, #tpu.memory_space<vmem>>[vector<16xi32>, vector<16xi32>, vector<16xi32>], vector<16xf32>,
          %mul3A_2246 = arith.constant 64 : i32
          %mul3A_2247 = arith.muli %scan3A_17, %mul3A_2246 : i32
          %mul3A_2248 = arith.constant 16 : i32
          %mul3A_2249 = arith.muli %scan3A_2116, %mul3A_2248 : i32
          %add3A_2250 = arith.addi %mul3A_2247, %mul3A_2249 : i32
          %swap3A_2251 = arith.constant 10 : i32
          %swap3A_2252 = arith.index_cast %swap3A_2251 : i32 to index
          %swap3A_2253 = arith.index_cast %add3A_2250 : i32 to index
          %swap3A_2254 = tpu.vector_load %arg8[%swap3A_2252, %swap3A_2253] {strides = array<i32>} : memref<32x512xf32, #tpu.memory_space<vmem>>, vector<16xf32>,
          tpu.vector_store %arg8[%swap3A_2252, %swap3A_2253], %gather3A_2245 {strides = array<i32>} : memref<32x512xf32, #tpu.memory_space<vmem>>, vector<16xf32>,
          %broadcast_in_dim3A_2255 = arith.constant 11 : i32
          %broadcast_in_dim3A_2256 = vector.broadcast %broadcast_in_dim3A_2255 : i32 to vector<16xi32>
          %gather3A_2257 = tpu.vector_load_idx %arg7[%add3A_2120, %get3A_2124, %broadcast_in_dim3A_2256] : memref<64x8x32xf32, #tpu.memory_space<vmem>>[vector<16xi32>, vector<16xi32>, vector<16xi32>], vector<16xf32>,
          %mul3A_2258 = arith.constant 64 : i32
          %mul3A_2259 = arith.muli %scan3A_17, %mul3A_2258 : i32
          %mul3A_2260 = arith.constant 16 : i32
          %mul3A_2261 = arith.muli %scan3A_2116, %mul3A_2260 : i32
          %add3A_2262 = arith.addi %mul3A_2259, %mul3A_2261 : i32
          %swap3A_2263 = arith.constant 11 : i32
          %swap3A_2264 = arith.index_cast %swap3A_2263 : i32 to index
          %swap3A_2265 = arith.index_cast %add3A_2262 : i32 to index
          %swap3A_2266 = tpu.vector_load %arg8[%swap3A_2264, %swap3A_2265] {strides = array<i32>} : memref<32x512xf32, #tpu.memory_space<vmem>>, vector<16xf32>,
          tpu.vector_store %arg8[%swap3A_2264, %swap3A_2265], %gather3A_2257 {strides = array<i32>} : memref<32x512xf32, #tpu.memory_space<vmem>>, vector<16xf32>,
          %broadcast_in_dim3A_2267 = arith.constant 12 : i32
          %broadcast_in_dim3A_2268 = vector.broadcast %broadcast_in_dim3A_2267 : i32 to vector<16xi32>
          %gather3A_2269 = tpu.vector_load_idx %arg7[%add3A_2120, %get3A_2124, %broadcast_in_dim3A_2268] : memref<64x8x32xf32, #tpu.memory_space<vmem>>[vector<16xi32>, vector<16xi32>, vector<16xi32>], vector<16xf32>,
          %mul3A_2270 = arith.constant 64 : i32
          %mul3A_2271 = arith.muli %scan3A_17, %mul3A_2270 : i32
          %mul3A_2272 = arith.constant 16 : i32
          %mul3A_2273 = arith.muli %scan3A_2116, %mul3A_2272 : i32
          %add3A_2274 = arith.addi %mul3A_2271, %mul3A_2273 : i32
          %swap3A_2275 = arith.constant 12 : i32
          %swap3A_2276 = arith.index_cast %swap3A_2275 : i32 to index
          %swap3A_2277 = arith.index_cast %add3A_2274 : i32 to index
          %swap3A_2278 = tpu.vector_load %arg8[%swap3A_2276, %swap3A_2277] {strides = array<i32>} : memref<32x512xf32, #tpu.memory_space<vmem>>, vector<16xf32>,
          tpu.vector_store %arg8[%swap3A_2276, %swap3A_2277], %gather3A_2269 {strides = array<i32>} : memref<32x512xf32, #tpu.memory_space<vmem>>, vector<16xf32>,
          %broadcast_in_dim3A_2279 = arith.constant 13 : i32
          %broadcast_in_dim3A_2280 = vector.broadcast %broadcast_in_dim3A_2279 : i32 to vector<16xi32>
          %gather3A_2281 = tpu.vector_load_idx %arg7[%add3A_2120, %get3A_2124, %broadcast_in_dim3A_2280] : memref<64x8x32xf32, #tpu.memory_space<vmem>>[vector<16xi32>, vector<16xi32>, vector<16xi32>], vector<16xf32>,
          %mul3A_2282 = arith.constant 64 : i32
          %mul3A_2283 = arith.muli %scan3A_17, %mul3A_2282 : i32
          %mul3A_2284 = arith.constant 16 : i32
          %mul3A_2285 = arith.muli %scan3A_2116, %mul3A_2284 : i32
          %add3A_2286 = arith.addi %mul3A_2283, %mul3A_2285 : i32
          %swap3A_2287 = arith.constant 13 : i32
          %swap3A_2288 = arith.index_cast %swap3A_2287 : i32 to index
          %swap3A_2289 = arith.index_cast %add3A_2286 : i32 to index
          %swap3A_2290 = tpu.vector_load %arg8[%swap3A_2288, %swap3A_2289] {strides = array<i32>} : memref<32x512xf32, #tpu.memory_space<vmem>>, vector<16xf32>,
          tpu.vector_store %arg8[%swap3A_2288, %swap3A_2289], %gather3A_2281 {strides = array<i32>} : memref<32x512xf32, #tpu.memory_space<vmem>>, vector<16xf32>,
          %broadcast_in_dim3A_2291 = arith.constant 14 : i32
          %broadcast_in_dim3A_2292 = vector.broadcast %broadcast_in_dim3A_2291 : i32 to vector<16xi32>
          %gather3A_2293 = tpu.vector_load_idx %arg7[%add3A_2120, %get3A_2124, %broadcast_in_dim3A_2292] : memref<64x8x32xf32, #tpu.memory_space<vmem>>[vector<16xi32>, vector<16xi32>, vector<16xi32>], vector<16xf32>,
          %mul3A_2294 = arith.constant 64 : i32
          %mul3A_2295 = arith.muli %scan3A_17, %mul3A_2294 : i32
          %mul3A_2296 = arith.constant 16 : i32
          %mul3A_2297 = arith.muli %scan3A_2116, %mul3A_2296 : i32
          %add3A_2298 = arith.addi %mul3A_2295, %mul3A_2297 : i32
          %swap3A_2299 = arith.constant 14 : i32
          %swap3A_2300 = arith.index_cast %swap3A_2299 : i32 to index
          %swap3A_2301 = arith.index_cast %add3A_2298 : i32 to index
          %swap3A_2302 = tpu.vector_load %arg8[%swap3A_2300, %swap3A_2301] {strides = array<i32>} : memref<32x512xf32, #tpu.memory_space<vmem>>, vector<16xf32>,
          tpu.vector_store %arg8[%swap3A_2300, %swap3A_2301], %gather3A_2293 {strides = array<i32>} : memref<32x512xf32, #tpu.memory_space<vmem>>, vector<16xf32>,
          %broadcast_in_dim3A_2303 = arith.constant 15 : i32
          %broadcast_in_dim3A_2304 = vector.broadcast %broadcast_in_dim3A_2303 : i32 to vector<16xi32>
          %gather3A_2305 = tpu.vector_load_idx %arg7[%add3A_2120, %get3A_2124, %broadcast_in_dim3A_2304] : memref<64x8x32xf32, #tpu.memory_space<vmem>>[vector<16xi32>, vector<16xi32>, vector<16xi32>], vector<16xf32>,
          %mul3A_2306 = arith.constant 64 : i32
          %mul3A_2307 = arith.muli %scan3A_17, %mul3A_2306 : i32
          %mul3A_2308 = arith.constant 16 : i32
          %mul3A_2309 = arith.muli %scan3A_2116, %mul3A_2308 : i32
          %add3A_2310 = arith.addi %mul3A_2307, %mul3A_2309 : i32
          %swap3A_2311 = arith.constant 15 : i32
          %swap3A_2312 = arith.index_cast %swap3A_2311 : i32 to index
          %swap3A_2313 = arith.index_cast %add3A_2310 : i32 to index
          %swap3A_2314 = tpu.vector_load %arg8[%swap3A_2312, %swap3A_2313] {strides = array<i32>} : memref<32x512xf32, #tpu.memory_space<vmem>>, vector<16xf32>,
          tpu.vector_store %arg8[%swap3A_2312, %swap3A_2313], %gather3A_2305 {strides = array<i32>} : memref<32x512xf32, #tpu.memory_space<vmem>>, vector<16xf32>,
          %broadcast_in_dim3A_2315 = arith.constant 16 : i32
          %broadcast_in_dim3A_2316 = vector.broadcast %broadcast_in_dim3A_2315 : i32 to vector<16xi32>
          %gather3A_2317 = tpu.vector_load_idx %arg7[%add3A_2120, %get3A_2124, %broadcast_in_dim3A_2316] : memref<64x8x32xf32, #tpu.memory_space<vmem>>[vector<16xi32>, vector<16xi32>, vector<16xi32>], vector<16xf32>,
          %mul3A_2318 = arith.constant 64 : i32
          %mul3A_2319 = arith.muli %scan3A_17, %mul3A_2318 : i32
          %mul3A_2320 = arith.constant 16 : i32
          %mul3A_2321 = arith.muli %scan3A_2116, %mul3A_2320 : i32
          %add3A_2322 = arith.addi %mul3A_2319, %mul3A_2321 : i32
          %swap3A_2323 = arith.constant 16 : i32
          %swap3A_2324 = arith.index_cast %swap3A_2323 : i32 to index
          %swap3A_2325 = arith.index_cast %add3A_2322 : i32 to index
          %swap3A_2326 = tpu.vector_load %arg8[%swap3A_2324, %swap3A_2325] {strides = array<i32>} : memref<32x512xf32, #tpu.memory_space<vmem>>, vector<16xf32>,
          tpu.vector_store %arg8[%swap3A_2324, %swap3A_2325], %gather3A_2317 {strides = array<i32>} : memref<32x512xf32, #tpu.memory_space<vmem>>, vector<16xf32>,
          %broadcast_in_dim3A_2327 = arith.constant 17 : i32
          %broadcast_in_dim3A_2328 = vector.broadcast %broadcast_in_dim3A_2327 : i32 to vector<16xi32>
          %gather3A_2329 = tpu.vector_load_idx %arg7[%add3A_2120, %get3A_2124, %broadcast_in_dim3A_2328] : memref<64x8x32xf32, #tpu.memory_space<vmem>>[vector<16xi32>, vector<16xi32>, vector<16xi32>], vector<16xf32>,
          %mul3A_2330 = arith.constant 64 : i32
          %mul3A_2331 = arith.muli %scan3A_17, %mul3A_2330 : i32
          %mul3A_2332 = arith.constant 16 : i32
          %mul3A_2333 = arith.muli %scan3A_2116, %mul3A_2332 : i32
          %add3A_2334 = arith.addi %mul3A_2331, %mul3A_2333 : i32
          %swap3A_2335 = arith.constant 17 : i32
          %swap3A_2336 = arith.index_cast %swap3A_2335 : i32 to index
          %swap3A_2337 = arith.index_cast %add3A_2334 : i32 to index
          %swap3A_2338 = tpu.vector_load %arg8[%swap3A_2336, %swap3A_2337] {strides = array<i32>} : memref<32x512xf32, #tpu.memory_space<vmem>>, vector<16xf32>,
          tpu.vector_store %arg8[%swap3A_2336, %swap3A_2337], %gather3A_2329 {strides = array<i32>} : memref<32x512xf32, #tpu.memory_space<vmem>>, vector<16xf32>,
          %broadcast_in_dim3A_2339 = arith.constant 18 : i32
          %broadcast_in_dim3A_2340 = vector.broadcast %broadcast_in_dim3A_2339 : i32 to vector<16xi32>
          %gather3A_2341 = tpu.vector_load_idx %arg7[%add3A_2120, %get3A_2124, %broadcast_in_dim3A_2340] : memref<64x8x32xf32, #tpu.memory_space<vmem>>[vector<16xi32>, vector<16xi32>, vector<16xi32>], vector<16xf32>,
          %mul3A_2342 = arith.constant 64 : i32
          %mul3A_2343 = arith.muli %scan3A_17, %mul3A_2342 : i32
          %mul3A_2344 = arith.constant 16 : i32
          %mul3A_2345 = arith.muli %scan3A_2116, %mul3A_2344 : i32
          %add3A_2346 = arith.addi %mul3A_2343, %mul3A_2345 : i32
          %swap3A_2347 = arith.constant 18 : i32
          %swap3A_2348 = arith.index_cast %swap3A_2347 : i32 to index
          %swap3A_2349 = arith.index_cast %add3A_2346 : i32 to index
          %swap3A_2350 = tpu.vector_load %arg8[%swap3A_2348, %swap3A_2349] {strides = array<i32>} : memref<32x512xf32, #tpu.memory_space<vmem>>, vector<16xf32>,
          tpu.vector_store %arg8[%swap3A_2348, %swap3A_2349], %gather3A_2341 {strides = array<i32>} : memref<32x512xf32, #tpu.memory_space<vmem>>, vector<16xf32>,
          %broadcast_in_dim3A_2351 = arith.constant 19 : i32
          %broadcast_in_dim3A_2352 = vector.broadcast %broadcast_in_dim3A_2351 : i32 to vector<16xi32>
          %gather3A_2353 = tpu.vector_load_idx %arg7[%add3A_2120, %get3A_2124, %broadcast_in_dim3A_2352] : memref<64x8x32xf32, #tpu.memory_space<vmem>>[vector<16xi32>, vector<16xi32>, vector<16xi32>], vector<16xf32>,
          %mul3A_2354 = arith.constant 64 : i32
          %mul3A_2355 = arith.muli %scan3A_17, %mul3A_2354 : i32
          %mul3A_2356 = arith.constant 16 : i32
          %mul3A_2357 = arith.muli %scan3A_2116, %mul3A_2356 : i32
          %add3A_2358 = arith.addi %mul3A_2355, %mul3A_2357 : i32
          %swap3A_2359 = arith.constant 19 : i32
          %swap3A_2360 = arith.index_cast %swap3A_2359 : i32 to index
          %swap3A_2361 = arith.index_cast %add3A_2358 : i32 to index
          %swap3A_2362 = tpu.vector_load %arg8[%swap3A_2360, %swap3A_2361] {strides = array<i32>} : memref<32x512xf32, #tpu.memory_space<vmem>>, vector<16xf32>,
          tpu.vector_store %arg8[%swap3A_2360, %swap3A_2361], %gather3A_2353 {strides = array<i32>} : memref<32x512xf32, #tpu.memory_space<vmem>>, vector<16xf32>,
          %broadcast_in_dim3A_2363 = arith.constant 20 : i32
          %broadcast_in_dim3A_2364 = vector.broadcast %broadcast_in_dim3A_2363 : i32 to vector<16xi32>
          %gather3A_2365 = tpu.vector_load_idx %arg7[%add3A_2120, %get3A_2124, %broadcast_in_dim3A_2364] : memref<64x8x32xf32, #tpu.memory_space<vmem>>[vector<16xi32>, vector<16xi32>, vector<16xi32>], vector<16xf32>,
          %mul3A_2366 = arith.constant 64 : i32
          %mul3A_2367 = arith.muli %scan3A_17, %mul3A_2366 : i32
          %mul3A_2368 = arith.constant 16 : i32
          %mul3A_2369 = arith.muli %scan3A_2116, %mul3A_2368 : i32
          %add3A_2370 = arith.addi %mul3A_2367, %mul3A_2369 : i32
          %swap3A_2371 = arith.constant 20 : i32
          %swap3A_2372 = arith.index_cast %swap3A_2371 : i32 to index
          %swap3A_2373 = arith.index_cast %add3A_2370 : i32 to index
          %swap3A_2374 = tpu.vector_load %arg8[%swap3A_2372, %swap3A_2373] {strides = array<i32>} : memref<32x512xf32, #tpu.memory_space<vmem>>, vector<16xf32>,
          tpu.vector_store %arg8[%swap3A_2372, %swap3A_2373], %gather3A_2365 {strides = array<i32>} : memref<32x512xf32, #tpu.memory_space<vmem>>, vector<16xf32>,
          %broadcast_in_dim3A_2375 = arith.constant 21 : i32
          %broadcast_in_dim3A_2376 = vector.broadcast %broadcast_in_dim3A_2375 : i32 to vector<16xi32>
          %gather3A_2377 = tpu.vector_load_idx %arg7[%add3A_2120, %get3A_2124, %broadcast_in_dim3A_2376] : memref<64x8x32xf32, #tpu.memory_space<vmem>>[vector<16xi32>, vector<16xi32>, vector<16xi32>], vector<16xf32>,
          %mul3A_2378 = arith.constant 64 : i32
          %mul3A_2379 = arith.muli %scan3A_17, %mul3A_2378 : i32
          %mul3A_2380 = arith.constant 16 : i32
          %mul3A_2381 = arith.muli %scan3A_2116, %mul3A_2380 : i32
          %add3A_2382 = arith.addi %mul3A_2379, %mul3A_2381 : i32
          %swap3A_2383 = arith.constant 21 : i32
          %swap3A_2384 = arith.index_cast %swap3A_2383 : i32 to index
          %swap3A_2385 = arith.index_cast %add3A_2382 : i32 to index
          %swap3A_2386 = tpu.vector_load %arg8[%swap3A_2384, %swap3A_2385] {strides = array<i32>} : memref<32x512xf32, #tpu.memory_space<vmem>>, vector<16xf32>,
          tpu.vector_store %arg8[%swap3A_2384, %swap3A_2385], %gather3A_2377 {strides = array<i32>} : memref<32x512xf32, #tpu.memory_space<vmem>>, vector<16xf32>,
          %broadcast_in_dim3A_2387 = arith.constant 22 : i32
          %broadcast_in_dim3A_2388 = vector.broadcast %broadcast_in_dim3A_2387 : i32 to vector<16xi32>
          %gather3A_2389 = tpu.vector_load_idx %arg7[%add3A_2120, %get3A_2124, %broadcast_in_dim3A_2388] : memref<64x8x32xf32, #tpu.memory_space<vmem>>[vector<16xi32>, vector<16xi32>, vector<16xi32>], vector<16xf32>,
          %mul3A_2390 = arith.constant 64 : i32
          %mul3A_2391 = arith.muli %scan3A_17, %mul3A_2390 : i32
          %mul3A_2392 = arith.constant 16 : i32
          %mul3A_2393 = arith.muli %scan3A_2116, %mul3A_2392 : i32
          %add3A_2394 = arith.addi %mul3A_2391, %mul3A_2393 : i32
          %swap3A_2395 = arith.constant 22 : i32
          %swap3A_2396 = arith.index_cast %swap3A_2395 : i32 to index
          %swap3A_2397 = arith.index_cast %add3A_2394 : i32 to index
          %swap3A_2398 = tpu.vector_load %arg8[%swap3A_2396, %swap3A_2397] {strides = array<i32>} : memref<32x512xf32, #tpu.memory_space<vmem>>, vector<16xf32>,
          tpu.vector_store %arg8[%swap3A_2396, %swap3A_2397], %gather3A_2389 {strides = array<i32>} : memref<32x512xf32, #tpu.memory_space<vmem>>, vector<16xf32>,
          %broadcast_in_dim3A_2399 = arith.constant 23 : i32
          %broadcast_in_dim3A_2400 = vector.broadcast %broadcast_in_dim3A_2399 : i32 to vector<16xi32>
          %gather3A_2401 = tpu.vector_load_idx %arg7[%add3A_2120, %get3A_2124, %broadcast_in_dim3A_2400] : memref<64x8x32xf32, #tpu.memory_space<vmem>>[vector<16xi32>, vector<16xi32>, vector<16xi32>], vector<16xf32>,
          %mul3A_2402 = arith.constant 64 : i32
          %mul3A_2403 = arith.muli %scan3A_17, %mul3A_2402 : i32
          %mul3A_2404 = arith.constant 16 : i32
          %mul3A_2405 = arith.muli %scan3A_2116, %mul3A_2404 : i32
          %add3A_2406 = arith.addi %mul3A_2403, %mul3A_2405 : i32
          %swap3A_2407 = arith.constant 23 : i32
          %swap3A_2408 = arith.index_cast %swap3A_2407 : i32 to index
          %swap3A_2409 = arith.index_cast %add3A_2406 : i32 to index
          %swap3A_2410 = tpu.vector_load %arg8[%swap3A_2408, %swap3A_2409] {strides = array<i32>} : memref<32x512xf32, #tpu.memory_space<vmem>>, vector<16xf32>,
          tpu.vector_store %arg8[%swap3A_2408, %swap3A_2409], %gather3A_2401 {strides = array<i32>} : memref<32x512xf32, #tpu.memory_space<vmem>>, vector<16xf32>,
          %broadcast_in_dim3A_2411 = arith.constant 24 : i32
          %broadcast_in_dim3A_2412 = vector.broadcast %broadcast_in_dim3A_2411 : i32 to vector<16xi32>
          %gather3A_2413 = tpu.vector_load_idx %arg7[%add3A_2120, %get3A_2124, %broadcast_in_dim3A_2412] : memref<64x8x32xf32, #tpu.memory_space<vmem>>[vector<16xi32>, vector<16xi32>, vector<16xi32>], vector<16xf32>,
          %mul3A_2414 = arith.constant 64 : i32
          %mul3A_2415 = arith.muli %scan3A_17, %mul3A_2414 : i32
          %mul3A_2416 = arith.constant 16 : i32
          %mul3A_2417 = arith.muli %scan3A_2116, %mul3A_2416 : i32
          %add3A_2418 = arith.addi %mul3A_2415, %mul3A_2417 : i32
          %swap3A_2419 = arith.constant 24 : i32
          %swap3A_2420 = arith.index_cast %swap3A_2419 : i32 to index
          %swap3A_2421 = arith.index_cast %add3A_2418 : i32 to index
          %swap3A_2422 = tpu.vector_load %arg8[%swap3A_2420, %swap3A_2421] {strides = array<i32>} : memref<32x512xf32, #tpu.memory_space<vmem>>, vector<16xf32>,
          tpu.vector_store %arg8[%swap3A_2420, %swap3A_2421], %gather3A_2413 {strides = array<i32>} : memref<32x512xf32, #tpu.memory_space<vmem>>, vector<16xf32>,
          %broadcast_in_dim3A_2423 = arith.constant 25 : i32
          %broadcast_in_dim3A_2424 = vector.broadcast %broadcast_in_dim3A_2423 : i32 to vector<16xi32>
          %gather3A_2425 = tpu.vector_load_idx %arg7[%add3A_2120, %get3A_2124, %broadcast_in_dim3A_2424] : memref<64x8x32xf32, #tpu.memory_space<vmem>>[vector<16xi32>, vector<16xi32>, vector<16xi32>], vector<16xf32>,
          %mul3A_2426 = arith.constant 64 : i32
          %mul3A_2427 = arith.muli %scan3A_17, %mul3A_2426 : i32
          %mul3A_2428 = arith.constant 16 : i32
          %mul3A_2429 = arith.muli %scan3A_2116, %mul3A_2428 : i32
          %add3A_2430 = arith.addi %mul3A_2427, %mul3A_2429 : i32
          %swap3A_2431 = arith.constant 25 : i32
          %swap3A_2432 = arith.index_cast %swap3A_2431 : i32 to index
          %swap3A_2433 = arith.index_cast %add3A_2430 : i32 to index
          %swap3A_2434 = tpu.vector_load %arg8[%swap3A_2432, %swap3A_2433] {strides = array<i32>} : memref<32x512xf32, #tpu.memory_space<vmem>>, vector<16xf32>,
          tpu.vector_store %arg8[%swap3A_2432, %swap3A_2433], %gather3A_2425 {strides = array<i32>} : memref<32x512xf32, #tpu.memory_space<vmem>>, vector<16xf32>,
          %broadcast_in_dim3A_2435 = arith.constant 26 : i32
          %broadcast_in_dim3A_2436 = vector.broadcast %broadcast_in_dim3A_2435 : i32 to vector<16xi32>
          %gather3A_2437 = tpu.vector_load_idx %arg7[%add3A_2120, %get3A_2124, %broadcast_in_dim3A_2436] : memref<64x8x32xf32, #tpu.memory_space<vmem>>[vector<16xi32>, vector<16xi32>, vector<16xi32>], vector<16xf32>,
          %mul3A_2438 = arith.constant 64 : i32
          %mul3A_2439 = arith.muli %scan3A_17, %mul3A_2438 : i32
          %mul3A_2440 = arith.constant 16 : i32
          %mul3A_2441 = arith.muli %scan3A_2116, %mul3A_2440 : i32
          %add3A_2442 = arith.addi %mul3A_2439, %mul3A_2441 : i32
          %swap3A_2443 = arith.constant 26 : i32
          %swap3A_2444 = arith.index_cast %swap3A_2443 : i32 to index
          %swap3A_2445 = arith.index_cast %add3A_2442 : i32 to index
          %swap3A_2446 = tpu.vector_load %arg8[%swap3A_2444, %swap3A_2445] {strides = array<i32>} : memref<32x512xf32, #tpu.memory_space<vmem>>, vector<16xf32>,
          tpu.vector_store %arg8[%swap3A_2444, %swap3A_2445], %gather3A_2437 {strides = array<i32>} : memref<32x512xf32, #tpu.memory_space<vmem>>, vector<16xf32>,
          %broadcast_in_dim3A_2447 = arith.constant 27 : i32
          %broadcast_in_dim3A_2448 = vector.broadcast %broadcast_in_dim3A_2447 : i32 to vector<16xi32>
          %gather3A_2449 = tpu.vector_load_idx %arg7[%add3A_2120, %get3A_2124, %broadcast_in_dim3A_2448] : memref<64x8x32xf32, #tpu.memory_space<vmem>>[vector<16xi32>, vector<16xi32>, vector<16xi32>], vector<16xf32>,
          %mul3A_2450 = arith.constant 64 : i32
          %mul3A_2451 = arith.muli %scan3A_17, %mul3A_2450 : i32
          %mul3A_2452 = arith.constant 16 : i32
          %mul3A_2453 = arith.muli %scan3A_2116, %mul3A_2452 : i32
          %add3A_2454 = arith.addi %mul3A_2451, %mul3A_2453 : i32
          %swap3A_2455 = arith.constant 27 : i32
          %swap3A_2456 = arith.index_cast %swap3A_2455 : i32 to index
          %swap3A_2457 = arith.index_cast %add3A_2454 : i32 to index
          %swap3A_2458 = tpu.vector_load %arg8[%swap3A_2456, %swap3A_2457] {strides = array<i32>} : memref<32x512xf32, #tpu.memory_space<vmem>>, vector<16xf32>,
          tpu.vector_store %arg8[%swap3A_2456, %swap3A_2457], %gather3A_2449 {strides = array<i32>} : memref<32x512xf32, #tpu.memory_space<vmem>>, vector<16xf32>,
          %broadcast_in_dim3A_2459 = arith.constant 28 : i32
          %broadcast_in_dim3A_2460 = vector.broadcast %broadcast_in_dim3A_2459 : i32 to vector<16xi32>
          %gather3A_2461 = tpu.vector_load_idx %arg7[%add3A_2120, %get3A_2124, %broadcast_in_dim3A_2460] : memref<64x8x32xf32, #tpu.memory_space<vmem>>[vector<16xi32>, vector<16xi32>, vector<16xi32>], vector<16xf32>,
          %mul3A_2462 = arith.constant 64 : i32
          %mul3A_2463 = arith.muli %scan3A_17, %mul3A_2462 : i32
          %mul3A_2464 = arith.constant 16 : i32
          %mul3A_2465 = arith.muli %scan3A_2116, %mul3A_2464 : i32
          %add3A_2466 = arith.addi %mul3A_2463, %mul3A_2465 : i32
          %swap3A_2467 = arith.constant 28 : i32
          %swap3A_2468 = arith.index_cast %swap3A_2467 : i32 to index
          %swap3A_2469 = arith.index_cast %add3A_2466 : i32 to index
          %swap3A_2470 = tpu.vector_load %arg8[%swap3A_2468, %swap3A_2469] {strides = array<i32>} : memref<32x512xf32, #tpu.memory_space<vmem>>, vector<16xf32>,
          tpu.vector_store %arg8[%swap3A_2468, %swap3A_2469], %gather3A_2461 {strides = array<i32>} : memref<32x512xf32, #tpu.memory_space<vmem>>, vector<16xf32>,
          %broadcast_in_dim3A_2471 = arith.constant 29 : i32
          %broadcast_in_dim3A_2472 = vector.broadcast %broadcast_in_dim3A_2471 : i32 to vector<16xi32>
          %gather3A_2473 = tpu.vector_load_idx %arg7[%add3A_2120, %get3A_2124, %broadcast_in_dim3A_2472] : memref<64x8x32xf32, #tpu.memory_space<vmem>>[vector<16xi32>, vector<16xi32>, vector<16xi32>], vector<16xf32>,
          %mul3A_2474 = arith.constant 64 : i32
          %mul3A_2475 = arith.muli %scan3A_17, %mul3A_2474 : i32
          %mul3A_2476 = arith.constant 16 : i32
          %mul3A_2477 = arith.muli %scan3A_2116, %mul3A_2476 : i32
          %add3A_2478 = arith.addi %mul3A_2475, %mul3A_2477 : i32
          %swap3A_2479 = arith.constant 29 : i32
          %swap3A_2480 = arith.index_cast %swap3A_2479 : i32 to index
          %swap3A_2481 = arith.index_cast %add3A_2478 : i32 to index
          %swap3A_2482 = tpu.vector_load %arg8[%swap3A_2480, %swap3A_2481] {strides = array<i32>} : memref<32x512xf32, #tpu.memory_space<vmem>>, vector<16xf32>,
          tpu.vector_store %arg8[%swap3A_2480, %swap3A_2481], %gather3A_2473 {strides = array<i32>} : memref<32x512xf32, #tpu.memory_space<vmem>>, vector<16xf32>,
          %broadcast_in_dim3A_2483 = arith.constant 30 : i32
          %broadcast_in_dim3A_2484 = vector.broadcast %broadcast_in_dim3A_2483 : i32 to vector<16xi32>
          %gather3A_2485 = tpu.vector_load_idx %arg7[%add3A_2120, %get3A_2124, %broadcast_in_dim3A_2484] : memref<64x8x32xf32, #tpu.memory_space<vmem>>[vector<16xi32>, vector<16xi32>, vector<16xi32>], vector<16xf32>,
          %mul3A_2486 = arith.constant 64 : i32
          %mul3A_2487 = arith.muli %scan3A_17, %mul3A_2486 : i32
          %mul3A_2488 = arith.constant 16 : i32
          %mul3A_2489 = arith.muli %scan3A_2116, %mul3A_2488 : i32
          %add3A_2490 = arith.addi %mul3A_2487, %mul3A_2489 : i32
          %swap3A_2491 = arith.constant 30 : i32
          %swap3A_2492 = arith.index_cast %swap3A_2491 : i32 to index
          %swap3A_2493 = arith.index_cast %add3A_2490 : i32 to index
          %swap3A_2494 = tpu.vector_load %arg8[%swap3A_2492, %swap3A_2493] {strides = array<i32>} : memref<32x512xf32, #tpu.memory_space<vmem>>, vector<16xf32>,
          tpu.vector_store %arg8[%swap3A_2492, %swap3A_2493], %gather3A_2485 {strides = array<i32>} : memref<32x512xf32, #tpu.memory_space<vmem>>, vector<16xf32>,
          %broadcast_in_dim3A_2495 = arith.constant 31 : i32
          %broadcast_in_dim3A_2496 = vector.broadcast %broadcast_in_dim3A_2495 : i32 to vector<16xi32>
          %gather3A_2497 = tpu.vector_load_idx %arg7[%add3A_2120, %get3A_2124, %broadcast_in_dim3A_2496] : memref<64x8x32xf32, #tpu.memory_space<vmem>>[vector<16xi32>, vector<16xi32>, vector<16xi32>], vector<16xf32>,
          %mul3A_2498 = arith.constant 64 : i32
          %mul3A_2499 = arith.muli %scan3A_17, %mul3A_2498 : i32
          %mul3A_2500 = arith.constant 16 : i32
          %mul3A_2501 = arith.muli %scan3A_2116, %mul3A_2500 : i32
          %add3A_2502 = arith.addi %mul3A_2499, %mul3A_2501 : i32
          %swap3A_2503 = arith.constant 31 : i32
          %swap3A_2504 = arith.index_cast %swap3A_2503 : i32 to index
          %swap3A_2505 = arith.index_cast %add3A_2502 : i32 to index
          %swap3A_2506 = tpu.vector_load %arg8[%swap3A_2504, %swap3A_2505] {strides = array<i32>} : memref<32x512xf32, #tpu.memory_space<vmem>>, vector<16xf32>,
          tpu.vector_store %arg8[%swap3A_2504, %swap3A_2505], %gather3A_2497 {strides = array<i32>} : memref<32x512xf32, #tpu.memory_space<vmem>>, vector<16xf32>,
        }
        %scan3A_2115 = arith.constant 4 : i32
      }
      %scan3A_16 = arith.constant 8 : i32
      "tpu.region"() ({
        %run_scoped3A = tpu.sem_alloc : memref<!tpu.dma_semaphore, #tpu.memory_space<semaphore_mem>>
        %dma_start3A = arith.constant 0 : i32
        %dma_start3A_17 = tpu.memref_slice %arg4[%scan3A_8, %dma_start3A, %multiple_of3A] : memref<26x32x16384xf32, #tpu.memory_space<hbm>> -> memref<1x32x512xf32, #tpu.memory_space<hbm>>
        %dma_start3A_18 = tpu.memref_squeeze %dma_start3A_17 : memref<1x32x512xf32, #tpu.memory_space<hbm>> -> memref<32x512xf32, #tpu.memory_space<hbm>>
        %dma_start3A_19 = arith.constant 0 : i32
        %dma_start3A_20 = tpu.memref_slice %arg4[%scan3A_8, %dma_start3A_19, %multiple_of3A] : memref<26x32x16384xf32, #tpu.memory_space<hbm>> -> memref<1x32x512xf32, #tpu.memory_space<hbm>>
        %dma_start3A_21 = tpu.memref_squeeze %dma_start3A_20 : memref<1x32x512xf32, #tpu.memory_space<hbm>> -> memref<32x512xf32, #tpu.memory_space<hbm>>
        tpu.enqueue_dma source(%arg8 : memref<32x512xf32, #tpu.memory_space<vmem>>) target(%dma_start3A_21 : memref<32x512xf32, #tpu.memory_space<hbm>>) target_semaphore(%run_scoped3A : memref<!tpu.dma_semaphore, #tpu.memory_space<semaphore_mem>>)
        %dma_wait3A = arith.constant 0 : i32
        %dma_wait3A_22 = tpu.memref_slice %arg4[%scan3A_8, %dma_wait3A, %multiple_of3A] : memref<26x32x16384xf32, #tpu.memory_space<hbm>> -> memref<1x32x512xf32, #tpu.memory_space<hbm>>
        %dma_wait3A_23 = tpu.memref_squeeze %dma_wait3A_22 : memref<1x32x512xf32, #tpu.memory_space<hbm>> -> memref<32x512xf32, #tpu.memory_space<hbm>>
        %dma_wait3A_24 = arith.constant 0 : i32
        %dma_wait3A_25 = tpu.memref_slice %arg4[%scan3A_8, %dma_wait3A_24, %multiple_of3A] : memref<26x32x16384xf32, #tpu.memory_space<hbm>> -> memref<1x32x512xf32, #tpu.memory_space<hbm>>
        %dma_wait3A_26 = tpu.memref_squeeze %dma_wait3A_25 : memref<1x32x512xf32, #tpu.memory_space<hbm>> -> memref<32x512xf32, #tpu.memory_space<hbm>>
        tpu.wait_dma2 semaphore(%run_scoped3A : memref<!tpu.dma_semaphore, #tpu.memory_space<semaphore_mem>>) src(%arg8 : memref<32x512xf32, #tpu.memory_space<vmem>>) dst(%dma_wait3A_26 : memref<32x512xf32, #tpu.memory_space<hbm>>)
        tpu.yield
      }) : () -> ()
    }
    %scan3A_7 = arith.constant 26 : i32
    return
  }
}

</mosaic_0001>

<sc_bundles>
// kernel: kernel.3.cloned.1.call-start
scs
__scs_entry_jumppad:
0x0: {  	(pc) =	sbr.rel $0x88, $3  }
0x1: {  	(tag) =	ssettag $0x0;
	lr =	simm.s32 $0x1  }
0x2: {  	[smem:$0x3F9F] =	sst lr;
	_ =	strace $0xD0000000  }
0x3: {  	_ = 	snop  }
0x4: {  	_ = 	snop  }
0x5: {  	_ = 	snop  }
0x6: {  	_ = 	snop  }
0x7: {  	_ = 	snop  }
__scs_overlays_trampoline_lowered:
0x8: {  	[smem:$0x3FAE] =	sst s0  }
0x9: {  	[smem:$0x3FAF] =	sst s1  }
0xa: {  	[smem:$0x3FB0] =	sst s2  }
0xb: {  	[smem:$0x3FB1] =	sst s3  }
0xc: {  	[smem:$0x3FB2] =	sst s4  }
0xd: {  	[smem:$0x3FB3] =	sst s5  }
0xe: {  	[smem:$0x3FB4] =	sst s6  }
0xf: {  	[smem:$0x3FB5] =	sst s7  }
0x10: {  	[smem:$0x3FB6] =	sst s8  }
0x11: {  	[smem:$0x3FB7] =	sst s9;
	s0 =	simm.s32 @!p0 $0x0  }
0x12: {  	s1 =	sld [smem:$0x3F9D];
	s0 =	simm.s32 @p0 $0x1  }
0x13: {  	[smem:$0x3FB8] =	sst s0;
	s0 =	simm.s32 @!p1 $0x0  }
0x14: {  	s2 =	sld [smem:$0x3F9C];
	s0 =	simm.s32 @p1 $0x1  }
0x15: {  	[smem:$0x3FB9] =	sst s0;
	s0 =	simm.s32 @!p2 $0x0  }
0x16: {  	s3 =	sld [smem:$0x3FDB];
	s0 =	simm.s32 @p2 $0x1  }
0x17: {  	s4 =	simm.s32 $0x1BF5;
	[smem:$0x3FBB] =	sst s0  }
0x18: {  	s0 =	sld [smem:$0x3F9E];
	_ =	swait.ge [sflag:s4], $0x0  }
0x19: {  	s7 =	sld [smem:$0x3F9F]  }
0x1a: {  	s8 =	sadd.s32 $0xFFFFE003, lr  }
0x1b: {  	s9 =	sadd.s32 $0xFFFFFEF7, lr;
	s5 =	simm.s32 $0xFFFFFFFF;
	p2 =	slt.u32 s8, $0xFFFFF086  }
0x1c: {  	p1 =	slt.u32 s9, $0xF7A;
	s5 =	simm.s32 @!p2 $0x0  }
0x1d: {  	s5 =	simm.s32 @p1 $0x1;
	p0 =	seq.s32 s7, s2  }
0x1e: {  	s7 =	smul.u32 @!p0 $0xF7A, s2;
	p2 =	seq.s32 @!p0 s5, $0x0  }
0x1f: {  	s9 =	smul.u32 $0xF7A, s1;
	s8 =	simm.s32 @!p0 $0x1BF5;
	p2 =	por !p2, p0  }
0x20: {  	[sflag:s8] =	ssyncset.s32 @!p0 $0xFFFFF086;
	s6 =	sadd.s32 @!p0 s3, s7;
	s7 =	simm.s32 @!p0 $0x108  }
0x21: {  	s3 =	sadd.s32 s3, s9;
	s6 =	sadd.s32 @!p0 $0x88, s6;
	s7 =	simm.s32 @p2 $0x1082  }
0x22: {  	[simem:s7], [sflag:s8] =	dma.local @!p0 [hbm:s6], $0xF7A  }
0x23: {  	s9 =	sor.u32 $0xD0000000, s2;
	s6 =	simm.s32 $0x108;
	_ =	swait.ge @!p0 [sflag:s8], $0x0  }
0x24: {  	s3 =	sadd.s32 $0x88, s3;
	s6 =	simm.s32 @!p1 $0x1082;
	[sflag:s4] =	ssyncset.s32 $0xFFFFF086  }
0x25: {  	[simem:s6], [sflag:s4] =	dma.local [hbm:s3], $0xF7A  }
0x26: {  	[smem:$0x3F9F] =	sst s1;
	(tag) =	ssettag s2;
	_ =	strace s9  }
0x27: {  	s1 =	sld [smem:$0x3FAF]  }
0x28: {  	s2 =	sld [smem:$0x3FB0]  }
0x29: {  	s4 =	sld [smem:$0x3FB2]  }
0x2a: {  	p0 =	seq.s32 s5, $0x0;
	s5 =	sld [smem:$0x3FB3]  }
0x2b: {  	s6 =	sld [smem:$0x3FB4]  }
0x2c: {  	s7 =	sld [smem:$0x3FB5]  }
0x2d: {  	s3 =	simm.s32 $0x108;
	s8 =	sld [smem:$0x3FB6]  }
0x2e: {  	s3 =	simm.s32 @!p0 $0x1082;
	s9 =	sld [smem:$0x3FB7]  }
0x2f: {  	lr =	sadd.s32 s0, s3;
	s0 =	sld [smem:$0x3FAE]  }
0x30: {  	s3 =	sld [smem:$0x3FB1]  }
0x31: {  	[smem:$0x3FBA] =	sst s10  }
0x32: {  	s10 =	sld [smem:$0x3FB8];
	_ =	sdelay $0x3  }
0x33: {  	p0 =	seq.s32 s10, $0x1;
	s10 =	sld [smem:$0x3FBA];
	_ =	sdelay $0x3  }
0x34: {  	[smem:$0x3FBA] =	sst s10  }
0x35: {  	s10 =	sld [smem:$0x3FB9];
	_ =	sdelay $0x3  }
0x36: {  	p1 =	seq.s32 s10, $0x1;
	s10 =	sld [smem:$0x3FBA];
	_ =	sdelay $0x3  }
0x37: {  	[smem:$0x3FBA] =	sst s10  }
0x38: {  	s10 =	sld [smem:$0x3FBB]  }
0x39: {  	_ = 	snop;
	(pc) =	sbr.ind lr, $3  }
0x3a: {  	_ = 	snop  }
0x3b: {  	_ = 	snop  }
0x3c: {  	p2 =	seq.s32 s10, $0x1;
	s10 =	sld [smem:$0x3FBA]  }
0x3d: {  	_ =	shalt  }
0x3e: {  	_ =	shalt  }
0x3f: {  	_ =	shalt  }
0x40: {  	_ =	shalt  }
0x41: {  	_ =	shalt  }
0x42: {  	_ =	shalt  }
0x43: {  	_ =	shalt  }
0x44: {  	_ =	shalt  }
0x45: {  	_ =	shalt  }
0x46: {  	_ =	shalt  }
0x47: {  	_ =	shalt  }
0x48: {  	_ =	shalt  }
0x49: {  	_ =	shalt  }
0x4a: {  	_ =	shalt  }
0x4b: {  	_ =	shalt  }
0x4c: {  	_ =	shalt  }
0x4d: {  	_ =	shalt  }
0x4e: {  	_ =	shalt  }
0x4f: {  	_ =	shalt  }
0x50: {  	_ =	shalt  }
0x51: {  	_ =	shalt  }
0x52: {  	_ =	shalt  }
0x53: {  	_ =	shalt  }
0x54: {  	_ =	shalt  }
0x55: {  	_ =	shalt  }
0x56: {  	_ =	shalt  }
0x57: {  	_ =	shalt  }
0x58: {  	_ =	shalt  }
0x59: {  	_ =	shalt  }
0x5a: {  	_ =	shalt  }
0x5b: {  	_ =	shalt  }
0x5c: {  	_ =	shalt  }
0x5d: {  	_ =	shalt  }
0x5e: {  	_ =	shalt  }
0x5f: {  	_ =	shalt  }
0x60: {  	_ =	shalt  }
0x61: {  	_ =	shalt  }
0x62: {  	_ =	shalt  }
0x63: {  	_ =	shalt  }
0x64: {  	_ =	shalt  }
0x65: {  	_ =	shalt  }
0x66: {  	_ =	shalt  }
0x67: {  	_ =	shalt  }
0x68: {  	_ =	shalt  }
0x69: {  	_ =	shalt  }
0x6a: {  	_ =	shalt  }
0x6b: {  	_ =	shalt  }
0x6c: {  	_ =	shalt  }
0x6d: {  	_ =	shalt  }
0x6e: {  	_ =	shalt  }
0x6f: {  	_ =	shalt  }
0x70: {  	_ =	shalt  }
0x71: {  	_ =	shalt  }
0x72: {  	_ =	shalt  }
0x73: {  	_ =	shalt  }
0x74: {  	_ =	shalt  }
0x75: {  	_ =	shalt  }
0x76: {  	_ =	shalt  }
0x77: {  	_ =	shalt  }
0x78: {  	_ =	shalt  }
0x79: {  	_ =	shalt  }
0x7a: {  	_ =	shalt  }
0x7b: {  	_ =	shalt  }
0x7c: {  	_ =	shalt  }
0x7d: {  	_ =	shalt  }
0x7e: {  	_ =	shalt  }
0x7f: {  	_ =	shalt  }
0x80: {  	_ =	shalt  }
0x81: {  	_ =	shalt  }
0x82: {  	_ =	shalt  }
0x83: {  	_ =	shalt  }
0x84: {  	_ =	shalt  }
0x85: {  	_ =	shalt  }
0x86: {  	_ =	shalt  }
0x87: {  	_ =	shalt  }
.Lfunc_end0:
.L_simem_size_0:
called_computation_lowered:
.L_overlay_start_0:
0x88: {  	s2 =	sld [smem:$0x3FD9]  }
0x89: {  	s3 =	sld [smem:$0x3FFE];
	_ =	sdelay $0x1  }
0x8a: {  	s1 =	srdreg.scid  }
0x8b: {  	s0 =	sand.u32 $0x1, s1  }
0x8c: {  	s17 =	sshll.u32 s0, $0xA;
	s2 =	sadd.s32 s3, s2  }
0x8d: {  	s2 =	sadd.s32 s2, s17  }
0x8e: {  	[smem:$0x3FC6] =	sst s2  }
0x8f: {  	_ = 	snop  }
0x90: {  	s2 =	sld [smem:$0x3FC9]  }
0x91: {  	s18 =	sld [smem:$0x3FD0];
	(tm) =	ssettm $0x1  }
0x92: {  	s4 =	sld [smem:$0x3FFB];
	_ =	sdelay $0x3  }
0x93: {  	_ =	strace s4  }
0x94: {  	s4 =	sld [smem:$0x3FFC];
	_ =	sdelay $0x3  }
0x95: {  	_ =	strace s4  }
0x96: {  	s4 =	sld [smem:$0x3FFD];
	_ =	sdelay $0x3  }
0x97: {  	_ =	strace s4  }
0x98: {  	_ =	strace $0x8FFFFFFF  }
0x99: {  	s19 =	sld [smem:$0x3FDB];
	_ =	sdelay $0x1  }
0x9a: {  	s5 =	simm.s32 $_scs_section_size  }
0x9b: {  	s6 =	simm.s32 $_size__tile_overlayer_lowered;
	s7 =	simm.s32 $_tile_overlayer_lowered  }
0x9c: {  	s22 =	simm.s32 $0x1BFF;
	s21 =	sshll.u32 s7, $0x1;
	s4 =	sadd.s32 s5, s19  }
0x9d: {  	s8 =	simm.s32 $0x0;
	s20 =	sshll.u32 s6, $0x1;
	s6 =	sadd.s32 s21, s4  }
0x9e: {  	[timem:s8], [sflag:s22] =	dma.local [hbm:s6], s20  }
0x9f: {  	_ =	swait.ge [sflag:s22], s20  }
0xa0: {  	s5 =	ssub.s32 $0x0, s20;
	[sflag:s22] =	ssyncset.done $0x0  }
0xa1: {  	[sflag:s22] =	ssyncadd.s32 s5;
	_ =	sdelay $0x1  }
0xa2: {  	s23 =	simm.s32 $0x1B8B  }
0xa3: {  	_ =	swait.ge [sflag:s23], $0x1  }
0xa4: {  	[sflag:s23] =	ssyncset.done $0x0  }
0xa5: {  	s25 =	simm.s32 $0x1B8E;
	s24 =	sld [smem:$0x3FFE];
	[sflag:s23] =	ssyncadd.s32 $0xFFFFFFFF  }
0xa6: {  	s26 =	simm.s32 $execute0_lowered;
	[smem:$0x3FD2] =	sst s25  }
0xa7: {  	s6 =	sshll.u32 s26, $0x1;
	_ =	strace $0x80000046;
	[dreg:$0x1] =	wrdreg $0xFFFFFFFF  }
0xa8: {  	s28 =	simm.s32 $_size_execute0_lowered;
	s4 =	sadd.s32 s4, s6;
	[dreg:$0x0] =	wrdreg $0x0  }
0xa9: {  	s6 =	sshll.u32 s28, $0x1;
	[dreg:$0x2] =	wrdreg s4  }
0xaa: {  	[dreg:$0x3] =	wrdreg s6  }
0xab: {  	[dreg:$0x4] =	wrdreg $0xC0  }
0xac: {  	_ =	task [dreg:s8], $0x5FFFF  }
0xad: {  	[dreg:$0x1] =	wrdreg $0xFFFFFFFF  }
0xae: {  	[dreg:$0x0] =	wrdreg $0x60  }
0xaf: {  	[dreg:$0x2] =	wrdreg s2  }
0xb0: {  	[dreg:$0x3] =	wrdreg s24  }
0xb1: {  	[dreg:$0x4] =	wrdreg s18  }
0xb2: {  	[dreg:$0x5] =	wrdreg $0x9  }
0xb3: {  	_ =	task.clear_ibuf [dreg:s8], $0x6FFFF;
	_ =	strace $0x90000046  }
0xb4: {  	s29 =	simm.s32 $0x9;
	_ =	strace $0x80000048  }
0xb5: {  	_ =	swait.ge [sflag:s29], $0x1  }
0xb6: {  	[sflag:s29] =	ssyncadd.s32 $0xFFFFFFFF  }
0xb7: {  	_ =	strace $0x90000048  }
0xb8: {  	_ =	sfence  }
0xb9: {  	s30 =	sld [smem:$0x0];
	_ =	sdelay $0x2  }
0xba: {  	s31 =	sshll.u32 s1, $0xD;
	s1 =	sshrl.u32 s1, $0x2  }
0xbb: {  	s3 =	sand.u32 $0x4000, s31;
	s1 =	sadd.s32 s1, s30  }
0xbc: {  	s0 =	sor.u32 s3, s0;
	s1 =	sshll.u32 s1, $0x11  }
0xbd: {  	s0 =	sor.u32 s1, s0  }
0xbe: {  	s0 =	sadd.s32 $0x8F2B, s0  }
0xbf: {  	[sflag:s0] =	ssyncadd.remote.s32 $0x1  }
0xc0: {  	_ =	sfence.sel $0xFFFF  }
0xc1: {  	[dreg:$0x0] =	wrdreg $0xFFFFFFFF;
	(pc) =	sbr.abs _section_cstart, $3  }
0xc2: {  	[dreg:$0x1] =	wrdreg $0xFFFFFFFF  }
0xc3: {  	_ =	task.clear_ibuf [dreg:s8], $0x2FFFF;
	_ =	strace $0x9FFFFFFF  }
0xc4: {  	(tm) =	ssettm $0x7FFFFFFF  }
0xc5: {  	_ =	shalt  }
tec
execute0_lowered:
.L_overlay_start_1:
0x0: {  	(tag) =	ssettag $0x1  }
0x1: {  	s0 =	rddreg [dreg:$0x1]  }
0x2: {  	s18 =	simm.s32 $0x0;
	s1 =	srdreg.scid;
	s4 =	stileid.u32  }
0x3: {  	s22 =	simm.s32 $0x2;
	s11 =	simm.s32 $0x280;
	s30 =	simm.s32 $0xBE80  }
0x4: {  	s31 =	simm.s32 $0xC280;
	s7 =	simm.s32 $0xCE80;
	s8 =	simm.s32 $0xDE80  }
0x5: {  	s9 =	simm.s32 $0xE280;
	s6 =	simm.s32 $0xE680;
	s10 =	simm.s32 $0xEA80  }
0x6: {  	s12 =	simm.s32 $0xEE80;
	s13 =	simm.s32 $0xF280;
	s14 =	simm.s32 $0xF680  }
0x7: {  	s15 =	simm.s32 $0xFA80;
	s16 =	simm.s32 $0xFE80;
	s17 =	simm.s32 $0x1  }
0x8: {  	[smem:$0x7FF] =	sst s18;
	s1 =	sand.u32 $0x1, s1;
	s4 =	sshll.u32 s4, $0xD  }
0x9: {  	s5 =	sadd.s32 $0x400, s0;
	s2 =	ssub.s32 $0x2, s1;
	s1 =	sshll.u32 s1, $0xC  }
0xa: {  	_ =	strace $0x80000047;
	s3 =	sshrl.u32 s2, $0x1;
	s20 =	sor.u32 s1, s4  }
0xb: {  	s4 =	simm.s32 $0xCA80;
	s1 =	simm.s32 $0xD680;
	s29 =	ssub.s32 s2, s3  }
0xc: {  	v0 =	vlaneseq.u32;
	s3 =	simm.s32 $0xD280;
	[dreg:$0x5] =	wrdreg s20;
	s0 =	smax.u32 s29, $0x1  }
0xd: {  	v0 =	vmul.u32 $0x400, v0;
	s2 =	simm.s32 $0xDA80;
	[dreg:$0x6] =	wrdreg s0;
	s0 =	simm.s32 $0xC680  }
.LBB2_1:
0xe: {  	[dreg:$0x4] =	wrdreg s18;
	s23 =	simm.s32 $0x0  }
.LBB2_2:
0xf: {  	s18 =	sshll.u32 s23, $0x7;
	s19 =	sshll.u32 s23, $0xE  }
0x10: {  	s18 =	sand.u32 $0x380, s18;
	s19 =	sand.u32 $0x60000, s19  }
0x11: {  	s18 =	sor.u32 s19, s18  }
0x12: {  	s18 =	sor.u32 s20, s18  }
0x13: {  	s25 =	rddreg [dreg:$0x0];
	s26 =	simm.s32 $0x80;
	s18 =	sshrl.u32 s18, $0x3  }
0x14: {  	s21 =	simm.s32 $0x400;
	s19 =	sadd.s32 s25, s18;
	s18 =	simm.s32 $0x0  }
0x15: {  	[tilespmem:s18], [sflag:$0x2] =	stream.strided.gather [hbm4b:s19+s26], $0x200, s21, s26, $0x38;
	[tilespmem:$0x14280] =	vst v63  }
0x16: {  	s29 =	smul.u32 $0x186A0, s23;
	s28 =	simm.s32 $0x0;
	_ =	swait.ge [sflag:s22], $0x200  }
0x17: {  	s19 =	simm.s32 $0x0;
	s21 =	simm.s32 $0x0;
	[sflag:s22] =	ssyncset.done $0x0  }
0x18: {  	v1 =	vmov s29;
	[dreg:$0x7] =	wrdreg s23;
	[sflag:s22] =	ssyncadd.s32 $0xFFFFFE00;
	s22 =	simm.s32 $0x0  }
.LBB2_3:
0x19: {  	s20 =	sshll.u32 s22, $0x6  }
0x1a: {  	v2 =	vld [tilespmem:s20+$0x0];
	_ =	sdelay $0x4  }
0x1b: {  	v3 =	vadd.s32 v1, v2  }
0x1c: {  	v3 =	vshll.u32 v3, $0x4  }
0x1d: {  	(v2sf) =	vpush v3, $0x0;
	_ =	sdelay $0x1  }
0x1e: {  	(v2sf) =	vpush v3, $0x1;
	_ =	sdelay $0x4  }
0x1f: {  	(v2sf) =	vpush v3, $0x2;
	_ =	sdelay $0x5  }
0x20: {  	(v2sf) =	vpush v3, $0x3;
	_ =	sdelay $0x1  }
0x21: {  	s23 =	spop (v2sf);
	(v2sf) =	vpush v3, $0x4  }
0x22: {  	v2 =	vand.u32 $0x7, v2;
	s23 =	sand.u32 $0xFFFFF80, s23  }
0x23: {  	[tilespmem:$0x200] =	vst v2;
	s29 =	spop (v2sf);
	(v2sf) =	vpush v3, $0x5;
	s23 =	sadd.s32 s5, s23  }
0x24: {  	[tilespmem:s11], [sflag:$0x1] =	stream.linear.gather [hbm4b:s23+s18], $0x400, $0x38;
	[tilespmem:$0x14280] =	vst v63  }
0x25: {  	s23 =	sand.u32 $0xFFFFF80, s29  }
0x26: {  	s24 =	simm.s32 $0x680;
	s23 =	sadd.s32 s5, s23  }
0x27: {  	[tilespmem:s24], [sflag:$0x1] =	stream.linear.gather [hbm4b:s23+s18], $0x400, $0x38;
	[tilespmem:$0x14280] =	vst v63  }
0x28: {  	s24 =	spop (v2sf);
	(v2sf) =	vpush v3, $0x6;
	_ =	sdelay $0x1  }
0x29: {  	(v2sf) =	vpush v3, $0x7;
	_ =	sdelay $0x2  }
0x2a: {  	s23 =	sand.u32 $0xFFFFF80, s24  }
0x2b: {  	s25 =	simm.s32 $0xA80;
	s26 =	spop (v2sf);
	s23 =	sadd.s32 s5, s23  }
0x2c: {  	[tilespmem:s25], [sflag:$0x1] =	stream.linear.gather [hbm4b:s23+s18], $0x400, $0x38;
	[tilespmem:$0x14280] =	vst v63  }
0x2d: {  	s24 =	spop (v2sf);
	(v2sf) =	vpush v3, $0x8  }
0x2e: {  	s23 =	sand.u32 $0xFFFFF80, s26  }
0x2f: {  	s29 =	simm.s32 $0xE80;
	s23 =	sadd.s32 s5, s23;
	s26 =	spop (v2sf);
	(v2sf) =	vpush v3, $0x9  }
0x30: {  	[tilespmem:s29], [sflag:$0x1] =	stream.linear.gather [hbm4b:s23+s18], $0x400, $0x38;
	[tilespmem:$0x14280] =	vst v63  }
0x31: {  	s23 =	sand.u32 $0xFFFFF80, s24  }
0x32: {  	s25 =	simm.s32 $0x1280;
	s23 =	sadd.s32 s5, s23  }
0x33: {  	[tilespmem:s25], [sflag:$0x1] =	stream.linear.gather [hbm4b:s23+s18], $0x400, $0x38;
	[tilespmem:$0x14280] =	vst v63  }
0x34: {  	s24 =	spop (v2sf);
	(v2sf) =	vpush v3, $0xA  }
0x35: {  	s23 =	sand.u32 $0xFFFFF80, s26  }
0x36: {  	s29 =	simm.s32 $0x1680;
	s23 =	sadd.s32 s5, s23;
	s26 =	spop (v2sf);
	(v2sf) =	vpush v3, $0xB  }
0x37: {  	[tilespmem:s29], [sflag:$0x1] =	stream.linear.gather [hbm4b:s23+s18], $0x400, $0x38;
	[tilespmem:$0x14280] =	vst v63  }
0x38: {  	s23 =	sand.u32 $0xFFFFF80, s24  }
0x39: {  	s25 =	simm.s32 $0x1A80;
	s23 =	sadd.s32 s5, s23  }
0x3a: {  	[tilespmem:s25], [sflag:$0x1] =	stream.linear.gather [hbm4b:s23+s18], $0x400, $0x38;
	[tilespmem:$0x14280] =	vst v63  }
0x3b: {  	s23 =	sand.u32 $0xFFFFF80, s26  }
0x3c: {  	s29 =	simm.s32 $0x1E80;
	s23 =	sadd.s32 s5, s23;
	s24 =	spop (v2sf);
	(v2sf) =	vpush v3, $0xC  }
0x3d: {  	[tilespmem:s29], [sflag:$0x1] =	stream.linear.gather [hbm4b:s23+s18], $0x400, $0x38;
	[tilespmem:$0x14280] =	vst v63  }
0x3e: {  	s26 =	spop (v2sf);
	(v2sf) =	vpush v3, $0xD  }
0x3f: {  	s23 =	sand.u32 $0xFFFFF80, s24  }
0x40: {  	s25 =	simm.s32 $0x2280;
	s23 =	sadd.s32 s5, s23  }
0x41: {  	[tilespmem:s25], [sflag:$0x1] =	stream.linear.gather [hbm4b:s23+s18], $0x400, $0x38;
	[tilespmem:$0x14280] =	vst v63  }
0x42: {  	s23 =	sand.u32 $0xFFFFF80, s26  }
0x43: {  	s29 =	simm.s32 $0x2680;
	s23 =	sadd.s32 s5, s23;
	s24 =	spop (v2sf);
	(v2sf) =	vpush v3, $0xE  }
0x44: {  	[tilespmem:s29], [sflag:$0x1] =	stream.linear.gather [hbm4b:s23+s18], $0x400, $0x38;
	[tilespmem:$0x14280] =	vst v63  }
0x45: {  	s23 =	sand.u32 $0xFFFFF80, s24;
	s26 =	spop (v2sf);
	(v2sf) =	vpush v3, $0xF  }
0x46: {  	s25 =	simm.s32 $0x2A80;
	s23 =	sadd.s32 s5, s23  }
0x47: {  	[tilespmem:s25], [sflag:$0x1] =	stream.linear.gather [hbm4b:s23+s18], $0x400, $0x38;
	[tilespmem:$0x14280] =	vst v63  }
0x48: {  	s23 =	sand.u32 $0xFFFFF80, s26  }
0x49: {  	s29 =	simm.s32 $0x2E80;
	s23 =	sadd.s32 s5, s23  }
0x4a: {  	[tilespmem:s29], [sflag:$0x1] =	stream.linear.gather [hbm4b:s23+s18], $0x400, $0x38;
	[tilespmem:$0x14280] =	vst v63  }
0x4b: {  	s24 =	spop (v2sf)  }
0x4c: {  	s23 =	sand.u32 $0xFFFFF80, s24  }
0x4d: {  	s25 =	simm.s32 $0x3280;
	s26 =	spop (v2sf);
	s23 =	sadd.s32 s5, s23  }
0x4e: {  	[tilespmem:s25], [sflag:$0x1] =	stream.linear.gather [hbm4b:s23+s18], $0x400, $0x38;
	[tilespmem:$0x14280] =	vst v63  }
0x4f: {  	s23 =	sand.u32 $0xFFFFF80, s26  }
0x50: {  	s29 =	simm.s32 $0x3680;
	s23 =	sadd.s32 s5, s23  }
0x51: {  	[tilespmem:s29], [sflag:$0x1] =	stream.linear.gather [hbm4b:s23+s18], $0x400, $0x38;
	[tilespmem:$0x14280] =	vst v63  }
0x52: {  	s24 =	spop (v2sf)  }
0x53: {  	s23 =	sand.u32 $0xFFFFF80, s24  }
0x54: {  	s25 =	simm.s32 $0x3A80;
	s26 =	spop (v2sf);
	s23 =	sadd.s32 s5, s23  }
0x55: {  	[tilespmem:s25], [sflag:$0x1] =	stream.linear.gather [hbm4b:s23+s18], $0x400, $0x38;
	[tilespmem:$0x14280] =	vst v63  }
0x56: {  	s23 =	sand.u32 $0xFFFFF80, s26  }
0x57: {  	s29 =	simm.s32 $0x3E80;
	s23 =	sadd.s32 s5, s23  }
0x58: {  	[tilespmem:s29], [sflag:$0x1] =	stream.linear.gather [hbm4b:s23+s18], $0x400, $0x38;
	[tilespmem:$0x14280] =	vst v63  }
0x59: {  	v2 =	vld [tilespmem:s20+$0x10];
	_ =	sdelay $0x4  }
0x5a: {  	v3 =	vadd.s32 v1, v2  }
0x5b: {  	v3 =	vshll.u32 v3, $0x4  }
0x5c: {  	(v2sf) =	vpush v3, $0x0;
	_ =	sdelay $0x1  }
0x5d: {  	(v2sf) =	vpush v3, $0x1  }
0x5e: {  	(v2sf) =	vpush v3, $0x2;
	_ =	sdelay $0x1  }
0x5f: {  	(v2sf) =	vpush v3, $0x3;
	_ =	sdelay $0x4  }
0x60: {  	(v2sf) =	vpush v3, $0x4;
	_ =	sdelay $0x4  }
0x61: {  	s24 =	spop (v2sf);
	(v2sf) =	vpush v3, $0x5;
	_ =	sdelay $0x1  }
0x62: {  	v2 =	vand.u32 $0x7, v2;
	s23 =	sand.u32 $0xFFFFF80, s24;
	s26 =	spop (v2sf);
	(v2sf) =	vpush v3, $0x6  }
0x63: {  	s25 =	simm.s32 $0x4280;
	[tilespmem:$0x210] =	vst v2;
	s23 =	sadd.s32 s5, s23;
	s24 =	spop (v2sf)  }
0x64: {  	[tilespmem:s25], [sflag:$0x1] =	stream.linear.gather [hbm4b:s23+s18], $0x400, $0x38;
	[tilespmem:$0x14280] =	vst v63  }
0x65: {  	s23 =	sand.u32 $0xFFFFF80, s26;
	s26 =	spop (v2sf);
	(v2sf) =	vpush v3, $0x7;
	_ =	sdelay $0x1  }
0x66: {  	s29 =	simm.s32 $0x4680;
	s23 =	sadd.s32 s5, s23  }
0x67: {  	[tilespmem:s29], [sflag:$0x1] =	stream.linear.gather [hbm4b:s23+s18], $0x400, $0x38;
	[tilespmem:$0x14280] =	vst v63  }
0x68: {  	s23 =	sand.u32 $0xFFFFF80, s24  }
0x69: {  	s25 =	simm.s32 $0x4A80;
	s24 =	spop (v2sf);
	(v2sf) =	vpush v3, $0x8;
	s23 =	sadd.s32 s5, s23  }
0x6a: {  	[tilespmem:s25], [sflag:$0x1] =	stream.linear.gather [hbm4b:s23+s18], $0x400, $0x38;
	[tilespmem:$0x14280] =	vst v63  }
0x6b: {  	s23 =	sand.u32 $0xFFFFF80, s26  }
0x6c: {  	s29 =	simm.s32 $0x4E80;
	s23 =	sadd.s32 s5, s23  }
0x6d: {  	[tilespmem:s29], [sflag:$0x1] =	stream.linear.gather [hbm4b:s23+s18], $0x400, $0x38;
	[tilespmem:$0x14280] =	vst v63  }
0x6e: {  	s26 =	spop (v2sf);
	(v2sf) =	vpush v3, $0x9  }
0x6f: {  	s23 =	sand.u32 $0xFFFFF80, s24  }
0x70: {  	s25 =	simm.s32 $0x5280;
	s23 =	sadd.s32 s5, s23;
	s24 =	spop (v2sf);
	(v2sf) =	vpush v3, $0xA  }
0x71: {  	[tilespmem:s25], [sflag:$0x1] =	stream.linear.gather [hbm4b:s23+s18], $0x400, $0x38;
	[tilespmem:$0x14280] =	vst v63  }
0x72: {  	s23 =	sand.u32 $0xFFFFF80, s26  }
0x73: {  	s29 =	simm.s32 $0x5680;
	s23 =	sadd.s32 s5, s23;
	s26 =	spop (v2sf);
	(v2sf) =	vpush v3, $0xB  }
0x74: {  	[tilespmem:s29], [sflag:$0x1] =	stream.linear.gather [hbm4b:s23+s18], $0x400, $0x38;
	[tilespmem:$0x14280] =	vst v63  }
0x75: {  	s23 =	sand.u32 $0xFFFFF80, s24  }
0x76: {  	s25 =	simm.s32 $0x5A80;
	s23 =	sadd.s32 s5, s23  }
0x77: {  	[tilespmem:s25], [sflag:$0x1] =	stream.linear.gather [hbm4b:s23+s18], $0x400, $0x38;
	[tilespmem:$0x14280] =	vst v63  }
0x78: {  	s24 =	spop (v2sf);
	(v2sf) =	vpush v3, $0xC  }
0x79: {  	s23 =	sand.u32 $0xFFFFF80, s26  }
0x7a: {  	s29 =	simm.s32 $0x5E80;
	s23 =	sadd.s32 s5, s23  }
0x7b: {  	[tilespmem:s29], [sflag:$0x1] =	stream.linear.gather [hbm4b:s23+s18], $0x400, $0x38;
	[tilespmem:$0x14280] =	vst v63  }
0x7c: {  	s23 =	sand.u32 $0xFFFFF80, s24  }
0x7d: {  	s25 =	simm.s32 $0x6280;
	s23 =	sadd.s32 s5, s23;
	s26 =	spop (v2sf);
	(v2sf) =	vpush v3, $0xD  }
0x7e: {  	[tilespmem:s25], [sflag:$0x1] =	stream.linear.gather [hbm4b:s23+s18], $0x400, $0x38;
	[tilespmem:$0x14280] =	vst v63  }
0x7f: {  	s23 =	sand.u32 $0xFFFFF80, s26;
	s24 =	spop (v2sf);
	(v2sf) =	vpush v3, $0xE  }
0x80: {  	s29 =	simm.s32 $0x6680;
	s23 =	sadd.s32 s5, s23  }
0x81: {  	[tilespmem:s29], [sflag:$0x1] =	stream.linear.gather [hbm4b:s23+s18], $0x400, $0x38;
	[tilespmem:$0x14280] =	vst v63  }
0x82: {  	s26 =	spop (v2sf);
	(v2sf) =	vpush v3, $0xF  }
0x83: {  	s23 =	sand.u32 $0xFFFFF80, s24  }
0x84: {  	s25 =	simm.s32 $0x6A80;
	s23 =	sadd.s32 s5, s23  }
0x85: {  	[tilespmem:s25], [sflag:$0x1] =	stream.linear.gather [hbm4b:s23+s18], $0x400, $0x38;
	[tilespmem:$0x14280] =	vst v63  }
0x86: {  	s23 =	sand.u32 $0xFFFFF80, s26  }
0x87: {  	s29 =	simm.s32 $0x6E80;
	s24 =	spop (v2sf);
	s23 =	sadd.s32 s5, s23  }
0x88: {  	[tilespmem:s29], [sflag:$0x1] =	stream.linear.gather [hbm4b:s23+s18], $0x400, $0x38;
	[tilespmem:$0x14280] =	vst v63  }
0x89: {  	s23 =	sand.u32 $0xFFFFF80, s24  }
0x8a: {  	s25 =	simm.s32 $0x7280;
	s23 =	sadd.s32 s5, s23  }
0x8b: {  	[tilespmem:s25], [sflag:$0x1] =	stream.linear.gather [hbm4b:s23+s18], $0x400, $0x38;
	[tilespmem:$0x14280] =	vst v63  }
0x8c: {  	s26 =	spop (v2sf)  }
0x8d: {  	s23 =	sand.u32 $0xFFFFF80, s26  }
0x8e: {  	s29 =	simm.s32 $0x7680;
	s24 =	spop (v2sf);
	s23 =	sadd.s32 s5, s23  }
0x8f: {  	[tilespmem:s29], [sflag:$0x1] =	stream.linear.gather [hbm4b:s23+s18], $0x400, $0x38;
	[tilespmem:$0x14280] =	vst v63  }
0x90: {  	s23 =	sand.u32 $0xFFFFF80, s24  }
0x91: {  	s25 =	simm.s32 $0x7A80;
	s26 =	spop (v2sf);
	s23 =	sadd.s32 s5, s23  }
0x92: {  	[tilespmem:s25], [sflag:$0x1] =	stream.linear.gather [hbm4b:s23+s18], $0x400, $0x38;
	[tilespmem:$0x14280] =	vst v63  }
0x93: {  	s23 =	sand.u32 $0xFFFFF80, s26  }
0x94: {  	s29 =	simm.s32 $0x7E80;
	s23 =	sadd.s32 s5, s23  }
0x95: {  	[tilespmem:s29], [sflag:$0x1] =	stream.linear.gather [hbm4b:s23+s18], $0x400, $0x38;
	[tilespmem:$0x14280] =	vst v63  }
0x96: {  	v2 =	vld [tilespmem:s20+$0x20];
	_ =	sdelay $0x4  }
0x97: {  	v3 =	vadd.s32 v1, v2  }
0x98: {  	v3 =	vshll.u32 v3, $0x4  }
0x99: {  	(v2sf) =	vpush v3, $0x0;
	_ =	sdelay $0x1  }
0x9a: {  	(v2sf) =	vpush v3, $0x1  }
0x9b: {  	(v2sf) =	vpush v3, $0x2;
	_ =	sdelay $0x1  }
0x9c: {  	(v2sf) =	vpush v3, $0x3;
	_ =	sdelay $0x4  }
0x9d: {  	(v2sf) =	vpush v3, $0x4;
	_ =	sdelay $0x4  }
0x9e: {  	s24 =	spop (v2sf);
	(v2sf) =	vpush v3, $0x5;
	_ =	sdelay $0x1  }
0x9f: {  	v2 =	vand.u32 $0x7, v2;
	s23 =	sand.u32 $0xFFFFF80, s24;
	s26 =	spop (v2sf);
	(v2sf) =	vpush v3, $0x6  }
0xa0: {  	s25 =	simm.s32 $0x8280;
	[tilespmem:$0x220] =	vst v2;
	s23 =	sadd.s32 s5, s23;
	s24 =	spop (v2sf)  }
0xa1: {  	[tilespmem:s25], [sflag:$0x1] =	stream.linear.gather [hbm4b:s23+s18], $0x400, $0x38;
	[tilespmem:$0x14280] =	vst v63  }
0xa2: {  	s23 =	sand.u32 $0xFFFFF80, s26;
	s26 =	spop (v2sf);
	(v2sf) =	vpush v3, $0x7;
	_ =	sdelay $0x1  }
0xa3: {  	s29 =	simm.s32 $0x8680;
	s23 =	sadd.s32 s5, s23  }
0xa4: {  	[tilespmem:s29], [sflag:$0x1] =	stream.linear.gather [hbm4b:s23+s18], $0x400, $0x38;
	[tilespmem:$0x14280] =	vst v63  }
0xa5: {  	s23 =	sand.u32 $0xFFFFF80, s24  }
0xa6: {  	s25 =	simm.s32 $0x8A80;
	s24 =	spop (v2sf);
	(v2sf) =	vpush v3, $0x8;
	s23 =	sadd.s32 s5, s23  }
0xa7: {  	[tilespmem:s25], [sflag:$0x1] =	stream.linear.gather [hbm4b:s23+s18], $0x400, $0x38;
	[tilespmem:$0x14280] =	vst v63  }
0xa8: {  	s23 =	sand.u32 $0xFFFFF80, s26  }
0xa9: {  	s29 =	simm.s32 $0x8E80;
	s23 =	sadd.s32 s5, s23  }
0xaa: {  	[tilespmem:s29], [sflag:$0x1] =	stream.linear.gather [hbm4b:s23+s18], $0x400, $0x38;
	[tilespmem:$0x14280] =	vst v63  }
0xab: {  	s26 =	spop (v2sf);
	(v2sf) =	vpush v3, $0x9  }
0xac: {  	s23 =	sand.u32 $0xFFFFF80, s24  }
0xad: {  	s25 =	simm.s32 $0x9280;
	s23 =	sadd.s32 s5, s23;
	s24 =	spop (v2sf);
	(v2sf) =	vpush v3, $0xA  }
0xae: {  	[tilespmem:s25], [sflag:$0x1] =	stream.linear.gather [hbm4b:s23+s18], $0x400, $0x38;
	[tilespmem:$0x14280] =	vst v63  }
0xaf: {  	s23 =	sand.u32 $0xFFFFF80, s26  }
0xb0: {  	s29 =	simm.s32 $0x9680;
	s23 =	sadd.s32 s5, s23;
	s26 =	spop (v2sf);
	(v2sf) =	vpush v3, $0xB  }
0xb1: {  	[tilespmem:s29], [sflag:$0x1] =	stream.linear.gather [hbm4b:s23+s18], $0x400, $0x38;
	[tilespmem:$0x14280] =	vst v63  }
0xb2: {  	s23 =	sand.u32 $0xFFFFF80, s24  }
0xb3: {  	s25 =	simm.s32 $0x9A80;
	s23 =	sadd.s32 s5, s23  }
0xb4: {  	[tilespmem:s25], [sflag:$0x1] =	stream.linear.gather [hbm4b:s23+s18], $0x400, $0x38;
	[tilespmem:$0x14280] =	vst v63  }
0xb5: {  	s24 =	spop (v2sf);
	(v2sf) =	vpush v3, $0xC  }
0xb6: {  	s23 =	sand.u32 $0xFFFFF80, s26  }
0xb7: {  	s29 =	simm.s32 $0x9E80;
	s23 =	sadd.s32 s5, s23  }
0xb8: {  	[tilespmem:s29], [sflag:$0x1] =	stream.linear.gather [hbm4b:s23+s18], $0x400, $0x38;
	[tilespmem:$0x14280] =	vst v63  }
0xb9: {  	s23 =	sand.u32 $0xFFFFF80, s24  }
0xba: {  	s25 =	simm.s32 $0xA280;
	s23 =	sadd.s32 s5, s23;
	s26 =	spop (v2sf);
	(v2sf) =	vpush v3, $0xD  }
0xbb: {  	[tilespmem:s25], [sflag:$0x1] =	stream.linear.gather [hbm4b:s23+s18], $0x400, $0x38;
	[tilespmem:$0x14280] =	vst v63  }
0xbc: {  	s23 =	sand.u32 $0xFFFFF80, s26;
	s24 =	spop (v2sf);
	(v2sf) =	vpush v3, $0xE  }
0xbd: {  	s29 =	simm.s32 $0xA680;
	s23 =	sadd.s32 s5, s23  }
0xbe: {  	[tilespmem:s29], [sflag:$0x1] =	stream.linear.gather [hbm4b:s23+s18], $0x400, $0x38;
	[tilespmem:$0x14280] =	vst v63  }
0xbf: {  	s26 =	spop (v2sf);
	(v2sf) =	vpush v3, $0xF  }
0xc0: {  	s23 =	sand.u32 $0xFFFFF80, s24  }
0xc1: {  	s25 =	simm.s32 $0xAA80;
	s23 =	sadd.s32 s5, s23  }
0xc2: {  	[tilespmem:s25], [sflag:$0x1] =	stream.linear.gather [hbm4b:s23+s18], $0x400, $0x38;
	[tilespmem:$0x14280] =	vst v63  }
0xc3: {  	s23 =	sand.u32 $0xFFFFF80, s26  }
0xc4: {  	s29 =	simm.s32 $0xAE80;
	s24 =	spop (v2sf);
	s23 =	sadd.s32 s5, s23  }
0xc5: {  	[tilespmem:s29], [sflag:$0x1] =	stream.linear.gather [hbm4b:s23+s18], $0x400, $0x38;
	[tilespmem:$0x14280] =	vst v63  }
0xc6: {  	s23 =	sand.u32 $0xFFFFF80, s24  }
0xc7: {  	s25 =	simm.s32 $0xB280;
	s23 =	sadd.s32 s5, s23  }
0xc8: {  	[tilespmem:s25], [sflag:$0x1] =	stream.linear.gather [hbm4b:s23+s18], $0x400, $0x38;
	[tilespmem:$0x14280] =	vst v63  }
0xc9: {  	s26 =	spop (v2sf)  }
0xca: {  	s23 =	sand.u32 $0xFFFFF80, s26  }
0xcb: {  	s29 =	simm.s32 $0xB680;
	s25 =	spop (v2sf);
	s23 =	sadd.s32 s5, s23  }
0xcc: {  	[tilespmem:s29], [sflag:$0x1] =	stream.linear.gather [hbm4b:s23+s18], $0x400, $0x38;
	[tilespmem:$0x14280] =	vst v63  }
0xcd: {  	s23 =	sand.u32 $0xFFFFF80, s25  }
0xce: {  	s26 =	simm.s32 $0xBA80;
	s29 =	spop (v2sf);
	s23 =	sadd.s32 s5, s23  }
0xcf: {  	[tilespmem:s26], [sflag:$0x1] =	stream.linear.gather [hbm4b:s23+s18], $0x400, $0x38;
	[tilespmem:$0x14280] =	vst v63  }
0xd0: {  	s23 =	sand.u32 $0xFFFFF80, s29  }
0xd1: {  	s23 =	sadd.s32 s5, s23  }
0xd2: {  	[tilespmem:s30], [sflag:$0x1] =	stream.linear.gather [hbm4b:s23+s18], $0x400, $0x38;
	[tilespmem:$0x14280] =	vst v63  }
0xd3: {  	v2 =	vld [tilespmem:s20+$0x30];
	_ =	sdelay $0x4  }
0xd4: {  	v3 =	vadd.s32 v1, v2  }
0xd5: {  	v3 =	vshll.u32 v3, $0x4  }
0xd6: {  	(v2sf) =	vpush v3, $0x0;
	_ =	sdelay $0x2  }
0xd7: {  	(v2sf) =	vpush v3, $0x1  }
0xd8: {  	(v2sf) =	vpush v3, $0x2;
	_ =	sdelay $0x2  }
0xd9: {  	(v2sf) =	vpush v3, $0x3;
	_ =	sdelay $0x1  }
0xda: {  	(v2sf) =	vpush v3, $0x4;
	_ =	sdelay $0x5  }
0xdb: {  	s24 =	spop (v2sf);
	(v2sf) =	vpush v3, $0x5;
	_ =	sdelay $0x2  }
0xdc: {  	v2 =	vand.u32 $0x7, v2;
	s20 =	sand.u32 $0xFFFFF80, s24;
	s25 =	spop (v2sf)  }
0xdd: {  	[tilespmem:$0x230] =	vst v2;
	s20 =	sadd.s32 s5, s20;
	s26 =	spop (v2sf)  }
0xde: {  	(v2sf) =	vpush v3, $0x6;
	[tilespmem:s31], [sflag:$0x1] =	stream.linear.gather [hbm4b:s20+s18], $0x400, $0x38;
	[tilespmem:$0x14280] =	vst v63  }
0xdf: {  	s20 =	sand.u32 $0xFFFFF80, s25  }
0xe0: {  	s29 =	spop (v2sf);
	(v2sf) =	vpush v3, $0x7;
	s20 =	sadd.s32 s5, s20  }
0xe1: {  	[tilespmem:s0], [sflag:$0x1] =	stream.linear.gather [hbm4b:s20+s18], $0x400, $0x38;
	[tilespmem:$0x14280] =	vst v63  }
0xe2: {  	s23 =	spop (v2sf);
	(v2sf) =	vpush v3, $0x8;
	s20 =	sand.u32 $0xFFFFF80, s26  }
0xe3: {  	s20 =	sadd.s32 s5, s20  }
0xe4: {  	[tilespmem:s4], [sflag:$0x1] =	stream.linear.gather [hbm4b:s20+s18], $0x400, $0x38;
	[tilespmem:$0x14280] =	vst v63  }
0xe5: {  	s20 =	sand.u32 $0xFFFFF80, s29  }
0xe6: {  	s20 =	sadd.s32 s5, s20  }
0xe7: {  	[tilespmem:s7], [sflag:$0x1] =	stream.linear.gather [hbm4b:s20+s18], $0x400, $0x38;
	[tilespmem:$0x14280] =	vst v63  }
0xe8: {  	s24 =	spop (v2sf);
	(v2sf) =	vpush v3, $0x9  }
0xe9: {  	s20 =	sand.u32 $0xFFFFF80, s23  }
0xea: {  	s20 =	sadd.s32 s5, s20;
	(v2sf) =	vpush v3, $0xA  }
0xeb: {  	[tilespmem:s3], [sflag:$0x1] =	stream.linear.gather [hbm4b:s20+s18], $0x400, $0x38;
	[tilespmem:$0x14280] =	vst v63  }
0xec: {  	s20 =	sand.u32 $0xFFFFF80, s24  }
0xed: {  	s20 =	sadd.s32 s5, s20;
	s25 =	spop (v2sf)  }
0xee: {  	(v2sf) =	vpush v3, $0xB;
	[tilespmem:s1], [sflag:$0x1] =	stream.linear.gather [hbm4b:s20+s18], $0x400, $0x38;
	[tilespmem:$0x14280] =	vst v63  }
0xef: {  	s26 =	spop (v2sf);
	(v2sf) =	vpush v3, $0xC  }
0xf0: {  	s20 =	sand.u32 $0xFFFFF80, s25  }
0xf1: {  	s20 =	sadd.s32 s5, s20;
	s29 =	spop (v2sf);
	(v2sf) =	vpush v3, $0xD  }
0xf2: {  	[tilespmem:s2], [sflag:$0x1] =	stream.linear.gather [hbm4b:s20+s18], $0x400, $0x38;
	[tilespmem:$0x14280] =	vst v63  }
0xf3: {  	s20 =	sand.u32 $0xFFFFF80, s26  }
0xf4: {  	s20 =	sadd.s32 s5, s20  }
0xf5: {  	[tilespmem:s8], [sflag:$0x1] =	stream.linear.gather [hbm4b:s20+s18], $0x400, $0x38;
	[tilespmem:$0x14280] =	vst v63  }
0xf6: {  	s20 =	sand.u32 $0xFFFFF80, s29  }
0xf7: {  	s20 =	sadd.s32 s5, s20;
	s23 =	spop (v2sf);
	(v2sf) =	vpush v3, $0xE  }
0xf8: {  	[tilespmem:s9], [sflag:$0x1] =	stream.linear.gather [hbm4b:s20+s18], $0x400, $0x38;
	[tilespmem:$0x14280] =	vst v63  }
0xf9: {  	s24 =	spop (v2sf);
	(v2sf) =	vpush v3, $0xF  }
0xfa: {  	s20 =	sand.u32 $0xFFFFF80, s23  }
0xfb: {  	s20 =	sadd.s32 s5, s20  }
0xfc: {  	[tilespmem:s6], [sflag:$0x1] =	stream.linear.gather [hbm4b:s20+s18], $0x400, $0x38;
	[tilespmem:$0x14280] =	vst v63  }
0xfd: {  	s25 =	spop (v2sf);
	s20 =	sand.u32 $0xFFFFF80, s24  }
0xfe: {  	s26 =	sand.u32 $0xFFFFF80, s25;
	s29 =	spop (v2sf);
	s20 =	sadd.s32 s5, s20  }
0xff: {  	[tilespmem:s10], [sflag:$0x1] =	stream.linear.gather [hbm4b:s20+s18], $0x400, $0x38;
	[tilespmem:$0x14280] =	vst v63  }
0x100: {  	s24 =	sand.u32 $0xFFFFF80, s29;
	s25 =	spop (v2sf);
	s20 =	sadd.s32 s5, s26  }
0x101: {  	[tilespmem:s12], [sflag:$0x1] =	stream.linear.gather [hbm4b:s20+s18], $0x400, $0x38;
	[tilespmem:$0x14280] =	vst v63  }
0x102: {  	s26 =	sand.u32 $0xFFFFF80, s25;
	s20 =	sadd.s32 s5, s24  }
0x103: {  	[tilespmem:s13], [sflag:$0x1] =	stream.linear.gather [hbm4b:s20+s18], $0x400, $0x38;
	[tilespmem:$0x14280] =	vst v63  }
0x104: {  	s20 =	sadd.s32 s5, s26  }
0x105: {  	[tilespmem:s14], [sflag:$0x1] =	stream.linear.gather [hbm4b:s20+s18], $0x400, $0x38;
	[tilespmem:$0x14280] =	vst v63  }
0x106: {  	s29 =	spop (v2sf)  }
0x107: {  	s23 =	sand.u32 $0xFFFFF80, s29  }
0x108: {  	s24 =	spop (v2sf);
	s20 =	sadd.s32 s5, s23  }
0x109: {  	[tilespmem:s15], [sflag:$0x1] =	stream.linear.gather [hbm4b:s20+s18], $0x400, $0x38;
	[tilespmem:$0x14280] =	vst v63  }
0x10a: {  	s20 =	sand.u32 $0xFFFFF80, s24  }
0x10b: {  	s20 =	sadd.s32 s5, s20  }
0x10c: {  	[tilespmem:s16], [sflag:$0x1] =	stream.linear.gather [hbm4b:s20+s18], $0x400, $0x38;
	[tilespmem:$0x14280] =	vst v63  }
0x10d: {  	_ =	swait.ge [sflag:s17], $0x400  }
0x10e: {  	[sflag:s17] =	ssyncset.done $0x0  }
0x10f: {  	[sflag:s17] =	ssyncadd.s32 $0xFFFFFC00  }
0x110: {  	_ =	swait.ge [sflag:s17], $0x400  }
0x111: {  	[sflag:s17] =	ssyncset.done $0x0  }
0x112: {  	[sflag:s17] =	ssyncadd.s32 $0xFFFFFC00  }
0x113: {  	_ =	swait.ge [sflag:s17], $0x400  }
0x114: {  	[sflag:s17] =	ssyncset.done $0x0  }
0x115: {  	[sflag:s17] =	ssyncadd.s32 $0xFFFFFC00  }
0x116: {  	_ =	swait.ge [sflag:s17], $0x400  }
0x117: {  	[sflag:s17] =	ssyncset.done $0x0  }
0x118: {  	[sflag:s17] =	ssyncadd.s32 $0xFFFFFC00  }
0x119: {  	_ =	swait.ge [sflag:s17], $0x400  }
0x11a: {  	[sflag:s17] =	ssyncset.done $0x0  }
0x11b: {  	[sflag:s17] =	ssyncadd.s32 $0xFFFFFC00  }
0x11c: {  	_ =	swait.ge [sflag:s17], $0x400  }
0x11d: {  	[sflag:s17] =	ssyncset.done $0x0  }
0x11e: {  	[sflag:s17] =	ssyncadd.s32 $0xFFFFFC00  }
0x11f: {  	_ =	swait.ge [sflag:s17], $0x400  }
0x120: {  	[sflag:s17] =	ssyncset.done $0x0  }
0x121: {  	[sflag:s17] =	ssyncadd.s32 $0xFFFFFC00  }
0x122: {  	_ =	swait.ge [sflag:s17], $0x400  }
0x123: {  	[sflag:s17] =	ssyncset.done $0x0  }
0x124: {  	[sflag:s17] =	ssyncadd.s32 $0xFFFFFC00  }
0x125: {  	_ =	swait.ge [sflag:s17], $0x400  }
0x126: {  	[sflag:s17] =	ssyncset.done $0x0  }
0x127: {  	[sflag:s17] =	ssyncadd.s32 $0xFFFFFC00  }
0x128: {  	_ =	swait.ge [sflag:s17], $0x400  }
0x129: {  	[sflag:s17] =	ssyncset.done $0x0  }
0x12a: {  	[sflag:s17] =	ssyncadd.s32 $0xFFFFFC00  }
0x12b: {  	_ =	swait.ge [sflag:s17], $0x400  }
0x12c: {  	[sflag:s17] =	ssyncset.done $0x0  }
0x12d: {  	[sflag:s17] =	ssyncadd.s32 $0xFFFFFC00  }
0x12e: {  	_ =	swait.ge [sflag:s17], $0x400  }
0x12f: {  	[sflag:s17] =	ssyncset.done $0x0  }
0x130: {  	[sflag:s17] =	ssyncadd.s32 $0xFFFFFC00  }
0x131: {  	_ =	swait.ge [sflag:s17], $0x400  }
0x132: {  	[sflag:s17] =	ssyncset.done $0x0  }
0x133: {  	[sflag:s17] =	ssyncadd.s32 $0xFFFFFC00  }
0x134: {  	_ =	swait.ge [sflag:s17], $0x400  }
0x135: {  	[sflag:s17] =	ssyncset.done $0x0  }
0x136: {  	[sflag:s17] =	ssyncadd.s32 $0xFFFFFC00  }
0x137: {  	_ =	swait.ge [sflag:s17], $0x400  }
0x138: {  	[sflag:s17] =	ssyncset.done $0x0  }
0x139: {  	[sflag:s17] =	ssyncadd.s32 $0xFFFFFC00  }
0x13a: {  	_ =	swait.ge [sflag:s17], $0x400  }
0x13b: {  	[sflag:s17] =	ssyncset.done $0x0  }
0x13c: {  	[sflag:s17] =	ssyncadd.s32 $0xFFFFFC00  }
0x13d: {  	_ =	swait.ge [sflag:s17], $0x400  }
0x13e: {  	[sflag:s17] =	ssyncset.done $0x0  }
0x13f: {  	[sflag:s17] =	ssyncadd.s32 $0xFFFFFC00  }
0x140: {  	_ =	swait.ge [sflag:s17], $0x400  }
0x141: {  	[sflag:s17] =	ssyncset.done $0x0  }
0x142: {  	[sflag:s17] =	ssyncadd.s32 $0xFFFFFC00  }
0x143: {  	_ =	swait.ge [sflag:s17], $0x400  }
0x144: {  	[sflag:s17] =	ssyncset.done $0x0  }
0x145: {  	[sflag:s17] =	ssyncadd.s32 $0xFFFFFC00  }
0x146: {  	_ =	swait.ge [sflag:s17], $0x400  }
0x147: {  	[sflag:s17] =	ssyncset.done $0x0  }
0x148: {  	[sflag:s17] =	ssyncadd.s32 $0xFFFFFC00  }
0x149: {  	_ =	swait.ge [sflag:s17], $0x400  }
0x14a: {  	[sflag:s17] =	ssyncset.done $0x0  }
0x14b: {  	[sflag:s17] =	ssyncadd.s32 $0xFFFFFC00  }
0x14c: {  	_ =	swait.ge [sflag:s17], $0x400  }
0x14d: {  	[sflag:s17] =	ssyncset.done $0x0  }
0x14e: {  	[sflag:s17] =	ssyncadd.s32 $0xFFFFFC00  }
0x14f: {  	_ =	swait.ge [sflag:s17], $0x400  }
0x150: {  	[sflag:s17] =	ssyncset.done $0x0  }
0x151: {  	[sflag:s17] =	ssyncadd.s32 $0xFFFFFC00  }
0x152: {  	_ =	swait.ge [sflag:s17], $0x400  }
0x153: {  	[sflag:s17] =	ssyncset.done $0x0  }
0x154: {  	[sflag:s17] =	ssyncadd.s32 $0xFFFFFC00  }
0x155: {  	_ =	swait.ge [sflag:s17], $0x400  }
0x156: {  	[sflag:s17] =	ssyncset.done $0x0  }
0x157: {  	[sflag:s17] =	ssyncadd.s32 $0xFFFFFC00  }
0x158: {  	_ =	swait.ge [sflag:s17], $0x400  }
0x159: {  	[sflag:s17] =	ssyncset.done $0x0  }
0x15a: {  	[sflag:s17] =	ssyncadd.s32 $0xFFFFFC00  }
0x15b: {  	_ =	swait.ge [sflag:s17], $0x400  }
0x15c: {  	[sflag:s17] =	ssyncset.done $0x0  }
0x15d: {  	[sflag:s17] =	ssyncadd.s32 $0xFFFFFC00  }
0x15e: {  	_ =	swait.ge [sflag:s17], $0x400  }
0x15f: {  	[sflag:s17] =	ssyncset.done $0x0  }
0x160: {  	[sflag:s17] =	ssyncadd.s32 $0xFFFFFC00  }
0x161: {  	_ =	swait.ge [sflag:s17], $0x400  }
0x162: {  	[sflag:s17] =	ssyncset.done $0x0  }
0x163: {  	[sflag:s17] =	ssyncadd.s32 $0xFFFFFC00  }
0x164: {  	_ =	swait.ge [sflag:s17], $0x400  }
0x165: {  	[sflag:s17] =	ssyncset.done $0x0  }
0x166: {  	[sflag:s17] =	ssyncadd.s32 $0xFFFFFC00  }
0x167: {  	_ =	swait.ge [sflag:s17], $0x400  }
0x168: {  	[sflag:s17] =	ssyncset.done $0x0  }
0x169: {  	[sflag:s17] =	ssyncadd.s32 $0xFFFFFC00  }
0x16a: {  	_ =	swait.ge [sflag:s17], $0x400  }
0x16b: {  	[sflag:s17] =	ssyncset.done $0x0  }
0x16c: {  	[sflag:s17] =	ssyncadd.s32 $0xFFFFFC00  }
0x16d: {  	_ =	swait.ge [sflag:s17], $0x400  }
0x16e: {  	[sflag:s17] =	ssyncset.done $0x0  }
0x16f: {  	[sflag:s17] =	ssyncadd.s32 $0xFFFFFC00  }
0x170: {  	_ =	swait.ge [sflag:s17], $0x400  }
0x171: {  	[sflag:s17] =	ssyncset.done $0x0  }
0x172: {  	[sflag:s17] =	ssyncadd.s32 $0xFFFFFC00  }
0x173: {  	_ =	swait.ge [sflag:s17], $0x400  }
0x174: {  	[sflag:s17] =	ssyncset.done $0x0  }
0x175: {  	[sflag:s17] =	ssyncadd.s32 $0xFFFFFC00  }
0x176: {  	_ =	swait.ge [sflag:s17], $0x400  }
0x177: {  	[sflag:s17] =	ssyncset.done $0x0  }
0x178: {  	[sflag:s17] =	ssyncadd.s32 $0xFFFFFC00  }
0x179: {  	_ =	swait.ge [sflag:s17], $0x400  }
0x17a: {  	[sflag:s17] =	ssyncset.done $0x0  }
0x17b: {  	[sflag:s17] =	ssyncadd.s32 $0xFFFFFC00  }
0x17c: {  	_ =	swait.ge [sflag:s17], $0x400  }
0x17d: {  	[sflag:s17] =	ssyncset.done $0x0  }
0x17e: {  	[sflag:s17] =	ssyncadd.s32 $0xFFFFFC00  }
0x17f: {  	_ =	swait.ge [sflag:s17], $0x400  }
0x180: {  	[sflag:s17] =	ssyncset.done $0x0  }
0x181: {  	[sflag:s17] =	ssyncadd.s32 $0xFFFFFC00  }
0x182: {  	_ =	swait.ge [sflag:s17], $0x400  }
0x183: {  	[sflag:s17] =	ssyncset.done $0x0  }
0x184: {  	[sflag:s17] =	ssyncadd.s32 $0xFFFFFC00  }
0x185: {  	_ =	swait.ge [sflag:s17], $0x400  }
0x186: {  	[sflag:s17] =	ssyncset.done $0x0  }
0x187: {  	[sflag:s17] =	ssyncadd.s32 $0xFFFFFC00  }
0x188: {  	_ =	swait.ge [sflag:s17], $0x400  }
0x189: {  	[sflag:s17] =	ssyncset.done $0x0  }
0x18a: {  	[sflag:s17] =	ssyncadd.s32 $0xFFFFFC00  }
0x18b: {  	_ =	swait.ge [sflag:s17], $0x400  }
0x18c: {  	[sflag:s17] =	ssyncset.done $0x0  }
0x18d: {  	[sflag:s17] =	ssyncadd.s32 $0xFFFFFC00  }
0x18e: {  	_ =	swait.ge [sflag:s17], $0x400  }
0x18f: {  	[sflag:s17] =	ssyncset.done $0x0  }
0x190: {  	[sflag:s17] =	ssyncadd.s32 $0xFFFFFC00  }
0x191: {  	_ =	swait.ge [sflag:s17], $0x400  }
0x192: {  	[sflag:s17] =	ssyncset.done $0x0  }
0x193: {  	[sflag:s17] =	ssyncadd.s32 $0xFFFFFC00  }
0x194: {  	_ =	swait.ge [sflag:s17], $0x400  }
0x195: {  	[sflag:s17] =	ssyncset.done $0x0  }
0x196: {  	[sflag:s17] =	ssyncadd.s32 $0xFFFFFC00  }
0x197: {  	_ =	swait.ge [sflag:s17], $0x400  }
0x198: {  	[sflag:s17] =	ssyncset.done $0x0  }
0x199: {  	[sflag:s17] =	ssyncadd.s32 $0xFFFFFC00  }
0x19a: {  	_ =	swait.ge [sflag:s17], $0x400  }
0x19b: {  	[sflag:s17] =	ssyncset.done $0x0  }
0x19c: {  	[sflag:s17] =	ssyncadd.s32 $0xFFFFFC00  }
0x19d: {  	_ =	swait.ge [sflag:s17], $0x400  }
0x19e: {  	[sflag:s17] =	ssyncset.done $0x0  }
0x19f: {  	[sflag:s17] =	ssyncadd.s32 $0xFFFFFC00  }
0x1a0: {  	_ =	swait.ge [sflag:s17], $0x400  }
0x1a1: {  	[sflag:s17] =	ssyncset.done $0x0  }
0x1a2: {  	[sflag:s17] =	ssyncadd.s32 $0xFFFFFC00  }
0x1a3: {  	_ =	swait.ge [sflag:s17], $0x400  }
0x1a4: {  	[sflag:s17] =	ssyncset.done $0x0  }
0x1a5: {  	[sflag:s17] =	ssyncadd.s32 $0xFFFFFC00  }
0x1a6: {  	_ =	swait.ge [sflag:s17], $0x400  }
0x1a7: {  	[sflag:s17] =	ssyncset.done $0x0  }
0x1a8: {  	[sflag:s17] =	ssyncadd.s32 $0xFFFFFC00  }
0x1a9: {  	_ =	swait.ge [sflag:s17], $0x400  }
0x1aa: {  	[sflag:s17] =	ssyncset.done $0x0  }
0x1ab: {  	[sflag:s17] =	ssyncadd.s32 $0xFFFFFC00  }
0x1ac: {  	_ =	swait.ge [sflag:s17], $0x400  }
0x1ad: {  	[sflag:s17] =	ssyncset.done $0x0  }
0x1ae: {  	[sflag:s17] =	ssyncadd.s32 $0xFFFFFC00  }
0x1af: {  	_ =	swait.ge [sflag:s17], $0x400  }
0x1b0: {  	[sflag:s17] =	ssyncset.done $0x0  }
0x1b1: {  	[sflag:s17] =	ssyncadd.s32 $0xFFFFFC00  }
0x1b2: {  	_ =	swait.ge [sflag:s17], $0x400  }
0x1b3: {  	[sflag:s17] =	ssyncset.done $0x0  }
0x1b4: {  	[sflag:s17] =	ssyncadd.s32 $0xFFFFFC00  }
0x1b5: {  	_ =	swait.ge [sflag:s17], $0x400  }
0x1b6: {  	[sflag:s17] =	ssyncset.done $0x0  }
0x1b7: {  	[sflag:s17] =	ssyncadd.s32 $0xFFFFFC00  }
0x1b8: {  	_ =	swait.ge [sflag:s17], $0x400  }
0x1b9: {  	[sflag:s17] =	ssyncset.done $0x0  }
0x1ba: {  	[sflag:s17] =	ssyncadd.s32 $0xFFFFFC00  }
0x1bb: {  	_ =	swait.ge [sflag:s17], $0x400  }
0x1bc: {  	[sflag:s17] =	ssyncset.done $0x0  }
0x1bd: {  	[sflag:s17] =	ssyncadd.s32 $0xFFFFFC00  }
0x1be: {  	_ =	swait.ge [sflag:s17], $0x400  }
0x1bf: {  	[sflag:s17] =	ssyncset.done $0x0  }
0x1c0: {  	[sflag:s17] =	ssyncadd.s32 $0xFFFFFC00  }
0x1c1: {  	_ =	swait.ge [sflag:s17], $0x400  }
0x1c2: {  	[sflag:s17] =	ssyncset.done $0x0  }
0x1c3: {  	[sflag:s17] =	ssyncadd.s32 $0xFFFFFC00  }
0x1c4: {  	_ =	swait.ge [sflag:s17], $0x400  }
0x1c5: {  	[sflag:s17] =	ssyncset.done $0x0  }
0x1c6: {  	[sflag:s17] =	ssyncadd.s32 $0xFFFFFC00  }
0x1c7: {  	_ =	swait.ge [sflag:s17], $0x400  }
0x1c8: {  	[sflag:s17] =	ssyncset.done $0x0  }
0x1c9: {  	[sflag:s17] =	ssyncadd.s32 $0xFFFFFC00  }
0x1ca: {  	_ =	swait.ge [sflag:s17], $0x400  }
0x1cb: {  	[sflag:s17] =	ssyncset.done $0x0  }
0x1cc: {  	s23 =	simm.s32 $0x200;
	[sflag:s17] =	ssyncadd.s32 $0xFFFFFC00  }
0x1cd: {  	v2 =	vld [tilespmem:s23+$0x0];
	_ =	sdelay $0x2  }
0x1ce: {  	v3 =	vmov s18  }
0x1cf: {  	v3 =	vshll.u32 v3, $0xA  }
0x1d0: {  	v3 =	vor.u32 v0, v3;
	v2 =	vshll.u32 v2, $0x7  }
0x1d1: {  	v2 =	vadd.s32 v3, v2;
	_ =	sdelay $0x4  }
0x1d2: {  	v3 =	vld.idx.msk [tilespmem:v2+s11+$0x0], $0xffff  }
0x1d3: {  	s25 =	sand.u32 $0x7, s19;
	v4 =	vor.u32 $0x1, v2  }
0x1d4: {  	s20 =	sshll.u32 s25, $0x4  }
0x1d5: {  	s26 =	sand.u32 $0x3FFFFC00, s28;
	s24 =	sor.u32 $0x10280, s20  }
0x1d6: {  	s25 =	sadd.s32 s26, s24  }
0x1d7: {  	[tilespmem:s25+$0x0] =	vst v3  }
0x1d8: {  	v3 =	vld.idx.msk [tilespmem:v4+s11+$0x0], $0xffff  }
0x1d9: {  	v35 =	vor.u32 $0x2, v2;
	_ =	sdelay $0x3  }
0x1da: {  	[tilespmem:s25+$0x80] =	vst v3  }
0x1db: {  	v3 =	vld.idx.msk [tilespmem:v35+s11+$0x0], $0xffff  }
0x1dc: {  	v36 =	vor.u32 $0x3, v2;
	_ =	sdelay $0x3  }
0x1dd: {  	[tilespmem:s25+$0x100] =	vst v3  }
0x1de: {  	v3 =	vld.idx.msk [tilespmem:v36+s11+$0x0], $0xffff  }
0x1df: {  	v37 =	vor.u32 $0x4, v2;
	_ =	sdelay $0x3  }
0x1e0: {  	[tilespmem:s25+$0x180] =	vst v3  }
0x1e1: {  	v3 =	vld.idx.msk [tilespmem:v37+s11+$0x0], $0xffff  }
0x1e2: {  	v38 =	vor.u32 $0x5, v2;
	_ =	sdelay $0x3  }
0x1e3: {  	[tilespmem:s25+$0x200] =	vst v3  }
0x1e4: {  	v3 =	vld.idx.msk [tilespmem:v38+s11+$0x0], $0xffff  }
0x1e5: {  	v39 =	vor.u32 $0x6, v2;
	_ =	sdelay $0x3  }
0x1e6: {  	[tilespmem:s25+$0x280] =	vst v3  }
0x1e7: {  	v3 =	vld.idx.msk [tilespmem:v39+s11+$0x0], $0xffff  }
0x1e8: {  	v40 =	vor.u32 $0x7, v2;
	_ =	sdelay $0x3  }
0x1e9: {  	[tilespmem:s25+$0x300] =	vst v3  }
0x1ea: {  	v3 =	vld.idx.msk [tilespmem:v40+s11+$0x0], $0xffff  }
0x1eb: {  	v41 =	vor.u32 $0x8, v2  }
0x1ec: {  	s29 =	sadd.s32 $0x0, s21  }
0x1ed: {  	s20 =	sor.u32 s28, s29  }
0x1ee: {  	s20 =	sor.u32 $0x380, s20  }
0x1ef: {  	[tilespmem:s20+$0x10280] =	vst v3  }
0x1f0: {  	v3 =	vld.idx.msk [tilespmem:v41+s11+$0x0], $0xffff  }
0x1f1: {  	v42 =	vor.u32 $0x9, v2;
	_ =	sdelay $0x3  }
0x1f2: {  	[tilespmem:s25+$0x1000] =	vst v3  }
0x1f3: {  	v3 =	vld.idx.msk [tilespmem:v42+s11+$0x0], $0xffff  }
0x1f4: {  	v43 =	vor.u32 $0xA, v2;
	_ =	sdelay $0x3  }
0x1f5: {  	[tilespmem:s25+$0x1080] =	vst v3  }
0x1f6: {  	v3 =	vld.idx.msk [tilespmem:v43+s11+$0x0], $0xffff  }
0x1f7: {  	v44 =	vor.u32 $0xB, v2;
	_ =	sdelay $0x3  }
0x1f8: {  	[tilespmem:s25+$0x1100] =	vst v3  }
0x1f9: {  	v3 =	vld.idx.msk [tilespmem:v44+s11+$0x0], $0xffff  }
0x1fa: {  	v45 =	vor.u32 $0xC, v2;
	_ =	sdelay $0x3  }
0x1fb: {  	[tilespmem:s25+$0x1180] =	vst v3  }
0x1fc: {  	v3 =	vld.idx.msk [tilespmem:v45+s11+$0x0], $0xffff  }
0x1fd: {  	v46 =	vor.u32 $0xD, v2;
	_ =	sdelay $0x3  }
0x1fe: {  	[tilespmem:s25+$0x1200] =	vst v3  }
0x1ff: {  	v3 =	vld.idx.msk [tilespmem:v46+s11+$0x0], $0xffff  }
0x200: {  	v47 =	vor.u32 $0xE, v2;
	_ =	sdelay $0x3  }
0x201: {  	[tilespmem:s25+$0x1280] =	vst v3  }
0x202: {  	v3 =	vld.idx.msk [tilespmem:v47+s11+$0x0], $0xffff  }
0x203: {  	v48 =	vor.u32 $0xF, v2;
	_ =	sdelay $0x3  }
0x204: {  	[tilespmem:s25+$0x1300] =	vst v3  }
0x205: {  	v3 =	vld.idx.msk [tilespmem:v48+s11+$0x0], $0xffff  }
0x206: {  	v49 =	vor.u32 $0x10, v2;
	_ =	sdelay $0x3  }
0x207: {  	[tilespmem:s25+$0x1380] =	vst v3  }
0x208: {  	v3 =	vld.idx.msk [tilespmem:v49+s11+$0x0], $0xffff  }
0x209: {  	v50 =	vor.u32 $0x11, v2;
	_ =	sdelay $0x3  }
0x20a: {  	[tilespmem:s25+$0x2000] =	vst v3  }
0x20b: {  	v3 =	vld.idx.msk [tilespmem:v50+s11+$0x0], $0xffff  }
0x20c: {  	v51 =	vor.u32 $0x12, v2;
	_ =	sdelay $0x3  }
0x20d: {  	[tilespmem:s25+$0x2080] =	vst v3  }
0x20e: {  	v3 =	vld.idx.msk [tilespmem:v51+s11+$0x0], $0xffff  }
0x20f: {  	v52 =	vor.u32 $0x13, v2;
	_ =	sdelay $0x3  }
0x210: {  	[tilespmem:s25+$0x2100] =	vst v3  }
0x211: {  	v3 =	vld.idx.msk [tilespmem:v52+s11+$0x0], $0xffff  }
0x212: {  	v53 =	vor.u32 $0x14, v2;
	_ =	sdelay $0x3  }
0x213: {  	[tilespmem:s25+$0x2180] =	vst v3  }
0x214: {  	v3 =	vld.idx.msk [tilespmem:v53+s11+$0x0], $0xffff  }
0x215: {  	v54 =	vor.u32 $0x15, v2;
	_ =	sdelay $0x3  }
0x216: {  	[tilespmem:s25+$0x2200] =	vst v3  }
0x217: {  	v3 =	vld.idx.msk [tilespmem:v54+s11+$0x0], $0xffff  }
0x218: {  	v55 =	vor.u32 $0x16, v2;
	_ =	sdelay $0x3  }
0x219: {  	[tilespmem:s25+$0x2280] =	vst v3  }
0x21a: {  	v3 =	vld.idx.msk [tilespmem:v55+s11+$0x0], $0xffff  }
0x21b: {  	v56 =	vor.u32 $0x17, v2;
	_ =	sdelay $0x3  }
0x21c: {  	[tilespmem:s25+$0x2300] =	vst v3  }
0x21d: {  	v3 =	vld.idx.msk [tilespmem:v56+s11+$0x0], $0xffff  }
0x21e: {  	v57 =	vor.u32 $0x18, v2;
	_ =	sdelay $0x3  }
0x21f: {  	[tilespmem:s25+$0x2380] =	vst v3  }
0x220: {  	v3 =	vld.idx.msk [tilespmem:v57+s11+$0x0], $0xffff  }
0x221: {  	v58 =	vor.u32 $0x19, v2;
	_ =	sdelay $0x3  }
0x222: {  	[tilespmem:s25+$0x3000] =	vst v3  }
0x223: {  	v3 =	vld.idx.msk [tilespmem:v58+s11+$0x0], $0xffff  }
0x224: {  	v59 =	vor.u32 $0x1A, v2;
	_ =	sdelay $0x3  }
0x225: {  	[tilespmem:s25+$0x3080] =	vst v3  }
0x226: {  	v3 =	vld.idx.msk [tilespmem:v59+s11+$0x0], $0xffff  }
0x227: {  	v60 =	vor.u32 $0x1B, v2;
	_ =	sdelay $0x3  }
0x228: {  	[tilespmem:s25+$0x3100] =	vst v3  }
0x229: {  	v3 =	vld.idx.msk [tilespmem:v60+s11+$0x0], $0xffff  }
0x22a: {  	v61 =	vor.u32 $0x1C, v2;
	_ =	sdelay $0x3  }
0x22b: {  	[tilespmem:s25+$0x3180] =	vst v3  }
0x22c: {  	v3 =	vld.idx.msk [tilespmem:v61+s11+$0x0], $0xffff  }
0x22d: {  	v62 =	vor.u32 $0x1D, v2;
	_ =	sdelay $0x3  }
0x22e: {  	[tilespmem:s25+$0x3200] =	vst v3  }
0x22f: {  	v3 =	vld.idx.msk [tilespmem:v62+s11+$0x0], $0xffff  }
0x230: {  	v63 =	vor.u32 $0x1E, v2;
	_ =	sdelay $0x3  }
0x231: {  	[tilespmem:s25+$0x3280] =	vst v3  }
0x232: {  	v3 =	vld.idx.msk [tilespmem:v63+s11+$0x0], $0xffff  }
0x233: {  	v2 =	vor.u32 $0x1F, v2;
	_ =	sdelay $0x3  }
0x234: {  	[tilespmem:s25+$0x3300] =	vst v3  }
0x235: {  	s26 =	simm.s32 $0x10;
	s20 =	smov.u32 s28;
	v2 =	vld.idx.msk [tilespmem:v2+s11+$0x0], $0xffff  }
.LBB2_4:
0x236: {  	_ =	sdelay $0x3  }
0x237: {  	s23 =	sadd.s32 $0x10, s23;
	s20 =	sadd.s32 $0x80, s20;
	s24 =	sadd.s32 $0x10, s24;
	[tilespmem:s25+$0x3380] =	vst v2  }
0x238: {  	p0 =	sne.s32 s26, $0x30;
	s29 =	smov.u32 s26;
	s26 =	sadd.s32 $0x10, s26;
	v2 =	vld [tilespmem:s23+$0x0]  }
0x239: {  	_ =	sdelay $0x1  }
0x23a: {  	v3 =	vmov s29  }
0x23b: {  	v3 =	vshll.u32 v3, $0xA  }
0x23c: {  	v3 =	vor.u32 v0, v3;
	v2 =	vshll.u32 v2, $0x7  }
0x23d: {  	v2 =	vadd.s32 v3, v2;
	_ =	sdelay $0x4  }
0x23e: {  	v3 =	vld.idx.msk [tilespmem:v2+s11+$0x0], $0xffff;
	_ =	sdelay $0x1  }
0x23f: {  	v4 =	vor.u32 $0x1, v2;
	_ =	sdelay $0x1  }
0x240: {  	s25 =	sand.u32 $0x3FFFFC00, s20  }
0x241: {  	s25 =	sadd.s32 s25, s24  }
0x242: {  	[tilespmem:s25+$0x0] =	vst v3  }
0x243: {  	v3 =	vld.idx.msk [tilespmem:v4+s11+$0x0], $0xffff;
	_ =	sdelay $0x1  }
0x244: {  	v4 =	vor.u32 $0x2, v2;
	_ =	sdelay $0x3  }
0x245: {  	[tilespmem:s25+$0x80] =	vst v3  }
0x246: {  	v3 =	vld.idx.msk [tilespmem:v4+s11+$0x0], $0xffff;
	_ =	sdelay $0x1  }
0x247: {  	v4 =	vor.u32 $0x3, v2;
	_ =	sdelay $0x3  }
0x248: {  	[tilespmem:s25+$0x100] =	vst v3  }
0x249: {  	v3 =	vld.idx.msk [tilespmem:v4+s11+$0x0], $0xffff;
	_ =	sdelay $0x1  }
0x24a: {  	v4 =	vor.u32 $0x4, v2;
	_ =	sdelay $0x3  }
0x24b: {  	[tilespmem:s25+$0x180] =	vst v3  }
0x24c: {  	v3 =	vld.idx.msk [tilespmem:v4+s11+$0x0], $0xffff;
	_ =	sdelay $0x1  }
0x24d: {  	v4 =	vor.u32 $0x5, v2;
	_ =	sdelay $0x3  }
0x24e: {  	[tilespmem:s25+$0x200] =	vst v3  }
0x24f: {  	v3 =	vld.idx.msk [tilespmem:v4+s11+$0x0], $0xffff;
	_ =	sdelay $0x1  }
0x250: {  	v4 =	vor.u32 $0x6, v2;
	_ =	sdelay $0x3  }
0x251: {  	[tilespmem:s25+$0x280] =	vst v3  }
0x252: {  	v3 =	vld.idx.msk [tilespmem:v4+s11+$0x0], $0xffff;
	_ =	sdelay $0x1  }
0x253: {  	v4 =	vor.u32 $0x7, v2;
	_ =	sdelay $0x3  }
0x254: {  	[tilespmem:s25+$0x300] =	vst v3  }
0x255: {  	v3 =	vld.idx.msk [tilespmem:v4+s11+$0x0], $0xffff;
	_ =	sdelay $0x1  }
0x256: {  	v4 =	vor.u32 $0x8, v2  }
0x257: {  	s29 =	sadd.s32 s29, s21  }
0x258: {  	s29 =	sor.u32 s20, s29  }
0x259: {  	s29 =	sor.u32 $0x380, s29  }
0x25a: {  	[tilespmem:s29+$0x10280] =	vst v3  }
0x25b: {  	v3 =	vld.idx.msk [tilespmem:v4+s11+$0x0], $0xffff;
	_ =	sdelay $0x1  }
0x25c: {  	v4 =	vor.u32 $0x9, v2;
	_ =	sdelay $0x3  }
0x25d: {  	[tilespmem:s25+$0x1000] =	vst v3  }
0x25e: {  	v3 =	vld.idx.msk [tilespmem:v4+s11+$0x0], $0xffff;
	_ =	sdelay $0x1  }
0x25f: {  	v4 =	vor.u32 $0xA, v2;
	_ =	sdelay $0x3  }
0x260: {  	[tilespmem:s25+$0x1080] =	vst v3  }
0x261: {  	v3 =	vld.idx.msk [tilespmem:v4+s11+$0x0], $0xffff;
	_ =	sdelay $0x1  }
0x262: {  	v4 =	vor.u32 $0xB, v2;
	_ =	sdelay $0x3  }
0x263: {  	[tilespmem:s25+$0x1100] =	vst v3  }
0x264: {  	v3 =	vld.idx.msk [tilespmem:v4+s11+$0x0], $0xffff;
	_ =	sdelay $0x1  }
0x265: {  	v4 =	vor.u32 $0xC, v2;
	_ =	sdelay $0x3  }
0x266: {  	[tilespmem:s25+$0x1180] =	vst v3  }
0x267: {  	v3 =	vld.idx.msk [tilespmem:v4+s11+$0x0], $0xffff;
	_ =	sdelay $0x1  }
0x268: {  	v4 =	vor.u32 $0xD, v2;
	_ =	sdelay $0x3  }
0x269: {  	[tilespmem:s25+$0x1200] =	vst v3  }
0x26a: {  	v3 =	vld.idx.msk [tilespmem:v4+s11+$0x0], $0xffff;
	_ =	sdelay $0x1  }
0x26b: {  	v4 =	vor.u32 $0xE, v2;
	_ =	sdelay $0x3  }
0x26c: {  	[tilespmem:s25+$0x1280] =	vst v3  }
0x26d: {  	v3 =	vld.idx.msk [tilespmem:v4+s11+$0x0], $0xffff;
	_ =	sdelay $0x1  }
0x26e: {  	v4 =	vor.u32 $0xF, v2;
	_ =	sdelay $0x3  }
0x26f: {  	[tilespmem:s25+$0x1300] =	vst v3  }
0x270: {  	v3 =	vld.idx.msk [tilespmem:v4+s11+$0x0], $0xffff;
	_ =	sdelay $0x1  }
0x271: {  	v4 =	vor.u32 $0x10, v2;
	_ =	sdelay $0x3  }
0x272: {  	[tilespmem:s25+$0x1380] =	vst v3  }
0x273: {  	v3 =	vld.idx.msk [tilespmem:v4+s11+$0x0], $0xffff;
	_ =	sdelay $0x1  }
0x274: {  	v4 =	vor.u32 $0x11, v2;
	_ =	sdelay $0x3  }
0x275: {  	[tilespmem:s25+$0x2000] =	vst v3  }
0x276: {  	v3 =	vld.idx.msk [tilespmem:v4+s11+$0x0], $0xffff;
	_ =	sdelay $0x1  }
0x277: {  	v4 =	vor.u32 $0x12, v2;
	_ =	sdelay $0x3  }
0x278: {  	[tilespmem:s25+$0x2080] =	vst v3  }
0x279: {  	v3 =	vld.idx.msk [tilespmem:v4+s11+$0x0], $0xffff;
	_ =	sdelay $0x1  }
0x27a: {  	v4 =	vor.u32 $0x13, v2;
	_ =	sdelay $0x3  }
0x27b: {  	[tilespmem:s25+$0x2100] =	vst v3  }
0x27c: {  	v3 =	vld.idx.msk [tilespmem:v4+s11+$0x0], $0xffff;
	_ =	sdelay $0x1  }
0x27d: {  	v4 =	vor.u32 $0x14, v2;
	_ =	sdelay $0x3  }
0x27e: {  	[tilespmem:s25+$0x2180] =	vst v3  }
0x27f: {  	v3 =	vld.idx.msk [tilespmem:v4+s11+$0x0], $0xffff;
	_ =	sdelay $0x1  }
0x280: {  	v4 =	vor.u32 $0x15, v2;
	_ =	sdelay $0x3  }
0x281: {  	[tilespmem:s25+$0x2200] =	vst v3  }
0x282: {  	v3 =	vld.idx.msk [tilespmem:v4+s11+$0x0], $0xffff;
	_ =	sdelay $0x1  }
0x283: {  	v4 =	vor.u32 $0x16, v2;
	_ =	sdelay $0x3  }
0x284: {  	[tilespmem:s25+$0x2280] =	vst v3  }
0x285: {  	v3 =	vld.idx.msk [tilespmem:v4+s11+$0x0], $0xffff;
	_ =	sdelay $0x1  }
0x286: {  	v4 =	vor.u32 $0x17, v2;
	_ =	sdelay $0x3  }
0x287: {  	[tilespmem:s25+$0x2300] =	vst v3  }
0x288: {  	v3 =	vld.idx.msk [tilespmem:v4+s11+$0x0], $0xffff;
	_ =	sdelay $0x1  }
0x289: {  	v4 =	vor.u32 $0x18, v2;
	_ =	sdelay $0x3  }
0x28a: {  	[tilespmem:s25+$0x2380] =	vst v3  }
0x28b: {  	v3 =	vld.idx.msk [tilespmem:v4+s11+$0x0], $0xffff;
	_ =	sdelay $0x1  }
0x28c: {  	v4 =	vor.u32 $0x19, v2;
	_ =	sdelay $0x3  }
0x28d: {  	[tilespmem:s25+$0x3000] =	vst v3  }
0x28e: {  	v3 =	vld.idx.msk [tilespmem:v4+s11+$0x0], $0xffff;
	_ =	sdelay $0x1  }
0x28f: {  	v4 =	vor.u32 $0x1A, v2;
	_ =	sdelay $0x3  }
0x290: {  	[tilespmem:s25+$0x3080] =	vst v3  }
0x291: {  	v3 =	vld.idx.msk [tilespmem:v4+s11+$0x0], $0xffff;
	_ =	sdelay $0x1  }
0x292: {  	v4 =	vor.u32 $0x1B, v2;
	_ =	sdelay $0x3  }
0x293: {  	[tilespmem:s25+$0x3100] =	vst v3  }
0x294: {  	v3 =	vld.idx.msk [tilespmem:v4+s11+$0x0], $0xffff;
	_ =	sdelay $0x1  }
0x295: {  	v4 =	vor.u32 $0x1C, v2;
	_ =	sdelay $0x3  }
0x296: {  	[tilespmem:s25+$0x3180] =	vst v3  }
0x297: {  	v3 =	vld.idx.msk [tilespmem:v4+s11+$0x0], $0xffff;
	_ =	sdelay $0x1  }
0x298: {  	v4 =	vor.u32 $0x1D, v2;
	_ =	sdelay $0x3  }
0x299: {  	[tilespmem:s25+$0x3200] =	vst v3  }
0x29a: {  	v3 =	vld.idx.msk [tilespmem:v4+s11+$0x0], $0xffff;
	_ =	sdelay $0x1  }
0x29b: {  	v4 =	vor.u32 $0x1E, v2;
	_ =	sdelay $0x3  }
0x29c: {  	[tilespmem:s25+$0x3280] =	vst v3  }
0x29d: {  	v3 =	vld.idx.msk [tilespmem:v4+s11+$0x0], $0xffff;
	_ =	sdelay $0x1  }
0x29e: {  	v2 =	vor.u32 $0x1F, v2  }
.Ltmp0:
0x29f: {  	(pc) =	sbr.rel @p0 .LBB2_4-.Ltmp0, $3  }
0x2a0: {  	_ =	sdelay $0x1  }
0x2a1: {  	[tilespmem:s25+$0x3300] =	vst v3  }
0x2a2: {  	v2 =	vld.idx.msk [tilespmem:v2+s11+$0x0], $0xffff  }
0x2a3: {  	s22 =	sadd.s32 $0x1, s22  }
0x2a4: {  	p0 =	sne.s32 s22, $0x8  }
.Ltmp1:
0x2a5: {  	_ = 	snop;
	(pc) =	sbr.rel @p0 .LBB2_3-.Ltmp1, $2  }
0x2a6: {  	_ =	sdelay $0x2  }
0x2a7: {  	s21 =	sadd.s32 $0x40, s21;
	s28 =	sadd.s32 $0x200, s28;
	s19 =	sadd.s32 $0x4, s19;
	[tilespmem:s25+$0x3380] =	vst v2  }
0x2a8: {  	s23 =	rddreg [dreg:$0x7]  }
0x2a9: {  	s20 =	rddreg [dreg:$0x5];
	s18 =	sshll.u32 s23, $0x13  }
0x2aa: {  	s19 =	rddreg [dreg:$0x2];
	s29 =	simm.s32 $0x1000;
	s18 =	sor.u32 s20, s18  }
0x2ab: {  	s21 =	simm.s32 $0x20000;
	s23 =	sadd.s32 $0x1, s23;
	s18 =	sshrl.u32 s18, $0x3  }
0x2ac: {  	s22 =	simm.s32 $0x10280;
	p0 =	sne.s32 s23, $0x1A;
	s18 =	sadd.s32 s19, s18  }
0x2ad: {  	[hbm4b:s18+s29] =	stream.strided.scatter [tilespmem:s22], [sflag:$0x2], $0x4000, s21, s29, $0x38;
	[tilespmem:$0x14280] =	vst v63  }
.Ltmp2:
0x2ae: {  	_ = 	snop;
	(pc) =	sbr.rel @p0 .LBB2_2-.Ltmp2, $4  }
0x2af: {  	s22 =	simm.s32 $0x2  }
0x2b0: {  	_ =	swait.ge [sflag:s22], $0x4000  }
0x2b1: {  	[sflag:s22] =	ssyncset.done $0x0  }
0x2b2: {  	[sflag:s22] =	ssyncadd.s32 $0xFFFFC000  }
0x2b3: {  	s18 =	rddreg [dreg:$0x4]  }
0x2b4: {  	s19 =	rddreg [dreg:$0x6];
	s18 =	sadd.s32 $0x1, s18  }
0x2b5: {  	p0 =	sne.s32 s18, s19  }
.Ltmp3:
0x2b6: {  	_ = 	snop;
	(pc) =	sbr.rel @p0 .LBB2_1-.Ltmp3, $1  }
0x2b7: {  	_ =	sdelay $0x3  }
0x2b8: {  	_ =	sfence.sel $0x180000  }
0x2b9: {  	[bflag:$0x0] =	sbarrier.arrive $0xFFFF  }
0x2ba: {  	_ =	strace $0x90000047  }
0x2bb: {  	s0 =	stileid.u32;
	[bflag:$0x2] =	sbarrier.arrive $0xFFFF  }
0x2bc: {  	p0 =	sne.s32 s0, $0x0;
	s0 =	rddreg [dreg:$0x3]  }
0x2bd: {  	s0 =	sadd.s32 @!p0 $0x100000, s0  }
0x2be: {  	[sflag:s0] =	ssyncadd.tile.s32 @!p0 $0x1;
	_ =	shalt  }
.Lfunc_end2:
_tile_overlayer_lowered:
.L_overlay_start_2:
0x2bf: {  	(tag) =	ssettag $0x2  }
0x2c0: {  	s0 =	rddreg [dreg:$0x0];
	s2 =	stileid.u32  }
0x2c1: {  	s1 =	rddreg [dreg:$0x1];
	p0 =	sne.s32 s2, $0x0  }
0x2c2: {  	s3 =	rddreg [dreg:$0x2];
	[bflag:$0x3] =	sbarrier.arrive $0xFFFF;
	s2 =	simm.s32 @!p0 $0x1C02  }
0x2c3: {  	[timem:s3], [sflag:s2] =	dma.local @!p0 [hbm:s0], s1  }
0x2c4: {  	s0 =	simm.s32 @!p0 $0x2  }
0x2c5: {  	_ =	swait.ge @!p0 [sflag:s0], s1  }
0x2c6: {  	s1 =	ssub.s32 @!p0 $0x0, s1;
	[sflag:s0] =	ssyncset.done @!p0 $0x0  }
0x2c7: {  	[sflag:s0] =	ssyncadd.s32 @!p0 s1  }
0x2c8: {  	[bflag:$0x3] =	sbarrier.arrive $0xFFFF  }
0x2c9: {  	_ =	shalt  }

</sc_bundles>
